<compile_context>
chip_gen: v7x
topology: tpu7x:2x2x1
jax: 0.10.2.dev20260603
libtpu: 0.0.44.dev20260713+nightly
codegen_flags: <defaults>
</compile_context>

<pallas_src>
import jax
import jax.numpy as jnp
from jax import lax
from jax.experimental import pallas as pl
from jax.experimental.pallas import tpu as pltpu
from jax.experimental.pallas import tpu_sc as plsc

NUM_EMBEDDINGS = 1000000
EMBEDDING_DIM = 64
BATCH = 16384
SEQ_LEN = 50

_INFO = plsc.get_sparse_core_info()
NC, NS = _INFO.num_cores, _INFO.num_subcores
NW = NC * NS

LANES = 128
N_BT = BATCH // LANES
BT_PER_W = N_BT // NW
GROUPS = SEQ_LEN * BT_PER_W
NBUF = 4

NPAD = 1000064
NT = NPAD // LANES
K1_STEPS = -(-NT // NW)
K1_NBUF = 6
SOUT_STRIDE = 69


def _tbody(t4_hbm, out1_hbm, sin_v, sout_v, *sems):
    wid = lax.axis_index("s") * NC + lax.axis_index("c")
    sem_i = sems[:K1_NBUF]
    sem_o = sems[K1_NBUF:]
    iota = lax.iota(jnp.int32, 16)

    def issue_load(k, b):
        pltpu.async_copy(t4_hbm.at[:, k * NW + wid], sin_v.at[b], sem_i[b])

    def wait_load(b):
        pltpu.make_async_copy(t4_hbm.at[:, 0], sin_v.at[b], sem_i[b]).wait()

    def transpose(b):
        @plsc.parallel_loop(0, EMBEDDING_DIM, unroll=4)
        def _(d):
            dt = d // 8
            dl = lax.rem(d, 8)
            dcol = jnp.broadcast_to(d, (16,)).astype(jnp.int32)
            for c in range(8):
                v = sin_v[b, dt, dl, pl.ds(c * 16, 16)]
                plsc.store_scatter(sout_v.at[b], [c * 16 + iota, dcol], v)

    def issue_store(k, b):
        it = k * NW + wid
        pltpu.async_copy(
            sout_v.at[b, :, pl.ds(0, EMBEDDING_DIM)],
            out1_hbm.at[pl.ds(it * LANES, LANES)],
            sem_o[b],
        )

    def wait_store(b):
        pltpu.make_async_copy(
            sout_v.at[b, :, pl.ds(0, EMBEDDING_DIM)],
            out1_hbm.at[pl.ds(0, LANES)],
            sem_o[b],
        ).wait()

    def live(k):
        return k * NW + wid < NT

    for b in range(K1_NBUF):

        @pl.when(live(b))
        def _():
            issue_load(b, b)

    def outer(o, carry):
        for b in range(K1_NBUF):
            k = o * K1_NBUF + b

            @pl.when(live(k))
            def _():
                wait_load(b)

                @pl.when(k >= K1_NBUF)
                def _():
                    wait_store(b)

                transpose(b)
                issue_store(k, b)

            @pl.when(live(k + K1_NBUF))
            def _():
                issue_load(k + K1_NBUF, b)

        return carry

    lax.fori_loop(0, -(-K1_STEPS // K1_NBUF), outer, 0)
    for b in range(K1_NBUF):
        wait_store(b)


@jax.jit
def _transpose_table(t4):
    mesh = plsc.VectorSubcoreMesh(core_axis_name="c", subcore_axis_name="s")
    run = pl.kernel(
        _tbody,
        out_type=jax.ShapeDtypeStruct((NPAD, EMBEDDING_DIM), jnp.float32),
        mesh=mesh,
        scratch_types=[
            pltpu.VMEM((K1_NBUF, 8, 8, LANES), jnp.float32),
            pltpu.VMEM((K1_NBUF, LANES, SOUT_STRIDE), jnp.float32),
        ] + [pltpu.SemaphoreType.DMA] * (2 * K1_NBUF),
        compiler_params=pltpu.CompilerParams(
            use_tc_tiling_on_sc=False, needs_layout_passes=False
        ),
    )
    return run(t4)


def _body(idx_hbm, table_hbm, out_hbm, idx_v, rows_v, tr_v, *sems):
    wid = lax.axis_index("s") * NC + lax.axis_index("c")
    sem_g = sems[:NBUF]
    sem_s = sems[NBUF:]

    pltpu.sync_copy(idx_hbm.at[wid], idx_v)

    iota = lax.iota(jnp.int32, 16)

    def issue_gather(g, b):
        pltpu.async_copy(table_hbm.at[idx_v.at[g]], rows_v.at[b], sem_g[b])

    def wait_gather(b):
        pltpu.make_async_copy(
            table_hbm.at[pl.ds(0, LANES)], rows_v.at[b], sem_g[b]
        ).wait()

    dt_idx = [(c * 16 + iota) // 8 for c in range(EMBEDDING_DIM // 16)]
    dl_idx = [lax.rem(c * 16 + iota, 8) for c in range(EMBEDDING_DIM // 16)]

    def transpose(b):
        @plsc.parallel_loop(0, LANES, unroll=4)
        def _(bl):
            blv = jnp.broadcast_to(bl, (16,)).astype(jnp.int32)
            for c in range(EMBEDDING_DIM // 16):
                v = rows_v[b, bl, pl.ds(c * 16, 16)]
                plsc.store_scatter(tr_v.at[b], [dt_idx[c], dl_idx[c], blv], v)

    def issue_store(g, b):
        s = g // BT_PER_W
        bt = wid * BT_PER_W + lax.rem(g, BT_PER_W)
        pltpu.async_copy(
            tr_v.at[b, :, :, pl.ds(0, LANES)], out_hbm.at[s, :, bt], sem_s[b]
        )

    def wait_store(b):
        pltpu.make_async_copy(
            tr_v.at[b, :, :, pl.ds(0, LANES)], out_hbm.at[0, :, 0], sem_s[b]
        ).wait()

    for b in range(NBUF):
        issue_gather(b, b)

    def outer(o, carry):
        for b in range(NBUF):
            g = o * NBUF + b
            wait_gather(b)

            @pl.when(g >= NBUF)
            def _():
                wait_store(b)

            transpose(b)
            issue_store(g, b)

            @pl.when(g + NBUF < GROUPS)
            def _():
                issue_gather(g + NBUF, b)

        return carry

    lax.fori_loop(0, GROUPS // NBUF, outer, 0)
    for b in range(NBUF):
        wait_store(b)


@jax.jit
def _gather(idx_grouped, table2):
    mesh = plsc.VectorSubcoreMesh(core_axis_name="c", subcore_axis_name="s")
    run = pl.kernel(
        _body,
        out_type=jax.ShapeDtypeStruct(
            (SEQ_LEN, EMBEDDING_DIM // 8, N_BT, 8, LANES), jnp.float32
        ),
        mesh=mesh,
        scratch_types=[
            pltpu.VMEM((GROUPS, LANES), jnp.int32),
            pltpu.VMEM((NBUF, LANES, EMBEDDING_DIM), jnp.float32),
            pltpu.VMEM((NBUF, EMBEDDING_DIM // 8, 8, LANES + 1), jnp.float32),
        ] + [pltpu.SemaphoreType.DMA] * (2 * NBUF),
        compiler_params=pltpu.CompilerParams(
            use_tc_tiling_on_sc=False, needs_layout_passes=False
        ),
    )
    return run(idx_grouped, table2)


def kernel(token_ids, table):
    tt = token_ids.astype(jnp.int32).T
    idx = (
        tt.reshape(SEQ_LEN, NW, BT_PER_W, LANES)
        .transpose(1, 0, 2, 3)
        .reshape(NW, GROUPS, LANES)
    )
    tp = jnp.pad(table, ((0, NPAD - NUM_EMBEDDINGS), (0, 0)))
    t4 = tp.reshape(NT, LANES, 8, 8).transpose(2, 0, 3, 1)
    out1 = _transpose_table(t4)
    out5 = _gather(idx, out1)
    return out5.transpose(2, 4, 0, 1, 3).reshape(BATCH, SEQ_LEN, EMBEDDING_DIM)

# --- scband reference (transcript-rebuilt; emitter-appended) ---
"""Pipeline reference for scband-embedding-10548439679085 (READ-ONLY COPY).

The authoritative reference and input builder live on the scoring server;
editing this copy changes nothing except your own understanding.
"""

import jax, jax.numpy as jnp
import numpy as np

NUM_EMBEDDINGS = 1000000
EMBEDDING_DIM = 64
BATCH = 16384
SEQ_LEN = 50


def setup_inputs(seed: int = 0) -> dict:
    key = jax.random.key(seed)
    k_idx, k_tab = jax.random.split(key)
    token_ids = jax.random.randint(k_idx, (BATCH, SEQ_LEN), 0, NUM_EMBEDDINGS, dtype=jnp.int64 if jax.config.jax_enable_x64 else jnp.int32)
    # trunc_normal_(mean=0, std=1, a=-3, b=3)
    table = jax.random.truncated_normal(k_tab, -3.0, 3.0, (NUM_EMBEDDINGS, EMBEDDING_DIM), dtype=jnp.float32)
    return {"token_ids": token_ids, "table": table}


def reference(token_ids, table):
    # Embedding lookup: gather rows of the table by token id.
    # Output shape: (batch, seq_len, embedding_dim)
    return jnp.take(table, token_ids, axis=0)

if __name__ == "__main__":
    import jax
    _d = setup_inputs()
    print(jax.jit(kernel)(*tuple(_d.values())))

</pallas_src>

<mosaic_0001>
#map = affine_map<(d0, d1) -> (0, 0, 0, 0)>
#map1 = affine_map<(d0, d1) -> (0, 0)>
module attributes {stable_mosaic.version = 14 : i64} {
  func.func @_tbody(%arg0: i32, %arg1: i32, %arg2: memref<8x7813x8x128xf32, #tpu.memory_space<hbm>>, %arg3: memref<1000064x64xf32, #tpu.memory_space<hbm>>, %arg4: memref<6x8x8x128xf32, #tpu.memory_space<vmem>>, %arg5: memref<6x128x69xf32, #tpu.memory_space<vmem>>, %arg6: memref<!tpu.dma_semaphore, #tpu.memory_space<semaphore_mem>>, %arg7: memref<!tpu.dma_semaphore, #tpu.memory_space<semaphore_mem>>, %arg8: memref<!tpu.dma_semaphore, #tpu.memory_space<semaphore_mem>>, %arg9: memref<!tpu.dma_semaphore, #tpu.memory_space<semaphore_mem>>, %arg10: memref<!tpu.dma_semaphore, #tpu.memory_space<semaphore_mem>>, %arg11: memref<!tpu.dma_semaphore, #tpu.memory_space<semaphore_mem>>, %arg12: memref<!tpu.dma_semaphore, #tpu.memory_space<semaphore_mem>>, %arg13: memref<!tpu.dma_semaphore, #tpu.memory_space<semaphore_mem>>, %arg14: memref<!tpu.dma_semaphore, #tpu.memory_space<semaphore_mem>>, %arg15: memref<!tpu.dma_semaphore, #tpu.memory_space<semaphore_mem>>, %arg16: memref<!tpu.dma_semaphore, #tpu.memory_space<semaphore_mem>>, %arg17: memref<!tpu.dma_semaphore, #tpu.memory_space<semaphore_mem>>) attributes {dimension_semantics = [#tpu.dimension_semantics<core_parallel>, #tpu.dimension_semantics<subcore_parallel>], iteration_bounds = array<i64: 2, 16>, scalar_prefetch = 0 : i64, scratch_operands = 14 : i64, tpu.core_type = #tpu.core_type<sc_vector_subcore>, window_params = [{transform_indices = #map}, {transform_indices = #map1}]} {
    %mul3A = arith.constant 2 : i32
    %mul3A_0 = arith.muli %arg1, %mul3A : i32
    %add3A = arith.addi %mul3A_0, %arg0 : i32
    %iota3A = tpu.iota {dimensions = array<i32: 0>} : vector<16xi32>
    %add3A_1 = arith.constant 0 : i32
    %add3A_2 = arith.addi %add3A_1, %add3A : i32
    %lt3A = arith.constant 7813 : i32
    %lt3A_3 = arith.cmpi slt, %add3A_2, %lt3A : i32
    %convert_element_type3A = arith.extui %lt3A_3 : i1 to i32
    %cond3A = arith.constant 0 : i32
    %cond3A_4 = arith.cmpi ne, %convert_element_type3A, %cond3A : i32
    scf.if %cond3A_4 {
      %add3A_134 = arith.constant 0 : i32
      %add3A_135 = arith.addi %add3A_134, %add3A : i32
      %dma_start3A = arith.constant 0 : i32
      %dma_start3A_136 = arith.constant 0 : i32
      %dma_start3A_137 = arith.constant 0 : i32
      %dma_start3A_138 = arith.constant 0 : i32
      %dma_start3A_139 = tpu.memref_slice %arg4[%dma_start3A, %dma_start3A_136, %dma_start3A_137, %dma_start3A_138] : memref<6x8x8x128xf32, #tpu.memory_space<vmem>> -> memref<1x8x8x128xf32, #tpu.memory_space<vmem>>
      %dma_start3A_140 = tpu.memref_squeeze %dma_start3A_139 : memref<1x8x8x128xf32, #tpu.memory_space<vmem>> -> memref<8x8x128xf32, #tpu.memory_space<vmem>>
      %dma_start3A_141 = arith.constant 0 : i32
      %dma_start3A_142 = arith.constant 0 : i32
      %dma_start3A_143 = arith.constant 0 : i32
      %dma_start3A_144 = tpu.memref_slice %arg2[%dma_start3A_141, %add3A_135, %dma_start3A_142, %dma_start3A_143] : memref<8x7813x8x128xf32, #tpu.memory_space<hbm>> -> memref<8x1x8x128xf32, #tpu.memory_space<hbm>>
      %dma_start3A_145 = tpu.memref_squeeze %dma_start3A_144 : memref<8x1x8x128xf32, #tpu.memory_space<hbm>> -> memref<8x8x128xf32, #tpu.memory_space<hbm>>
      %dma_start3A_146 = arith.constant 0 : i32
      %dma_start3A_147 = arith.constant 0 : i32
      %dma_start3A_148 = arith.constant 0 : i32
      %dma_start3A_149 = tpu.memref_slice %arg4[%dma_start3A, %dma_start3A_146, %dma_start3A_147, %dma_start3A_148] : memref<6x8x8x128xf32, #tpu.memory_space<vmem>> -> memref<1x8x8x128xf32, #tpu.memory_space<vmem>>
      %dma_start3A_150 = tpu.memref_squeeze %dma_start3A_149 : memref<1x8x8x128xf32, #tpu.memory_space<vmem>> -> memref<8x8x128xf32, #tpu.memory_space<vmem>>
      %dma_start3A_151 = arith.constant 0 : i32
      %dma_start3A_152 = arith.constant 0 : i32
      %dma_start3A_153 = arith.constant 0 : i32
      %dma_start3A_154 = tpu.memref_slice %arg2[%dma_start3A_151, %add3A_135, %dma_start3A_152, %dma_start3A_153] : memref<8x7813x8x128xf32, #tpu.memory_space<hbm>> -> memref<8x1x8x128xf32, #tpu.memory_space<hbm>>
      %dma_start3A_155 = tpu.memref_squeeze %dma_start3A_154 : memref<8x1x8x128xf32, #tpu.memory_space<hbm>> -> memref<8x8x128xf32, #tpu.memory_space<hbm>>
      tpu.enqueue_dma source(%dma_start3A_155 : memref<8x8x128xf32, #tpu.memory_space<hbm>>) target(%dma_start3A_150 : memref<8x8x128xf32, #tpu.memory_space<vmem>>) target_semaphore(%arg6 : memref<!tpu.dma_semaphore, #tpu.memory_space<semaphore_mem>>)
    } else {
    }
    %add3A_5 = arith.constant 32 : i32
    %add3A_6 = arith.addi %add3A_5, %add3A : i32
    %lt3A_7 = arith.constant 7813 : i32
    %lt3A_8 = arith.cmpi slt, %add3A_6, %lt3A_7 : i32
    %convert_element_type3A_9 = arith.extui %lt3A_8 : i1 to i32
    %cond3A_10 = arith.constant 0 : i32
    %cond3A_11 = arith.cmpi ne, %convert_element_type3A_9, %cond3A_10 : i32
    scf.if %cond3A_11 {
      %add3A_134 = arith.constant 32 : i32
      %add3A_135 = arith.addi %add3A_134, %add3A : i32
      %dma_start3A = arith.constant 1 : i32
      %dma_start3A_136 = arith.constant 0 : i32
      %dma_start3A_137 = arith.constant 0 : i32
      %dma_start3A_138 = arith.constant 0 : i32
      %dma_start3A_139 = tpu.memref_slice %arg4[%dma_start3A, %dma_start3A_136, %dma_start3A_137, %dma_start3A_138] : memref<6x8x8x128xf32, #tpu.memory_space<vmem>> -> memref<1x8x8x128xf32, #tpu.memory_space<vmem>>
      %dma_start3A_140 = tpu.memref_squeeze %dma_start3A_139 : memref<1x8x8x128xf32, #tpu.memory_space<vmem>> -> memref<8x8x128xf32, #tpu.memory_space<vmem>>
      %dma_start3A_141 = arith.constant 0 : i32
      %dma_start3A_142 = arith.constant 0 : i32
      %dma_start3A_143 = arith.constant 0 : i32
      %dma_start3A_144 = tpu.memref_slice %arg2[%dma_start3A_141, %add3A_135, %dma_start3A_142, %dma_start3A_143] : memref<8x7813x8x128xf32, #tpu.memory_space<hbm>> -> memref<8x1x8x128xf32, #tpu.memory_space<hbm>>
      %dma_start3A_145 = tpu.memref_squeeze %dma_start3A_144 : memref<8x1x8x128xf32, #tpu.memory_space<hbm>> -> memref<8x8x128xf32, #tpu.memory_space<hbm>>
      %dma_start3A_146 = arith.constant 0 : i32
      %dma_start3A_147 = arith.constant 0 : i32
      %dma_start3A_148 = arith.constant 0 : i32
      %dma_start3A_149 = tpu.memref_slice %arg4[%dma_start3A, %dma_start3A_146, %dma_start3A_147, %dma_start3A_148] : memref<6x8x8x128xf32, #tpu.memory_space<vmem>> -> memref<1x8x8x128xf32, #tpu.memory_space<vmem>>
      %dma_start3A_150 = tpu.memref_squeeze %dma_start3A_149 : memref<1x8x8x128xf32, #tpu.memory_space<vmem>> -> memref<8x8x128xf32, #tpu.memory_space<vmem>>
      %dma_start3A_151 = arith.constant 0 : i32
      %dma_start3A_152 = arith.constant 0 : i32
      %dma_start3A_153 = arith.constant 0 : i32
      %dma_start3A_154 = tpu.memref_slice %arg2[%dma_start3A_151, %add3A_135, %dma_start3A_152, %dma_start3A_153] : memref<8x7813x8x128xf32, #tpu.memory_space<hbm>> -> memref<8x1x8x128xf32, #tpu.memory_space<hbm>>
      %dma_start3A_155 = tpu.memref_squeeze %dma_start3A_154 : memref<8x1x8x128xf32, #tpu.memory_space<hbm>> -> memref<8x8x128xf32, #tpu.memory_space<hbm>>
      tpu.enqueue_dma source(%dma_start3A_155 : memref<8x8x128xf32, #tpu.memory_space<hbm>>) target(%dma_start3A_150 : memref<8x8x128xf32, #tpu.memory_space<vmem>>) target_semaphore(%arg7 : memref<!tpu.dma_semaphore, #tpu.memory_space<semaphore_mem>>)
    } else {
    }
    %add3A_12 = arith.constant 64 : i32
    %add3A_13 = arith.addi %add3A_12, %add3A : i32
    %lt3A_14 = arith.constant 7813 : i32
    %lt3A_15 = arith.cmpi slt, %add3A_13, %lt3A_14 : i32
    %convert_element_type3A_16 = arith.extui %lt3A_15 : i1 to i32
    %cond3A_17 = arith.constant 0 : i32
    %cond3A_18 = arith.cmpi ne, %convert_element_type3A_16, %cond3A_17 : i32
    scf.if %cond3A_18 {
      %add3A_134 = arith.constant 64 : i32
      %add3A_135 = arith.addi %add3A_134, %add3A : i32
      %dma_start3A = arith.constant 2 : i32
      %dma_start3A_136 = arith.constant 0 : i32
      %dma_start3A_137 = arith.constant 0 : i32
      %dma_start3A_138 = arith.constant 0 : i32
      %dma_start3A_139 = tpu.memref_slice %arg4[%dma_start3A, %dma_start3A_136, %dma_start3A_137, %dma_start3A_138] : memref<6x8x8x128xf32, #tpu.memory_space<vmem>> -> memref<1x8x8x128xf32, #tpu.memory_space<vmem>>
      %dma_start3A_140 = tpu.memref_squeeze %dma_start3A_139 : memref<1x8x8x128xf32, #tpu.memory_space<vmem>> -> memref<8x8x128xf32, #tpu.memory_space<vmem>>
      %dma_start3A_141 = arith.constant 0 : i32
      %dma_start3A_142 = arith.constant 0 : i32
      %dma_start3A_143 = arith.constant 0 : i32
      %dma_start3A_144 = tpu.memref_slice %arg2[%dma_start3A_141, %add3A_135, %dma_start3A_142, %dma_start3A_143] : memref<8x7813x8x128xf32, #tpu.memory_space<hbm>> -> memref<8x1x8x128xf32, #tpu.memory_space<hbm>>
      %dma_start3A_145 = tpu.memref_squeeze %dma_start3A_144 : memref<8x1x8x128xf32, #tpu.memory_space<hbm>> -> memref<8x8x128xf32, #tpu.memory_space<hbm>>
      %dma_start3A_146 = arith.constant 0 : i32
      %dma_start3A_147 = arith.constant 0 : i32
      %dma_start3A_148 = arith.constant 0 : i32
      %dma_start3A_149 = tpu.memref_slice %arg4[%dma_start3A, %dma_start3A_146, %dma_start3A_147, %dma_start3A_148] : memref<6x8x8x128xf32, #tpu.memory_space<vmem>> -> memref<1x8x8x128xf32, #tpu.memory_space<vmem>>
      %dma_start3A_150 = tpu.memref_squeeze %dma_start3A_149 : memref<1x8x8x128xf32, #tpu.memory_space<vmem>> -> memref<8x8x128xf32, #tpu.memory_space<vmem>>
      %dma_start3A_151 = arith.constant 0 : i32
      %dma_start3A_152 = arith.constant 0 : i32
      %dma_start3A_153 = arith.constant 0 : i32
      %dma_start3A_154 = tpu.memref_slice %arg2[%dma_start3A_151, %add3A_135, %dma_start3A_152, %dma_start3A_153] : memref<8x7813x8x128xf32, #tpu.memory_space<hbm>> -> memref<8x1x8x128xf32, #tpu.memory_space<hbm>>
      %dma_start3A_155 = tpu.memref_squeeze %dma_start3A_154 : memref<8x1x8x128xf32, #tpu.memory_space<hbm>> -> memref<8x8x128xf32, #tpu.memory_space<hbm>>
      tpu.enqueue_dma source(%dma_start3A_155 : memref<8x8x128xf32, #tpu.memory_space<hbm>>) target(%dma_start3A_150 : memref<8x8x128xf32, #tpu.memory_space<vmem>>) target_semaphore(%arg8 : memref<!tpu.dma_semaphore, #tpu.memory_space<semaphore_mem>>)
    } else {
    }
    %add3A_19 = arith.constant 96 : i32
    %add3A_20 = arith.addi %add3A_19, %add3A : i32
    %lt3A_21 = arith.constant 7813 : i32
    %lt3A_22 = arith.cmpi slt, %add3A_20, %lt3A_21 : i32
    %convert_element_type3A_23 = arith.extui %lt3A_22 : i1 to i32
    %cond3A_24 = arith.constant 0 : i32
    %cond3A_25 = arith.cmpi ne, %convert_element_type3A_23, %cond3A_24 : i32
    scf.if %cond3A_25 {
      %add3A_134 = arith.constant 96 : i32
      %add3A_135 = arith.addi %add3A_134, %add3A : i32
      %dma_start3A = arith.constant 3 : i32
      %dma_start3A_136 = arith.constant 0 : i32
      %dma_start3A_137 = arith.constant 0 : i32
      %dma_start3A_138 = arith.constant 0 : i32
      %dma_start3A_139 = tpu.memref_slice %arg4[%dma_start3A, %dma_start3A_136, %dma_start3A_137, %dma_start3A_138] : memref<6x8x8x128xf32, #tpu.memory_space<vmem>> -> memref<1x8x8x128xf32, #tpu.memory_space<vmem>>
      %dma_start3A_140 = tpu.memref_squeeze %dma_start3A_139 : memref<1x8x8x128xf32, #tpu.memory_space<vmem>> -> memref<8x8x128xf32, #tpu.memory_space<vmem>>
      %dma_start3A_141 = arith.constant 0 : i32
      %dma_start3A_142 = arith.constant 0 : i32
      %dma_start3A_143 = arith.constant 0 : i32
      %dma_start3A_144 = tpu.memref_slice %arg2[%dma_start3A_141, %add3A_135, %dma_start3A_142, %dma_start3A_143] : memref<8x7813x8x128xf32, #tpu.memory_space<hbm>> -> memref<8x1x8x128xf32, #tpu.memory_space<hbm>>
      %dma_start3A_145 = tpu.memref_squeeze %dma_start3A_144 : memref<8x1x8x128xf32, #tpu.memory_space<hbm>> -> memref<8x8x128xf32, #tpu.memory_space<hbm>>
      %dma_start3A_146 = arith.constant 0 : i32
      %dma_start3A_147 = arith.constant 0 : i32
      %dma_start3A_148 = arith.constant 0 : i32
      %dma_start3A_149 = tpu.memref_slice %arg4[%dma_start3A, %dma_start3A_146, %dma_start3A_147, %dma_start3A_148] : memref<6x8x8x128xf32, #tpu.memory_space<vmem>> -> memref<1x8x8x128xf32, #tpu.memory_space<vmem>>
      %dma_start3A_150 = tpu.memref_squeeze %dma_start3A_149 : memref<1x8x8x128xf32, #tpu.memory_space<vmem>> -> memref<8x8x128xf32, #tpu.memory_space<vmem>>
      %dma_start3A_151 = arith.constant 0 : i32
      %dma_start3A_152 = arith.constant 0 : i32
      %dma_start3A_153 = arith.constant 0 : i32
      %dma_start3A_154 = tpu.memref_slice %arg2[%dma_start3A_151, %add3A_135, %dma_start3A_152, %dma_start3A_153] : memref<8x7813x8x128xf32, #tpu.memory_space<hbm>> -> memref<8x1x8x128xf32, #tpu.memory_space<hbm>>
      %dma_start3A_155 = tpu.memref_squeeze %dma_start3A_154 : memref<8x1x8x128xf32, #tpu.memory_space<hbm>> -> memref<8x8x128xf32, #tpu.memory_space<hbm>>
      tpu.enqueue_dma source(%dma_start3A_155 : memref<8x8x128xf32, #tpu.memory_space<hbm>>) target(%dma_start3A_150 : memref<8x8x128xf32, #tpu.memory_space<vmem>>) target_semaphore(%arg9 : memref<!tpu.dma_semaphore, #tpu.memory_space<semaphore_mem>>)
    } else {
    }
    %add3A_26 = arith.constant 128 : i32
    %add3A_27 = arith.addi %add3A_26, %add3A : i32
    %lt3A_28 = arith.constant 7813 : i32
    %lt3A_29 = arith.cmpi slt, %add3A_27, %lt3A_28 : i32
    %convert_element_type3A_30 = arith.extui %lt3A_29 : i1 to i32
    %cond3A_31 = arith.constant 0 : i32
    %cond3A_32 = arith.cmpi ne, %convert_element_type3A_30, %cond3A_31 : i32
    scf.if %cond3A_32 {
      %add3A_134 = arith.constant 128 : i32
      %add3A_135 = arith.addi %add3A_134, %add3A : i32
      %dma_start3A = arith.constant 4 : i32
      %dma_start3A_136 = arith.constant 0 : i32
      %dma_start3A_137 = arith.constant 0 : i32
      %dma_start3A_138 = arith.constant 0 : i32
      %dma_start3A_139 = tpu.memref_slice %arg4[%dma_start3A, %dma_start3A_136, %dma_start3A_137, %dma_start3A_138] : memref<6x8x8x128xf32, #tpu.memory_space<vmem>> -> memref<1x8x8x128xf32, #tpu.memory_space<vmem>>
      %dma_start3A_140 = tpu.memref_squeeze %dma_start3A_139 : memref<1x8x8x128xf32, #tpu.memory_space<vmem>> -> memref<8x8x128xf32, #tpu.memory_space<vmem>>
      %dma_start3A_141 = arith.constant 0 : i32
      %dma_start3A_142 = arith.constant 0 : i32
      %dma_start3A_143 = arith.constant 0 : i32
      %dma_start3A_144 = tpu.memref_slice %arg2[%dma_start3A_141, %add3A_135, %dma_start3A_142, %dma_start3A_143] : memref<8x7813x8x128xf32, #tpu.memory_space<hbm>> -> memref<8x1x8x128xf32, #tpu.memory_space<hbm>>
      %dma_start3A_145 = tpu.memref_squeeze %dma_start3A_144 : memref<8x1x8x128xf32, #tpu.memory_space<hbm>> -> memref<8x8x128xf32, #tpu.memory_space<hbm>>
      %dma_start3A_146 = arith.constant 0 : i32
      %dma_start3A_147 = arith.constant 0 : i32
      %dma_start3A_148 = arith.constant 0 : i32
      %dma_start3A_149 = tpu.memref_slice %arg4[%dma_start3A, %dma_start3A_146, %dma_start3A_147, %dma_start3A_148] : memref<6x8x8x128xf32, #tpu.memory_space<vmem>> -> memref<1x8x8x128xf32, #tpu.memory_space<vmem>>
      %dma_start3A_150 = tpu.memref_squeeze %dma_start3A_149 : memref<1x8x8x128xf32, #tpu.memory_space<vmem>> -> memref<8x8x128xf32, #tpu.memory_space<vmem>>
      %dma_start3A_151 = arith.constant 0 : i32
      %dma_start3A_152 = arith.constant 0 : i32
      %dma_start3A_153 = arith.constant 0 : i32
      %dma_start3A_154 = tpu.memref_slice %arg2[%dma_start3A_151, %add3A_135, %dma_start3A_152, %dma_start3A_153] : memref<8x7813x8x128xf32, #tpu.memory_space<hbm>> -> memref<8x1x8x128xf32, #tpu.memory_space<hbm>>
      %dma_start3A_155 = tpu.memref_squeeze %dma_start3A_154 : memref<8x1x8x128xf32, #tpu.memory_space<hbm>> -> memref<8x8x128xf32, #tpu.memory_space<hbm>>
      tpu.enqueue_dma source(%dma_start3A_155 : memref<8x8x128xf32, #tpu.memory_space<hbm>>) target(%dma_start3A_150 : memref<8x8x128xf32, #tpu.memory_space<vmem>>) target_semaphore(%arg10 : memref<!tpu.dma_semaphore, #tpu.memory_space<semaphore_mem>>)
    } else {
    }
    %add3A_33 = arith.constant 160 : i32
    %add3A_34 = arith.addi %add3A_33, %add3A : i32
    %lt3A_35 = arith.constant 7813 : i32
    %lt3A_36 = arith.cmpi slt, %add3A_34, %lt3A_35 : i32
    %convert_element_type3A_37 = arith.extui %lt3A_36 : i1 to i32
    %cond3A_38 = arith.constant 0 : i32
    %cond3A_39 = arith.cmpi ne, %convert_element_type3A_37, %cond3A_38 : i32
    scf.if %cond3A_39 {
      %add3A_134 = arith.constant 160 : i32
      %add3A_135 = arith.addi %add3A_134, %add3A : i32
      %dma_start3A = arith.constant 5 : i32
      %dma_start3A_136 = arith.constant 0 : i32
      %dma_start3A_137 = arith.constant 0 : i32
      %dma_start3A_138 = arith.constant 0 : i32
      %dma_start3A_139 = tpu.memref_slice %arg4[%dma_start3A, %dma_start3A_136, %dma_start3A_137, %dma_start3A_138] : memref<6x8x8x128xf32, #tpu.memory_space<vmem>> -> memref<1x8x8x128xf32, #tpu.memory_space<vmem>>
      %dma_start3A_140 = tpu.memref_squeeze %dma_start3A_139 : memref<1x8x8x128xf32, #tpu.memory_space<vmem>> -> memref<8x8x128xf32, #tpu.memory_space<vmem>>
      %dma_start3A_141 = arith.constant 0 : i32
      %dma_start3A_142 = arith.constant 0 : i32
      %dma_start3A_143 = arith.constant 0 : i32
      %dma_start3A_144 = tpu.memref_slice %arg2[%dma_start3A_141, %add3A_135, %dma_start3A_142, %dma_start3A_143] : memref<8x7813x8x128xf32, #tpu.memory_space<hbm>> -> memref<8x1x8x128xf32, #tpu.memory_space<hbm>>
      %dma_start3A_145 = tpu.memref_squeeze %dma_start3A_144 : memref<8x1x8x128xf32, #tpu.memory_space<hbm>> -> memref<8x8x128xf32, #tpu.memory_space<hbm>>
      %dma_start3A_146 = arith.constant 0 : i32
      %dma_start3A_147 = arith.constant 0 : i32
      %dma_start3A_148 = arith.constant 0 : i32
      %dma_start3A_149 = tpu.memref_slice %arg4[%dma_start3A, %dma_start3A_146, %dma_start3A_147, %dma_start3A_148] : memref<6x8x8x128xf32, #tpu.memory_space<vmem>> -> memref<1x8x8x128xf32, #tpu.memory_space<vmem>>
      %dma_start3A_150 = tpu.memref_squeeze %dma_start3A_149 : memref<1x8x8x128xf32, #tpu.memory_space<vmem>> -> memref<8x8x128xf32, #tpu.memory_space<vmem>>
      %dma_start3A_151 = arith.constant 0 : i32
      %dma_start3A_152 = arith.constant 0 : i32
      %dma_start3A_153 = arith.constant 0 : i32
      %dma_start3A_154 = tpu.memref_slice %arg2[%dma_start3A_151, %add3A_135, %dma_start3A_152, %dma_start3A_153] : memref<8x7813x8x128xf32, #tpu.memory_space<hbm>> -> memref<8x1x8x128xf32, #tpu.memory_space<hbm>>
      %dma_start3A_155 = tpu.memref_squeeze %dma_start3A_154 : memref<8x1x8x128xf32, #tpu.memory_space<hbm>> -> memref<8x8x128xf32, #tpu.memory_space<hbm>>
      tpu.enqueue_dma source(%dma_start3A_155 : memref<8x8x128xf32, #tpu.memory_space<hbm>>) target(%dma_start3A_150 : memref<8x8x128xf32, #tpu.memory_space<vmem>>) target_semaphore(%arg11 : memref<!tpu.dma_semaphore, #tpu.memory_space<semaphore_mem>>)
    } else {
    }
    %scan3A = arith.constant 0 : i32
    %scan3A_40 = arith.constant 0 : i32
    %scan3A_41 = arith.constant 41 : i32
    %scan3A_42 = arith.addi %scan3A_40, %scan3A_41 : i32
    %scan3A_43 = arith.constant 1 : i32
    scf.for %scan3A_134 = %scan3A_40 to %scan3A_42 step %scan3A_43  : i32 {
      %mul3A_135 = arith.constant 6 : i32
      %mul3A_136 = arith.muli %scan3A_134, %mul3A_135 : i32
      %add3A_137 = arith.constant 0 : i32
      %add3A_138 = arith.addi %mul3A_136, %add3A_137 : i32
      %mul3A_139 = arith.constant 32 : i32
      %mul3A_140 = arith.muli %add3A_138, %mul3A_139 : i32
      %add3A_141 = arith.addi %mul3A_140, %add3A : i32
      %lt3A_142 = arith.constant 7813 : i32
      %lt3A_143 = arith.cmpi slt, %add3A_141, %lt3A_142 : i32
      %convert_element_type3A_144 = arith.extui %lt3A_143 : i1 to i32
      %cond3A_145 = arith.constant 0 : i32
      %cond3A_146 = arith.cmpi ne, %convert_element_type3A_144, %cond3A_145 : i32
      scf.if %cond3A_146 {
        %dma_wait3A_267 = arith.constant 0 : i32
        %dma_wait3A_268 = arith.constant 0 : i32
        %dma_wait3A_269 = arith.constant 0 : i32
        %dma_wait3A_270 = arith.constant 0 : i32
        %dma_wait3A_271 = arith.constant 0 : i32
        %dma_wait3A_272 = tpu.memref_slice %arg4[%dma_wait3A_268, %dma_wait3A_269, %dma_wait3A_270, %dma_wait3A_271] : memref<6x8x8x128xf32, #tpu.memory_space<vmem>> -> memref<1x8x8x128xf32, #tpu.memory_space<vmem>>
        %dma_wait3A_273 = tpu.memref_squeeze %dma_wait3A_272 : memref<1x8x8x128xf32, #tpu.memory_space<vmem>> -> memref<8x8x128xf32, #tpu.memory_space<vmem>>
        %dma_wait3A_274 = arith.constant 0 : i32
        %dma_wait3A_275 = arith.constant 0 : i32
        %dma_wait3A_276 = arith.constant 0 : i32
        %dma_wait3A_277 = tpu.memref_slice %arg2[%dma_wait3A_274, %dma_wait3A_267, %dma_wait3A_275, %dma_wait3A_276] : memref<8x7813x8x128xf32, #tpu.memory_space<hbm>> -> memref<8x1x8x128xf32, #tpu.memory_space<hbm>>
        %dma_wait3A_278 = tpu.memref_squeeze %dma_wait3A_277 : memref<8x1x8x128xf32, #tpu.memory_space<hbm>> -> memref<8x8x128xf32, #tpu.memory_space<hbm>>
        %dma_wait3A_279 = arith.constant 0 : i32
        %dma_wait3A_280 = arith.constant 0 : i32
        %dma_wait3A_281 = arith.constant 0 : i32
        %dma_wait3A_282 = tpu.memref_slice %arg4[%dma_wait3A_268, %dma_wait3A_279, %dma_wait3A_280, %dma_wait3A_281] : memref<6x8x8x128xf32, #tpu.memory_space<vmem>> -> memref<1x8x8x128xf32, #tpu.memory_space<vmem>>
        %dma_wait3A_283 = tpu.memref_squeeze %dma_wait3A_282 : memref<1x8x8x128xf32, #tpu.memory_space<vmem>> -> memref<8x8x128xf32, #tpu.memory_space<vmem>>
        %dma_wait3A_284 = arith.constant 0 : i32
        %dma_wait3A_285 = arith.constant 0 : i32
        %dma_wait3A_286 = arith.constant 0 : i32
        %dma_wait3A_287 = tpu.memref_slice %arg2[%dma_wait3A_284, %dma_wait3A_267, %dma_wait3A_285, %dma_wait3A_286] : memref<8x7813x8x128xf32, #tpu.memory_space<hbm>> -> memref<8x1x8x128xf32, #tpu.memory_space<hbm>>
        %dma_wait3A_288 = tpu.memref_squeeze %dma_wait3A_287 : memref<8x1x8x128xf32, #tpu.memory_space<hbm>> -> memref<8x8x128xf32, #tpu.memory_space<hbm>>
        tpu.wait_dma2 semaphore(%arg6 : memref<!tpu.dma_semaphore, #tpu.memory_space<semaphore_mem>>) src(%dma_wait3A_288 : memref<8x8x128xf32, #tpu.memory_space<hbm>>) dst(%dma_wait3A_283 : memref<8x8x128xf32, #tpu.memory_space<vmem>>)
        %ge3A = arith.constant 6 : i32
        %ge3A_289 = arith.cmpi sge, %add3A_138, %ge3A : i32
        %convert_element_type3A_290 = arith.extui %ge3A_289 : i1 to i32
        %cond3A_291 = arith.constant 0 : i32
        %cond3A_292 = arith.cmpi ne, %convert_element_type3A_290, %cond3A_291 : i32
        scf.if %cond3A_292 {
          %dma_wait3A_312 = arith.constant 0 : i32
          %dma_wait3A_313 = arith.constant 0 : i32
          %dma_wait3A_314 = arith.constant 0 : i32
          %dma_wait3A_315 = tpu.memref_slice %arg5[%dma_wait3A_312, %dma_wait3A_313, %dma_wait3A_314] : memref<6x128x69xf32, #tpu.memory_space<vmem>> -> memref<1x128x64xf32, #tpu.memory_space<vmem>>
          %dma_wait3A_316 = tpu.memref_squeeze %dma_wait3A_315 : memref<1x128x64xf32, #tpu.memory_space<vmem>> -> memref<128x64xf32, #tpu.memory_space<vmem>>
          %dma_wait3A_317 = arith.constant 0 : i32
          %dma_wait3A_318 = arith.constant 0 : i32
          %dma_wait3A_319 = tpu.memref_slice %arg3[%dma_wait3A_317, %dma_wait3A_318] : memref<1000064x64xf32, #tpu.memory_space<hbm>> -> memref<128x64xf32, #tpu.memory_space<hbm>>
          %dma_wait3A_320 = arith.constant 0 : i32
          %dma_wait3A_321 = arith.constant 0 : i32
          %dma_wait3A_322 = tpu.memref_slice %arg3[%dma_wait3A_320, %dma_wait3A_321] : memref<1000064x64xf32, #tpu.memory_space<hbm>> -> memref<128x64xf32, #tpu.memory_space<hbm>>
          %dma_wait3A_323 = arith.constant 0 : i32
          %dma_wait3A_324 = arith.constant 0 : i32
          %dma_wait3A_325 = tpu.memref_slice %arg5[%dma_wait3A_312, %dma_wait3A_323, %dma_wait3A_324] : memref<6x128x69xf32, #tpu.memory_space<vmem>> -> memref<1x128x64xf32, #tpu.memory_space<vmem>>
          %dma_wait3A_326 = tpu.memref_squeeze %dma_wait3A_325 : memref<1x128x64xf32, #tpu.memory_space<vmem>> -> memref<128x64xf32, #tpu.memory_space<vmem>>
          tpu.wait_dma2 semaphore(%arg12 : memref<!tpu.dma_semaphore, #tpu.memory_space<semaphore_mem>>) src(%dma_wait3A_326 : memref<128x64xf32, #tpu.memory_space<vmem>>) dst(%dma_wait3A_322 : memref<128x64xf32, #tpu.memory_space<hbm>>)
        } else {
        }
        %parallel_loop3A = arith.constant 0 : i32
        %parallel_loop3A_293 = arith.constant 64 : i32
        %parallel_loop3A_294 = arith.constant 1 : i32
        scf.for %parallel_loop3A_312 = %parallel_loop3A to %parallel_loop3A_293 step %parallel_loop3A_294  : i32 {
          %parallel_loop3A_313 = arith.constant 8 : i32
          %parallel_loop3A_314 = arith.divsi %parallel_loop3A_312, %parallel_loop3A_313 : i32
          %parallel_loop3A_315 = arith.constant 0 : i32
          %parallel_loop3A_316 = arith.cmpi sgt, %parallel_loop3A_312, %parallel_loop3A_315 : i32
          %parallel_loop3A_317 = arith.extui %parallel_loop3A_316 : i1 to i32
          %parallel_loop3A_318 = arith.constant 0 : i32
          %parallel_loop3A_319 = arith.cmpi slt, %parallel_loop3A_312, %parallel_loop3A_318 : i32
          %parallel_loop3A_320 = arith.extui %parallel_loop3A_319 : i1 to i32
          %parallel_loop3A_321 = arith.subi %parallel_loop3A_317, %parallel_loop3A_320 : i32
          %parallel_loop3A_322 = arith.constant 0 : i32
          %parallel_loop3A_323 = arith.cmpi sgt, %parallel_loop3A_313, %parallel_loop3A_322 : i32
          %parallel_loop3A_324 = arith.extui %parallel_loop3A_323 : i1 to i32
          %parallel_loop3A_325 = arith.constant 0 : i32
          %parallel_loop3A_326 = arith.cmpi slt, %parallel_loop3A_313, %parallel_loop3A_325 : i32
          %parallel_loop3A_327 = arith.extui %parallel_loop3A_326 : i1 to i32
          %parallel_loop3A_328 = arith.subi %parallel_loop3A_324, %parallel_loop3A_327 : i32
          %parallel_loop3A_329 = arith.cmpi ne, %parallel_loop3A_321, %parallel_loop3A_328 : i32
          %parallel_loop3A_330 = arith.remsi %parallel_loop3A_312, %parallel_loop3A_313 : i32
          %parallel_loop3A_331 = arith.constant 0 : i32
          %parallel_loop3A_332 = arith.cmpi ne, %parallel_loop3A_330, %parallel_loop3A_331 : i32
          %parallel_loop3A_333 = arith.andi %parallel_loop3A_329, %parallel_loop3A_332 : i1
          %parallel_loop3A_334 = arith.constant 1 : i32
          %parallel_loop3A_335 = arith.subi %parallel_loop3A_314, %parallel_loop3A_334 : i32
          %parallel_loop3A_336 = arith.select %parallel_loop3A_333, %parallel_loop3A_335, %parallel_loop3A_314 : i32
          %parallel_loop3A_337 = arith.constant 8 : i32
          %parallel_loop3A_338 = arith.remsi %parallel_loop3A_312, %parallel_loop3A_337 : i32
          %parallel_loop3A_339 = vector.broadcast %parallel_loop3A_312 : i32 to vector<16xi32>
          %parallel_loop3A_340 = arith.constant 0 : i32
          %parallel_loop3A_341 = arith.index_cast %parallel_loop3A_340 : i32 to index
          %parallel_loop3A_342 = arith.index_cast %parallel_loop3A_336 : i32 to index
          %parallel_loop3A_343 = arith.index_cast %parallel_loop3A_338 : i32 to index
          %parallel_loop3A_344 = arith.constant 0 : index
          %parallel_loop3A_345 = tpu.vector_load %arg4[%parallel_loop3A_341, %parallel_loop3A_342, %parallel_loop3A_343, %parallel_loop3A_344] {strides = array<i32>} : memref<6x8x8x128xf32, #tpu.memory_space<vmem>>, vector<16xf32>,
          %parallel_loop3A_346 = arith.constant 0 : i32
          %parallel_loop3A_347 = vector.broadcast %parallel_loop3A_346 : i32 to vector<16xi32>
          %parallel_loop3A_348 = arith.addi %parallel_loop3A_347, %iota3A : vector<16xi32>
          %parallel_loop3A_349 = arith.constant 0 : i32
          %parallel_loop3A_350 = arith.constant 0 : i32
          %parallel_loop3A_351 = arith.constant 0 : i32
          %parallel_loop3A_352 = tpu.memref_slice %arg5[%parallel_loop3A_349, %parallel_loop3A_350, %parallel_loop3A_351] : memref<6x128x69xf32, #tpu.memory_space<vmem>> -> memref<1x128x69xf32, #tpu.memory_space<vmem>>
          %parallel_loop3A_353 = tpu.memref_squeeze %parallel_loop3A_352 : memref<1x128x69xf32, #tpu.memory_space<vmem>> -> memref<128x69xf32, #tpu.memory_space<vmem>>
          tpu.vector_store_idx %parallel_loop3A_353[%parallel_loop3A_348, %parallel_loop3A_339], %parallel_loop3A_345 : memref<128x69xf32, #tpu.memory_space<vmem>>[vector<16xi32>, vector<16xi32>], vector<16xf32>,
          %parallel_loop3A_354 = arith.constant 0 : i32
          %parallel_loop3A_355 = arith.index_cast %parallel_loop3A_354 : i32 to index
          %parallel_loop3A_356 = arith.index_cast %parallel_loop3A_336 : i32 to index
          %parallel_loop3A_357 = arith.index_cast %parallel_loop3A_338 : i32 to index
          %parallel_loop3A_358 = arith.constant 16 : index
          %parallel_loop3A_359 = tpu.vector_load %arg4[%parallel_loop3A_355, %parallel_loop3A_356, %parallel_loop3A_357, %parallel_loop3A_358] {strides = array<i32>} : memref<6x8x8x128xf32, #tpu.memory_space<vmem>>, vector<16xf32>,
          %parallel_loop3A_360 = arith.constant 16 : i32
          %parallel_loop3A_361 = vector.broadcast %parallel_loop3A_360 : i32 to vector<16xi32>
          %parallel_loop3A_362 = arith.addi %parallel_loop3A_361, %iota3A : vector<16xi32>
          %parallel_loop3A_363 = arith.constant 0 : i32
          %parallel_loop3A_364 = arith.constant 0 : i32
          %parallel_loop3A_365 = arith.constant 0 : i32
          %parallel_loop3A_366 = tpu.memref_slice %arg5[%parallel_loop3A_363, %parallel_loop3A_364, %parallel_loop3A_365] : memref<6x128x69xf32, #tpu.memory_space<vmem>> -> memref<1x128x69xf32, #tpu.memory_space<vmem>>
          %parallel_loop3A_367 = tpu.memref_squeeze %parallel_loop3A_366 : memref<1x128x69xf32, #tpu.memory_space<vmem>> -> memref<128x69xf32, #tpu.memory_space<vmem>>
          tpu.vector_store_idx %parallel_loop3A_367[%parallel_loop3A_362, %parallel_loop3A_339], %parallel_loop3A_359 : memref<128x69xf32, #tpu.memory_space<vmem>>[vector<16xi32>, vector<16xi32>], vector<16xf32>,
          %parallel_loop3A_368 = arith.constant 0 : i32
          %parallel_loop3A_369 = arith.index_cast %parallel_loop3A_368 : i32 to index
          %parallel_loop3A_370 = arith.index_cast %parallel_loop3A_336 : i32 to index
          %parallel_loop3A_371 = arith.index_cast %parallel_loop3A_338 : i32 to index
          %parallel_loop3A_372 = arith.constant 32 : index
          %parallel_loop3A_373 = tpu.vector_load %arg4[%parallel_loop3A_369, %parallel_loop3A_370, %parallel_loop3A_371, %parallel_loop3A_372] {strides = array<i32>} : memref<6x8x8x128xf32, #tpu.memory_space<vmem>>, vector<16xf32>,
          %parallel_loop3A_374 = arith.constant 32 : i32
          %parallel_loop3A_375 = vector.broadcast %parallel_loop3A_374 : i32 to vector<16xi32>
          %parallel_loop3A_376 = arith.addi %parallel_loop3A_375, %iota3A : vector<16xi32>
          %parallel_loop3A_377 = arith.constant 0 : i32
          %parallel_loop3A_378 = arith.constant 0 : i32
          %parallel_loop3A_379 = arith.constant 0 : i32
          %parallel_loop3A_380 = tpu.memref_slice %arg5[%parallel_loop3A_377, %parallel_loop3A_378, %parallel_loop3A_379] : memref<6x128x69xf32, #tpu.memory_space<vmem>> -> memref<1x128x69xf32, #tpu.memory_space<vmem>>
          %parallel_loop3A_381 = tpu.memref_squeeze %parallel_loop3A_380 : memref<1x128x69xf32, #tpu.memory_space<vmem>> -> memref<128x69xf32, #tpu.memory_space<vmem>>
          tpu.vector_store_idx %parallel_loop3A_381[%parallel_loop3A_376, %parallel_loop3A_339], %parallel_loop3A_373 : memref<128x69xf32, #tpu.memory_space<vmem>>[vector<16xi32>, vector<16xi32>], vector<16xf32>,
          %parallel_loop3A_382 = arith.constant 0 : i32
          %parallel_loop3A_383 = arith.index_cast %parallel_loop3A_382 : i32 to index
          %parallel_loop3A_384 = arith.index_cast %parallel_loop3A_336 : i32 to index
          %parallel_loop3A_385 = arith.index_cast %parallel_loop3A_338 : i32 to index
          %parallel_loop3A_386 = arith.constant 48 : index
          %parallel_loop3A_387 = tpu.vector_load %arg4[%parallel_loop3A_383, %parallel_loop3A_384, %parallel_loop3A_385, %parallel_loop3A_386] {strides = array<i32>} : memref<6x8x8x128xf32, #tpu.memory_space<vmem>>, vector<16xf32>,
          %parallel_loop3A_388 = arith.constant 48 : i32
          %parallel_loop3A_389 = vector.broadcast %parallel_loop3A_388 : i32 to vector<16xi32>
          %parallel_loop3A_390 = arith.addi %parallel_loop3A_389, %iota3A : vector<16xi32>
          %parallel_loop3A_391 = arith.constant 0 : i32
          %parallel_loop3A_392 = arith.constant 0 : i32
          %parallel_loop3A_393 = arith.constant 0 : i32
          %parallel_loop3A_394 = tpu.memref_slice %arg5[%parallel_loop3A_391, %parallel_loop3A_392, %parallel_loop3A_393] : memref<6x128x69xf32, #tpu.memory_space<vmem>> -> memref<1x128x69xf32, #tpu.memory_space<vmem>>
          %parallel_loop3A_395 = tpu.memref_squeeze %parallel_loop3A_394 : memref<1x128x69xf32, #tpu.memory_space<vmem>> -> memref<128x69xf32, #tpu.memory_space<vmem>>
          tpu.vector_store_idx %parallel_loop3A_395[%parallel_loop3A_390, %parallel_loop3A_339], %parallel_loop3A_387 : memref<128x69xf32, #tpu.memory_space<vmem>>[vector<16xi32>, vector<16xi32>], vector<16xf32>,
          %parallel_loop3A_396 = arith.constant 0 : i32
          %parallel_loop3A_397 = arith.index_cast %parallel_loop3A_396 : i32 to index
          %parallel_loop3A_398 = arith.index_cast %parallel_loop3A_336 : i32 to index
          %parallel_loop3A_399 = arith.index_cast %parallel_loop3A_338 : i32 to index
          %parallel_loop3A_400 = arith.constant 64 : index
          %parallel_loop3A_401 = tpu.vector_load %arg4[%parallel_loop3A_397, %parallel_loop3A_398, %parallel_loop3A_399, %parallel_loop3A_400] {strides = array<i32>} : memref<6x8x8x128xf32, #tpu.memory_space<vmem>>, vector<16xf32>,
          %parallel_loop3A_402 = arith.constant 64 : i32
          %parallel_loop3A_403 = vector.broadcast %parallel_loop3A_402 : i32 to vector<16xi32>
          %parallel_loop3A_404 = arith.addi %parallel_loop3A_403, %iota3A : vector<16xi32>
          %parallel_loop3A_405 = arith.constant 0 : i32
          %parallel_loop3A_406 = arith.constant 0 : i32
          %parallel_loop3A_407 = arith.constant 0 : i32
          %parallel_loop3A_408 = tpu.memref_slice %arg5[%parallel_loop3A_405, %parallel_loop3A_406, %parallel_loop3A_407] : memref<6x128x69xf32, #tpu.memory_space<vmem>> -> memref<1x128x69xf32, #tpu.memory_space<vmem>>
          %parallel_loop3A_409 = tpu.memref_squeeze %parallel_loop3A_408 : memref<1x128x69xf32, #tpu.memory_space<vmem>> -> memref<128x69xf32, #tpu.memory_space<vmem>>
          tpu.vector_store_idx %parallel_loop3A_409[%parallel_loop3A_404, %parallel_loop3A_339], %parallel_loop3A_401 : memref<128x69xf32, #tpu.memory_space<vmem>>[vector<16xi32>, vector<16xi32>], vector<16xf32>,
          %parallel_loop3A_410 = arith.constant 0 : i32
          %parallel_loop3A_411 = arith.index_cast %parallel_loop3A_410 : i32 to index
          %parallel_loop3A_412 = arith.index_cast %parallel_loop3A_336 : i32 to index
          %parallel_loop3A_413 = arith.index_cast %parallel_loop3A_338 : i32 to index
          %parallel_loop3A_414 = arith.constant 80 : index
          %parallel_loop3A_415 = tpu.vector_load %arg4[%parallel_loop3A_411, %parallel_loop3A_412, %parallel_loop3A_413, %parallel_loop3A_414] {strides = array<i32>} : memref<6x8x8x128xf32, #tpu.memory_space<vmem>>, vector<16xf32>,
          %parallel_loop3A_416 = arith.constant 80 : i32
          %parallel_loop3A_417 = vector.broadcast %parallel_loop3A_416 : i32 to vector<16xi32>
          %parallel_loop3A_418 = arith.addi %parallel_loop3A_417, %iota3A : vector<16xi32>
          %parallel_loop3A_419 = arith.constant 0 : i32
          %parallel_loop3A_420 = arith.constant 0 : i32
          %parallel_loop3A_421 = arith.constant 0 : i32
          %parallel_loop3A_422 = tpu.memref_slice %arg5[%parallel_loop3A_419, %parallel_loop3A_420, %parallel_loop3A_421] : memref<6x128x69xf32, #tpu.memory_space<vmem>> -> memref<1x128x69xf32, #tpu.memory_space<vmem>>
          %parallel_loop3A_423 = tpu.memref_squeeze %parallel_loop3A_422 : memref<1x128x69xf32, #tpu.memory_space<vmem>> -> memref<128x69xf32, #tpu.memory_space<vmem>>
          tpu.vector_store_idx %parallel_loop3A_423[%parallel_loop3A_418, %parallel_loop3A_339], %parallel_loop3A_415 : memref<128x69xf32, #tpu.memory_space<vmem>>[vector<16xi32>, vector<16xi32>], vector<16xf32>,
          %parallel_loop3A_424 = arith.constant 0 : i32
          %parallel_loop3A_425 = arith.index_cast %parallel_loop3A_424 : i32 to index
          %parallel_loop3A_426 = arith.index_cast %parallel_loop3A_336 : i32 to index
          %parallel_loop3A_427 = arith.index_cast %parallel_loop3A_338 : i32 to index
          %parallel_loop3A_428 = arith.constant 96 : index
          %parallel_loop3A_429 = tpu.vector_load %arg4[%parallel_loop3A_425, %parallel_loop3A_426, %parallel_loop3A_427, %parallel_loop3A_428] {strides = array<i32>} : memref<6x8x8x128xf32, #tpu.memory_space<vmem>>, vector<16xf32>,
          %parallel_loop3A_430 = arith.constant 96 : i32
          %parallel_loop3A_431 = vector.broadcast %parallel_loop3A_430 : i32 to vector<16xi32>
          %parallel_loop3A_432 = arith.addi %parallel_loop3A_431, %iota3A : vector<16xi32>
          %parallel_loop3A_433 = arith.constant 0 : i32
          %parallel_loop3A_434 = arith.constant 0 : i32
          %parallel_loop3A_435 = arith.constant 0 : i32
          %parallel_loop3A_436 = tpu.memref_slice %arg5[%parallel_loop3A_433, %parallel_loop3A_434, %parallel_loop3A_435] : memref<6x128x69xf32, #tpu.memory_space<vmem>> -> memref<1x128x69xf32, #tpu.memory_space<vmem>>
          %parallel_loop3A_437 = tpu.memref_squeeze %parallel_loop3A_436 : memref<1x128x69xf32, #tpu.memory_space<vmem>> -> memref<128x69xf32, #tpu.memory_space<vmem>>
          tpu.vector_store_idx %parallel_loop3A_437[%parallel_loop3A_432, %parallel_loop3A_339], %parallel_loop3A_429 : memref<128x69xf32, #tpu.memory_space<vmem>>[vector<16xi32>, vector<16xi32>], vector<16xf32>,
          %parallel_loop3A_438 = arith.constant 0 : i32
          %parallel_loop3A_439 = arith.index_cast %parallel_loop3A_438 : i32 to index
          %parallel_loop3A_440 = arith.index_cast %parallel_loop3A_336 : i32 to index
          %parallel_loop3A_441 = arith.index_cast %parallel_loop3A_338 : i32 to index
          %parallel_loop3A_442 = arith.constant 112 : index
          %parallel_loop3A_443 = tpu.vector_load %arg4[%parallel_loop3A_439, %parallel_loop3A_440, %parallel_loop3A_441, %parallel_loop3A_442] {strides = array<i32>} : memref<6x8x8x128xf32, #tpu.memory_space<vmem>>, vector<16xf32>,
          %parallel_loop3A_444 = arith.constant 112 : i32
          %parallel_loop3A_445 = vector.broadcast %parallel_loop3A_444 : i32 to vector<16xi32>
          %parallel_loop3A_446 = arith.addi %parallel_loop3A_445, %iota3A : vector<16xi32>
          %parallel_loop3A_447 = arith.constant 0 : i32
          %parallel_loop3A_448 = arith.constant 0 : i32
          %parallel_loop3A_449 = arith.constant 0 : i32
          %parallel_loop3A_450 = tpu.memref_slice %arg5[%parallel_loop3A_447, %parallel_loop3A_448, %parallel_loop3A_449] : memref<6x128x69xf32, #tpu.memory_space<vmem>> -> memref<1x128x69xf32, #tpu.memory_space<vmem>>
          %parallel_loop3A_451 = tpu.memref_squeeze %parallel_loop3A_450 : memref<1x128x69xf32, #tpu.memory_space<vmem>> -> memref<128x69xf32, #tpu.memory_space<vmem>>
          tpu.vector_store_idx %parallel_loop3A_451[%parallel_loop3A_446, %parallel_loop3A_339], %parallel_loop3A_443 : memref<128x69xf32, #tpu.memory_space<vmem>>[vector<16xi32>, vector<16xi32>], vector<16xf32>,
        } {sc.loop_unroll_factor = 4 : i64, sc.parallel_access}
        %mul3A_295 = arith.constant 32 : i32
        %mul3A_296 = arith.muli %add3A_138, %mul3A_295 : i32
        %add3A_297 = arith.addi %mul3A_296, %add3A : i32
        %mul3A_298 = arith.constant 128 : i32
        %mul3A_299 = arith.muli %add3A_297, %mul3A_298 : i32
        %dma_start3A = arith.constant 0 : i32
        %dma_start3A_300 = arith.constant 0 : i32
        %dma_start3A_301 = arith.constant 0 : i32
        %dma_start3A_302 = tpu.memref_slice %arg5[%dma_start3A, %dma_start3A_300, %dma_start3A_301] : memref<6x128x69xf32, #tpu.memory_space<vmem>> -> memref<1x128x64xf32, #tpu.memory_space<vmem>>
        %dma_start3A_303 = tpu.memref_squeeze %dma_start3A_302 : memref<1x128x64xf32, #tpu.memory_space<vmem>> -> memref<128x64xf32, #tpu.memory_space<vmem>>
        %dma_start3A_304 = arith.constant 0 : i32
        %dma_start3A_305 = tpu.memref_slice %arg3[%mul3A_299, %dma_start3A_304] : memref<1000064x64xf32, #tpu.memory_space<hbm>> -> memref<128x64xf32, #tpu.memory_space<hbm>>
        %dma_start3A_306 = arith.constant 0 : i32
        %dma_start3A_307 = tpu.memref_slice %arg3[%mul3A_299, %dma_start3A_306] : memref<1000064x64xf32, #tpu.memory_space<hbm>> -> memref<128x64xf32, #tpu.memory_space<hbm>>
        %dma_start3A_308 = arith.constant 0 : i32
        %dma_start3A_309 = arith.constant 0 : i32
        %dma_start3A_310 = tpu.memref_slice %arg5[%dma_start3A, %dma_start3A_308, %dma_start3A_309] : memref<6x128x69xf32, #tpu.memory_space<vmem>> -> memref<1x128x64xf32, #tpu.memory_space<vmem>>
        %dma_start3A_311 = tpu.memref_squeeze %dma_start3A_310 : memref<1x128x64xf32, #tpu.memory_space<vmem>> -> memref<128x64xf32, #tpu.memory_space<vmem>>
        tpu.enqueue_dma source(%dma_start3A_311 : memref<128x64xf32, #tpu.memory_space<vmem>>) target(%dma_start3A_307 : memref<128x64xf32, #tpu.memory_space<hbm>>) target_semaphore(%arg12 : memref<!tpu.dma_semaphore, #tpu.memory_space<semaphore_mem>>)
      } else {
      }
      %add3A_147 = arith.constant 6 : i32
      %add3A_148 = arith.addi %add3A_138, %add3A_147 : i32
      %mul3A_149 = arith.constant 32 : i32
      %mul3A_150 = arith.muli %add3A_148, %mul3A_149 : i32
      %add3A_151 = arith.addi %mul3A_150, %add3A : i32
      %lt3A_152 = arith.constant 7813 : i32
      %lt3A_153 = arith.cmpi slt, %add3A_151, %lt3A_152 : i32
      %convert_element_type3A_154 = arith.extui %lt3A_153 : i1 to i32
      %cond3A_155 = arith.constant 0 : i32
      %cond3A_156 = arith.cmpi ne, %convert_element_type3A_154, %cond3A_155 : i32
      scf.if %cond3A_156 {
        %add3A_267 = arith.constant 6 : i32
        %add3A_268 = arith.addi %add3A_138, %add3A_267 : i32
        %mul3A_269 = arith.constant 32 : i32
        %mul3A_270 = arith.muli %add3A_268, %mul3A_269 : i32
        %add3A_271 = arith.addi %mul3A_270, %add3A : i32
        %dma_start3A = arith.constant 0 : i32
        %dma_start3A_272 = arith.constant 0 : i32
        %dma_start3A_273 = arith.constant 0 : i32
        %dma_start3A_274 = arith.constant 0 : i32
        %dma_start3A_275 = tpu.memref_slice %arg4[%dma_start3A, %dma_start3A_272, %dma_start3A_273, %dma_start3A_274] : memref<6x8x8x128xf32, #tpu.memory_space<vmem>> -> memref<1x8x8x128xf32, #tpu.memory_space<vmem>>
        %dma_start3A_276 = tpu.memref_squeeze %dma_start3A_275 : memref<1x8x8x128xf32, #tpu.memory_space<vmem>> -> memref<8x8x128xf32, #tpu.memory_space<vmem>>
        %dma_start3A_277 = arith.constant 0 : i32
        %dma_start3A_278 = arith.constant 0 : i32
        %dma_start3A_279 = arith.constant 0 : i32
        %dma_start3A_280 = tpu.memref_slice %arg2[%dma_start3A_277, %add3A_271, %dma_start3A_278, %dma_start3A_279] : memref<8x7813x8x128xf32, #tpu.memory_space<hbm>> -> memref<8x1x8x128xf32, #tpu.memory_space<hbm>>
        %dma_start3A_281 = tpu.memref_squeeze %dma_start3A_280 : memref<8x1x8x128xf32, #tpu.memory_space<hbm>> -> memref<8x8x128xf32, #tpu.memory_space<hbm>>
        %dma_start3A_282 = arith.constant 0 : i32
        %dma_start3A_283 = arith.constant 0 : i32
        %dma_start3A_284 = arith.constant 0 : i32
        %dma_start3A_285 = tpu.memref_slice %arg4[%dma_start3A, %dma_start3A_282, %dma_start3A_283, %dma_start3A_284] : memref<6x8x8x128xf32, #tpu.memory_space<vmem>> -> memref<1x8x8x128xf32, #tpu.memory_space<vmem>>
        %dma_start3A_286 = tpu.memref_squeeze %dma_start3A_285 : memref<1x8x8x128xf32, #tpu.memory_space<vmem>> -> memref<8x8x128xf32, #tpu.memory_space<vmem>>
        %dma_start3A_287 = arith.constant 0 : i32
        %dma_start3A_288 = arith.constant 0 : i32
        %dma_start3A_289 = arith.constant 0 : i32
        %dma_start3A_290 = tpu.memref_slice %arg2[%dma_start3A_287, %add3A_271, %dma_start3A_288, %dma_start3A_289] : memref<8x7813x8x128xf32, #tpu.memory_space<hbm>> -> memref<8x1x8x128xf32, #tpu.memory_space<hbm>>
        %dma_start3A_291 = tpu.memref_squeeze %dma_start3A_290 : memref<8x1x8x128xf32, #tpu.memory_space<hbm>> -> memref<8x8x128xf32, #tpu.memory_space<hbm>>
        tpu.enqueue_dma source(%dma_start3A_291 : memref<8x8x128xf32, #tpu.memory_space<hbm>>) target(%dma_start3A_286 : memref<8x8x128xf32, #tpu.memory_space<vmem>>) target_semaphore(%arg6 : memref<!tpu.dma_semaphore, #tpu.memory_space<semaphore_mem>>)
      } else {
      }
      %mul3A_157 = arith.constant 6 : i32
      %mul3A_158 = arith.muli %scan3A_134, %mul3A_157 : i32
      %add3A_159 = arith.constant 1 : i32
      %add3A_160 = arith.addi %mul3A_158, %add3A_159 : i32
      %mul3A_161 = arith.constant 32 : i32
      %mul3A_162 = arith.muli %add3A_160, %mul3A_161 : i32
      %add3A_163 = arith.addi %mul3A_162, %add3A : i32
      %lt3A_164 = arith.constant 7813 : i32
      %lt3A_165 = arith.cmpi slt, %add3A_163, %lt3A_164 : i32
      %convert_element_type3A_166 = arith.extui %lt3A_165 : i1 to i32
      %cond3A_167 = arith.constant 0 : i32
      %cond3A_168 = arith.cmpi ne, %convert_element_type3A_166, %cond3A_167 : i32
      scf.if %cond3A_168 {
        %dma_wait3A_267 = arith.constant 0 : i32
        %dma_wait3A_268 = arith.constant 1 : i32
        %dma_wait3A_269 = arith.constant 0 : i32
        %dma_wait3A_270 = arith.constant 0 : i32
        %dma_wait3A_271 = arith.constant 0 : i32
        %dma_wait3A_272 = tpu.memref_slice %arg4[%dma_wait3A_268, %dma_wait3A_269, %dma_wait3A_270, %dma_wait3A_271] : memref<6x8x8x128xf32, #tpu.memory_space<vmem>> -> memref<1x8x8x128xf32, #tpu.memory_space<vmem>>
        %dma_wait3A_273 = tpu.memref_squeeze %dma_wait3A_272 : memref<1x8x8x128xf32, #tpu.memory_space<vmem>> -> memref<8x8x128xf32, #tpu.memory_space<vmem>>
        %dma_wait3A_274 = arith.constant 0 : i32
        %dma_wait3A_275 = arith.constant 0 : i32
        %dma_wait3A_276 = arith.constant 0 : i32
        %dma_wait3A_277 = tpu.memref_slice %arg2[%dma_wait3A_274, %dma_wait3A_267, %dma_wait3A_275, %dma_wait3A_276] : memref<8x7813x8x128xf32, #tpu.memory_space<hbm>> -> memref<8x1x8x128xf32, #tpu.memory_space<hbm>>
        %dma_wait3A_278 = tpu.memref_squeeze %dma_wait3A_277 : memref<8x1x8x128xf32, #tpu.memory_space<hbm>> -> memref<8x8x128xf32, #tpu.memory_space<hbm>>
        %dma_wait3A_279 = arith.constant 0 : i32
        %dma_wait3A_280 = arith.constant 0 : i32
        %dma_wait3A_281 = arith.constant 0 : i32
        %dma_wait3A_282 = tpu.memref_slice %arg4[%dma_wait3A_268, %dma_wait3A_279, %dma_wait3A_280, %dma_wait3A_281] : memref<6x8x8x128xf32, #tpu.memory_space<vmem>> -> memref<1x8x8x128xf32, #tpu.memory_space<vmem>>
        %dma_wait3A_283 = tpu.memref_squeeze %dma_wait3A_282 : memref<1x8x8x128xf32, #tpu.memory_space<vmem>> -> memref<8x8x128xf32, #tpu.memory_space<vmem>>
        %dma_wait3A_284 = arith.constant 0 : i32
        %dma_wait3A_285 = arith.constant 0 : i32
        %dma_wait3A_286 = arith.constant 0 : i32
        %dma_wait3A_287 = tpu.memref_slice %arg2[%dma_wait3A_284, %dma_wait3A_267, %dma_wait3A_285, %dma_wait3A_286] : memref<8x7813x8x128xf32, #tpu.memory_space<hbm>> -> memref<8x1x8x128xf32, #tpu.memory_space<hbm>>
        %dma_wait3A_288 = tpu.memref_squeeze %dma_wait3A_287 : memref<8x1x8x128xf32, #tpu.memory_space<hbm>> -> memref<8x8x128xf32, #tpu.memory_space<hbm>>
        tpu.wait_dma2 semaphore(%arg7 : memref<!tpu.dma_semaphore, #tpu.memory_space<semaphore_mem>>) src(%dma_wait3A_288 : memref<8x8x128xf32, #tpu.memory_space<hbm>>) dst(%dma_wait3A_283 : memref<8x8x128xf32, #tpu.memory_space<vmem>>)
        %ge3A = arith.constant 6 : i32
        %ge3A_289 = arith.cmpi sge, %add3A_160, %ge3A : i32
        %convert_element_type3A_290 = arith.extui %ge3A_289 : i1 to i32
        %cond3A_291 = arith.constant 0 : i32
        %cond3A_292 = arith.cmpi ne, %convert_element_type3A_290, %cond3A_291 : i32
        scf.if %cond3A_292 {
          %dma_wait3A_312 = arith.constant 1 : i32
          %dma_wait3A_313 = arith.constant 0 : i32
          %dma_wait3A_314 = arith.constant 0 : i32
          %dma_wait3A_315 = tpu.memref_slice %arg5[%dma_wait3A_312, %dma_wait3A_313, %dma_wait3A_314] : memref<6x128x69xf32, #tpu.memory_space<vmem>> -> memref<1x128x64xf32, #tpu.memory_space<vmem>>
          %dma_wait3A_316 = tpu.memref_squeeze %dma_wait3A_315 : memref<1x128x64xf32, #tpu.memory_space<vmem>> -> memref<128x64xf32, #tpu.memory_space<vmem>>
          %dma_wait3A_317 = arith.constant 0 : i32
          %dma_wait3A_318 = arith.constant 0 : i32
          %dma_wait3A_319 = tpu.memref_slice %arg3[%dma_wait3A_317, %dma_wait3A_318] : memref<1000064x64xf32, #tpu.memory_space<hbm>> -> memref<128x64xf32, #tpu.memory_space<hbm>>
          %dma_wait3A_320 = arith.constant 0 : i32
          %dma_wait3A_321 = arith.constant 0 : i32
          %dma_wait3A_322 = tpu.memref_slice %arg3[%dma_wait3A_320, %dma_wait3A_321] : memref<1000064x64xf32, #tpu.memory_space<hbm>> -> memref<128x64xf32, #tpu.memory_space<hbm>>
          %dma_wait3A_323 = arith.constant 0 : i32
          %dma_wait3A_324 = arith.constant 0 : i32
          %dma_wait3A_325 = tpu.memref_slice %arg5[%dma_wait3A_312, %dma_wait3A_323, %dma_wait3A_324] : memref<6x128x69xf32, #tpu.memory_space<vmem>> -> memref<1x128x64xf32, #tpu.memory_space<vmem>>
          %dma_wait3A_326 = tpu.memref_squeeze %dma_wait3A_325 : memref<1x128x64xf32, #tpu.memory_space<vmem>> -> memref<128x64xf32, #tpu.memory_space<vmem>>
          tpu.wait_dma2 semaphore(%arg13 : memref<!tpu.dma_semaphore, #tpu.memory_space<semaphore_mem>>) src(%dma_wait3A_326 : memref<128x64xf32, #tpu.memory_space<vmem>>) dst(%dma_wait3A_322 : memref<128x64xf32, #tpu.memory_space<hbm>>)
        } else {
        }
        %parallel_loop3A = arith.constant 0 : i32
        %parallel_loop3A_293 = arith.constant 64 : i32
        %parallel_loop3A_294 = arith.constant 1 : i32
        scf.for %parallel_loop3A_312 = %parallel_loop3A to %parallel_loop3A_293 step %parallel_loop3A_294  : i32 {
          %parallel_loop3A_313 = arith.constant 8 : i32
          %parallel_loop3A_314 = arith.divsi %parallel_loop3A_312, %parallel_loop3A_313 : i32
          %parallel_loop3A_315 = arith.constant 0 : i32
          %parallel_loop3A_316 = arith.cmpi sgt, %parallel_loop3A_312, %parallel_loop3A_315 : i32
          %parallel_loop3A_317 = arith.extui %parallel_loop3A_316 : i1 to i32
          %parallel_loop3A_318 = arith.constant 0 : i32
          %parallel_loop3A_319 = arith.cmpi slt, %parallel_loop3A_312, %parallel_loop3A_318 : i32
          %parallel_loop3A_320 = arith.extui %parallel_loop3A_319 : i1 to i32
          %parallel_loop3A_321 = arith.subi %parallel_loop3A_317, %parallel_loop3A_320 : i32
          %parallel_loop3A_322 = arith.constant 0 : i32
          %parallel_loop3A_323 = arith.cmpi sgt, %parallel_loop3A_313, %parallel_loop3A_322 : i32
          %parallel_loop3A_324 = arith.extui %parallel_loop3A_323 : i1 to i32
          %parallel_loop3A_325 = arith.constant 0 : i32
          %parallel_loop3A_326 = arith.cmpi slt, %parallel_loop3A_313, %parallel_loop3A_325 : i32
          %parallel_loop3A_327 = arith.extui %parallel_loop3A_326 : i1 to i32
          %parallel_loop3A_328 = arith.subi %parallel_loop3A_324, %parallel_loop3A_327 : i32
          %parallel_loop3A_329 = arith.cmpi ne, %parallel_loop3A_321, %parallel_loop3A_328 : i32
          %parallel_loop3A_330 = arith.remsi %parallel_loop3A_312, %parallel_loop3A_313 : i32
          %parallel_loop3A_331 = arith.constant 0 : i32
          %parallel_loop3A_332 = arith.cmpi ne, %parallel_loop3A_330, %parallel_loop3A_331 : i32
          %parallel_loop3A_333 = arith.andi %parallel_loop3A_329, %parallel_loop3A_332 : i1
          %parallel_loop3A_334 = arith.constant 1 : i32
          %parallel_loop3A_335 = arith.subi %parallel_loop3A_314, %parallel_loop3A_334 : i32
          %parallel_loop3A_336 = arith.select %parallel_loop3A_333, %parallel_loop3A_335, %parallel_loop3A_314 : i32
          %parallel_loop3A_337 = arith.constant 8 : i32
          %parallel_loop3A_338 = arith.remsi %parallel_loop3A_312, %parallel_loop3A_337 : i32
          %parallel_loop3A_339 = vector.broadcast %parallel_loop3A_312 : i32 to vector<16xi32>
          %parallel_loop3A_340 = arith.constant 1 : i32
          %parallel_loop3A_341 = arith.index_cast %parallel_loop3A_340 : i32 to index
          %parallel_loop3A_342 = arith.index_cast %parallel_loop3A_336 : i32 to index
          %parallel_loop3A_343 = arith.index_cast %parallel_loop3A_338 : i32 to index
          %parallel_loop3A_344 = arith.constant 0 : index
          %parallel_loop3A_345 = tpu.vector_load %arg4[%parallel_loop3A_341, %parallel_loop3A_342, %parallel_loop3A_343, %parallel_loop3A_344] {strides = array<i32>} : memref<6x8x8x128xf32, #tpu.memory_space<vmem>>, vector<16xf32>,
          %parallel_loop3A_346 = arith.constant 0 : i32
          %parallel_loop3A_347 = vector.broadcast %parallel_loop3A_346 : i32 to vector<16xi32>
          %parallel_loop3A_348 = arith.addi %parallel_loop3A_347, %iota3A : vector<16xi32>
          %parallel_loop3A_349 = arith.constant 1 : i32
          %parallel_loop3A_350 = arith.constant 0 : i32
          %parallel_loop3A_351 = arith.constant 0 : i32
          %parallel_loop3A_352 = tpu.memref_slice %arg5[%parallel_loop3A_349, %parallel_loop3A_350, %parallel_loop3A_351] : memref<6x128x69xf32, #tpu.memory_space<vmem>> -> memref<1x128x69xf32, #tpu.memory_space<vmem>>
          %parallel_loop3A_353 = tpu.memref_squeeze %parallel_loop3A_352 : memref<1x128x69xf32, #tpu.memory_space<vmem>> -> memref<128x69xf32, #tpu.memory_space<vmem>>
          tpu.vector_store_idx %parallel_loop3A_353[%parallel_loop3A_348, %parallel_loop3A_339], %parallel_loop3A_345 : memref<128x69xf32, #tpu.memory_space<vmem>>[vector<16xi32>, vector<16xi32>], vector<16xf32>,
          %parallel_loop3A_354 = arith.constant 1 : i32
          %parallel_loop3A_355 = arith.index_cast %parallel_loop3A_354 : i32 to index
          %parallel_loop3A_356 = arith.index_cast %parallel_loop3A_336 : i32 to index
          %parallel_loop3A_357 = arith.index_cast %parallel_loop3A_338 : i32 to index
          %parallel_loop3A_358 = arith.constant 16 : index
          %parallel_loop3A_359 = tpu.vector_load %arg4[%parallel_loop3A_355, %parallel_loop3A_356, %parallel_loop3A_357, %parallel_loop3A_358] {strides = array<i32>} : memref<6x8x8x128xf32, #tpu.memory_space<vmem>>, vector<16xf32>,
          %parallel_loop3A_360 = arith.constant 16 : i32
          %parallel_loop3A_361 = vector.broadcast %parallel_loop3A_360 : i32 to vector<16xi32>
          %parallel_loop3A_362 = arith.addi %parallel_loop3A_361, %iota3A : vector<16xi32>
          %parallel_loop3A_363 = arith.constant 1 : i32
          %parallel_loop3A_364 = arith.constant 0 : i32
          %parallel_loop3A_365 = arith.constant 0 : i32
          %parallel_loop3A_366 = tpu.memref_slice %arg5[%parallel_loop3A_363, %parallel_loop3A_364, %parallel_loop3A_365] : memref<6x128x69xf32, #tpu.memory_space<vmem>> -> memref<1x128x69xf32, #tpu.memory_space<vmem>>
          %parallel_loop3A_367 = tpu.memref_squeeze %parallel_loop3A_366 : memref<1x128x69xf32, #tpu.memory_space<vmem>> -> memref<128x69xf32, #tpu.memory_space<vmem>>
          tpu.vector_store_idx %parallel_loop3A_367[%parallel_loop3A_362, %parallel_loop3A_339], %parallel_loop3A_359 : memref<128x69xf32, #tpu.memory_space<vmem>>[vector<16xi32>, vector<16xi32>], vector<16xf32>,
          %parallel_loop3A_368 = arith.constant 1 : i32
          %parallel_loop3A_369 = arith.index_cast %parallel_loop3A_368 : i32 to index
          %parallel_loop3A_370 = arith.index_cast %parallel_loop3A_336 : i32 to index
          %parallel_loop3A_371 = arith.index_cast %parallel_loop3A_338 : i32 to index
          %parallel_loop3A_372 = arith.constant 32 : index
          %parallel_loop3A_373 = tpu.vector_load %arg4[%parallel_loop3A_369, %parallel_loop3A_370, %parallel_loop3A_371, %parallel_loop3A_372] {strides = array<i32>} : memref<6x8x8x128xf32, #tpu.memory_space<vmem>>, vector<16xf32>,
          %parallel_loop3A_374 = arith.constant 32 : i32
          %parallel_loop3A_375 = vector.broadcast %parallel_loop3A_374 : i32 to vector<16xi32>
          %parallel_loop3A_376 = arith.addi %parallel_loop3A_375, %iota3A : vector<16xi32>
          %parallel_loop3A_377 = arith.constant 1 : i32
          %parallel_loop3A_378 = arith.constant 0 : i32
          %parallel_loop3A_379 = arith.constant 0 : i32
          %parallel_loop3A_380 = tpu.memref_slice %arg5[%parallel_loop3A_377, %parallel_loop3A_378, %parallel_loop3A_379] : memref<6x128x69xf32, #tpu.memory_space<vmem>> -> memref<1x128x69xf32, #tpu.memory_space<vmem>>
          %parallel_loop3A_381 = tpu.memref_squeeze %parallel_loop3A_380 : memref<1x128x69xf32, #tpu.memory_space<vmem>> -> memref<128x69xf32, #tpu.memory_space<vmem>>
          tpu.vector_store_idx %parallel_loop3A_381[%parallel_loop3A_376, %parallel_loop3A_339], %parallel_loop3A_373 : memref<128x69xf32, #tpu.memory_space<vmem>>[vector<16xi32>, vector<16xi32>], vector<16xf32>,
          %parallel_loop3A_382 = arith.constant 1 : i32
          %parallel_loop3A_383 = arith.index_cast %parallel_loop3A_382 : i32 to index
          %parallel_loop3A_384 = arith.index_cast %parallel_loop3A_336 : i32 to index
          %parallel_loop3A_385 = arith.index_cast %parallel_loop3A_338 : i32 to index
          %parallel_loop3A_386 = arith.constant 48 : index
          %parallel_loop3A_387 = tpu.vector_load %arg4[%parallel_loop3A_383, %parallel_loop3A_384, %parallel_loop3A_385, %parallel_loop3A_386] {strides = array<i32>} : memref<6x8x8x128xf32, #tpu.memory_space<vmem>>, vector<16xf32>,
          %parallel_loop3A_388 = arith.constant 48 : i32
          %parallel_loop3A_389 = vector.broadcast %parallel_loop3A_388 : i32 to vector<16xi32>
          %parallel_loop3A_390 = arith.addi %parallel_loop3A_389, %iota3A : vector<16xi32>
          %parallel_loop3A_391 = arith.constant 1 : i32
          %parallel_loop3A_392 = arith.constant 0 : i32
          %parallel_loop3A_393 = arith.constant 0 : i32
          %parallel_loop3A_394 = tpu.memref_slice %arg5[%parallel_loop3A_391, %parallel_loop3A_392, %parallel_loop3A_393] : memref<6x128x69xf32, #tpu.memory_space<vmem>> -> memref<1x128x69xf32, #tpu.memory_space<vmem>>
          %parallel_loop3A_395 = tpu.memref_squeeze %parallel_loop3A_394 : memref<1x128x69xf32, #tpu.memory_space<vmem>> -> memref<128x69xf32, #tpu.memory_space<vmem>>
          tpu.vector_store_idx %parallel_loop3A_395[%parallel_loop3A_390, %parallel_loop3A_339], %parallel_loop3A_387 : memref<128x69xf32, #tpu.memory_space<vmem>>[vector<16xi32>, vector<16xi32>], vector<16xf32>,
          %parallel_loop3A_396 = arith.constant 1 : i32
          %parallel_loop3A_397 = arith.index_cast %parallel_loop3A_396 : i32 to index
          %parallel_loop3A_398 = arith.index_cast %parallel_loop3A_336 : i32 to index
          %parallel_loop3A_399 = arith.index_cast %parallel_loop3A_338 : i32 to index
          %parallel_loop3A_400 = arith.constant 64 : index
          %parallel_loop3A_401 = tpu.vector_load %arg4[%parallel_loop3A_397, %parallel_loop3A_398, %parallel_loop3A_399, %parallel_loop3A_400] {strides = array<i32>} : memref<6x8x8x128xf32, #tpu.memory_space<vmem>>, vector<16xf32>,
          %parallel_loop3A_402 = arith.constant 64 : i32
          %parallel_loop3A_403 = vector.broadcast %parallel_loop3A_402 : i32 to vector<16xi32>
          %parallel_loop3A_404 = arith.addi %parallel_loop3A_403, %iota3A : vector<16xi32>
          %parallel_loop3A_405 = arith.constant 1 : i32
          %parallel_loop3A_406 = arith.constant 0 : i32
          %parallel_loop3A_407 = arith.constant 0 : i32
          %parallel_loop3A_408 = tpu.memref_slice %arg5[%parallel_loop3A_405, %parallel_loop3A_406, %parallel_loop3A_407] : memref<6x128x69xf32, #tpu.memory_space<vmem>> -> memref<1x128x69xf32, #tpu.memory_space<vmem>>
          %parallel_loop3A_409 = tpu.memref_squeeze %parallel_loop3A_408 : memref<1x128x69xf32, #tpu.memory_space<vmem>> -> memref<128x69xf32, #tpu.memory_space<vmem>>
          tpu.vector_store_idx %parallel_loop3A_409[%parallel_loop3A_404, %parallel_loop3A_339], %parallel_loop3A_401 : memref<128x69xf32, #tpu.memory_space<vmem>>[vector<16xi32>, vector<16xi32>], vector<16xf32>,
          %parallel_loop3A_410 = arith.constant 1 : i32
          %parallel_loop3A_411 = arith.index_cast %parallel_loop3A_410 : i32 to index
          %parallel_loop3A_412 = arith.index_cast %parallel_loop3A_336 : i32 to index
          %parallel_loop3A_413 = arith.index_cast %parallel_loop3A_338 : i32 to index
          %parallel_loop3A_414 = arith.constant 80 : index
          %parallel_loop3A_415 = tpu.vector_load %arg4[%parallel_loop3A_411, %parallel_loop3A_412, %parallel_loop3A_413, %parallel_loop3A_414] {strides = array<i32>} : memref<6x8x8x128xf32, #tpu.memory_space<vmem>>, vector<16xf32>,
          %parallel_loop3A_416 = arith.constant 80 : i32
          %parallel_loop3A_417 = vector.broadcast %parallel_loop3A_416 : i32 to vector<16xi32>
          %parallel_loop3A_418 = arith.addi %parallel_loop3A_417, %iota3A : vector<16xi32>
          %parallel_loop3A_419 = arith.constant 1 : i32
          %parallel_loop3A_420 = arith.constant 0 : i32
          %parallel_loop3A_421 = arith.constant 0 : i32
          %parallel_loop3A_422 = tpu.memref_slice %arg5[%parallel_loop3A_419, %parallel_loop3A_420, %parallel_loop3A_421] : memref<6x128x69xf32, #tpu.memory_space<vmem>> -> memref<1x128x69xf32, #tpu.memory_space<vmem>>
          %parallel_loop3A_423 = tpu.memref_squeeze %parallel_loop3A_422 : memref<1x128x69xf32, #tpu.memory_space<vmem>> -> memref<128x69xf32, #tpu.memory_space<vmem>>
          tpu.vector_store_idx %parallel_loop3A_423[%parallel_loop3A_418, %parallel_loop3A_339], %parallel_loop3A_415 : memref<128x69xf32, #tpu.memory_space<vmem>>[vector<16xi32>, vector<16xi32>], vector<16xf32>,
          %parallel_loop3A_424 = arith.constant 1 : i32
          %parallel_loop3A_425 = arith.index_cast %parallel_loop3A_424 : i32 to index
          %parallel_loop3A_426 = arith.index_cast %parallel_loop3A_336 : i32 to index
          %parallel_loop3A_427 = arith.index_cast %parallel_loop3A_338 : i32 to index
          %parallel_loop3A_428 = arith.constant 96 : index
          %parallel_loop3A_429 = tpu.vector_load %arg4[%parallel_loop3A_425, %parallel_loop3A_426, %parallel_loop3A_427, %parallel_loop3A_428] {strides = array<i32>} : memref<6x8x8x128xf32, #tpu.memory_space<vmem>>, vector<16xf32>,
          %parallel_loop3A_430 = arith.constant 96 : i32
          %parallel_loop3A_431 = vector.broadcast %parallel_loop3A_430 : i32 to vector<16xi32>
          %parallel_loop3A_432 = arith.addi %parallel_loop3A_431, %iota3A : vector<16xi32>
          %parallel_loop3A_433 = arith.constant 1 : i32
          %parallel_loop3A_434 = arith.constant 0 : i32
          %parallel_loop3A_435 = arith.constant 0 : i32
          %parallel_loop3A_436 = tpu.memref_slice %arg5[%parallel_loop3A_433, %parallel_loop3A_434, %parallel_loop3A_435] : memref<6x128x69xf32, #tpu.memory_space<vmem>> -> memref<1x128x69xf32, #tpu.memory_space<vmem>>
          %parallel_loop3A_437 = tpu.memref_squeeze %parallel_loop3A_436 : memref<1x128x69xf32, #tpu.memory_space<vmem>> -> memref<128x69xf32, #tpu.memory_space<vmem>>
          tpu.vector_store_idx %parallel_loop3A_437[%parallel_loop3A_432, %parallel_loop3A_339], %parallel_loop3A_429 : memref<128x69xf32, #tpu.memory_space<vmem>>[vector<16xi32>, vector<16xi32>], vector<16xf32>,
          %parallel_loop3A_438 = arith.constant 1 : i32
          %parallel_loop3A_439 = arith.index_cast %parallel_loop3A_438 : i32 to index
          %parallel_loop3A_440 = arith.index_cast %parallel_loop3A_336 : i32 to index
          %parallel_loop3A_441 = arith.index_cast %parallel_loop3A_338 : i32 to index
          %parallel_loop3A_442 = arith.constant 112 : index
          %parallel_loop3A_443 = tpu.vector_load %arg4[%parallel_loop3A_439, %parallel_loop3A_440, %parallel_loop3A_441, %parallel_loop3A_442] {strides = array<i32>} : memref<6x8x8x128xf32, #tpu.memory_space<vmem>>, vector<16xf32>,
          %parallel_loop3A_444 = arith.constant 112 : i32
          %parallel_loop3A_445 = vector.broadcast %parallel_loop3A_444 : i32 to vector<16xi32>
          %parallel_loop3A_446 = arith.addi %parallel_loop3A_445, %iota3A : vector<16xi32>
          %parallel_loop3A_447 = arith.constant 1 : i32
          %parallel_loop3A_448 = arith.constant 0 : i32
          %parallel_loop3A_449 = arith.constant 0 : i32
          %parallel_loop3A_450 = tpu.memref_slice %arg5[%parallel_loop3A_447, %parallel_loop3A_448, %parallel_loop3A_449] : memref<6x128x69xf32, #tpu.memory_space<vmem>> -> memref<1x128x69xf32, #tpu.memory_space<vmem>>
          %parallel_loop3A_451 = tpu.memref_squeeze %parallel_loop3A_450 : memref<1x128x69xf32, #tpu.memory_space<vmem>> -> memref<128x69xf32, #tpu.memory_space<vmem>>
          tpu.vector_store_idx %parallel_loop3A_451[%parallel_loop3A_446, %parallel_loop3A_339], %parallel_loop3A_443 : memref<128x69xf32, #tpu.memory_space<vmem>>[vector<16xi32>, vector<16xi32>], vector<16xf32>,
        } {sc.loop_unroll_factor = 4 : i64, sc.parallel_access}
        %mul3A_295 = arith.constant 32 : i32
        %mul3A_296 = arith.muli %add3A_160, %mul3A_295 : i32
        %add3A_297 = arith.addi %mul3A_296, %add3A : i32
        %mul3A_298 = arith.constant 128 : i32
        %mul3A_299 = arith.muli %add3A_297, %mul3A_298 : i32
        %dma_start3A = arith.constant 1 : i32
        %dma_start3A_300 = arith.constant 0 : i32
        %dma_start3A_301 = arith.constant 0 : i32
        %dma_start3A_302 = tpu.memref_slice %arg5[%dma_start3A, %dma_start3A_300, %dma_start3A_301] : memref<6x128x69xf32, #tpu.memory_space<vmem>> -> memref<1x128x64xf32, #tpu.memory_space<vmem>>
        %dma_start3A_303 = tpu.memref_squeeze %dma_start3A_302 : memref<1x128x64xf32, #tpu.memory_space<vmem>> -> memref<128x64xf32, #tpu.memory_space<vmem>>
        %dma_start3A_304 = arith.constant 0 : i32
        %dma_start3A_305 = tpu.memref_slice %arg3[%mul3A_299, %dma_start3A_304] : memref<1000064x64xf32, #tpu.memory_space<hbm>> -> memref<128x64xf32, #tpu.memory_space<hbm>>
        %dma_start3A_306 = arith.constant 0 : i32
        %dma_start3A_307 = tpu.memref_slice %arg3[%mul3A_299, %dma_start3A_306] : memref<1000064x64xf32, #tpu.memory_space<hbm>> -> memref<128x64xf32, #tpu.memory_space<hbm>>
        %dma_start3A_308 = arith.constant 0 : i32
        %dma_start3A_309 = arith.constant 0 : i32
        %dma_start3A_310 = tpu.memref_slice %arg5[%dma_start3A, %dma_start3A_308, %dma_start3A_309] : memref<6x128x69xf32, #tpu.memory_space<vmem>> -> memref<1x128x64xf32, #tpu.memory_space<vmem>>
        %dma_start3A_311 = tpu.memref_squeeze %dma_start3A_310 : memref<1x128x64xf32, #tpu.memory_space<vmem>> -> memref<128x64xf32, #tpu.memory_space<vmem>>
        tpu.enqueue_dma source(%dma_start3A_311 : memref<128x64xf32, #tpu.memory_space<vmem>>) target(%dma_start3A_307 : memref<128x64xf32, #tpu.memory_space<hbm>>) target_semaphore(%arg13 : memref<!tpu.dma_semaphore, #tpu.memory_space<semaphore_mem>>)
      } else {
      }
      %add3A_169 = arith.constant 6 : i32
      %add3A_170 = arith.addi %add3A_160, %add3A_169 : i32
      %mul3A_171 = arith.constant 32 : i32
      %mul3A_172 = arith.muli %add3A_170, %mul3A_171 : i32
      %add3A_173 = arith.addi %mul3A_172, %add3A : i32
      %lt3A_174 = arith.constant 7813 : i32
      %lt3A_175 = arith.cmpi slt, %add3A_173, %lt3A_174 : i32
      %convert_element_type3A_176 = arith.extui %lt3A_175 : i1 to i32
      %cond3A_177 = arith.constant 0 : i32
      %cond3A_178 = arith.cmpi ne, %convert_element_type3A_176, %cond3A_177 : i32
      scf.if %cond3A_178 {
        %add3A_267 = arith.constant 6 : i32
        %add3A_268 = arith.addi %add3A_160, %add3A_267 : i32
        %mul3A_269 = arith.constant 32 : i32
        %mul3A_270 = arith.muli %add3A_268, %mul3A_269 : i32
        %add3A_271 = arith.addi %mul3A_270, %add3A : i32
        %dma_start3A = arith.constant 1 : i32
        %dma_start3A_272 = arith.constant 0 : i32
        %dma_start3A_273 = arith.constant 0 : i32
        %dma_start3A_274 = arith.constant 0 : i32
        %dma_start3A_275 = tpu.memref_slice %arg4[%dma_start3A, %dma_start3A_272, %dma_start3A_273, %dma_start3A_274] : memref<6x8x8x128xf32, #tpu.memory_space<vmem>> -> memref<1x8x8x128xf32, #tpu.memory_space<vmem>>
        %dma_start3A_276 = tpu.memref_squeeze %dma_start3A_275 : memref<1x8x8x128xf32, #tpu.memory_space<vmem>> -> memref<8x8x128xf32, #tpu.memory_space<vmem>>
        %dma_start3A_277 = arith.constant 0 : i32
        %dma_start3A_278 = arith.constant 0 : i32
        %dma_start3A_279 = arith.constant 0 : i32
        %dma_start3A_280 = tpu.memref_slice %arg2[%dma_start3A_277, %add3A_271, %dma_start3A_278, %dma_start3A_279] : memref<8x7813x8x128xf32, #tpu.memory_space<hbm>> -> memref<8x1x8x128xf32, #tpu.memory_space<hbm>>
        %dma_start3A_281 = tpu.memref_squeeze %dma_start3A_280 : memref<8x1x8x128xf32, #tpu.memory_space<hbm>> -> memref<8x8x128xf32, #tpu.memory_space<hbm>>
        %dma_start3A_282 = arith.constant 0 : i32
        %dma_start3A_283 = arith.constant 0 : i32
        %dma_start3A_284 = arith.constant 0 : i32
        %dma_start3A_285 = tpu.memref_slice %arg4[%dma_start3A, %dma_start3A_282, %dma_start3A_283, %dma_start3A_284] : memref<6x8x8x128xf32, #tpu.memory_space<vmem>> -> memref<1x8x8x128xf32, #tpu.memory_space<vmem>>
        %dma_start3A_286 = tpu.memref_squeeze %dma_start3A_285 : memref<1x8x8x128xf32, #tpu.memory_space<vmem>> -> memref<8x8x128xf32, #tpu.memory_space<vmem>>
        %dma_start3A_287 = arith.constant 0 : i32
        %dma_start3A_288 = arith.constant 0 : i32
        %dma_start3A_289 = arith.constant 0 : i32
        %dma_start3A_290 = tpu.memref_slice %arg2[%dma_start3A_287, %add3A_271, %dma_start3A_288, %dma_start3A_289] : memref<8x7813x8x128xf32, #tpu.memory_space<hbm>> -> memref<8x1x8x128xf32, #tpu.memory_space<hbm>>
        %dma_start3A_291 = tpu.memref_squeeze %dma_start3A_290 : memref<8x1x8x128xf32, #tpu.memory_space<hbm>> -> memref<8x8x128xf32, #tpu.memory_space<hbm>>
        tpu.enqueue_dma source(%dma_start3A_291 : memref<8x8x128xf32, #tpu.memory_space<hbm>>) target(%dma_start3A_286 : memref<8x8x128xf32, #tpu.memory_space<vmem>>) target_semaphore(%arg7 : memref<!tpu.dma_semaphore, #tpu.memory_space<semaphore_mem>>)
      } else {
      }
      %mul3A_179 = arith.constant 6 : i32
      %mul3A_180 = arith.muli %scan3A_134, %mul3A_179 : i32
      %add3A_181 = arith.constant 2 : i32
      %add3A_182 = arith.addi %mul3A_180, %add3A_181 : i32
      %mul3A_183 = arith.constant 32 : i32
      %mul3A_184 = arith.muli %add3A_182, %mul3A_183 : i32
      %add3A_185 = arith.addi %mul3A_184, %add3A : i32
      %lt3A_186 = arith.constant 7813 : i32
      %lt3A_187 = arith.cmpi slt, %add3A_185, %lt3A_186 : i32
      %convert_element_type3A_188 = arith.extui %lt3A_187 : i1 to i32
      %cond3A_189 = arith.constant 0 : i32
      %cond3A_190 = arith.cmpi ne, %convert_element_type3A_188, %cond3A_189 : i32
      scf.if %cond3A_190 {
        %dma_wait3A_267 = arith.constant 0 : i32
        %dma_wait3A_268 = arith.constant 2 : i32
        %dma_wait3A_269 = arith.constant 0 : i32
        %dma_wait3A_270 = arith.constant 0 : i32
        %dma_wait3A_271 = arith.constant 0 : i32
        %dma_wait3A_272 = tpu.memref_slice %arg4[%dma_wait3A_268, %dma_wait3A_269, %dma_wait3A_270, %dma_wait3A_271] : memref<6x8x8x128xf32, #tpu.memory_space<vmem>> -> memref<1x8x8x128xf32, #tpu.memory_space<vmem>>
        %dma_wait3A_273 = tpu.memref_squeeze %dma_wait3A_272 : memref<1x8x8x128xf32, #tpu.memory_space<vmem>> -> memref<8x8x128xf32, #tpu.memory_space<vmem>>
        %dma_wait3A_274 = arith.constant 0 : i32
        %dma_wait3A_275 = arith.constant 0 : i32
        %dma_wait3A_276 = arith.constant 0 : i32
        %dma_wait3A_277 = tpu.memref_slice %arg2[%dma_wait3A_274, %dma_wait3A_267, %dma_wait3A_275, %dma_wait3A_276] : memref<8x7813x8x128xf32, #tpu.memory_space<hbm>> -> memref<8x1x8x128xf32, #tpu.memory_space<hbm>>
        %dma_wait3A_278 = tpu.memref_squeeze %dma_wait3A_277 : memref<8x1x8x128xf32, #tpu.memory_space<hbm>> -> memref<8x8x128xf32, #tpu.memory_space<hbm>>
        %dma_wait3A_279 = arith.constant 0 : i32
        %dma_wait3A_280 = arith.constant 0 : i32
        %dma_wait3A_281 = arith.constant 0 : i32
        %dma_wait3A_282 = tpu.memref_slice %arg4[%dma_wait3A_268, %dma_wait3A_279, %dma_wait3A_280, %dma_wait3A_281] : memref<6x8x8x128xf32, #tpu.memory_space<vmem>> -> memref<1x8x8x128xf32, #tpu.memory_space<vmem>>
        %dma_wait3A_283 = tpu.memref_squeeze %dma_wait3A_282 : memref<1x8x8x128xf32, #tpu.memory_space<vmem>> -> memref<8x8x128xf32, #tpu.memory_space<vmem>>
        %dma_wait3A_284 = arith.constant 0 : i32
        %dma_wait3A_285 = arith.constant 0 : i32
        %dma_wait3A_286 = arith.constant 0 : i32
        %dma_wait3A_287 = tpu.memref_slice %arg2[%dma_wait3A_284, %dma_wait3A_267, %dma_wait3A_285, %dma_wait3A_286] : memref<8x7813x8x128xf32, #tpu.memory_space<hbm>> -> memref<8x1x8x128xf32, #tpu.memory_space<hbm>>
        %dma_wait3A_288 = tpu.memref_squeeze %dma_wait3A_287 : memref<8x1x8x128xf32, #tpu.memory_space<hbm>> -> memref<8x8x128xf32, #tpu.memory_space<hbm>>
        tpu.wait_dma2 semaphore(%arg8 : memref<!tpu.dma_semaphore, #tpu.memory_space<semaphore_mem>>) src(%dma_wait3A_288 : memref<8x8x128xf32, #tpu.memory_space<hbm>>) dst(%dma_wait3A_283 : memref<8x8x128xf32, #tpu.memory_space<vmem>>)
        %ge3A = arith.constant 6 : i32
        %ge3A_289 = arith.cmpi sge, %add3A_182, %ge3A : i32
        %convert_element_type3A_290 = arith.extui %ge3A_289 : i1 to i32
        %cond3A_291 = arith.constant 0 : i32
        %cond3A_292 = arith.cmpi ne, %convert_element_type3A_290, %cond3A_291 : i32
        scf.if %cond3A_292 {
          %dma_wait3A_312 = arith.constant 2 : i32
          %dma_wait3A_313 = arith.constant 0 : i32
          %dma_wait3A_314 = arith.constant 0 : i32
          %dma_wait3A_315 = tpu.memref_slice %arg5[%dma_wait3A_312, %dma_wait3A_313, %dma_wait3A_314] : memref<6x128x69xf32, #tpu.memory_space<vmem>> -> memref<1x128x64xf32, #tpu.memory_space<vmem>>
          %dma_wait3A_316 = tpu.memref_squeeze %dma_wait3A_315 : memref<1x128x64xf32, #tpu.memory_space<vmem>> -> memref<128x64xf32, #tpu.memory_space<vmem>>
          %dma_wait3A_317 = arith.constant 0 : i32
          %dma_wait3A_318 = arith.constant 0 : i32
          %dma_wait3A_319 = tpu.memref_slice %arg3[%dma_wait3A_317, %dma_wait3A_318] : memref<1000064x64xf32, #tpu.memory_space<hbm>> -> memref<128x64xf32, #tpu.memory_space<hbm>>
          %dma_wait3A_320 = arith.constant 0 : i32
          %dma_wait3A_321 = arith.constant 0 : i32
          %dma_wait3A_322 = tpu.memref_slice %arg3[%dma_wait3A_320, %dma_wait3A_321] : memref<1000064x64xf32, #tpu.memory_space<hbm>> -> memref<128x64xf32, #tpu.memory_space<hbm>>
          %dma_wait3A_323 = arith.constant 0 : i32
          %dma_wait3A_324 = arith.constant 0 : i32
          %dma_wait3A_325 = tpu.memref_slice %arg5[%dma_wait3A_312, %dma_wait3A_323, %dma_wait3A_324] : memref<6x128x69xf32, #tpu.memory_space<vmem>> -> memref<1x128x64xf32, #tpu.memory_space<vmem>>
          %dma_wait3A_326 = tpu.memref_squeeze %dma_wait3A_325 : memref<1x128x64xf32, #tpu.memory_space<vmem>> -> memref<128x64xf32, #tpu.memory_space<vmem>>
          tpu.wait_dma2 semaphore(%arg14 : memref<!tpu.dma_semaphore, #tpu.memory_space<semaphore_mem>>) src(%dma_wait3A_326 : memref<128x64xf32, #tpu.memory_space<vmem>>) dst(%dma_wait3A_322 : memref<128x64xf32, #tpu.memory_space<hbm>>)
        } else {
        }
        %parallel_loop3A = arith.constant 0 : i32
        %parallel_loop3A_293 = arith.constant 64 : i32
        %parallel_loop3A_294 = arith.constant 1 : i32
        scf.for %parallel_loop3A_312 = %parallel_loop3A to %parallel_loop3A_293 step %parallel_loop3A_294  : i32 {
          %parallel_loop3A_313 = arith.constant 8 : i32
          %parallel_loop3A_314 = arith.divsi %parallel_loop3A_312, %parallel_loop3A_313 : i32
          %parallel_loop3A_315 = arith.constant 0 : i32
          %parallel_loop3A_316 = arith.cmpi sgt, %parallel_loop3A_312, %parallel_loop3A_315 : i32
          %parallel_loop3A_317 = arith.extui %parallel_loop3A_316 : i1 to i32
          %parallel_loop3A_318 = arith.constant 0 : i32
          %parallel_loop3A_319 = arith.cmpi slt, %parallel_loop3A_312, %parallel_loop3A_318 : i32
          %parallel_loop3A_320 = arith.extui %parallel_loop3A_319 : i1 to i32
          %parallel_loop3A_321 = arith.subi %parallel_loop3A_317, %parallel_loop3A_320 : i32
          %parallel_loop3A_322 = arith.constant 0 : i32
          %parallel_loop3A_323 = arith.cmpi sgt, %parallel_loop3A_313, %parallel_loop3A_322 : i32
          %parallel_loop3A_324 = arith.extui %parallel_loop3A_323 : i1 to i32
          %parallel_loop3A_325 = arith.constant 0 : i32
          %parallel_loop3A_326 = arith.cmpi slt, %parallel_loop3A_313, %parallel_loop3A_325 : i32
          %parallel_loop3A_327 = arith.extui %parallel_loop3A_326 : i1 to i32
          %parallel_loop3A_328 = arith.subi %parallel_loop3A_324, %parallel_loop3A_327 : i32
          %parallel_loop3A_329 = arith.cmpi ne, %parallel_loop3A_321, %parallel_loop3A_328 : i32
          %parallel_loop3A_330 = arith.remsi %parallel_loop3A_312, %parallel_loop3A_313 : i32
          %parallel_loop3A_331 = arith.constant 0 : i32
          %parallel_loop3A_332 = arith.cmpi ne, %parallel_loop3A_330, %parallel_loop3A_331 : i32
          %parallel_loop3A_333 = arith.andi %parallel_loop3A_329, %parallel_loop3A_332 : i1
          %parallel_loop3A_334 = arith.constant 1 : i32
          %parallel_loop3A_335 = arith.subi %parallel_loop3A_314, %parallel_loop3A_334 : i32
          %parallel_loop3A_336 = arith.select %parallel_loop3A_333, %parallel_loop3A_335, %parallel_loop3A_314 : i32
          %parallel_loop3A_337 = arith.constant 8 : i32
          %parallel_loop3A_338 = arith.remsi %parallel_loop3A_312, %parallel_loop3A_337 : i32
          %parallel_loop3A_339 = vector.broadcast %parallel_loop3A_312 : i32 to vector<16xi32>
          %parallel_loop3A_340 = arith.constant 2 : i32
          %parallel_loop3A_341 = arith.index_cast %parallel_loop3A_340 : i32 to index
          %parallel_loop3A_342 = arith.index_cast %parallel_loop3A_336 : i32 to index
          %parallel_loop3A_343 = arith.index_cast %parallel_loop3A_338 : i32 to index
          %parallel_loop3A_344 = arith.constant 0 : index
          %parallel_loop3A_345 = tpu.vector_load %arg4[%parallel_loop3A_341, %parallel_loop3A_342, %parallel_loop3A_343, %parallel_loop3A_344] {strides = array<i32>} : memref<6x8x8x128xf32, #tpu.memory_space<vmem>>, vector<16xf32>,
          %parallel_loop3A_346 = arith.constant 0 : i32
          %parallel_loop3A_347 = vector.broadcast %parallel_loop3A_346 : i32 to vector<16xi32>
          %parallel_loop3A_348 = arith.addi %parallel_loop3A_347, %iota3A : vector<16xi32>
          %parallel_loop3A_349 = arith.constant 2 : i32
          %parallel_loop3A_350 = arith.constant 0 : i32
          %parallel_loop3A_351 = arith.constant 0 : i32
          %parallel_loop3A_352 = tpu.memref_slice %arg5[%parallel_loop3A_349, %parallel_loop3A_350, %parallel_loop3A_351] : memref<6x128x69xf32, #tpu.memory_space<vmem>> -> memref<1x128x69xf32, #tpu.memory_space<vmem>>
          %parallel_loop3A_353 = tpu.memref_squeeze %parallel_loop3A_352 : memref<1x128x69xf32, #tpu.memory_space<vmem>> -> memref<128x69xf32, #tpu.memory_space<vmem>>
          tpu.vector_store_idx %parallel_loop3A_353[%parallel_loop3A_348, %parallel_loop3A_339], %parallel_loop3A_345 : memref<128x69xf32, #tpu.memory_space<vmem>>[vector<16xi32>, vector<16xi32>], vector<16xf32>,
          %parallel_loop3A_354 = arith.constant 2 : i32
          %parallel_loop3A_355 = arith.index_cast %parallel_loop3A_354 : i32 to index
          %parallel_loop3A_356 = arith.index_cast %parallel_loop3A_336 : i32 to index
          %parallel_loop3A_357 = arith.index_cast %parallel_loop3A_338 : i32 to index
          %parallel_loop3A_358 = arith.constant 16 : index
          %parallel_loop3A_359 = tpu.vector_load %arg4[%parallel_loop3A_355, %parallel_loop3A_356, %parallel_loop3A_357, %parallel_loop3A_358] {strides = array<i32>} : memref<6x8x8x128xf32, #tpu.memory_space<vmem>>, vector<16xf32>,
          %parallel_loop3A_360 = arith.constant 16 : i32
          %parallel_loop3A_361 = vector.broadcast %parallel_loop3A_360 : i32 to vector<16xi32>
          %parallel_loop3A_362 = arith.addi %parallel_loop3A_361, %iota3A : vector<16xi32>
          %parallel_loop3A_363 = arith.constant 2 : i32
          %parallel_loop3A_364 = arith.constant 0 : i32
          %parallel_loop3A_365 = arith.constant 0 : i32
          %parallel_loop3A_366 = tpu.memref_slice %arg5[%parallel_loop3A_363, %parallel_loop3A_364, %parallel_loop3A_365] : memref<6x128x69xf32, #tpu.memory_space<vmem>> -> memref<1x128x69xf32, #tpu.memory_space<vmem>>
          %parallel_loop3A_367 = tpu.memref_squeeze %parallel_loop3A_366 : memref<1x128x69xf32, #tpu.memory_space<vmem>> -> memref<128x69xf32, #tpu.memory_space<vmem>>
          tpu.vector_store_idx %parallel_loop3A_367[%parallel_loop3A_362, %parallel_loop3A_339], %parallel_loop3A_359 : memref<128x69xf32, #tpu.memory_space<vmem>>[vector<16xi32>, vector<16xi32>], vector<16xf32>,
          %parallel_loop3A_368 = arith.constant 2 : i32
          %parallel_loop3A_369 = arith.index_cast %parallel_loop3A_368 : i32 to index
          %parallel_loop3A_370 = arith.index_cast %parallel_loop3A_336 : i32 to index
          %parallel_loop3A_371 = arith.index_cast %parallel_loop3A_338 : i32 to index
          %parallel_loop3A_372 = arith.constant 32 : index
          %parallel_loop3A_373 = tpu.vector_load %arg4[%parallel_loop3A_369, %parallel_loop3A_370, %parallel_loop3A_371, %parallel_loop3A_372] {strides = array<i32>} : memref<6x8x8x128xf32, #tpu.memory_space<vmem>>, vector<16xf32>,
          %parallel_loop3A_374 = arith.constant 32 : i32
          %parallel_loop3A_375 = vector.broadcast %parallel_loop3A_374 : i32 to vector<16xi32>
          %parallel_loop3A_376 = arith.addi %parallel_loop3A_375, %iota3A : vector<16xi32>
          %parallel_loop3A_377 = arith.constant 2 : i32
          %parallel_loop3A_378 = arith.constant 0 : i32
          %parallel_loop3A_379 = arith.constant 0 : i32
          %parallel_loop3A_380 = tpu.memref_slice %arg5[%parallel_loop3A_377, %parallel_loop3A_378, %parallel_loop3A_379] : memref<6x128x69xf32, #tpu.memory_space<vmem>> -> memref<1x128x69xf32, #tpu.memory_space<vmem>>
          %parallel_loop3A_381 = tpu.memref_squeeze %parallel_loop3A_380 : memref<1x128x69xf32, #tpu.memory_space<vmem>> -> memref<128x69xf32, #tpu.memory_space<vmem>>
          tpu.vector_store_idx %parallel_loop3A_381[%parallel_loop3A_376, %parallel_loop3A_339], %parallel_loop3A_373 : memref<128x69xf32, #tpu.memory_space<vmem>>[vector<16xi32>, vector<16xi32>], vector<16xf32>,
          %parallel_loop3A_382 = arith.constant 2 : i32
          %parallel_loop3A_383 = arith.index_cast %parallel_loop3A_382 : i32 to index
          %parallel_loop3A_384 = arith.index_cast %parallel_loop3A_336 : i32 to index
          %parallel_loop3A_385 = arith.index_cast %parallel_loop3A_338 : i32 to index
          %parallel_loop3A_386 = arith.constant 48 : index
          %parallel_loop3A_387 = tpu.vector_load %arg4[%parallel_loop3A_383, %parallel_loop3A_384, %parallel_loop3A_385, %parallel_loop3A_386] {strides = array<i32>} : memref<6x8x8x128xf32, #tpu.memory_space<vmem>>, vector<16xf32>,
          %parallel_loop3A_388 = arith.constant 48 : i32
          %parallel_loop3A_389 = vector.broadcast %parallel_loop3A_388 : i32 to vector<16xi32>
          %parallel_loop3A_390 = arith.addi %parallel_loop3A_389, %iota3A : vector<16xi32>
          %parallel_loop3A_391 = arith.constant 2 : i32
          %parallel_loop3A_392 = arith.constant 0 : i32
          %parallel_loop3A_393 = arith.constant 0 : i32
          %parallel_loop3A_394 = tpu.memref_slice %arg5[%parallel_loop3A_391, %parallel_loop3A_392, %parallel_loop3A_393] : memref<6x128x69xf32, #tpu.memory_space<vmem>> -> memref<1x128x69xf32, #tpu.memory_space<vmem>>
          %parallel_loop3A_395 = tpu.memref_squeeze %parallel_loop3A_394 : memref<1x128x69xf32, #tpu.memory_space<vmem>> -> memref<128x69xf32, #tpu.memory_space<vmem>>
          tpu.vector_store_idx %parallel_loop3A_395[%parallel_loop3A_390, %parallel_loop3A_339], %parallel_loop3A_387 : memref<128x69xf32, #tpu.memory_space<vmem>>[vector<16xi32>, vector<16xi32>], vector<16xf32>,
          %parallel_loop3A_396 = arith.constant 2 : i32
          %parallel_loop3A_397 = arith.index_cast %parallel_loop3A_396 : i32 to index
          %parallel_loop3A_398 = arith.index_cast %parallel_loop3A_336 : i32 to index
          %parallel_loop3A_399 = arith.index_cast %parallel_loop3A_338 : i32 to index
          %parallel_loop3A_400 = arith.constant 64 : index
          %parallel_loop3A_401 = tpu.vector_load %arg4[%parallel_loop3A_397, %parallel_loop3A_398, %parallel_loop3A_399, %parallel_loop3A_400] {strides = array<i32>} : memref<6x8x8x128xf32, #tpu.memory_space<vmem>>, vector<16xf32>,
          %parallel_loop3A_402 = arith.constant 64 : i32
          %parallel_loop3A_403 = vector.broadcast %parallel_loop3A_402 : i32 to vector<16xi32>
          %parallel_loop3A_404 = arith.addi %parallel_loop3A_403, %iota3A : vector<16xi32>
          %parallel_loop3A_405 = arith.constant 2 : i32
          %parallel_loop3A_406 = arith.constant 0 : i32
          %parallel_loop3A_407 = arith.constant 0 : i32
          %parallel_loop3A_408 = tpu.memref_slice %arg5[%parallel_loop3A_405, %parallel_loop3A_406, %parallel_loop3A_407] : memref<6x128x69xf32, #tpu.memory_space<vmem>> -> memref<1x128x69xf32, #tpu.memory_space<vmem>>
          %parallel_loop3A_409 = tpu.memref_squeeze %parallel_loop3A_408 : memref<1x128x69xf32, #tpu.memory_space<vmem>> -> memref<128x69xf32, #tpu.memory_space<vmem>>
          tpu.vector_store_idx %parallel_loop3A_409[%parallel_loop3A_404, %parallel_loop3A_339], %parallel_loop3A_401 : memref<128x69xf32, #tpu.memory_space<vmem>>[vector<16xi32>, vector<16xi32>], vector<16xf32>,
          %parallel_loop3A_410 = arith.constant 2 : i32
          %parallel_loop3A_411 = arith.index_cast %parallel_loop3A_410 : i32 to index
          %parallel_loop3A_412 = arith.index_cast %parallel_loop3A_336 : i32 to index
          %parallel_loop3A_413 = arith.index_cast %parallel_loop3A_338 : i32 to index
          %parallel_loop3A_414 = arith.constant 80 : index
          %parallel_loop3A_415 = tpu.vector_load %arg4[%parallel_loop3A_411, %parallel_loop3A_412, %parallel_loop3A_413, %parallel_loop3A_414] {strides = array<i32>} : memref<6x8x8x128xf32, #tpu.memory_space<vmem>>, vector<16xf32>,
          %parallel_loop3A_416 = arith.constant 80 : i32
          %parallel_loop3A_417 = vector.broadcast %parallel_loop3A_416 : i32 to vector<16xi32>
          %parallel_loop3A_418 = arith.addi %parallel_loop3A_417, %iota3A : vector<16xi32>
          %parallel_loop3A_419 = arith.constant 2 : i32
          %parallel_loop3A_420 = arith.constant 0 : i32
          %parallel_loop3A_421 = arith.constant 0 : i32
          %parallel_loop3A_422 = tpu.memref_slice %arg5[%parallel_loop3A_419, %parallel_loop3A_420, %parallel_loop3A_421] : memref<6x128x69xf32, #tpu.memory_space<vmem>> -> memref<1x128x69xf32, #tpu.memory_space<vmem>>
          %parallel_loop3A_423 = tpu.memref_squeeze %parallel_loop3A_422 : memref<1x128x69xf32, #tpu.memory_space<vmem>> -> memref<128x69xf32, #tpu.memory_space<vmem>>
          tpu.vector_store_idx %parallel_loop3A_423[%parallel_loop3A_418, %parallel_loop3A_339], %parallel_loop3A_415 : memref<128x69xf32, #tpu.memory_space<vmem>>[vector<16xi32>, vector<16xi32>], vector<16xf32>,
          %parallel_loop3A_424 = arith.constant 2 : i32
          %parallel_loop3A_425 = arith.index_cast %parallel_loop3A_424 : i32 to index
          %parallel_loop3A_426 = arith.index_cast %parallel_loop3A_336 : i32 to index
          %parallel_loop3A_427 = arith.index_cast %parallel_loop3A_338 : i32 to index
          %parallel_loop3A_428 = arith.constant 96 : index
          %parallel_loop3A_429 = tpu.vector_load %arg4[%parallel_loop3A_425, %parallel_loop3A_426, %parallel_loop3A_427, %parallel_loop3A_428] {strides = array<i32>} : memref<6x8x8x128xf32, #tpu.memory_space<vmem>>, vector<16xf32>,
          %parallel_loop3A_430 = arith.constant 96 : i32
          %parallel_loop3A_431 = vector.broadcast %parallel_loop3A_430 : i32 to vector<16xi32>
          %parallel_loop3A_432 = arith.addi %parallel_loop3A_431, %iota3A : vector<16xi32>
          %parallel_loop3A_433 = arith.constant 2 : i32
          %parallel_loop3A_434 = arith.constant 0 : i32
          %parallel_loop3A_435 = arith.constant 0 : i32
          %parallel_loop3A_436 = tpu.memref_slice %arg5[%parallel_loop3A_433, %parallel_loop3A_434, %parallel_loop3A_435] : memref<6x128x69xf32, #tpu.memory_space<vmem>> -> memref<1x128x69xf32, #tpu.memory_space<vmem>>
          %parallel_loop3A_437 = tpu.memref_squeeze %parallel_loop3A_436 : memref<1x128x69xf32, #tpu.memory_space<vmem>> -> memref<128x69xf32, #tpu.memory_space<vmem>>
          tpu.vector_store_idx %parallel_loop3A_437[%parallel_loop3A_432, %parallel_loop3A_339], %parallel_loop3A_429 : memref<128x69xf32, #tpu.memory_space<vmem>>[vector<16xi32>, vector<16xi32>], vector<16xf32>,
          %parallel_loop3A_438 = arith.constant 2 : i32
          %parallel_loop3A_439 = arith.index_cast %parallel_loop3A_438 : i32 to index
          %parallel_loop3A_440 = arith.index_cast %parallel_loop3A_336 : i32 to index
          %parallel_loop3A_441 = arith.index_cast %parallel_loop3A_338 : i32 to index
          %parallel_loop3A_442 = arith.constant 112 : index
          %parallel_loop3A_443 = tpu.vector_load %arg4[%parallel_loop3A_439, %parallel_loop3A_440, %parallel_loop3A_441, %parallel_loop3A_442] {strides = array<i32>} : memref<6x8x8x128xf32, #tpu.memory_space<vmem>>, vector<16xf32>,
          %parallel_loop3A_444 = arith.constant 112 : i32
          %parallel_loop3A_445 = vector.broadcast %parallel_loop3A_444 : i32 to vector<16xi32>
          %parallel_loop3A_446 = arith.addi %parallel_loop3A_445, %iota3A : vector<16xi32>
          %parallel_loop3A_447 = arith.constant 2 : i32
          %parallel_loop3A_448 = arith.constant 0 : i32
          %parallel_loop3A_449 = arith.constant 0 : i32
          %parallel_loop3A_450 = tpu.memref_slice %arg5[%parallel_loop3A_447, %parallel_loop3A_448, %parallel_loop3A_449] : memref<6x128x69xf32, #tpu.memory_space<vmem>> -> memref<1x128x69xf32, #tpu.memory_space<vmem>>
          %parallel_loop3A_451 = tpu.memref_squeeze %parallel_loop3A_450 : memref<1x128x69xf32, #tpu.memory_space<vmem>> -> memref<128x69xf32, #tpu.memory_space<vmem>>
          tpu.vector_store_idx %parallel_loop3A_451[%parallel_loop3A_446, %parallel_loop3A_339], %parallel_loop3A_443 : memref<128x69xf32, #tpu.memory_space<vmem>>[vector<16xi32>, vector<16xi32>], vector<16xf32>,
        } {sc.loop_unroll_factor = 4 : i64, sc.parallel_access}
        %mul3A_295 = arith.constant 32 : i32
        %mul3A_296 = arith.muli %add3A_182, %mul3A_295 : i32
        %add3A_297 = arith.addi %mul3A_296, %add3A : i32
        %mul3A_298 = arith.constant 128 : i32
        %mul3A_299 = arith.muli %add3A_297, %mul3A_298 : i32
        %dma_start3A = arith.constant 2 : i32
        %dma_start3A_300 = arith.constant 0 : i32
        %dma_start3A_301 = arith.constant 0 : i32
        %dma_start3A_302 = tpu.memref_slice %arg5[%dma_start3A, %dma_start3A_300, %dma_start3A_301] : memref<6x128x69xf32, #tpu.memory_space<vmem>> -> memref<1x128x64xf32, #tpu.memory_space<vmem>>
        %dma_start3A_303 = tpu.memref_squeeze %dma_start3A_302 : memref<1x128x64xf32, #tpu.memory_space<vmem>> -> memref<128x64xf32, #tpu.memory_space<vmem>>
        %dma_start3A_304 = arith.constant 0 : i32
        %dma_start3A_305 = tpu.memref_slice %arg3[%mul3A_299, %dma_start3A_304] : memref<1000064x64xf32, #tpu.memory_space<hbm>> -> memref<128x64xf32, #tpu.memory_space<hbm>>
        %dma_start3A_306 = arith.constant 0 : i32
        %dma_start3A_307 = tpu.memref_slice %arg3[%mul3A_299, %dma_start3A_306] : memref<1000064x64xf32, #tpu.memory_space<hbm>> -> memref<128x64xf32, #tpu.memory_space<hbm>>
        %dma_start3A_308 = arith.constant 0 : i32
        %dma_start3A_309 = arith.constant 0 : i32
        %dma_start3A_310 = tpu.memref_slice %arg5[%dma_start3A, %dma_start3A_308, %dma_start3A_309] : memref<6x128x69xf32, #tpu.memory_space<vmem>> -> memref<1x128x64xf32, #tpu.memory_space<vmem>>
        %dma_start3A_311 = tpu.memref_squeeze %dma_start3A_310 : memref<1x128x64xf32, #tpu.memory_space<vmem>> -> memref<128x64xf32, #tpu.memory_space<vmem>>
        tpu.enqueue_dma source(%dma_start3A_311 : memref<128x64xf32, #tpu.memory_space<vmem>>) target(%dma_start3A_307 : memref<128x64xf32, #tpu.memory_space<hbm>>) target_semaphore(%arg14 : memref<!tpu.dma_semaphore, #tpu.memory_space<semaphore_mem>>)
      } else {
      }
      %add3A_191 = arith.constant 6 : i32
      %add3A_192 = arith.addi %add3A_182, %add3A_191 : i32
      %mul3A_193 = arith.constant 32 : i32
      %mul3A_194 = arith.muli %add3A_192, %mul3A_193 : i32
      %add3A_195 = arith.addi %mul3A_194, %add3A : i32
      %lt3A_196 = arith.constant 7813 : i32
      %lt3A_197 = arith.cmpi slt, %add3A_195, %lt3A_196 : i32
      %convert_element_type3A_198 = arith.extui %lt3A_197 : i1 to i32
      %cond3A_199 = arith.constant 0 : i32
      %cond3A_200 = arith.cmpi ne, %convert_element_type3A_198, %cond3A_199 : i32
      scf.if %cond3A_200 {
        %add3A_267 = arith.constant 6 : i32
        %add3A_268 = arith.addi %add3A_182, %add3A_267 : i32
        %mul3A_269 = arith.constant 32 : i32
        %mul3A_270 = arith.muli %add3A_268, %mul3A_269 : i32
        %add3A_271 = arith.addi %mul3A_270, %add3A : i32
        %dma_start3A = arith.constant 2 : i32
        %dma_start3A_272 = arith.constant 0 : i32
        %dma_start3A_273 = arith.constant 0 : i32
        %dma_start3A_274 = arith.constant 0 : i32
        %dma_start3A_275 = tpu.memref_slice %arg4[%dma_start3A, %dma_start3A_272, %dma_start3A_273, %dma_start3A_274] : memref<6x8x8x128xf32, #tpu.memory_space<vmem>> -> memref<1x8x8x128xf32, #tpu.memory_space<vmem>>
        %dma_start3A_276 = tpu.memref_squeeze %dma_start3A_275 : memref<1x8x8x128xf32, #tpu.memory_space<vmem>> -> memref<8x8x128xf32, #tpu.memory_space<vmem>>
        %dma_start3A_277 = arith.constant 0 : i32
        %dma_start3A_278 = arith.constant 0 : i32
        %dma_start3A_279 = arith.constant 0 : i32
        %dma_start3A_280 = tpu.memref_slice %arg2[%dma_start3A_277, %add3A_271, %dma_start3A_278, %dma_start3A_279] : memref<8x7813x8x128xf32, #tpu.memory_space<hbm>> -> memref<8x1x8x128xf32, #tpu.memory_space<hbm>>
        %dma_start3A_281 = tpu.memref_squeeze %dma_start3A_280 : memref<8x1x8x128xf32, #tpu.memory_space<hbm>> -> memref<8x8x128xf32, #tpu.memory_space<hbm>>
        %dma_start3A_282 = arith.constant 0 : i32
        %dma_start3A_283 = arith.constant 0 : i32
        %dma_start3A_284 = arith.constant 0 : i32
        %dma_start3A_285 = tpu.memref_slice %arg4[%dma_start3A, %dma_start3A_282, %dma_start3A_283, %dma_start3A_284] : memref<6x8x8x128xf32, #tpu.memory_space<vmem>> -> memref<1x8x8x128xf32, #tpu.memory_space<vmem>>
        %dma_start3A_286 = tpu.memref_squeeze %dma_start3A_285 : memref<1x8x8x128xf32, #tpu.memory_space<vmem>> -> memref<8x8x128xf32, #tpu.memory_space<vmem>>
        %dma_start3A_287 = arith.constant 0 : i32
        %dma_start3A_288 = arith.constant 0 : i32
        %dma_start3A_289 = arith.constant 0 : i32
        %dma_start3A_290 = tpu.memref_slice %arg2[%dma_start3A_287, %add3A_271, %dma_start3A_288, %dma_start3A_289] : memref<8x7813x8x128xf32, #tpu.memory_space<hbm>> -> memref<8x1x8x128xf32, #tpu.memory_space<hbm>>
        %dma_start3A_291 = tpu.memref_squeeze %dma_start3A_290 : memref<8x1x8x128xf32, #tpu.memory_space<hbm>> -> memref<8x8x128xf32, #tpu.memory_space<hbm>>
        tpu.enqueue_dma source(%dma_start3A_291 : memref<8x8x128xf32, #tpu.memory_space<hbm>>) target(%dma_start3A_286 : memref<8x8x128xf32, #tpu.memory_space<vmem>>) target_semaphore(%arg8 : memref<!tpu.dma_semaphore, #tpu.memory_space<semaphore_mem>>)
      } else {
      }
      %mul3A_201 = arith.constant 6 : i32
      %mul3A_202 = arith.muli %scan3A_134, %mul3A_201 : i32
      %add3A_203 = arith.constant 3 : i32
      %add3A_204 = arith.addi %mul3A_202, %add3A_203 : i32
      %mul3A_205 = arith.constant 32 : i32
      %mul3A_206 = arith.muli %add3A_204, %mul3A_205 : i32
      %add3A_207 = arith.addi %mul3A_206, %add3A : i32
      %lt3A_208 = arith.constant 7813 : i32
      %lt3A_209 = arith.cmpi slt, %add3A_207, %lt3A_208 : i32
      %convert_element_type3A_210 = arith.extui %lt3A_209 : i1 to i32
      %cond3A_211 = arith.constant 0 : i32
      %cond3A_212 = arith.cmpi ne, %convert_element_type3A_210, %cond3A_211 : i32
      scf.if %cond3A_212 {
        %dma_wait3A_267 = arith.constant 0 : i32
        %dma_wait3A_268 = arith.constant 3 : i32
        %dma_wait3A_269 = arith.constant 0 : i32
        %dma_wait3A_270 = arith.constant 0 : i32
        %dma_wait3A_271 = arith.constant 0 : i32
        %dma_wait3A_272 = tpu.memref_slice %arg4[%dma_wait3A_268, %dma_wait3A_269, %dma_wait3A_270, %dma_wait3A_271] : memref<6x8x8x128xf32, #tpu.memory_space<vmem>> -> memref<1x8x8x128xf32, #tpu.memory_space<vmem>>
        %dma_wait3A_273 = tpu.memref_squeeze %dma_wait3A_272 : memref<1x8x8x128xf32, #tpu.memory_space<vmem>> -> memref<8x8x128xf32, #tpu.memory_space<vmem>>
        %dma_wait3A_274 = arith.constant 0 : i32
        %dma_wait3A_275 = arith.constant 0 : i32
        %dma_wait3A_276 = arith.constant 0 : i32
        %dma_wait3A_277 = tpu.memref_slice %arg2[%dma_wait3A_274, %dma_wait3A_267, %dma_wait3A_275, %dma_wait3A_276] : memref<8x7813x8x128xf32, #tpu.memory_space<hbm>> -> memref<8x1x8x128xf32, #tpu.memory_space<hbm>>
        %dma_wait3A_278 = tpu.memref_squeeze %dma_wait3A_277 : memref<8x1x8x128xf32, #tpu.memory_space<hbm>> -> memref<8x8x128xf32, #tpu.memory_space<hbm>>
        %dma_wait3A_279 = arith.constant 0 : i32
        %dma_wait3A_280 = arith.constant 0 : i32
        %dma_wait3A_281 = arith.constant 0 : i32
        %dma_wait3A_282 = tpu.memref_slice %arg4[%dma_wait3A_268, %dma_wait3A_279, %dma_wait3A_280, %dma_wait3A_281] : memref<6x8x8x128xf32, #tpu.memory_space<vmem>> -> memref<1x8x8x128xf32, #tpu.memory_space<vmem>>
        %dma_wait3A_283 = tpu.memref_squeeze %dma_wait3A_282 : memref<1x8x8x128xf32, #tpu.memory_space<vmem>> -> memref<8x8x128xf32, #tpu.memory_space<vmem>>
        %dma_wait3A_284 = arith.constant 0 : i32
        %dma_wait3A_285 = arith.constant 0 : i32
        %dma_wait3A_286 = arith.constant 0 : i32
        %dma_wait3A_287 = tpu.memref_slice %arg2[%dma_wait3A_284, %dma_wait3A_267, %dma_wait3A_285, %dma_wait3A_286] : memref<8x7813x8x128xf32, #tpu.memory_space<hbm>> -> memref<8x1x8x128xf32, #tpu.memory_space<hbm>>
        %dma_wait3A_288 = tpu.memref_squeeze %dma_wait3A_287 : memref<8x1x8x128xf32, #tpu.memory_space<hbm>> -> memref<8x8x128xf32, #tpu.memory_space<hbm>>
        tpu.wait_dma2 semaphore(%arg9 : memref<!tpu.dma_semaphore, #tpu.memory_space<semaphore_mem>>) src(%dma_wait3A_288 : memref<8x8x128xf32, #tpu.memory_space<hbm>>) dst(%dma_wait3A_283 : memref<8x8x128xf32, #tpu.memory_space<vmem>>)
        %ge3A = arith.constant 6 : i32
        %ge3A_289 = arith.cmpi sge, %add3A_204, %ge3A : i32
        %convert_element_type3A_290 = arith.extui %ge3A_289 : i1 to i32
        %cond3A_291 = arith.constant 0 : i32
        %cond3A_292 = arith.cmpi ne, %convert_element_type3A_290, %cond3A_291 : i32
        scf.if %cond3A_292 {
          %dma_wait3A_312 = arith.constant 3 : i32
          %dma_wait3A_313 = arith.constant 0 : i32
          %dma_wait3A_314 = arith.constant 0 : i32
          %dma_wait3A_315 = tpu.memref_slice %arg5[%dma_wait3A_312, %dma_wait3A_313, %dma_wait3A_314] : memref<6x128x69xf32, #tpu.memory_space<vmem>> -> memref<1x128x64xf32, #tpu.memory_space<vmem>>
          %dma_wait3A_316 = tpu.memref_squeeze %dma_wait3A_315 : memref<1x128x64xf32, #tpu.memory_space<vmem>> -> memref<128x64xf32, #tpu.memory_space<vmem>>
          %dma_wait3A_317 = arith.constant 0 : i32
          %dma_wait3A_318 = arith.constant 0 : i32
          %dma_wait3A_319 = tpu.memref_slice %arg3[%dma_wait3A_317, %dma_wait3A_318] : memref<1000064x64xf32, #tpu.memory_space<hbm>> -> memref<128x64xf32, #tpu.memory_space<hbm>>
          %dma_wait3A_320 = arith.constant 0 : i32
          %dma_wait3A_321 = arith.constant 0 : i32
          %dma_wait3A_322 = tpu.memref_slice %arg3[%dma_wait3A_320, %dma_wait3A_321] : memref<1000064x64xf32, #tpu.memory_space<hbm>> -> memref<128x64xf32, #tpu.memory_space<hbm>>
          %dma_wait3A_323 = arith.constant 0 : i32
          %dma_wait3A_324 = arith.constant 0 : i32
          %dma_wait3A_325 = tpu.memref_slice %arg5[%dma_wait3A_312, %dma_wait3A_323, %dma_wait3A_324] : memref<6x128x69xf32, #tpu.memory_space<vmem>> -> memref<1x128x64xf32, #tpu.memory_space<vmem>>
          %dma_wait3A_326 = tpu.memref_squeeze %dma_wait3A_325 : memref<1x128x64xf32, #tpu.memory_space<vmem>> -> memref<128x64xf32, #tpu.memory_space<vmem>>
          tpu.wait_dma2 semaphore(%arg15 : memref<!tpu.dma_semaphore, #tpu.memory_space<semaphore_mem>>) src(%dma_wait3A_326 : memref<128x64xf32, #tpu.memory_space<vmem>>) dst(%dma_wait3A_322 : memref<128x64xf32, #tpu.memory_space<hbm>>)
        } else {
        }
        %parallel_loop3A = arith.constant 0 : i32
        %parallel_loop3A_293 = arith.constant 64 : i32
        %parallel_loop3A_294 = arith.constant 1 : i32
        scf.for %parallel_loop3A_312 = %parallel_loop3A to %parallel_loop3A_293 step %parallel_loop3A_294  : i32 {
          %parallel_loop3A_313 = arith.constant 8 : i32
          %parallel_loop3A_314 = arith.divsi %parallel_loop3A_312, %parallel_loop3A_313 : i32
          %parallel_loop3A_315 = arith.constant 0 : i32
          %parallel_loop3A_316 = arith.cmpi sgt, %parallel_loop3A_312, %parallel_loop3A_315 : i32
          %parallel_loop3A_317 = arith.extui %parallel_loop3A_316 : i1 to i32
          %parallel_loop3A_318 = arith.constant 0 : i32
          %parallel_loop3A_319 = arith.cmpi slt, %parallel_loop3A_312, %parallel_loop3A_318 : i32
          %parallel_loop3A_320 = arith.extui %parallel_loop3A_319 : i1 to i32
          %parallel_loop3A_321 = arith.subi %parallel_loop3A_317, %parallel_loop3A_320 : i32
          %parallel_loop3A_322 = arith.constant 0 : i32
          %parallel_loop3A_323 = arith.cmpi sgt, %parallel_loop3A_313, %parallel_loop3A_322 : i32
          %parallel_loop3A_324 = arith.extui %parallel_loop3A_323 : i1 to i32
          %parallel_loop3A_325 = arith.constant 0 : i32
          %parallel_loop3A_326 = arith.cmpi slt, %parallel_loop3A_313, %parallel_loop3A_325 : i32
          %parallel_loop3A_327 = arith.extui %parallel_loop3A_326 : i1 to i32
          %parallel_loop3A_328 = arith.subi %parallel_loop3A_324, %parallel_loop3A_327 : i32
          %parallel_loop3A_329 = arith.cmpi ne, %parallel_loop3A_321, %parallel_loop3A_328 : i32
          %parallel_loop3A_330 = arith.remsi %parallel_loop3A_312, %parallel_loop3A_313 : i32
          %parallel_loop3A_331 = arith.constant 0 : i32
          %parallel_loop3A_332 = arith.cmpi ne, %parallel_loop3A_330, %parallel_loop3A_331 : i32
          %parallel_loop3A_333 = arith.andi %parallel_loop3A_329, %parallel_loop3A_332 : i1
          %parallel_loop3A_334 = arith.constant 1 : i32
          %parallel_loop3A_335 = arith.subi %parallel_loop3A_314, %parallel_loop3A_334 : i32
          %parallel_loop3A_336 = arith.select %parallel_loop3A_333, %parallel_loop3A_335, %parallel_loop3A_314 : i32
          %parallel_loop3A_337 = arith.constant 8 : i32
          %parallel_loop3A_338 = arith.remsi %parallel_loop3A_312, %parallel_loop3A_337 : i32
          %parallel_loop3A_339 = vector.broadcast %parallel_loop3A_312 : i32 to vector<16xi32>
          %parallel_loop3A_340 = arith.constant 3 : i32
          %parallel_loop3A_341 = arith.index_cast %parallel_loop3A_340 : i32 to index
          %parallel_loop3A_342 = arith.index_cast %parallel_loop3A_336 : i32 to index
          %parallel_loop3A_343 = arith.index_cast %parallel_loop3A_338 : i32 to index
          %parallel_loop3A_344 = arith.constant 0 : index
          %parallel_loop3A_345 = tpu.vector_load %arg4[%parallel_loop3A_341, %parallel_loop3A_342, %parallel_loop3A_343, %parallel_loop3A_344] {strides = array<i32>} : memref<6x8x8x128xf32, #tpu.memory_space<vmem>>, vector<16xf32>,
          %parallel_loop3A_346 = arith.constant 0 : i32
          %parallel_loop3A_347 = vector.broadcast %parallel_loop3A_346 : i32 to vector<16xi32>
          %parallel_loop3A_348 = arith.addi %parallel_loop3A_347, %iota3A : vector<16xi32>
          %parallel_loop3A_349 = arith.constant 3 : i32
          %parallel_loop3A_350 = arith.constant 0 : i32
          %parallel_loop3A_351 = arith.constant 0 : i32
          %parallel_loop3A_352 = tpu.memref_slice %arg5[%parallel_loop3A_349, %parallel_loop3A_350, %parallel_loop3A_351] : memref<6x128x69xf32, #tpu.memory_space<vmem>> -> memref<1x128x69xf32, #tpu.memory_space<vmem>>
          %parallel_loop3A_353 = tpu.memref_squeeze %parallel_loop3A_352 : memref<1x128x69xf32, #tpu.memory_space<vmem>> -> memref<128x69xf32, #tpu.memory_space<vmem>>
          tpu.vector_store_idx %parallel_loop3A_353[%parallel_loop3A_348, %parallel_loop3A_339], %parallel_loop3A_345 : memref<128x69xf32, #tpu.memory_space<vmem>>[vector<16xi32>, vector<16xi32>], vector<16xf32>,
          %parallel_loop3A_354 = arith.constant 3 : i32
          %parallel_loop3A_355 = arith.index_cast %parallel_loop3A_354 : i32 to index
          %parallel_loop3A_356 = arith.index_cast %parallel_loop3A_336 : i32 to index
          %parallel_loop3A_357 = arith.index_cast %parallel_loop3A_338 : i32 to index
          %parallel_loop3A_358 = arith.constant 16 : index
          %parallel_loop3A_359 = tpu.vector_load %arg4[%parallel_loop3A_355, %parallel_loop3A_356, %parallel_loop3A_357, %parallel_loop3A_358] {strides = array<i32>} : memref<6x8x8x128xf32, #tpu.memory_space<vmem>>, vector<16xf32>,
          %parallel_loop3A_360 = arith.constant 16 : i32
          %parallel_loop3A_361 = vector.broadcast %parallel_loop3A_360 : i32 to vector<16xi32>
          %parallel_loop3A_362 = arith.addi %parallel_loop3A_361, %iota3A : vector<16xi32>
          %parallel_loop3A_363 = arith.constant 3 : i32
          %parallel_loop3A_364 = arith.constant 0 : i32
          %parallel_loop3A_365 = arith.constant 0 : i32
          %parallel_loop3A_366 = tpu.memref_slice %arg5[%parallel_loop3A_363, %parallel_loop3A_364, %parallel_loop3A_365] : memref<6x128x69xf32, #tpu.memory_space<vmem>> -> memref<1x128x69xf32, #tpu.memory_space<vmem>>
          %parallel_loop3A_367 = tpu.memref_squeeze %parallel_loop3A_366 : memref<1x128x69xf32, #tpu.memory_space<vmem>> -> memref<128x69xf32, #tpu.memory_space<vmem>>
          tpu.vector_store_idx %parallel_loop3A_367[%parallel_loop3A_362, %parallel_loop3A_339], %parallel_loop3A_359 : memref<128x69xf32, #tpu.memory_space<vmem>>[vector<16xi32>, vector<16xi32>], vector<16xf32>,
          %parallel_loop3A_368 = arith.constant 3 : i32
          %parallel_loop3A_369 = arith.index_cast %parallel_loop3A_368 : i32 to index
          %parallel_loop3A_370 = arith.index_cast %parallel_loop3A_336 : i32 to index
          %parallel_loop3A_371 = arith.index_cast %parallel_loop3A_338 : i32 to index
          %parallel_loop3A_372 = arith.constant 32 : index
          %parallel_loop3A_373 = tpu.vector_load %arg4[%parallel_loop3A_369, %parallel_loop3A_370, %parallel_loop3A_371, %parallel_loop3A_372] {strides = array<i32>} : memref<6x8x8x128xf32, #tpu.memory_space<vmem>>, vector<16xf32>,
          %parallel_loop3A_374 = arith.constant 32 : i32
          %parallel_loop3A_375 = vector.broadcast %parallel_loop3A_374 : i32 to vector<16xi32>
          %parallel_loop3A_376 = arith.addi %parallel_loop3A_375, %iota3A : vector<16xi32>
          %parallel_loop3A_377 = arith.constant 3 : i32
          %parallel_loop3A_378 = arith.constant 0 : i32
          %parallel_loop3A_379 = arith.constant 0 : i32
          %parallel_loop3A_380 = tpu.memref_slice %arg5[%parallel_loop3A_377, %parallel_loop3A_378, %parallel_loop3A_379] : memref<6x128x69xf32, #tpu.memory_space<vmem>> -> memref<1x128x69xf32, #tpu.memory_space<vmem>>
          %parallel_loop3A_381 = tpu.memref_squeeze %parallel_loop3A_380 : memref<1x128x69xf32, #tpu.memory_space<vmem>> -> memref<128x69xf32, #tpu.memory_space<vmem>>
          tpu.vector_store_idx %parallel_loop3A_381[%parallel_loop3A_376, %parallel_loop3A_339], %parallel_loop3A_373 : memref<128x69xf32, #tpu.memory_space<vmem>>[vector<16xi32>, vector<16xi32>], vector<16xf32>,
          %parallel_loop3A_382 = arith.constant 3 : i32
          %parallel_loop3A_383 = arith.index_cast %parallel_loop3A_382 : i32 to index
          %parallel_loop3A_384 = arith.index_cast %parallel_loop3A_336 : i32 to index
          %parallel_loop3A_385 = arith.index_cast %parallel_loop3A_338 : i32 to index
          %parallel_loop3A_386 = arith.constant 48 : index
          %parallel_loop3A_387 = tpu.vector_load %arg4[%parallel_loop3A_383, %parallel_loop3A_384, %parallel_loop3A_385, %parallel_loop3A_386] {strides = array<i32>} : memref<6x8x8x128xf32, #tpu.memory_space<vmem>>, vector<16xf32>,
          %parallel_loop3A_388 = arith.constant 48 : i32
          %parallel_loop3A_389 = vector.broadcast %parallel_loop3A_388 : i32 to vector<16xi32>
          %parallel_loop3A_390 = arith.addi %parallel_loop3A_389, %iota3A : vector<16xi32>
          %parallel_loop3A_391 = arith.constant 3 : i32
          %parallel_loop3A_392 = arith.constant 0 : i32
          %parallel_loop3A_393 = arith.constant 0 : i32
          %parallel_loop3A_394 = tpu.memref_slice %arg5[%parallel_loop3A_391, %parallel_loop3A_392, %parallel_loop3A_393] : memref<6x128x69xf32, #tpu.memory_space<vmem>> -> memref<1x128x69xf32, #tpu.memory_space<vmem>>
          %parallel_loop3A_395 = tpu.memref_squeeze %parallel_loop3A_394 : memref<1x128x69xf32, #tpu.memory_space<vmem>> -> memref<128x69xf32, #tpu.memory_space<vmem>>
          tpu.vector_store_idx %parallel_loop3A_395[%parallel_loop3A_390, %parallel_loop3A_339], %parallel_loop3A_387 : memref<128x69xf32, #tpu.memory_space<vmem>>[vector<16xi32>, vector<16xi32>], vector<16xf32>,
          %parallel_loop3A_396 = arith.constant 3 : i32
          %parallel_loop3A_397 = arith.index_cast %parallel_loop3A_396 : i32 to index
          %parallel_loop3A_398 = arith.index_cast %parallel_loop3A_336 : i32 to index
          %parallel_loop3A_399 = arith.index_cast %parallel_loop3A_338 : i32 to index
          %parallel_loop3A_400 = arith.constant 64 : index
          %parallel_loop3A_401 = tpu.vector_load %arg4[%parallel_loop3A_397, %parallel_loop3A_398, %parallel_loop3A_399, %parallel_loop3A_400] {strides = array<i32>} : memref<6x8x8x128xf32, #tpu.memory_space<vmem>>, vector<16xf32>,
          %parallel_loop3A_402 = arith.constant 64 : i32
          %parallel_loop3A_403 = vector.broadcast %parallel_loop3A_402 : i32 to vector<16xi32>
          %parallel_loop3A_404 = arith.addi %parallel_loop3A_403, %iota3A : vector<16xi32>
          %parallel_loop3A_405 = arith.constant 3 : i32
          %parallel_loop3A_406 = arith.constant 0 : i32
          %parallel_loop3A_407 = arith.constant 0 : i32
          %parallel_loop3A_408 = tpu.memref_slice %arg5[%parallel_loop3A_405, %parallel_loop3A_406, %parallel_loop3A_407] : memref<6x128x69xf32, #tpu.memory_space<vmem>> -> memref<1x128x69xf32, #tpu.memory_space<vmem>>
          %parallel_loop3A_409 = tpu.memref_squeeze %parallel_loop3A_408 : memref<1x128x69xf32, #tpu.memory_space<vmem>> -> memref<128x69xf32, #tpu.memory_space<vmem>>
          tpu.vector_store_idx %parallel_loop3A_409[%parallel_loop3A_404, %parallel_loop3A_339], %parallel_loop3A_401 : memref<128x69xf32, #tpu.memory_space<vmem>>[vector<16xi32>, vector<16xi32>], vector<16xf32>,
          %parallel_loop3A_410 = arith.constant 3 : i32
          %parallel_loop3A_411 = arith.index_cast %parallel_loop3A_410 : i32 to index
          %parallel_loop3A_412 = arith.index_cast %parallel_loop3A_336 : i32 to index
          %parallel_loop3A_413 = arith.index_cast %parallel_loop3A_338 : i32 to index
          %parallel_loop3A_414 = arith.constant 80 : index
          %parallel_loop3A_415 = tpu.vector_load %arg4[%parallel_loop3A_411, %parallel_loop3A_412, %parallel_loop3A_413, %parallel_loop3A_414] {strides = array<i32>} : memref<6x8x8x128xf32, #tpu.memory_space<vmem>>, vector<16xf32>,
          %parallel_loop3A_416 = arith.constant 80 : i32
          %parallel_loop3A_417 = vector.broadcast %parallel_loop3A_416 : i32 to vector<16xi32>
          %parallel_loop3A_418 = arith.addi %parallel_loop3A_417, %iota3A : vector<16xi32>
          %parallel_loop3A_419 = arith.constant 3 : i32
          %parallel_loop3A_420 = arith.constant 0 : i32
          %parallel_loop3A_421 = arith.constant 0 : i32
          %parallel_loop3A_422 = tpu.memref_slice %arg5[%parallel_loop3A_419, %parallel_loop3A_420, %parallel_loop3A_421] : memref<6x128x69xf32, #tpu.memory_space<vmem>> -> memref<1x128x69xf32, #tpu.memory_space<vmem>>
          %parallel_loop3A_423 = tpu.memref_squeeze %parallel_loop3A_422 : memref<1x128x69xf32, #tpu.memory_space<vmem>> -> memref<128x69xf32, #tpu.memory_space<vmem>>
          tpu.vector_store_idx %parallel_loop3A_423[%parallel_loop3A_418, %parallel_loop3A_339], %parallel_loop3A_415 : memref<128x69xf32, #tpu.memory_space<vmem>>[vector<16xi32>, vector<16xi32>], vector<16xf32>,
          %parallel_loop3A_424 = arith.constant 3 : i32
          %parallel_loop3A_425 = arith.index_cast %parallel_loop3A_424 : i32 to index
          %parallel_loop3A_426 = arith.index_cast %parallel_loop3A_336 : i32 to index
          %parallel_loop3A_427 = arith.index_cast %parallel_loop3A_338 : i32 to index
          %parallel_loop3A_428 = arith.constant 96 : index
          %parallel_loop3A_429 = tpu.vector_load %arg4[%parallel_loop3A_425, %parallel_loop3A_426, %parallel_loop3A_427, %parallel_loop3A_428] {strides = array<i32>} : memref<6x8x8x128xf32, #tpu.memory_space<vmem>>, vector<16xf32>,
          %parallel_loop3A_430 = arith.constant 96 : i32
          %parallel_loop3A_431 = vector.broadcast %parallel_loop3A_430 : i32 to vector<16xi32>
          %parallel_loop3A_432 = arith.addi %parallel_loop3A_431, %iota3A : vector<16xi32>
          %parallel_loop3A_433 = arith.constant 3 : i32
          %parallel_loop3A_434 = arith.constant 0 : i32
          %parallel_loop3A_435 = arith.constant 0 : i32
          %parallel_loop3A_436 = tpu.memref_slice %arg5[%parallel_loop3A_433, %parallel_loop3A_434, %parallel_loop3A_435] : memref<6x128x69xf32, #tpu.memory_space<vmem>> -> memref<1x128x69xf32, #tpu.memory_space<vmem>>
          %parallel_loop3A_437 = tpu.memref_squeeze %parallel_loop3A_436 : memref<1x128x69xf32, #tpu.memory_space<vmem>> -> memref<128x69xf32, #tpu.memory_space<vmem>>
          tpu.vector_store_idx %parallel_loop3A_437[%parallel_loop3A_432, %parallel_loop3A_339], %parallel_loop3A_429 : memref<128x69xf32, #tpu.memory_space<vmem>>[vector<16xi32>, vector<16xi32>], vector<16xf32>,
          %parallel_loop3A_438 = arith.constant 3 : i32
          %parallel_loop3A_439 = arith.index_cast %parallel_loop3A_438 : i32 to index
          %parallel_loop3A_440 = arith.index_cast %parallel_loop3A_336 : i32 to index
          %parallel_loop3A_441 = arith.index_cast %parallel_loop3A_338 : i32 to index
          %parallel_loop3A_442 = arith.constant 112 : index
          %parallel_loop3A_443 = tpu.vector_load %arg4[%parallel_loop3A_439, %parallel_loop3A_440, %parallel_loop3A_441, %parallel_loop3A_442] {strides = array<i32>} : memref<6x8x8x128xf32, #tpu.memory_space<vmem>>, vector<16xf32>,
          %parallel_loop3A_444 = arith.constant 112 : i32
          %parallel_loop3A_445 = vector.broadcast %parallel_loop3A_444 : i32 to vector<16xi32>
          %parallel_loop3A_446 = arith.addi %parallel_loop3A_445, %iota3A : vector<16xi32>
          %parallel_loop3A_447 = arith.constant 3 : i32
          %parallel_loop3A_448 = arith.constant 0 : i32
          %parallel_loop3A_449 = arith.constant 0 : i32
          %parallel_loop3A_450 = tpu.memref_slice %arg5[%parallel_loop3A_447, %parallel_loop3A_448, %parallel_loop3A_449] : memref<6x128x69xf32, #tpu.memory_space<vmem>> -> memref<1x128x69xf32, #tpu.memory_space<vmem>>
          %parallel_loop3A_451 = tpu.memref_squeeze %parallel_loop3A_450 : memref<1x128x69xf32, #tpu.memory_space<vmem>> -> memref<128x69xf32, #tpu.memory_space<vmem>>
          tpu.vector_store_idx %parallel_loop3A_451[%parallel_loop3A_446, %parallel_loop3A_339], %parallel_loop3A_443 : memref<128x69xf32, #tpu.memory_space<vmem>>[vector<16xi32>, vector<16xi32>], vector<16xf32>,
        } {sc.loop_unroll_factor = 4 : i64, sc.parallel_access}
        %mul3A_295 = arith.constant 32 : i32
        %mul3A_296 = arith.muli %add3A_204, %mul3A_295 : i32
        %add3A_297 = arith.addi %mul3A_296, %add3A : i32
        %mul3A_298 = arith.constant 128 : i32
        %mul3A_299 = arith.muli %add3A_297, %mul3A_298 : i32
        %dma_start3A = arith.constant 3 : i32
        %dma_start3A_300 = arith.constant 0 : i32
        %dma_start3A_301 = arith.constant 0 : i32
        %dma_start3A_302 = tpu.memref_slice %arg5[%dma_start3A, %dma_start3A_300, %dma_start3A_301] : memref<6x128x69xf32, #tpu.memory_space<vmem>> -> memref<1x128x64xf32, #tpu.memory_space<vmem>>
        %dma_start3A_303 = tpu.memref_squeeze %dma_start3A_302 : memref<1x128x64xf32, #tpu.memory_space<vmem>> -> memref<128x64xf32, #tpu.memory_space<vmem>>
        %dma_start3A_304 = arith.constant 0 : i32
        %dma_start3A_305 = tpu.memref_slice %arg3[%mul3A_299, %dma_start3A_304] : memref<1000064x64xf32, #tpu.memory_space<hbm>> -> memref<128x64xf32, #tpu.memory_space<hbm>>
        %dma_start3A_306 = arith.constant 0 : i32
        %dma_start3A_307 = tpu.memref_slice %arg3[%mul3A_299, %dma_start3A_306] : memref<1000064x64xf32, #tpu.memory_space<hbm>> -> memref<128x64xf32, #tpu.memory_space<hbm>>
        %dma_start3A_308 = arith.constant 0 : i32
        %dma_start3A_309 = arith.constant 0 : i32
        %dma_start3A_310 = tpu.memref_slice %arg5[%dma_start3A, %dma_start3A_308, %dma_start3A_309] : memref<6x128x69xf32, #tpu.memory_space<vmem>> -> memref<1x128x64xf32, #tpu.memory_space<vmem>>
        %dma_start3A_311 = tpu.memref_squeeze %dma_start3A_310 : memref<1x128x64xf32, #tpu.memory_space<vmem>> -> memref<128x64xf32, #tpu.memory_space<vmem>>
        tpu.enqueue_dma source(%dma_start3A_311 : memref<128x64xf32, #tpu.memory_space<vmem>>) target(%dma_start3A_307 : memref<128x64xf32, #tpu.memory_space<hbm>>) target_semaphore(%arg15 : memref<!tpu.dma_semaphore, #tpu.memory_space<semaphore_mem>>)
      } else {
      }
      %add3A_213 = arith.constant 6 : i32
      %add3A_214 = arith.addi %add3A_204, %add3A_213 : i32
      %mul3A_215 = arith.constant 32 : i32
      %mul3A_216 = arith.muli %add3A_214, %mul3A_215 : i32
      %add3A_217 = arith.addi %mul3A_216, %add3A : i32
      %lt3A_218 = arith.constant 7813 : i32
      %lt3A_219 = arith.cmpi slt, %add3A_217, %lt3A_218 : i32
      %convert_element_type3A_220 = arith.extui %lt3A_219 : i1 to i32
      %cond3A_221 = arith.constant 0 : i32
      %cond3A_222 = arith.cmpi ne, %convert_element_type3A_220, %cond3A_221 : i32
      scf.if %cond3A_222 {
        %add3A_267 = arith.constant 6 : i32
        %add3A_268 = arith.addi %add3A_204, %add3A_267 : i32
        %mul3A_269 = arith.constant 32 : i32
        %mul3A_270 = arith.muli %add3A_268, %mul3A_269 : i32
        %add3A_271 = arith.addi %mul3A_270, %add3A : i32
        %dma_start3A = arith.constant 3 : i32
        %dma_start3A_272 = arith.constant 0 : i32
        %dma_start3A_273 = arith.constant 0 : i32
        %dma_start3A_274 = arith.constant 0 : i32
        %dma_start3A_275 = tpu.memref_slice %arg4[%dma_start3A, %dma_start3A_272, %dma_start3A_273, %dma_start3A_274] : memref<6x8x8x128xf32, #tpu.memory_space<vmem>> -> memref<1x8x8x128xf32, #tpu.memory_space<vmem>>
        %dma_start3A_276 = tpu.memref_squeeze %dma_start3A_275 : memref<1x8x8x128xf32, #tpu.memory_space<vmem>> -> memref<8x8x128xf32, #tpu.memory_space<vmem>>
        %dma_start3A_277 = arith.constant 0 : i32
        %dma_start3A_278 = arith.constant 0 : i32
        %dma_start3A_279 = arith.constant 0 : i32
        %dma_start3A_280 = tpu.memref_slice %arg2[%dma_start3A_277, %add3A_271, %dma_start3A_278, %dma_start3A_279] : memref<8x7813x8x128xf32, #tpu.memory_space<hbm>> -> memref<8x1x8x128xf32, #tpu.memory_space<hbm>>
        %dma_start3A_281 = tpu.memref_squeeze %dma_start3A_280 : memref<8x1x8x128xf32, #tpu.memory_space<hbm>> -> memref<8x8x128xf32, #tpu.memory_space<hbm>>
        %dma_start3A_282 = arith.constant 0 : i32
        %dma_start3A_283 = arith.constant 0 : i32
        %dma_start3A_284 = arith.constant 0 : i32
        %dma_start3A_285 = tpu.memref_slice %arg4[%dma_start3A, %dma_start3A_282, %dma_start3A_283, %dma_start3A_284] : memref<6x8x8x128xf32, #tpu.memory_space<vmem>> -> memref<1x8x8x128xf32, #tpu.memory_space<vmem>>
        %dma_start3A_286 = tpu.memref_squeeze %dma_start3A_285 : memref<1x8x8x128xf32, #tpu.memory_space<vmem>> -> memref<8x8x128xf32, #tpu.memory_space<vmem>>
        %dma_start3A_287 = arith.constant 0 : i32
        %dma_start3A_288 = arith.constant 0 : i32
        %dma_start3A_289 = arith.constant 0 : i32
        %dma_start3A_290 = tpu.memref_slice %arg2[%dma_start3A_287, %add3A_271, %dma_start3A_288, %dma_start3A_289] : memref<8x7813x8x128xf32, #tpu.memory_space<hbm>> -> memref<8x1x8x128xf32, #tpu.memory_space<hbm>>
        %dma_start3A_291 = tpu.memref_squeeze %dma_start3A_290 : memref<8x1x8x128xf32, #tpu.memory_space<hbm>> -> memref<8x8x128xf32, #tpu.memory_space<hbm>>
        tpu.enqueue_dma source(%dma_start3A_291 : memref<8x8x128xf32, #tpu.memory_space<hbm>>) target(%dma_start3A_286 : memref<8x8x128xf32, #tpu.memory_space<vmem>>) target_semaphore(%arg9 : memref<!tpu.dma_semaphore, #tpu.memory_space<semaphore_mem>>)
      } else {
      }
      %mul3A_223 = arith.constant 6 : i32
      %mul3A_224 = arith.muli %scan3A_134, %mul3A_223 : i32
      %add3A_225 = arith.constant 4 : i32
      %add3A_226 = arith.addi %mul3A_224, %add3A_225 : i32
      %mul3A_227 = arith.constant 32 : i32
      %mul3A_228 = arith.muli %add3A_226, %mul3A_227 : i32
      %add3A_229 = arith.addi %mul3A_228, %add3A : i32
      %lt3A_230 = arith.constant 7813 : i32
      %lt3A_231 = arith.cmpi slt, %add3A_229, %lt3A_230 : i32
      %convert_element_type3A_232 = arith.extui %lt3A_231 : i1 to i32
      %cond3A_233 = arith.constant 0 : i32
      %cond3A_234 = arith.cmpi ne, %convert_element_type3A_232, %cond3A_233 : i32
      scf.if %cond3A_234 {
        %dma_wait3A_267 = arith.constant 0 : i32
        %dma_wait3A_268 = arith.constant 4 : i32
        %dma_wait3A_269 = arith.constant 0 : i32
        %dma_wait3A_270 = arith.constant 0 : i32
        %dma_wait3A_271 = arith.constant 0 : i32
        %dma_wait3A_272 = tpu.memref_slice %arg4[%dma_wait3A_268, %dma_wait3A_269, %dma_wait3A_270, %dma_wait3A_271] : memref<6x8x8x128xf32, #tpu.memory_space<vmem>> -> memref<1x8x8x128xf32, #tpu.memory_space<vmem>>
        %dma_wait3A_273 = tpu.memref_squeeze %dma_wait3A_272 : memref<1x8x8x128xf32, #tpu.memory_space<vmem>> -> memref<8x8x128xf32, #tpu.memory_space<vmem>>
        %dma_wait3A_274 = arith.constant 0 : i32
        %dma_wait3A_275 = arith.constant 0 : i32
        %dma_wait3A_276 = arith.constant 0 : i32
        %dma_wait3A_277 = tpu.memref_slice %arg2[%dma_wait3A_274, %dma_wait3A_267, %dma_wait3A_275, %dma_wait3A_276] : memref<8x7813x8x128xf32, #tpu.memory_space<hbm>> -> memref<8x1x8x128xf32, #tpu.memory_space<hbm>>
        %dma_wait3A_278 = tpu.memref_squeeze %dma_wait3A_277 : memref<8x1x8x128xf32, #tpu.memory_space<hbm>> -> memref<8x8x128xf32, #tpu.memory_space<hbm>>
        %dma_wait3A_279 = arith.constant 0 : i32
        %dma_wait3A_280 = arith.constant 0 : i32
        %dma_wait3A_281 = arith.constant 0 : i32
        %dma_wait3A_282 = tpu.memref_slice %arg4[%dma_wait3A_268, %dma_wait3A_279, %dma_wait3A_280, %dma_wait3A_281] : memref<6x8x8x128xf32, #tpu.memory_space<vmem>> -> memref<1x8x8x128xf32, #tpu.memory_space<vmem>>
        %dma_wait3A_283 = tpu.memref_squeeze %dma_wait3A_282 : memref<1x8x8x128xf32, #tpu.memory_space<vmem>> -> memref<8x8x128xf32, #tpu.memory_space<vmem>>
        %dma_wait3A_284 = arith.constant 0 : i32
        %dma_wait3A_285 = arith.constant 0 : i32
        %dma_wait3A_286 = arith.constant 0 : i32
        %dma_wait3A_287 = tpu.memref_slice %arg2[%dma_wait3A_284, %dma_wait3A_267, %dma_wait3A_285, %dma_wait3A_286] : memref<8x7813x8x128xf32, #tpu.memory_space<hbm>> -> memref<8x1x8x128xf32, #tpu.memory_space<hbm>>
        %dma_wait3A_288 = tpu.memref_squeeze %dma_wait3A_287 : memref<8x1x8x128xf32, #tpu.memory_space<hbm>> -> memref<8x8x128xf32, #tpu.memory_space<hbm>>
        tpu.wait_dma2 semaphore(%arg10 : memref<!tpu.dma_semaphore, #tpu.memory_space<semaphore_mem>>) src(%dma_wait3A_288 : memref<8x8x128xf32, #tpu.memory_space<hbm>>) dst(%dma_wait3A_283 : memref<8x8x128xf32, #tpu.memory_space<vmem>>)
        %ge3A = arith.constant 6 : i32
        %ge3A_289 = arith.cmpi sge, %add3A_226, %ge3A : i32
        %convert_element_type3A_290 = arith.extui %ge3A_289 : i1 to i32
        %cond3A_291 = arith.constant 0 : i32
        %cond3A_292 = arith.cmpi ne, %convert_element_type3A_290, %cond3A_291 : i32
        scf.if %cond3A_292 {
          %dma_wait3A_312 = arith.constant 4 : i32
          %dma_wait3A_313 = arith.constant 0 : i32
          %dma_wait3A_314 = arith.constant 0 : i32
          %dma_wait3A_315 = tpu.memref_slice %arg5[%dma_wait3A_312, %dma_wait3A_313, %dma_wait3A_314] : memref<6x128x69xf32, #tpu.memory_space<vmem>> -> memref<1x128x64xf32, #tpu.memory_space<vmem>>
          %dma_wait3A_316 = tpu.memref_squeeze %dma_wait3A_315 : memref<1x128x64xf32, #tpu.memory_space<vmem>> -> memref<128x64xf32, #tpu.memory_space<vmem>>
          %dma_wait3A_317 = arith.constant 0 : i32
          %dma_wait3A_318 = arith.constant 0 : i32
          %dma_wait3A_319 = tpu.memref_slice %arg3[%dma_wait3A_317, %dma_wait3A_318] : memref<1000064x64xf32, #tpu.memory_space<hbm>> -> memref<128x64xf32, #tpu.memory_space<hbm>>
          %dma_wait3A_320 = arith.constant 0 : i32
          %dma_wait3A_321 = arith.constant 0 : i32
          %dma_wait3A_322 = tpu.memref_slice %arg3[%dma_wait3A_320, %dma_wait3A_321] : memref<1000064x64xf32, #tpu.memory_space<hbm>> -> memref<128x64xf32, #tpu.memory_space<hbm>>
          %dma_wait3A_323 = arith.constant 0 : i32
          %dma_wait3A_324 = arith.constant 0 : i32
          %dma_wait3A_325 = tpu.memref_slice %arg5[%dma_wait3A_312, %dma_wait3A_323, %dma_wait3A_324] : memref<6x128x69xf32, #tpu.memory_space<vmem>> -> memref<1x128x64xf32, #tpu.memory_space<vmem>>
          %dma_wait3A_326 = tpu.memref_squeeze %dma_wait3A_325 : memref<1x128x64xf32, #tpu.memory_space<vmem>> -> memref<128x64xf32, #tpu.memory_space<vmem>>
          tpu.wait_dma2 semaphore(%arg16 : memref<!tpu.dma_semaphore, #tpu.memory_space<semaphore_mem>>) src(%dma_wait3A_326 : memref<128x64xf32, #tpu.memory_space<vmem>>) dst(%dma_wait3A_322 : memref<128x64xf32, #tpu.memory_space<hbm>>)
        } else {
        }
        %parallel_loop3A = arith.constant 0 : i32
        %parallel_loop3A_293 = arith.constant 64 : i32
        %parallel_loop3A_294 = arith.constant 1 : i32
        scf.for %parallel_loop3A_312 = %parallel_loop3A to %parallel_loop3A_293 step %parallel_loop3A_294  : i32 {
          %parallel_loop3A_313 = arith.constant 8 : i32
          %parallel_loop3A_314 = arith.divsi %parallel_loop3A_312, %parallel_loop3A_313 : i32
          %parallel_loop3A_315 = arith.constant 0 : i32
          %parallel_loop3A_316 = arith.cmpi sgt, %parallel_loop3A_312, %parallel_loop3A_315 : i32
          %parallel_loop3A_317 = arith.extui %parallel_loop3A_316 : i1 to i32
          %parallel_loop3A_318 = arith.constant 0 : i32
          %parallel_loop3A_319 = arith.cmpi slt, %parallel_loop3A_312, %parallel_loop3A_318 : i32
          %parallel_loop3A_320 = arith.extui %parallel_loop3A_319 : i1 to i32
          %parallel_loop3A_321 = arith.subi %parallel_loop3A_317, %parallel_loop3A_320 : i32
          %parallel_loop3A_322 = arith.constant 0 : i32
          %parallel_loop3A_323 = arith.cmpi sgt, %parallel_loop3A_313, %parallel_loop3A_322 : i32
          %parallel_loop3A_324 = arith.extui %parallel_loop3A_323 : i1 to i32
          %parallel_loop3A_325 = arith.constant 0 : i32
          %parallel_loop3A_326 = arith.cmpi slt, %parallel_loop3A_313, %parallel_loop3A_325 : i32
          %parallel_loop3A_327 = arith.extui %parallel_loop3A_326 : i1 to i32
          %parallel_loop3A_328 = arith.subi %parallel_loop3A_324, %parallel_loop3A_327 : i32
          %parallel_loop3A_329 = arith.cmpi ne, %parallel_loop3A_321, %parallel_loop3A_328 : i32
          %parallel_loop3A_330 = arith.remsi %parallel_loop3A_312, %parallel_loop3A_313 : i32
          %parallel_loop3A_331 = arith.constant 0 : i32
          %parallel_loop3A_332 = arith.cmpi ne, %parallel_loop3A_330, %parallel_loop3A_331 : i32
          %parallel_loop3A_333 = arith.andi %parallel_loop3A_329, %parallel_loop3A_332 : i1
          %parallel_loop3A_334 = arith.constant 1 : i32
          %parallel_loop3A_335 = arith.subi %parallel_loop3A_314, %parallel_loop3A_334 : i32
          %parallel_loop3A_336 = arith.select %parallel_loop3A_333, %parallel_loop3A_335, %parallel_loop3A_314 : i32
          %parallel_loop3A_337 = arith.constant 8 : i32
          %parallel_loop3A_338 = arith.remsi %parallel_loop3A_312, %parallel_loop3A_337 : i32
          %parallel_loop3A_339 = vector.broadcast %parallel_loop3A_312 : i32 to vector<16xi32>
          %parallel_loop3A_340 = arith.constant 4 : i32
          %parallel_loop3A_341 = arith.index_cast %parallel_loop3A_340 : i32 to index
          %parallel_loop3A_342 = arith.index_cast %parallel_loop3A_336 : i32 to index
          %parallel_loop3A_343 = arith.index_cast %parallel_loop3A_338 : i32 to index
          %parallel_loop3A_344 = arith.constant 0 : index
          %parallel_loop3A_345 = tpu.vector_load %arg4[%parallel_loop3A_341, %parallel_loop3A_342, %parallel_loop3A_343, %parallel_loop3A_344] {strides = array<i32>} : memref<6x8x8x128xf32, #tpu.memory_space<vmem>>, vector<16xf32>,
          %parallel_loop3A_346 = arith.constant 0 : i32
          %parallel_loop3A_347 = vector.broadcast %parallel_loop3A_346 : i32 to vector<16xi32>
          %parallel_loop3A_348 = arith.addi %parallel_loop3A_347, %iota3A : vector<16xi32>
          %parallel_loop3A_349 = arith.constant 4 : i32
          %parallel_loop3A_350 = arith.constant 0 : i32
          %parallel_loop3A_351 = arith.constant 0 : i32
          %parallel_loop3A_352 = tpu.memref_slice %arg5[%parallel_loop3A_349, %parallel_loop3A_350, %parallel_loop3A_351] : memref<6x128x69xf32, #tpu.memory_space<vmem>> -> memref<1x128x69xf32, #tpu.memory_space<vmem>>
          %parallel_loop3A_353 = tpu.memref_squeeze %parallel_loop3A_352 : memref<1x128x69xf32, #tpu.memory_space<vmem>> -> memref<128x69xf32, #tpu.memory_space<vmem>>
          tpu.vector_store_idx %parallel_loop3A_353[%parallel_loop3A_348, %parallel_loop3A_339], %parallel_loop3A_345 : memref<128x69xf32, #tpu.memory_space<vmem>>[vector<16xi32>, vector<16xi32>], vector<16xf32>,
          %parallel_loop3A_354 = arith.constant 4 : i32
          %parallel_loop3A_355 = arith.index_cast %parallel_loop3A_354 : i32 to index
          %parallel_loop3A_356 = arith.index_cast %parallel_loop3A_336 : i32 to index
          %parallel_loop3A_357 = arith.index_cast %parallel_loop3A_338 : i32 to index
          %parallel_loop3A_358 = arith.constant 16 : index
          %parallel_loop3A_359 = tpu.vector_load %arg4[%parallel_loop3A_355, %parallel_loop3A_356, %parallel_loop3A_357, %parallel_loop3A_358] {strides = array<i32>} : memref<6x8x8x128xf32, #tpu.memory_space<vmem>>, vector<16xf32>,
          %parallel_loop3A_360 = arith.constant 16 : i32
          %parallel_loop3A_361 = vector.broadcast %parallel_loop3A_360 : i32 to vector<16xi32>
          %parallel_loop3A_362 = arith.addi %parallel_loop3A_361, %iota3A : vector<16xi32>
          %parallel_loop3A_363 = arith.constant 4 : i32
          %parallel_loop3A_364 = arith.constant 0 : i32
          %parallel_loop3A_365 = arith.constant 0 : i32
          %parallel_loop3A_366 = tpu.memref_slice %arg5[%parallel_loop3A_363, %parallel_loop3A_364, %parallel_loop3A_365] : memref<6x128x69xf32, #tpu.memory_space<vmem>> -> memref<1x128x69xf32, #tpu.memory_space<vmem>>
          %parallel_loop3A_367 = tpu.memref_squeeze %parallel_loop3A_366 : memref<1x128x69xf32, #tpu.memory_space<vmem>> -> memref<128x69xf32, #tpu.memory_space<vmem>>
          tpu.vector_store_idx %parallel_loop3A_367[%parallel_loop3A_362, %parallel_loop3A_339], %parallel_loop3A_359 : memref<128x69xf32, #tpu.memory_space<vmem>>[vector<16xi32>, vector<16xi32>], vector<16xf32>,
          %parallel_loop3A_368 = arith.constant 4 : i32
          %parallel_loop3A_369 = arith.index_cast %parallel_loop3A_368 : i32 to index
          %parallel_loop3A_370 = arith.index_cast %parallel_loop3A_336 : i32 to index
          %parallel_loop3A_371 = arith.index_cast %parallel_loop3A_338 : i32 to index
          %parallel_loop3A_372 = arith.constant 32 : index
          %parallel_loop3A_373 = tpu.vector_load %arg4[%parallel_loop3A_369, %parallel_loop3A_370, %parallel_loop3A_371, %parallel_loop3A_372] {strides = array<i32>} : memref<6x8x8x128xf32, #tpu.memory_space<vmem>>, vector<16xf32>,
          %parallel_loop3A_374 = arith.constant 32 : i32
          %parallel_loop3A_375 = vector.broadcast %parallel_loop3A_374 : i32 to vector<16xi32>
          %parallel_loop3A_376 = arith.addi %parallel_loop3A_375, %iota3A : vector<16xi32>
          %parallel_loop3A_377 = arith.constant 4 : i32
          %parallel_loop3A_378 = arith.constant 0 : i32
          %parallel_loop3A_379 = arith.constant 0 : i32
          %parallel_loop3A_380 = tpu.memref_slice %arg5[%parallel_loop3A_377, %parallel_loop3A_378, %parallel_loop3A_379] : memref<6x128x69xf32, #tpu.memory_space<vmem>> -> memref<1x128x69xf32, #tpu.memory_space<vmem>>
          %parallel_loop3A_381 = tpu.memref_squeeze %parallel_loop3A_380 : memref<1x128x69xf32, #tpu.memory_space<vmem>> -> memref<128x69xf32, #tpu.memory_space<vmem>>
          tpu.vector_store_idx %parallel_loop3A_381[%parallel_loop3A_376, %parallel_loop3A_339], %parallel_loop3A_373 : memref<128x69xf32, #tpu.memory_space<vmem>>[vector<16xi32>, vector<16xi32>], vector<16xf32>,
          %parallel_loop3A_382 = arith.constant 4 : i32
          %parallel_loop3A_383 = arith.index_cast %parallel_loop3A_382 : i32 to index
          %parallel_loop3A_384 = arith.index_cast %parallel_loop3A_336 : i32 to index
          %parallel_loop3A_385 = arith.index_cast %parallel_loop3A_338 : i32 to index
          %parallel_loop3A_386 = arith.constant 48 : index
          %parallel_loop3A_387 = tpu.vector_load %arg4[%parallel_loop3A_383, %parallel_loop3A_384, %parallel_loop3A_385, %parallel_loop3A_386] {strides = array<i32>} : memref<6x8x8x128xf32, #tpu.memory_space<vmem>>, vector<16xf32>,
          %parallel_loop3A_388 = arith.constant 48 : i32
          %parallel_loop3A_389 = vector.broadcast %parallel_loop3A_388 : i32 to vector<16xi32>
          %parallel_loop3A_390 = arith.addi %parallel_loop3A_389, %iota3A : vector<16xi32>
          %parallel_loop3A_391 = arith.constant 4 : i32
          %parallel_loop3A_392 = arith.constant 0 : i32
          %parallel_loop3A_393 = arith.constant 0 : i32
          %parallel_loop3A_394 = tpu.memref_slice %arg5[%parallel_loop3A_391, %parallel_loop3A_392, %parallel_loop3A_393] : memref<6x128x69xf32, #tpu.memory_space<vmem>> -> memref<1x128x69xf32, #tpu.memory_space<vmem>>
          %parallel_loop3A_395 = tpu.memref_squeeze %parallel_loop3A_394 : memref<1x128x69xf32, #tpu.memory_space<vmem>> -> memref<128x69xf32, #tpu.memory_space<vmem>>
          tpu.vector_store_idx %parallel_loop3A_395[%parallel_loop3A_390, %parallel_loop3A_339], %parallel_loop3A_387 : memref<128x69xf32, #tpu.memory_space<vmem>>[vector<16xi32>, vector<16xi32>], vector<16xf32>,
          %parallel_loop3A_396 = arith.constant 4 : i32
          %parallel_loop3A_397 = arith.index_cast %parallel_loop3A_396 : i32 to index
          %parallel_loop3A_398 = arith.index_cast %parallel_loop3A_336 : i32 to index
          %parallel_loop3A_399 = arith.index_cast %parallel_loop3A_338 : i32 to index
          %parallel_loop3A_400 = arith.constant 64 : index
          %parallel_loop3A_401 = tpu.vector_load %arg4[%parallel_loop3A_397, %parallel_loop3A_398, %parallel_loop3A_399, %parallel_loop3A_400] {strides = array<i32>} : memref<6x8x8x128xf32, #tpu.memory_space<vmem>>, vector<16xf32>,
          %parallel_loop3A_402 = arith.constant 64 : i32
          %parallel_loop3A_403 = vector.broadcast %parallel_loop3A_402 : i32 to vector<16xi32>
          %parallel_loop3A_404 = arith.addi %parallel_loop3A_403, %iota3A : vector<16xi32>
          %parallel_loop3A_405 = arith.constant 4 : i32
          %parallel_loop3A_406 = arith.constant 0 : i32
          %parallel_loop3A_407 = arith.constant 0 : i32
          %parallel_loop3A_408 = tpu.memref_slice %arg5[%parallel_loop3A_405, %parallel_loop3A_406, %parallel_loop3A_407] : memref<6x128x69xf32, #tpu.memory_space<vmem>> -> memref<1x128x69xf32, #tpu.memory_space<vmem>>
          %parallel_loop3A_409 = tpu.memref_squeeze %parallel_loop3A_408 : memref<1x128x69xf32, #tpu.memory_space<vmem>> -> memref<128x69xf32, #tpu.memory_space<vmem>>
          tpu.vector_store_idx %parallel_loop3A_409[%parallel_loop3A_404, %parallel_loop3A_339], %parallel_loop3A_401 : memref<128x69xf32, #tpu.memory_space<vmem>>[vector<16xi32>, vector<16xi32>], vector<16xf32>,
          %parallel_loop3A_410 = arith.constant 4 : i32
          %parallel_loop3A_411 = arith.index_cast %parallel_loop3A_410 : i32 to index
          %parallel_loop3A_412 = arith.index_cast %parallel_loop3A_336 : i32 to index
          %parallel_loop3A_413 = arith.index_cast %parallel_loop3A_338 : i32 to index
          %parallel_loop3A_414 = arith.constant 80 : index
          %parallel_loop3A_415 = tpu.vector_load %arg4[%parallel_loop3A_411, %parallel_loop3A_412, %parallel_loop3A_413, %parallel_loop3A_414] {strides = array<i32>} : memref<6x8x8x128xf32, #tpu.memory_space<vmem>>, vector<16xf32>,
          %parallel_loop3A_416 = arith.constant 80 : i32
          %parallel_loop3A_417 = vector.broadcast %parallel_loop3A_416 : i32 to vector<16xi32>
          %parallel_loop3A_418 = arith.addi %parallel_loop3A_417, %iota3A : vector<16xi32>
          %parallel_loop3A_419 = arith.constant 4 : i32
          %parallel_loop3A_420 = arith.constant 0 : i32
          %parallel_loop3A_421 = arith.constant 0 : i32
          %parallel_loop3A_422 = tpu.memref_slice %arg5[%parallel_loop3A_419, %parallel_loop3A_420, %parallel_loop3A_421] : memref<6x128x69xf32, #tpu.memory_space<vmem>> -> memref<1x128x69xf32, #tpu.memory_space<vmem>>
          %parallel_loop3A_423 = tpu.memref_squeeze %parallel_loop3A_422 : memref<1x128x69xf32, #tpu.memory_space<vmem>> -> memref<128x69xf32, #tpu.memory_space<vmem>>
          tpu.vector_store_idx %parallel_loop3A_423[%parallel_loop3A_418, %parallel_loop3A_339], %parallel_loop3A_415 : memref<128x69xf32, #tpu.memory_space<vmem>>[vector<16xi32>, vector<16xi32>], vector<16xf32>,
          %parallel_loop3A_424 = arith.constant 4 : i32
          %parallel_loop3A_425 = arith.index_cast %parallel_loop3A_424 : i32 to index
          %parallel_loop3A_426 = arith.index_cast %parallel_loop3A_336 : i32 to index
          %parallel_loop3A_427 = arith.index_cast %parallel_loop3A_338 : i32 to index
          %parallel_loop3A_428 = arith.constant 96 : index
          %parallel_loop3A_429 = tpu.vector_load %arg4[%parallel_loop3A_425, %parallel_loop3A_426, %parallel_loop3A_427, %parallel_loop3A_428] {strides = array<i32>} : memref<6x8x8x128xf32, #tpu.memory_space<vmem>>, vector<16xf32>,
          %parallel_loop3A_430 = arith.constant 96 : i32
          %parallel_loop3A_431 = vector.broadcast %parallel_loop3A_430 : i32 to vector<16xi32>
          %parallel_loop3A_432 = arith.addi %parallel_loop3A_431, %iota3A : vector<16xi32>
          %parallel_loop3A_433 = arith.constant 4 : i32
          %parallel_loop3A_434 = arith.constant 0 : i32
          %parallel_loop3A_435 = arith.constant 0 : i32
          %parallel_loop3A_436 = tpu.memref_slice %arg5[%parallel_loop3A_433, %parallel_loop3A_434, %parallel_loop3A_435] : memref<6x128x69xf32, #tpu.memory_space<vmem>> -> memref<1x128x69xf32, #tpu.memory_space<vmem>>
          %parallel_loop3A_437 = tpu.memref_squeeze %parallel_loop3A_436 : memref<1x128x69xf32, #tpu.memory_space<vmem>> -> memref<128x69xf32, #tpu.memory_space<vmem>>
          tpu.vector_store_idx %parallel_loop3A_437[%parallel_loop3A_432, %parallel_loop3A_339], %parallel_loop3A_429 : memref<128x69xf32, #tpu.memory_space<vmem>>[vector<16xi32>, vector<16xi32>], vector<16xf32>,
          %parallel_loop3A_438 = arith.constant 4 : i32
          %parallel_loop3A_439 = arith.index_cast %parallel_loop3A_438 : i32 to index
          %parallel_loop3A_440 = arith.index_cast %parallel_loop3A_336 : i32 to index
          %parallel_loop3A_441 = arith.index_cast %parallel_loop3A_338 : i32 to index
          %parallel_loop3A_442 = arith.constant 112 : index
          %parallel_loop3A_443 = tpu.vector_load %arg4[%parallel_loop3A_439, %parallel_loop3A_440, %parallel_loop3A_441, %parallel_loop3A_442] {strides = array<i32>} : memref<6x8x8x128xf32, #tpu.memory_space<vmem>>, vector<16xf32>,
          %parallel_loop3A_444 = arith.constant 112 : i32
          %parallel_loop3A_445 = vector.broadcast %parallel_loop3A_444 : i32 to vector<16xi32>
          %parallel_loop3A_446 = arith.addi %parallel_loop3A_445, %iota3A : vector<16xi32>
          %parallel_loop3A_447 = arith.constant 4 : i32
          %parallel_loop3A_448 = arith.constant 0 : i32
          %parallel_loop3A_449 = arith.constant 0 : i32
          %parallel_loop3A_450 = tpu.memref_slice %arg5[%parallel_loop3A_447, %parallel_loop3A_448, %parallel_loop3A_449] : memref<6x128x69xf32, #tpu.memory_space<vmem>> -> memref<1x128x69xf32, #tpu.memory_space<vmem>>
          %parallel_loop3A_451 = tpu.memref_squeeze %parallel_loop3A_450 : memref<1x128x69xf32, #tpu.memory_space<vmem>> -> memref<128x69xf32, #tpu.memory_space<vmem>>
          tpu.vector_store_idx %parallel_loop3A_451[%parallel_loop3A_446, %parallel_loop3A_339], %parallel_loop3A_443 : memref<128x69xf32, #tpu.memory_space<vmem>>[vector<16xi32>, vector<16xi32>], vector<16xf32>,
        } {sc.loop_unroll_factor = 4 : i64, sc.parallel_access}
        %mul3A_295 = arith.constant 32 : i32
        %mul3A_296 = arith.muli %add3A_226, %mul3A_295 : i32
        %add3A_297 = arith.addi %mul3A_296, %add3A : i32
        %mul3A_298 = arith.constant 128 : i32
        %mul3A_299 = arith.muli %add3A_297, %mul3A_298 : i32
        %dma_start3A = arith.constant 4 : i32
        %dma_start3A_300 = arith.constant 0 : i32
        %dma_start3A_301 = arith.constant 0 : i32
        %dma_start3A_302 = tpu.memref_slice %arg5[%dma_start3A, %dma_start3A_300, %dma_start3A_301] : memref<6x128x69xf32, #tpu.memory_space<vmem>> -> memref<1x128x64xf32, #tpu.memory_space<vmem>>
        %dma_start3A_303 = tpu.memref_squeeze %dma_start3A_302 : memref<1x128x64xf32, #tpu.memory_space<vmem>> -> memref<128x64xf32, #tpu.memory_space<vmem>>
        %dma_start3A_304 = arith.constant 0 : i32
        %dma_start3A_305 = tpu.memref_slice %arg3[%mul3A_299, %dma_start3A_304] : memref<1000064x64xf32, #tpu.memory_space<hbm>> -> memref<128x64xf32, #tpu.memory_space<hbm>>
        %dma_start3A_306 = arith.constant 0 : i32
        %dma_start3A_307 = tpu.memref_slice %arg3[%mul3A_299, %dma_start3A_306] : memref<1000064x64xf32, #tpu.memory_space<hbm>> -> memref<128x64xf32, #tpu.memory_space<hbm>>
        %dma_start3A_308 = arith.constant 0 : i32
        %dma_start3A_309 = arith.constant 0 : i32
        %dma_start3A_310 = tpu.memref_slice %arg5[%dma_start3A, %dma_start3A_308, %dma_start3A_309] : memref<6x128x69xf32, #tpu.memory_space<vmem>> -> memref<1x128x64xf32, #tpu.memory_space<vmem>>
        %dma_start3A_311 = tpu.memref_squeeze %dma_start3A_310 : memref<1x128x64xf32, #tpu.memory_space<vmem>> -> memref<128x64xf32, #tpu.memory_space<vmem>>
        tpu.enqueue_dma source(%dma_start3A_311 : memref<128x64xf32, #tpu.memory_space<vmem>>) target(%dma_start3A_307 : memref<128x64xf32, #tpu.memory_space<hbm>>) target_semaphore(%arg16 : memref<!tpu.dma_semaphore, #tpu.memory_space<semaphore_mem>>)
      } else {
      }
      %add3A_235 = arith.constant 6 : i32
      %add3A_236 = arith.addi %add3A_226, %add3A_235 : i32
      %mul3A_237 = arith.constant 32 : i32
      %mul3A_238 = arith.muli %add3A_236, %mul3A_237 : i32
      %add3A_239 = arith.addi %mul3A_238, %add3A : i32
      %lt3A_240 = arith.constant 7813 : i32
      %lt3A_241 = arith.cmpi slt, %add3A_239, %lt3A_240 : i32
      %convert_element_type3A_242 = arith.extui %lt3A_241 : i1 to i32
      %cond3A_243 = arith.constant 0 : i32
      %cond3A_244 = arith.cmpi ne, %convert_element_type3A_242, %cond3A_243 : i32
      scf.if %cond3A_244 {
        %add3A_267 = arith.constant 6 : i32
        %add3A_268 = arith.addi %add3A_226, %add3A_267 : i32
        %mul3A_269 = arith.constant 32 : i32
        %mul3A_270 = arith.muli %add3A_268, %mul3A_269 : i32
        %add3A_271 = arith.addi %mul3A_270, %add3A : i32
        %dma_start3A = arith.constant 4 : i32
        %dma_start3A_272 = arith.constant 0 : i32
        %dma_start3A_273 = arith.constant 0 : i32
        %dma_start3A_274 = arith.constant 0 : i32
        %dma_start3A_275 = tpu.memref_slice %arg4[%dma_start3A, %dma_start3A_272, %dma_start3A_273, %dma_start3A_274] : memref<6x8x8x128xf32, #tpu.memory_space<vmem>> -> memref<1x8x8x128xf32, #tpu.memory_space<vmem>>
        %dma_start3A_276 = tpu.memref_squeeze %dma_start3A_275 : memref<1x8x8x128xf32, #tpu.memory_space<vmem>> -> memref<8x8x128xf32, #tpu.memory_space<vmem>>
        %dma_start3A_277 = arith.constant 0 : i32
        %dma_start3A_278 = arith.constant 0 : i32
        %dma_start3A_279 = arith.constant 0 : i32
        %dma_start3A_280 = tpu.memref_slice %arg2[%dma_start3A_277, %add3A_271, %dma_start3A_278, %dma_start3A_279] : memref<8x7813x8x128xf32, #tpu.memory_space<hbm>> -> memref<8x1x8x128xf32, #tpu.memory_space<hbm>>
        %dma_start3A_281 = tpu.memref_squeeze %dma_start3A_280 : memref<8x1x8x128xf32, #tpu.memory_space<hbm>> -> memref<8x8x128xf32, #tpu.memory_space<hbm>>
        %dma_start3A_282 = arith.constant 0 : i32
        %dma_start3A_283 = arith.constant 0 : i32
        %dma_start3A_284 = arith.constant 0 : i32
        %dma_start3A_285 = tpu.memref_slice %arg4[%dma_start3A, %dma_start3A_282, %dma_start3A_283, %dma_start3A_284] : memref<6x8x8x128xf32, #tpu.memory_space<vmem>> -> memref<1x8x8x128xf32, #tpu.memory_space<vmem>>
        %dma_start3A_286 = tpu.memref_squeeze %dma_start3A_285 : memref<1x8x8x128xf32, #tpu.memory_space<vmem>> -> memref<8x8x128xf32, #tpu.memory_space<vmem>>
        %dma_start3A_287 = arith.constant 0 : i32
        %dma_start3A_288 = arith.constant 0 : i32
        %dma_start3A_289 = arith.constant 0 : i32
        %dma_start3A_290 = tpu.memref_slice %arg2[%dma_start3A_287, %add3A_271, %dma_start3A_288, %dma_start3A_289] : memref<8x7813x8x128xf32, #tpu.memory_space<hbm>> -> memref<8x1x8x128xf32, #tpu.memory_space<hbm>>
        %dma_start3A_291 = tpu.memref_squeeze %dma_start3A_290 : memref<8x1x8x128xf32, #tpu.memory_space<hbm>> -> memref<8x8x128xf32, #tpu.memory_space<hbm>>
        tpu.enqueue_dma source(%dma_start3A_291 : memref<8x8x128xf32, #tpu.memory_space<hbm>>) target(%dma_start3A_286 : memref<8x8x128xf32, #tpu.memory_space<vmem>>) target_semaphore(%arg10 : memref<!tpu.dma_semaphore, #tpu.memory_space<semaphore_mem>>)
      } else {
      }
      %mul3A_245 = arith.constant 6 : i32
      %mul3A_246 = arith.muli %scan3A_134, %mul3A_245 : i32
      %add3A_247 = arith.constant 5 : i32
      %add3A_248 = arith.addi %mul3A_246, %add3A_247 : i32
      %mul3A_249 = arith.constant 32 : i32
      %mul3A_250 = arith.muli %add3A_248, %mul3A_249 : i32
      %add3A_251 = arith.addi %mul3A_250, %add3A : i32
      %lt3A_252 = arith.constant 7813 : i32
      %lt3A_253 = arith.cmpi slt, %add3A_251, %lt3A_252 : i32
      %convert_element_type3A_254 = arith.extui %lt3A_253 : i1 to i32
      %cond3A_255 = arith.constant 0 : i32
      %cond3A_256 = arith.cmpi ne, %convert_element_type3A_254, %cond3A_255 : i32
      scf.if %cond3A_256 {
        %dma_wait3A_267 = arith.constant 0 : i32
        %dma_wait3A_268 = arith.constant 5 : i32
        %dma_wait3A_269 = arith.constant 0 : i32
        %dma_wait3A_270 = arith.constant 0 : i32
        %dma_wait3A_271 = arith.constant 0 : i32
        %dma_wait3A_272 = tpu.memref_slice %arg4[%dma_wait3A_268, %dma_wait3A_269, %dma_wait3A_270, %dma_wait3A_271] : memref<6x8x8x128xf32, #tpu.memory_space<vmem>> -> memref<1x8x8x128xf32, #tpu.memory_space<vmem>>
        %dma_wait3A_273 = tpu.memref_squeeze %dma_wait3A_272 : memref<1x8x8x128xf32, #tpu.memory_space<vmem>> -> memref<8x8x128xf32, #tpu.memory_space<vmem>>
        %dma_wait3A_274 = arith.constant 0 : i32
        %dma_wait3A_275 = arith.constant 0 : i32
        %dma_wait3A_276 = arith.constant 0 : i32
        %dma_wait3A_277 = tpu.memref_slice %arg2[%dma_wait3A_274, %dma_wait3A_267, %dma_wait3A_275, %dma_wait3A_276] : memref<8x7813x8x128xf32, #tpu.memory_space<hbm>> -> memref<8x1x8x128xf32, #tpu.memory_space<hbm>>
        %dma_wait3A_278 = tpu.memref_squeeze %dma_wait3A_277 : memref<8x1x8x128xf32, #tpu.memory_space<hbm>> -> memref<8x8x128xf32, #tpu.memory_space<hbm>>
        %dma_wait3A_279 = arith.constant 0 : i32
        %dma_wait3A_280 = arith.constant 0 : i32
        %dma_wait3A_281 = arith.constant 0 : i32
        %dma_wait3A_282 = tpu.memref_slice %arg4[%dma_wait3A_268, %dma_wait3A_279, %dma_wait3A_280, %dma_wait3A_281] : memref<6x8x8x128xf32, #tpu.memory_space<vmem>> -> memref<1x8x8x128xf32, #tpu.memory_space<vmem>>
        %dma_wait3A_283 = tpu.memref_squeeze %dma_wait3A_282 : memref<1x8x8x128xf32, #tpu.memory_space<vmem>> -> memref<8x8x128xf32, #tpu.memory_space<vmem>>
        %dma_wait3A_284 = arith.constant 0 : i32
        %dma_wait3A_285 = arith.constant 0 : i32
        %dma_wait3A_286 = arith.constant 0 : i32
        %dma_wait3A_287 = tpu.memref_slice %arg2[%dma_wait3A_284, %dma_wait3A_267, %dma_wait3A_285, %dma_wait3A_286] : memref<8x7813x8x128xf32, #tpu.memory_space<hbm>> -> memref<8x1x8x128xf32, #tpu.memory_space<hbm>>
        %dma_wait3A_288 = tpu.memref_squeeze %dma_wait3A_287 : memref<8x1x8x128xf32, #tpu.memory_space<hbm>> -> memref<8x8x128xf32, #tpu.memory_space<hbm>>
        tpu.wait_dma2 semaphore(%arg11 : memref<!tpu.dma_semaphore, #tpu.memory_space<semaphore_mem>>) src(%dma_wait3A_288 : memref<8x8x128xf32, #tpu.memory_space<hbm>>) dst(%dma_wait3A_283 : memref<8x8x128xf32, #tpu.memory_space<vmem>>)
        %ge3A = arith.constant 6 : i32
        %ge3A_289 = arith.cmpi sge, %add3A_248, %ge3A : i32
        %convert_element_type3A_290 = arith.extui %ge3A_289 : i1 to i32
        %cond3A_291 = arith.constant 0 : i32
        %cond3A_292 = arith.cmpi ne, %convert_element_type3A_290, %cond3A_291 : i32
        scf.if %cond3A_292 {
          %dma_wait3A_312 = arith.constant 5 : i32
          %dma_wait3A_313 = arith.constant 0 : i32
          %dma_wait3A_314 = arith.constant 0 : i32
          %dma_wait3A_315 = tpu.memref_slice %arg5[%dma_wait3A_312, %dma_wait3A_313, %dma_wait3A_314] : memref<6x128x69xf32, #tpu.memory_space<vmem>> -> memref<1x128x64xf32, #tpu.memory_space<vmem>>
          %dma_wait3A_316 = tpu.memref_squeeze %dma_wait3A_315 : memref<1x128x64xf32, #tpu.memory_space<vmem>> -> memref<128x64xf32, #tpu.memory_space<vmem>>
          %dma_wait3A_317 = arith.constant 0 : i32
          %dma_wait3A_318 = arith.constant 0 : i32
          %dma_wait3A_319 = tpu.memref_slice %arg3[%dma_wait3A_317, %dma_wait3A_318] : memref<1000064x64xf32, #tpu.memory_space<hbm>> -> memref<128x64xf32, #tpu.memory_space<hbm>>
          %dma_wait3A_320 = arith.constant 0 : i32
          %dma_wait3A_321 = arith.constant 0 : i32
          %dma_wait3A_322 = tpu.memref_slice %arg3[%dma_wait3A_320, %dma_wait3A_321] : memref<1000064x64xf32, #tpu.memory_space<hbm>> -> memref<128x64xf32, #tpu.memory_space<hbm>>
          %dma_wait3A_323 = arith.constant 0 : i32
          %dma_wait3A_324 = arith.constant 0 : i32
          %dma_wait3A_325 = tpu.memref_slice %arg5[%dma_wait3A_312, %dma_wait3A_323, %dma_wait3A_324] : memref<6x128x69xf32, #tpu.memory_space<vmem>> -> memref<1x128x64xf32, #tpu.memory_space<vmem>>
          %dma_wait3A_326 = tpu.memref_squeeze %dma_wait3A_325 : memref<1x128x64xf32, #tpu.memory_space<vmem>> -> memref<128x64xf32, #tpu.memory_space<vmem>>
          tpu.wait_dma2 semaphore(%arg17 : memref<!tpu.dma_semaphore, #tpu.memory_space<semaphore_mem>>) src(%dma_wait3A_326 : memref<128x64xf32, #tpu.memory_space<vmem>>) dst(%dma_wait3A_322 : memref<128x64xf32, #tpu.memory_space<hbm>>)
        } else {
        }
        %parallel_loop3A = arith.constant 0 : i32
        %parallel_loop3A_293 = arith.constant 64 : i32
        %parallel_loop3A_294 = arith.constant 1 : i32
        scf.for %parallel_loop3A_312 = %parallel_loop3A to %parallel_loop3A_293 step %parallel_loop3A_294  : i32 {
          %parallel_loop3A_313 = arith.constant 8 : i32
          %parallel_loop3A_314 = arith.divsi %parallel_loop3A_312, %parallel_loop3A_313 : i32
          %parallel_loop3A_315 = arith.constant 0 : i32
          %parallel_loop3A_316 = arith.cmpi sgt, %parallel_loop3A_312, %parallel_loop3A_315 : i32
          %parallel_loop3A_317 = arith.extui %parallel_loop3A_316 : i1 to i32
          %parallel_loop3A_318 = arith.constant 0 : i32
          %parallel_loop3A_319 = arith.cmpi slt, %parallel_loop3A_312, %parallel_loop3A_318 : i32
          %parallel_loop3A_320 = arith.extui %parallel_loop3A_319 : i1 to i32
          %parallel_loop3A_321 = arith.subi %parallel_loop3A_317, %parallel_loop3A_320 : i32
          %parallel_loop3A_322 = arith.constant 0 : i32
          %parallel_loop3A_323 = arith.cmpi sgt, %parallel_loop3A_313, %parallel_loop3A_322 : i32
          %parallel_loop3A_324 = arith.extui %parallel_loop3A_323 : i1 to i32
          %parallel_loop3A_325 = arith.constant 0 : i32
          %parallel_loop3A_326 = arith.cmpi slt, %parallel_loop3A_313, %parallel_loop3A_325 : i32
          %parallel_loop3A_327 = arith.extui %parallel_loop3A_326 : i1 to i32
          %parallel_loop3A_328 = arith.subi %parallel_loop3A_324, %parallel_loop3A_327 : i32
          %parallel_loop3A_329 = arith.cmpi ne, %parallel_loop3A_321, %parallel_loop3A_328 : i32
          %parallel_loop3A_330 = arith.remsi %parallel_loop3A_312, %parallel_loop3A_313 : i32
          %parallel_loop3A_331 = arith.constant 0 : i32
          %parallel_loop3A_332 = arith.cmpi ne, %parallel_loop3A_330, %parallel_loop3A_331 : i32
          %parallel_loop3A_333 = arith.andi %parallel_loop3A_329, %parallel_loop3A_332 : i1
          %parallel_loop3A_334 = arith.constant 1 : i32
          %parallel_loop3A_335 = arith.subi %parallel_loop3A_314, %parallel_loop3A_334 : i32
          %parallel_loop3A_336 = arith.select %parallel_loop3A_333, %parallel_loop3A_335, %parallel_loop3A_314 : i32
          %parallel_loop3A_337 = arith.constant 8 : i32
          %parallel_loop3A_338 = arith.remsi %parallel_loop3A_312, %parallel_loop3A_337 : i32
          %parallel_loop3A_339 = vector.broadcast %parallel_loop3A_312 : i32 to vector<16xi32>
          %parallel_loop3A_340 = arith.constant 5 : i32
          %parallel_loop3A_341 = arith.index_cast %parallel_loop3A_340 : i32 to index
          %parallel_loop3A_342 = arith.index_cast %parallel_loop3A_336 : i32 to index
          %parallel_loop3A_343 = arith.index_cast %parallel_loop3A_338 : i32 to index
          %parallel_loop3A_344 = arith.constant 0 : index
          %parallel_loop3A_345 = tpu.vector_load %arg4[%parallel_loop3A_341, %parallel_loop3A_342, %parallel_loop3A_343, %parallel_loop3A_344] {strides = array<i32>} : memref<6x8x8x128xf32, #tpu.memory_space<vmem>>, vector<16xf32>,
          %parallel_loop3A_346 = arith.constant 0 : i32
          %parallel_loop3A_347 = vector.broadcast %parallel_loop3A_346 : i32 to vector<16xi32>
          %parallel_loop3A_348 = arith.addi %parallel_loop3A_347, %iota3A : vector<16xi32>
          %parallel_loop3A_349 = arith.constant 5 : i32
          %parallel_loop3A_350 = arith.constant 0 : i32
          %parallel_loop3A_351 = arith.constant 0 : i32
          %parallel_loop3A_352 = tpu.memref_slice %arg5[%parallel_loop3A_349, %parallel_loop3A_350, %parallel_loop3A_351] : memref<6x128x69xf32, #tpu.memory_space<vmem>> -> memref<1x128x69xf32, #tpu.memory_space<vmem>>
          %parallel_loop3A_353 = tpu.memref_squeeze %parallel_loop3A_352 : memref<1x128x69xf32, #tpu.memory_space<vmem>> -> memref<128x69xf32, #tpu.memory_space<vmem>>
          tpu.vector_store_idx %parallel_loop3A_353[%parallel_loop3A_348, %parallel_loop3A_339], %parallel_loop3A_345 : memref<128x69xf32, #tpu.memory_space<vmem>>[vector<16xi32>, vector<16xi32>], vector<16xf32>,
          %parallel_loop3A_354 = arith.constant 5 : i32
          %parallel_loop3A_355 = arith.index_cast %parallel_loop3A_354 : i32 to index
          %parallel_loop3A_356 = arith.index_cast %parallel_loop3A_336 : i32 to index
          %parallel_loop3A_357 = arith.index_cast %parallel_loop3A_338 : i32 to index
          %parallel_loop3A_358 = arith.constant 16 : index
          %parallel_loop3A_359 = tpu.vector_load %arg4[%parallel_loop3A_355, %parallel_loop3A_356, %parallel_loop3A_357, %parallel_loop3A_358] {strides = array<i32>} : memref<6x8x8x128xf32, #tpu.memory_space<vmem>>, vector<16xf32>,
          %parallel_loop3A_360 = arith.constant 16 : i32
          %parallel_loop3A_361 = vector.broadcast %parallel_loop3A_360 : i32 to vector<16xi32>
          %parallel_loop3A_362 = arith.addi %parallel_loop3A_361, %iota3A : vector<16xi32>
          %parallel_loop3A_363 = arith.constant 5 : i32
          %parallel_loop3A_364 = arith.constant 0 : i32
          %parallel_loop3A_365 = arith.constant 0 : i32
          %parallel_loop3A_366 = tpu.memref_slice %arg5[%parallel_loop3A_363, %parallel_loop3A_364, %parallel_loop3A_365] : memref<6x128x69xf32, #tpu.memory_space<vmem>> -> memref<1x128x69xf32, #tpu.memory_space<vmem>>
          %parallel_loop3A_367 = tpu.memref_squeeze %parallel_loop3A_366 : memref<1x128x69xf32, #tpu.memory_space<vmem>> -> memref<128x69xf32, #tpu.memory_space<vmem>>
          tpu.vector_store_idx %parallel_loop3A_367[%parallel_loop3A_362, %parallel_loop3A_339], %parallel_loop3A_359 : memref<128x69xf32, #tpu.memory_space<vmem>>[vector<16xi32>, vector<16xi32>], vector<16xf32>,
          %parallel_loop3A_368 = arith.constant 5 : i32
          %parallel_loop3A_369 = arith.index_cast %parallel_loop3A_368 : i32 to index
          %parallel_loop3A_370 = arith.index_cast %parallel_loop3A_336 : i32 to index
          %parallel_loop3A_371 = arith.index_cast %parallel_loop3A_338 : i32 to index
          %parallel_loop3A_372 = arith.constant 32 : index
          %parallel_loop3A_373 = tpu.vector_load %arg4[%parallel_loop3A_369, %parallel_loop3A_370, %parallel_loop3A_371, %parallel_loop3A_372] {strides = array<i32>} : memref<6x8x8x128xf32, #tpu.memory_space<vmem>>, vector<16xf32>,
          %parallel_loop3A_374 = arith.constant 32 : i32
          %parallel_loop3A_375 = vector.broadcast %parallel_loop3A_374 : i32 to vector<16xi32>
          %parallel_loop3A_376 = arith.addi %parallel_loop3A_375, %iota3A : vector<16xi32>
          %parallel_loop3A_377 = arith.constant 5 : i32
          %parallel_loop3A_378 = arith.constant 0 : i32
          %parallel_loop3A_379 = arith.constant 0 : i32
          %parallel_loop3A_380 = tpu.memref_slice %arg5[%parallel_loop3A_377, %parallel_loop3A_378, %parallel_loop3A_379] : memref<6x128x69xf32, #tpu.memory_space<vmem>> -> memref<1x128x69xf32, #tpu.memory_space<vmem>>
          %parallel_loop3A_381 = tpu.memref_squeeze %parallel_loop3A_380 : memref<1x128x69xf32, #tpu.memory_space<vmem>> -> memref<128x69xf32, #tpu.memory_space<vmem>>
          tpu.vector_store_idx %parallel_loop3A_381[%parallel_loop3A_376, %parallel_loop3A_339], %parallel_loop3A_373 : memref<128x69xf32, #tpu.memory_space<vmem>>[vector<16xi32>, vector<16xi32>], vector<16xf32>,
          %parallel_loop3A_382 = arith.constant 5 : i32
          %parallel_loop3A_383 = arith.index_cast %parallel_loop3A_382 : i32 to index
          %parallel_loop3A_384 = arith.index_cast %parallel_loop3A_336 : i32 to index
          %parallel_loop3A_385 = arith.index_cast %parallel_loop3A_338 : i32 to index
          %parallel_loop3A_386 = arith.constant 48 : index
          %parallel_loop3A_387 = tpu.vector_load %arg4[%parallel_loop3A_383, %parallel_loop3A_384, %parallel_loop3A_385, %parallel_loop3A_386] {strides = array<i32>} : memref<6x8x8x128xf32, #tpu.memory_space<vmem>>, vector<16xf32>,
          %parallel_loop3A_388 = arith.constant 48 : i32
          %parallel_loop3A_389 = vector.broadcast %parallel_loop3A_388 : i32 to vector<16xi32>
          %parallel_loop3A_390 = arith.addi %parallel_loop3A_389, %iota3A : vector<16xi32>
          %parallel_loop3A_391 = arith.constant 5 : i32
          %parallel_loop3A_392 = arith.constant 0 : i32
          %parallel_loop3A_393 = arith.constant 0 : i32
          %parallel_loop3A_394 = tpu.memref_slice %arg5[%parallel_loop3A_391, %parallel_loop3A_392, %parallel_loop3A_393] : memref<6x128x69xf32, #tpu.memory_space<vmem>> -> memref<1x128x69xf32, #tpu.memory_space<vmem>>
          %parallel_loop3A_395 = tpu.memref_squeeze %parallel_loop3A_394 : memref<1x128x69xf32, #tpu.memory_space<vmem>> -> memref<128x69xf32, #tpu.memory_space<vmem>>
          tpu.vector_store_idx %parallel_loop3A_395[%parallel_loop3A_390, %parallel_loop3A_339], %parallel_loop3A_387 : memref<128x69xf32, #tpu.memory_space<vmem>>[vector<16xi32>, vector<16xi32>], vector<16xf32>,
          %parallel_loop3A_396 = arith.constant 5 : i32
          %parallel_loop3A_397 = arith.index_cast %parallel_loop3A_396 : i32 to index
          %parallel_loop3A_398 = arith.index_cast %parallel_loop3A_336 : i32 to index
          %parallel_loop3A_399 = arith.index_cast %parallel_loop3A_338 : i32 to index
          %parallel_loop3A_400 = arith.constant 64 : index
          %parallel_loop3A_401 = tpu.vector_load %arg4[%parallel_loop3A_397, %parallel_loop3A_398, %parallel_loop3A_399, %parallel_loop3A_400] {strides = array<i32>} : memref<6x8x8x128xf32, #tpu.memory_space<vmem>>, vector<16xf32>,
          %parallel_loop3A_402 = arith.constant 64 : i32
          %parallel_loop3A_403 = vector.broadcast %parallel_loop3A_402 : i32 to vector<16xi32>
          %parallel_loop3A_404 = arith.addi %parallel_loop3A_403, %iota3A : vector<16xi32>
          %parallel_loop3A_405 = arith.constant 5 : i32
          %parallel_loop3A_406 = arith.constant 0 : i32
          %parallel_loop3A_407 = arith.constant 0 : i32
          %parallel_loop3A_408 = tpu.memref_slice %arg5[%parallel_loop3A_405, %parallel_loop3A_406, %parallel_loop3A_407] : memref<6x128x69xf32, #tpu.memory_space<vmem>> -> memref<1x128x69xf32, #tpu.memory_space<vmem>>
          %parallel_loop3A_409 = tpu.memref_squeeze %parallel_loop3A_408 : memref<1x128x69xf32, #tpu.memory_space<vmem>> -> memref<128x69xf32, #tpu.memory_space<vmem>>
          tpu.vector_store_idx %parallel_loop3A_409[%parallel_loop3A_404, %parallel_loop3A_339], %parallel_loop3A_401 : memref<128x69xf32, #tpu.memory_space<vmem>>[vector<16xi32>, vector<16xi32>], vector<16xf32>,
          %parallel_loop3A_410 = arith.constant 5 : i32
          %parallel_loop3A_411 = arith.index_cast %parallel_loop3A_410 : i32 to index
          %parallel_loop3A_412 = arith.index_cast %parallel_loop3A_336 : i32 to index
          %parallel_loop3A_413 = arith.index_cast %parallel_loop3A_338 : i32 to index
          %parallel_loop3A_414 = arith.constant 80 : index
          %parallel_loop3A_415 = tpu.vector_load %arg4[%parallel_loop3A_411, %parallel_loop3A_412, %parallel_loop3A_413, %parallel_loop3A_414] {strides = array<i32>} : memref<6x8x8x128xf32, #tpu.memory_space<vmem>>, vector<16xf32>,
          %parallel_loop3A_416 = arith.constant 80 : i32
          %parallel_loop3A_417 = vector.broadcast %parallel_loop3A_416 : i32 to vector<16xi32>
          %parallel_loop3A_418 = arith.addi %parallel_loop3A_417, %iota3A : vector<16xi32>
          %parallel_loop3A_419 = arith.constant 5 : i32
          %parallel_loop3A_420 = arith.constant 0 : i32
          %parallel_loop3A_421 = arith.constant 0 : i32
          %parallel_loop3A_422 = tpu.memref_slice %arg5[%parallel_loop3A_419, %parallel_loop3A_420, %parallel_loop3A_421] : memref<6x128x69xf32, #tpu.memory_space<vmem>> -> memref<1x128x69xf32, #tpu.memory_space<vmem>>
          %parallel_loop3A_423 = tpu.memref_squeeze %parallel_loop3A_422 : memref<1x128x69xf32, #tpu.memory_space<vmem>> -> memref<128x69xf32, #tpu.memory_space<vmem>>
          tpu.vector_store_idx %parallel_loop3A_423[%parallel_loop3A_418, %parallel_loop3A_339], %parallel_loop3A_415 : memref<128x69xf32, #tpu.memory_space<vmem>>[vector<16xi32>, vector<16xi32>], vector<16xf32>,
          %parallel_loop3A_424 = arith.constant 5 : i32
          %parallel_loop3A_425 = arith.index_cast %parallel_loop3A_424 : i32 to index
          %parallel_loop3A_426 = arith.index_cast %parallel_loop3A_336 : i32 to index
          %parallel_loop3A_427 = arith.index_cast %parallel_loop3A_338 : i32 to index
          %parallel_loop3A_428 = arith.constant 96 : index
          %parallel_loop3A_429 = tpu.vector_load %arg4[%parallel_loop3A_425, %parallel_loop3A_426, %parallel_loop3A_427, %parallel_loop3A_428] {strides = array<i32>} : memref<6x8x8x128xf32, #tpu.memory_space<vmem>>, vector<16xf32>,
          %parallel_loop3A_430 = arith.constant 96 : i32
          %parallel_loop3A_431 = vector.broadcast %parallel_loop3A_430 : i32 to vector<16xi32>
          %parallel_loop3A_432 = arith.addi %parallel_loop3A_431, %iota3A : vector<16xi32>
          %parallel_loop3A_433 = arith.constant 5 : i32
          %parallel_loop3A_434 = arith.constant 0 : i32
          %parallel_loop3A_435 = arith.constant 0 : i32
          %parallel_loop3A_436 = tpu.memref_slice %arg5[%parallel_loop3A_433, %parallel_loop3A_434, %parallel_loop3A_435] : memref<6x128x69xf32, #tpu.memory_space<vmem>> -> memref<1x128x69xf32, #tpu.memory_space<vmem>>
          %parallel_loop3A_437 = tpu.memref_squeeze %parallel_loop3A_436 : memref<1x128x69xf32, #tpu.memory_space<vmem>> -> memref<128x69xf32, #tpu.memory_space<vmem>>
          tpu.vector_store_idx %parallel_loop3A_437[%parallel_loop3A_432, %parallel_loop3A_339], %parallel_loop3A_429 : memref<128x69xf32, #tpu.memory_space<vmem>>[vector<16xi32>, vector<16xi32>], vector<16xf32>,
          %parallel_loop3A_438 = arith.constant 5 : i32
          %parallel_loop3A_439 = arith.index_cast %parallel_loop3A_438 : i32 to index
          %parallel_loop3A_440 = arith.index_cast %parallel_loop3A_336 : i32 to index
          %parallel_loop3A_441 = arith.index_cast %parallel_loop3A_338 : i32 to index
          %parallel_loop3A_442 = arith.constant 112 : index
          %parallel_loop3A_443 = tpu.vector_load %arg4[%parallel_loop3A_439, %parallel_loop3A_440, %parallel_loop3A_441, %parallel_loop3A_442] {strides = array<i32>} : memref<6x8x8x128xf32, #tpu.memory_space<vmem>>, vector<16xf32>,
          %parallel_loop3A_444 = arith.constant 112 : i32
          %parallel_loop3A_445 = vector.broadcast %parallel_loop3A_444 : i32 to vector<16xi32>
          %parallel_loop3A_446 = arith.addi %parallel_loop3A_445, %iota3A : vector<16xi32>
          %parallel_loop3A_447 = arith.constant 5 : i32
          %parallel_loop3A_448 = arith.constant 0 : i32
          %parallel_loop3A_449 = arith.constant 0 : i32
          %parallel_loop3A_450 = tpu.memref_slice %arg5[%parallel_loop3A_447, %parallel_loop3A_448, %parallel_loop3A_449] : memref<6x128x69xf32, #tpu.memory_space<vmem>> -> memref<1x128x69xf32, #tpu.memory_space<vmem>>
          %parallel_loop3A_451 = tpu.memref_squeeze %parallel_loop3A_450 : memref<1x128x69xf32, #tpu.memory_space<vmem>> -> memref<128x69xf32, #tpu.memory_space<vmem>>
          tpu.vector_store_idx %parallel_loop3A_451[%parallel_loop3A_446, %parallel_loop3A_339], %parallel_loop3A_443 : memref<128x69xf32, #tpu.memory_space<vmem>>[vector<16xi32>, vector<16xi32>], vector<16xf32>,
        } {sc.loop_unroll_factor = 4 : i64, sc.parallel_access}
        %mul3A_295 = arith.constant 32 : i32
        %mul3A_296 = arith.muli %add3A_248, %mul3A_295 : i32
        %add3A_297 = arith.addi %mul3A_296, %add3A : i32
        %mul3A_298 = arith.constant 128 : i32
        %mul3A_299 = arith.muli %add3A_297, %mul3A_298 : i32
        %dma_start3A = arith.constant 5 : i32
        %dma_start3A_300 = arith.constant 0 : i32
        %dma_start3A_301 = arith.constant 0 : i32
        %dma_start3A_302 = tpu.memref_slice %arg5[%dma_start3A, %dma_start3A_300, %dma_start3A_301] : memref<6x128x69xf32, #tpu.memory_space<vmem>> -> memref<1x128x64xf32, #tpu.memory_space<vmem>>
        %dma_start3A_303 = tpu.memref_squeeze %dma_start3A_302 : memref<1x128x64xf32, #tpu.memory_space<vmem>> -> memref<128x64xf32, #tpu.memory_space<vmem>>
        %dma_start3A_304 = arith.constant 0 : i32
        %dma_start3A_305 = tpu.memref_slice %arg3[%mul3A_299, %dma_start3A_304] : memref<1000064x64xf32, #tpu.memory_space<hbm>> -> memref<128x64xf32, #tpu.memory_space<hbm>>
        %dma_start3A_306 = arith.constant 0 : i32
        %dma_start3A_307 = tpu.memref_slice %arg3[%mul3A_299, %dma_start3A_306] : memref<1000064x64xf32, #tpu.memory_space<hbm>> -> memref<128x64xf32, #tpu.memory_space<hbm>>
        %dma_start3A_308 = arith.constant 0 : i32
        %dma_start3A_309 = arith.constant 0 : i32
        %dma_start3A_310 = tpu.memref_slice %arg5[%dma_start3A, %dma_start3A_308, %dma_start3A_309] : memref<6x128x69xf32, #tpu.memory_space<vmem>> -> memref<1x128x64xf32, #tpu.memory_space<vmem>>
        %dma_start3A_311 = tpu.memref_squeeze %dma_start3A_310 : memref<1x128x64xf32, #tpu.memory_space<vmem>> -> memref<128x64xf32, #tpu.memory_space<vmem>>
        tpu.enqueue_dma source(%dma_start3A_311 : memref<128x64xf32, #tpu.memory_space<vmem>>) target(%dma_start3A_307 : memref<128x64xf32, #tpu.memory_space<hbm>>) target_semaphore(%arg17 : memref<!tpu.dma_semaphore, #tpu.memory_space<semaphore_mem>>)
      } else {
      }
      %add3A_257 = arith.constant 6 : i32
      %add3A_258 = arith.addi %add3A_248, %add3A_257 : i32
      %mul3A_259 = arith.constant 32 : i32
      %mul3A_260 = arith.muli %add3A_258, %mul3A_259 : i32
      %add3A_261 = arith.addi %mul3A_260, %add3A : i32
      %lt3A_262 = arith.constant 7813 : i32
      %lt3A_263 = arith.cmpi slt, %add3A_261, %lt3A_262 : i32
      %convert_element_type3A_264 = arith.extui %lt3A_263 : i1 to i32
      %cond3A_265 = arith.constant 0 : i32
      %cond3A_266 = arith.cmpi ne, %convert_element_type3A_264, %cond3A_265 : i32
      scf.if %cond3A_266 {
        %add3A_267 = arith.constant 6 : i32
        %add3A_268 = arith.addi %add3A_248, %add3A_267 : i32
        %mul3A_269 = arith.constant 32 : i32
        %mul3A_270 = arith.muli %add3A_268, %mul3A_269 : i32
        %add3A_271 = arith.addi %mul3A_270, %add3A : i32
        %dma_start3A = arith.constant 5 : i32
        %dma_start3A_272 = arith.constant 0 : i32
        %dma_start3A_273 = arith.constant 0 : i32
        %dma_start3A_274 = arith.constant 0 : i32
        %dma_start3A_275 = tpu.memref_slice %arg4[%dma_start3A, %dma_start3A_272, %dma_start3A_273, %dma_start3A_274] : memref<6x8x8x128xf32, #tpu.memory_space<vmem>> -> memref<1x8x8x128xf32, #tpu.memory_space<vmem>>
        %dma_start3A_276 = tpu.memref_squeeze %dma_start3A_275 : memref<1x8x8x128xf32, #tpu.memory_space<vmem>> -> memref<8x8x128xf32, #tpu.memory_space<vmem>>
        %dma_start3A_277 = arith.constant 0 : i32
        %dma_start3A_278 = arith.constant 0 : i32
        %dma_start3A_279 = arith.constant 0 : i32
        %dma_start3A_280 = tpu.memref_slice %arg2[%dma_start3A_277, %add3A_271, %dma_start3A_278, %dma_start3A_279] : memref<8x7813x8x128xf32, #tpu.memory_space<hbm>> -> memref<8x1x8x128xf32, #tpu.memory_space<hbm>>
        %dma_start3A_281 = tpu.memref_squeeze %dma_start3A_280 : memref<8x1x8x128xf32, #tpu.memory_space<hbm>> -> memref<8x8x128xf32, #tpu.memory_space<hbm>>
        %dma_start3A_282 = arith.constant 0 : i32
        %dma_start3A_283 = arith.constant 0 : i32
        %dma_start3A_284 = arith.constant 0 : i32
        %dma_start3A_285 = tpu.memref_slice %arg4[%dma_start3A, %dma_start3A_282, %dma_start3A_283, %dma_start3A_284] : memref<6x8x8x128xf32, #tpu.memory_space<vmem>> -> memref<1x8x8x128xf32, #tpu.memory_space<vmem>>
        %dma_start3A_286 = tpu.memref_squeeze %dma_start3A_285 : memref<1x8x8x128xf32, #tpu.memory_space<vmem>> -> memref<8x8x128xf32, #tpu.memory_space<vmem>>
        %dma_start3A_287 = arith.constant 0 : i32
        %dma_start3A_288 = arith.constant 0 : i32
        %dma_start3A_289 = arith.constant 0 : i32
        %dma_start3A_290 = tpu.memref_slice %arg2[%dma_start3A_287, %add3A_271, %dma_start3A_288, %dma_start3A_289] : memref<8x7813x8x128xf32, #tpu.memory_space<hbm>> -> memref<8x1x8x128xf32, #tpu.memory_space<hbm>>
        %dma_start3A_291 = tpu.memref_squeeze %dma_start3A_290 : memref<8x1x8x128xf32, #tpu.memory_space<hbm>> -> memref<8x8x128xf32, #tpu.memory_space<hbm>>
        tpu.enqueue_dma source(%dma_start3A_291 : memref<8x8x128xf32, #tpu.memory_space<hbm>>) target(%dma_start3A_286 : memref<8x8x128xf32, #tpu.memory_space<vmem>>) target_semaphore(%arg11 : memref<!tpu.dma_semaphore, #tpu.memory_space<semaphore_mem>>)
      } else {
      }
    }
    %scan3A_44 = arith.constant 41 : i32
    %dma_wait3A = arith.constant 0 : i32
    %dma_wait3A_45 = arith.constant 0 : i32
    %dma_wait3A_46 = arith.constant 0 : i32
    %dma_wait3A_47 = tpu.memref_slice %arg5[%dma_wait3A, %dma_wait3A_45, %dma_wait3A_46] : memref<6x128x69xf32, #tpu.memory_space<vmem>> -> memref<1x128x64xf32, #tpu.memory_space<vmem>>
    %dma_wait3A_48 = tpu.memref_squeeze %dma_wait3A_47 : memref<1x128x64xf32, #tpu.memory_space<vmem>> -> memref<128x64xf32, #tpu.memory_space<vmem>>
    %dma_wait3A_49 = arith.constant 0 : i32
    %dma_wait3A_50 = arith.constant 0 : i32
    %dma_wait3A_51 = tpu.memref_slice %arg3[%dma_wait3A_49, %dma_wait3A_50] : memref<1000064x64xf32, #tpu.memory_space<hbm>> -> memref<128x64xf32, #tpu.memory_space<hbm>>
    %dma_wait3A_52 = arith.constant 0 : i32
    %dma_wait3A_53 = arith.constant 0 : i32
    %dma_wait3A_54 = tpu.memref_slice %arg3[%dma_wait3A_52, %dma_wait3A_53] : memref<1000064x64xf32, #tpu.memory_space<hbm>> -> memref<128x64xf32, #tpu.memory_space<hbm>>
    %dma_wait3A_55 = arith.constant 0 : i32
    %dma_wait3A_56 = arith.constant 0 : i32
    %dma_wait3A_57 = tpu.memref_slice %arg5[%dma_wait3A, %dma_wait3A_55, %dma_wait3A_56] : memref<6x128x69xf32, #tpu.memory_space<vmem>> -> memref<1x128x64xf32, #tpu.memory_space<vmem>>
    %dma_wait3A_58 = tpu.memref_squeeze %dma_wait3A_57 : memref<1x128x64xf32, #tpu.memory_space<vmem>> -> memref<128x64xf32, #tpu.memory_space<vmem>>
    tpu.wait_dma2 semaphore(%arg12 : memref<!tpu.dma_semaphore, #tpu.memory_space<semaphore_mem>>) src(%dma_wait3A_58 : memref<128x64xf32, #tpu.memory_space<vmem>>) dst(%dma_wait3A_54 : memref<128x64xf32, #tpu.memory_space<hbm>>)
    %dma_wait3A_59 = arith.constant 1 : i32
    %dma_wait3A_60 = arith.constant 0 : i32
    %dma_wait3A_61 = arith.constant 0 : i32
    %dma_wait3A_62 = tpu.memref_slice %arg5[%dma_wait3A_59, %dma_wait3A_60, %dma_wait3A_61] : memref<6x128x69xf32, #tpu.memory_space<vmem>> -> memref<1x128x64xf32, #tpu.memory_space<vmem>>
    %dma_wait3A_63 = tpu.memref_squeeze %dma_wait3A_62 : memref<1x128x64xf32, #tpu.memory_space<vmem>> -> memref<128x64xf32, #tpu.memory_space<vmem>>
    %dma_wait3A_64 = arith.constant 0 : i32
    %dma_wait3A_65 = arith.constant 0 : i32
    %dma_wait3A_66 = tpu.memref_slice %arg3[%dma_wait3A_64, %dma_wait3A_65] : memref<1000064x64xf32, #tpu.memory_space<hbm>> -> memref<128x64xf32, #tpu.memory_space<hbm>>
    %dma_wait3A_67 = arith.constant 0 : i32
    %dma_wait3A_68 = arith.constant 0 : i32
    %dma_wait3A_69 = tpu.memref_slice %arg3[%dma_wait3A_67, %dma_wait3A_68] : memref<1000064x64xf32, #tpu.memory_space<hbm>> -> memref<128x64xf32, #tpu.memory_space<hbm>>
    %dma_wait3A_70 = arith.constant 0 : i32
    %dma_wait3A_71 = arith.constant 0 : i32
    %dma_wait3A_72 = tpu.memref_slice %arg5[%dma_wait3A_59, %dma_wait3A_70, %dma_wait3A_71] : memref<6x128x69xf32, #tpu.memory_space<vmem>> -> memref<1x128x64xf32, #tpu.memory_space<vmem>>
    %dma_wait3A_73 = tpu.memref_squeeze %dma_wait3A_72 : memref<1x128x64xf32, #tpu.memory_space<vmem>> -> memref<128x64xf32, #tpu.memory_space<vmem>>
    tpu.wait_dma2 semaphore(%arg13 : memref<!tpu.dma_semaphore, #tpu.memory_space<semaphore_mem>>) src(%dma_wait3A_73 : memref<128x64xf32, #tpu.memory_space<vmem>>) dst(%dma_wait3A_69 : memref<128x64xf32, #tpu.memory_space<hbm>>)
    %dma_wait3A_74 = arith.constant 2 : i32
    %dma_wait3A_75 = arith.constant 0 : i32
    %dma_wait3A_76 = arith.constant 0 : i32
    %dma_wait3A_77 = tpu.memref_slice %arg5[%dma_wait3A_74, %dma_wait3A_75, %dma_wait3A_76] : memref<6x128x69xf32, #tpu.memory_space<vmem>> -> memref<1x128x64xf32, #tpu.memory_space<vmem>>
    %dma_wait3A_78 = tpu.memref_squeeze %dma_wait3A_77 : memref<1x128x64xf32, #tpu.memory_space<vmem>> -> memref<128x64xf32, #tpu.memory_space<vmem>>
    %dma_wait3A_79 = arith.constant 0 : i32
    %dma_wait3A_80 = arith.constant 0 : i32
    %dma_wait3A_81 = tpu.memref_slice %arg3[%dma_wait3A_79, %dma_wait3A_80] : memref<1000064x64xf32, #tpu.memory_space<hbm>> -> memref<128x64xf32, #tpu.memory_space<hbm>>
    %dma_wait3A_82 = arith.constant 0 : i32
    %dma_wait3A_83 = arith.constant 0 : i32
    %dma_wait3A_84 = tpu.memref_slice %arg3[%dma_wait3A_82, %dma_wait3A_83] : memref<1000064x64xf32, #tpu.memory_space<hbm>> -> memref<128x64xf32, #tpu.memory_space<hbm>>
    %dma_wait3A_85 = arith.constant 0 : i32
    %dma_wait3A_86 = arith.constant 0 : i32
    %dma_wait3A_87 = tpu.memref_slice %arg5[%dma_wait3A_74, %dma_wait3A_85, %dma_wait3A_86] : memref<6x128x69xf32, #tpu.memory_space<vmem>> -> memref<1x128x64xf32, #tpu.memory_space<vmem>>
    %dma_wait3A_88 = tpu.memref_squeeze %dma_wait3A_87 : memref<1x128x64xf32, #tpu.memory_space<vmem>> -> memref<128x64xf32, #tpu.memory_space<vmem>>
    tpu.wait_dma2 semaphore(%arg14 : memref<!tpu.dma_semaphore, #tpu.memory_space<semaphore_mem>>) src(%dma_wait3A_88 : memref<128x64xf32, #tpu.memory_space<vmem>>) dst(%dma_wait3A_84 : memref<128x64xf32, #tpu.memory_space<hbm>>)
    %dma_wait3A_89 = arith.constant 3 : i32
    %dma_wait3A_90 = arith.constant 0 : i32
    %dma_wait3A_91 = arith.constant 0 : i32
    %dma_wait3A_92 = tpu.memref_slice %arg5[%dma_wait3A_89, %dma_wait3A_90, %dma_wait3A_91] : memref<6x128x69xf32, #tpu.memory_space<vmem>> -> memref<1x128x64xf32, #tpu.memory_space<vmem>>
    %dma_wait3A_93 = tpu.memref_squeeze %dma_wait3A_92 : memref<1x128x64xf32, #tpu.memory_space<vmem>> -> memref<128x64xf32, #tpu.memory_space<vmem>>
    %dma_wait3A_94 = arith.constant 0 : i32
    %dma_wait3A_95 = arith.constant 0 : i32
    %dma_wait3A_96 = tpu.memref_slice %arg3[%dma_wait3A_94, %dma_wait3A_95] : memref<1000064x64xf32, #tpu.memory_space<hbm>> -> memref<128x64xf32, #tpu.memory_space<hbm>>
    %dma_wait3A_97 = arith.constant 0 : i32
    %dma_wait3A_98 = arith.constant 0 : i32
    %dma_wait3A_99 = tpu.memref_slice %arg3[%dma_wait3A_97, %dma_wait3A_98] : memref<1000064x64xf32, #tpu.memory_space<hbm>> -> memref<128x64xf32, #tpu.memory_space<hbm>>
    %dma_wait3A_100 = arith.constant 0 : i32
    %dma_wait3A_101 = arith.constant 0 : i32
    %dma_wait3A_102 = tpu.memref_slice %arg5[%dma_wait3A_89, %dma_wait3A_100, %dma_wait3A_101] : memref<6x128x69xf32, #tpu.memory_space<vmem>> -> memref<1x128x64xf32, #tpu.memory_space<vmem>>
    %dma_wait3A_103 = tpu.memref_squeeze %dma_wait3A_102 : memref<1x128x64xf32, #tpu.memory_space<vmem>> -> memref<128x64xf32, #tpu.memory_space<vmem>>
    tpu.wait_dma2 semaphore(%arg15 : memref<!tpu.dma_semaphore, #tpu.memory_space<semaphore_mem>>) src(%dma_wait3A_103 : memref<128x64xf32, #tpu.memory_space<vmem>>) dst(%dma_wait3A_99 : memref<128x64xf32, #tpu.memory_space<hbm>>)
    %dma_wait3A_104 = arith.constant 4 : i32
    %dma_wait3A_105 = arith.constant 0 : i32
    %dma_wait3A_106 = arith.constant 0 : i32
    %dma_wait3A_107 = tpu.memref_slice %arg5[%dma_wait3A_104, %dma_wait3A_105, %dma_wait3A_106] : memref<6x128x69xf32, #tpu.memory_space<vmem>> -> memref<1x128x64xf32, #tpu.memory_space<vmem>>
    %dma_wait3A_108 = tpu.memref_squeeze %dma_wait3A_107 : memref<1x128x64xf32, #tpu.memory_space<vmem>> -> memref<128x64xf32, #tpu.memory_space<vmem>>
    %dma_wait3A_109 = arith.constant 0 : i32
    %dma_wait3A_110 = arith.constant 0 : i32
    %dma_wait3A_111 = tpu.memref_slice %arg3[%dma_wait3A_109, %dma_wait3A_110] : memref<1000064x64xf32, #tpu.memory_space<hbm>> -> memref<128x64xf32, #tpu.memory_space<hbm>>
    %dma_wait3A_112 = arith.constant 0 : i32
    %dma_wait3A_113 = arith.constant 0 : i32
    %dma_wait3A_114 = tpu.memref_slice %arg3[%dma_wait3A_112, %dma_wait3A_113] : memref<1000064x64xf32, #tpu.memory_space<hbm>> -> memref<128x64xf32, #tpu.memory_space<hbm>>
    %dma_wait3A_115 = arith.constant 0 : i32
    %dma_wait3A_116 = arith.constant 0 : i32
    %dma_wait3A_117 = tpu.memref_slice %arg5[%dma_wait3A_104, %dma_wait3A_115, %dma_wait3A_116] : memref<6x128x69xf32, #tpu.memory_space<vmem>> -> memref<1x128x64xf32, #tpu.memory_space<vmem>>
    %dma_wait3A_118 = tpu.memref_squeeze %dma_wait3A_117 : memref<1x128x64xf32, #tpu.memory_space<vmem>> -> memref<128x64xf32, #tpu.memory_space<vmem>>
    tpu.wait_dma2 semaphore(%arg16 : memref<!tpu.dma_semaphore, #tpu.memory_space<semaphore_mem>>) src(%dma_wait3A_118 : memref<128x64xf32, #tpu.memory_space<vmem>>) dst(%dma_wait3A_114 : memref<128x64xf32, #tpu.memory_space<hbm>>)
    %dma_wait3A_119 = arith.constant 5 : i32
    %dma_wait3A_120 = arith.constant 0 : i32
    %dma_wait3A_121 = arith.constant 0 : i32
    %dma_wait3A_122 = tpu.memref_slice %arg5[%dma_wait3A_119, %dma_wait3A_120, %dma_wait3A_121] : memref<6x128x69xf32, #tpu.memory_space<vmem>> -> memref<1x128x64xf32, #tpu.memory_space<vmem>>
    %dma_wait3A_123 = tpu.memref_squeeze %dma_wait3A_122 : memref<1x128x64xf32, #tpu.memory_space<vmem>> -> memref<128x64xf32, #tpu.memory_space<vmem>>
    %dma_wait3A_124 = arith.constant 0 : i32
    %dma_wait3A_125 = arith.constant 0 : i32
    %dma_wait3A_126 = tpu.memref_slice %arg3[%dma_wait3A_124, %dma_wait3A_125] : memref<1000064x64xf32, #tpu.memory_space<hbm>> -> memref<128x64xf32, #tpu.memory_space<hbm>>
    %dma_wait3A_127 = arith.constant 0 : i32
    %dma_wait3A_128 = arith.constant 0 : i32
    %dma_wait3A_129 = tpu.memref_slice %arg3[%dma_wait3A_127, %dma_wait3A_128] : memref<1000064x64xf32, #tpu.memory_space<hbm>> -> memref<128x64xf32, #tpu.memory_space<hbm>>
    %dma_wait3A_130 = arith.constant 0 : i32
    %dma_wait3A_131 = arith.constant 0 : i32
    %dma_wait3A_132 = tpu.memref_slice %arg5[%dma_wait3A_119, %dma_wait3A_130, %dma_wait3A_131] : memref<6x128x69xf32, #tpu.memory_space<vmem>> -> memref<1x128x64xf32, #tpu.memory_space<vmem>>
    %dma_wait3A_133 = tpu.memref_squeeze %dma_wait3A_132 : memref<1x128x64xf32, #tpu.memory_space<vmem>> -> memref<128x64xf32, #tpu.memory_space<vmem>>
    tpu.wait_dma2 semaphore(%arg17 : memref<!tpu.dma_semaphore, #tpu.memory_space<semaphore_mem>>) src(%dma_wait3A_133 : memref<128x64xf32, #tpu.memory_space<vmem>>) dst(%dma_wait3A_129 : memref<128x64xf32, #tpu.memory_space<hbm>>)
    return
  }
}

</mosaic_0001>

<sc_bundles>
// kernel: _transpose_table.3.cloned.1.call-start
scs
__scs_entry_jumppad:
0x0: {  	(pc) =	sbr.rel $0x88, $3  }
0x1: {  	(tag) =	ssettag $0x0;
	lr =	simm.s32 $0x1  }
0x2: {  	[smem:$0x3FA0] =	sst lr;
	_ =	strace $0xD0000000  }
0x3: {  	_ = 	snop  }
0x4: {  	_ = 	snop  }
0x5: {  	_ = 	snop  }
0x6: {  	_ = 	snop  }
0x7: {  	_ = 	snop  }
__scs_overlays_trampoline_lowered:
0x8: {  	[smem:$0x3FAF] =	sst s0  }
0x9: {  	[smem:$0x3FB0] =	sst s1  }
0xa: {  	[smem:$0x3FB1] =	sst s2  }
0xb: {  	[smem:$0x3FB2] =	sst s3  }
0xc: {  	[smem:$0x3FB3] =	sst s4  }
0xd: {  	[smem:$0x3FB4] =	sst s5  }
0xe: {  	[smem:$0x3FB5] =	sst s6  }
0xf: {  	[smem:$0x3FB6] =	sst s7  }
0x10: {  	[smem:$0x3FB7] =	sst s8  }
0x11: {  	[smem:$0x3FB8] =	sst s9;
	s0 =	simm.s32 @!p0 $0x0  }
0x12: {  	s1 =	sld [smem:$0x3F9E];
	s0 =	simm.s32 @p0 $0x1  }
0x13: {  	[smem:$0x3FB9] =	sst s0;
	s0 =	simm.s32 @!p1 $0x0  }
0x14: {  	s2 =	sld [smem:$0x3F9D];
	s0 =	simm.s32 @p1 $0x1  }
0x15: {  	[smem:$0x3FBA] =	sst s0;
	s0 =	simm.s32 @!p2 $0x0  }
0x16: {  	s3 =	sld [smem:$0x3FDB];
	s0 =	simm.s32 @p2 $0x1  }
0x17: {  	s4 =	simm.s32 $0x1BF5;
	[smem:$0x3FBC] =	sst s0  }
0x18: {  	s0 =	sld [smem:$0x3F9F];
	_ =	swait.ge [sflag:s4], $0x0  }
0x19: {  	s7 =	sld [smem:$0x3FA0]  }
0x1a: {  	s8 =	sadd.s32 $0xFFFFE003, lr  }
0x1b: {  	s9 =	sadd.s32 $0xFFFFFEF7, lr;
	s5 =	simm.s32 $0xFFFFFFFF;
	p2 =	slt.u32 s8, $0xFFFFF086  }
0x1c: {  	p1 =	slt.u32 s9, $0xF7A;
	s5 =	simm.s32 @!p2 $0x0  }
0x1d: {  	s5 =	simm.s32 @p1 $0x1;
	p0 =	seq.s32 s7, s2  }
0x1e: {  	s7 =	smul.u32 @!p0 $0xF7A, s2;
	p2 =	seq.s32 @!p0 s5, $0x0  }
0x1f: {  	s9 =	smul.u32 $0xF7A, s1;
	s8 =	simm.s32 @!p0 $0x1BF5;
	p2 =	por !p2, p0  }
0x20: {  	[sflag:s8] =	ssyncset.s32 @!p0 $0xFFFFF086;
	s6 =	sadd.s32 @!p0 s3, s7;
	s7 =	simm.s32 @!p0 $0x108  }
0x21: {  	s3 =	sadd.s32 s3, s9;
	s6 =	sadd.s32 @!p0 $0x88, s6;
	s7 =	simm.s32 @p2 $0x1082  }
0x22: {  	[simem:s7], [sflag:s8] =	dma.local @!p0 [hbm:s6], $0xF7A  }
0x23: {  	s9 =	sor.u32 $0xD0000000, s2;
	s6 =	simm.s32 $0x108;
	_ =	swait.ge @!p0 [sflag:s8], $0x0  }
0x24: {  	s3 =	sadd.s32 $0x88, s3;
	s6 =	simm.s32 @!p1 $0x1082;
	[sflag:s4] =	ssyncset.s32 $0xFFFFF086  }
0x25: {  	[simem:s6], [sflag:s4] =	dma.local [hbm:s3], $0xF7A  }
0x26: {  	[smem:$0x3FA0] =	sst s1;
	(tag) =	ssettag s2;
	_ =	strace s9  }
0x27: {  	s1 =	sld [smem:$0x3FB0]  }
0x28: {  	s2 =	sld [smem:$0x3FB1]  }
0x29: {  	s4 =	sld [smem:$0x3FB3]  }
0x2a: {  	p0 =	seq.s32 s5, $0x0;
	s5 =	sld [smem:$0x3FB4]  }
0x2b: {  	s6 =	sld [smem:$0x3FB5]  }
0x2c: {  	s7 =	sld [smem:$0x3FB6]  }
0x2d: {  	s3 =	simm.s32 $0x108;
	s8 =	sld [smem:$0x3FB7]  }
0x2e: {  	s3 =	simm.s32 @!p0 $0x1082;
	s9 =	sld [smem:$0x3FB8]  }
0x2f: {  	lr =	sadd.s32 s0, s3;
	s0 =	sld [smem:$0x3FAF]  }
0x30: {  	s3 =	sld [smem:$0x3FB2]  }
0x31: {  	[smem:$0x3FBB] =	sst s10  }
0x32: {  	s10 =	sld [smem:$0x3FB9];
	_ =	sdelay $0x3  }
0x33: {  	p0 =	seq.s32 s10, $0x1;
	s10 =	sld [smem:$0x3FBB];
	_ =	sdelay $0x3  }
0x34: {  	[smem:$0x3FBB] =	sst s10  }
0x35: {  	s10 =	sld [smem:$0x3FBA];
	_ =	sdelay $0x3  }
0x36: {  	p1 =	seq.s32 s10, $0x1;
	s10 =	sld [smem:$0x3FBB];
	_ =	sdelay $0x3  }
0x37: {  	[smem:$0x3FBB] =	sst s10  }
0x38: {  	s10 =	sld [smem:$0x3FBC]  }
0x39: {  	_ = 	snop;
	(pc) =	sbr.ind lr, $3  }
0x3a: {  	_ = 	snop  }
0x3b: {  	_ = 	snop  }
0x3c: {  	p2 =	seq.s32 s10, $0x1;
	s10 =	sld [smem:$0x3FBB]  }
0x3d: {  	_ =	shalt  }
0x3e: {  	_ =	shalt  }
0x3f: {  	_ =	shalt  }
0x40: {  	_ =	shalt  }
0x41: {  	_ =	shalt  }
0x42: {  	_ =	shalt  }
0x43: {  	_ =	shalt  }
0x44: {  	_ =	shalt  }
0x45: {  	_ =	shalt  }
0x46: {  	_ =	shalt  }
0x47: {  	_ =	shalt  }
0x48: {  	_ =	shalt  }
0x49: {  	_ =	shalt  }
0x4a: {  	_ =	shalt  }
0x4b: {  	_ =	shalt  }
0x4c: {  	_ =	shalt  }
0x4d: {  	_ =	shalt  }
0x4e: {  	_ =	shalt  }
0x4f: {  	_ =	shalt  }
0x50: {  	_ =	shalt  }
0x51: {  	_ =	shalt  }
0x52: {  	_ =	shalt  }
0x53: {  	_ =	shalt  }
0x54: {  	_ =	shalt  }
0x55: {  	_ =	shalt  }
0x56: {  	_ =	shalt  }
0x57: {  	_ =	shalt  }
0x58: {  	_ =	shalt  }
0x59: {  	_ =	shalt  }
0x5a: {  	_ =	shalt  }
0x5b: {  	_ =	shalt  }
0x5c: {  	_ =	shalt  }
0x5d: {  	_ =	shalt  }
0x5e: {  	_ =	shalt  }
0x5f: {  	_ =	shalt  }
0x60: {  	_ =	shalt  }
0x61: {  	_ =	shalt  }
0x62: {  	_ =	shalt  }
0x63: {  	_ =	shalt  }
0x64: {  	_ =	shalt  }
0x65: {  	_ =	shalt  }
0x66: {  	_ =	shalt  }
0x67: {  	_ =	shalt  }
0x68: {  	_ =	shalt  }
0x69: {  	_ =	shalt  }
0x6a: {  	_ =	shalt  }
0x6b: {  	_ =	shalt  }
0x6c: {  	_ =	shalt  }
0x6d: {  	_ =	shalt  }
0x6e: {  	_ =	shalt  }
0x6f: {  	_ =	shalt  }
0x70: {  	_ =	shalt  }
0x71: {  	_ =	shalt  }
0x72: {  	_ =	shalt  }
0x73: {  	_ =	shalt  }
0x74: {  	_ =	shalt  }
0x75: {  	_ =	shalt  }
0x76: {  	_ =	shalt  }
0x77: {  	_ =	shalt  }
0x78: {  	_ =	shalt  }
0x79: {  	_ =	shalt  }
0x7a: {  	_ =	shalt  }
0x7b: {  	_ =	shalt  }
0x7c: {  	_ =	shalt  }
0x7d: {  	_ =	shalt  }
0x7e: {  	_ =	shalt  }
0x7f: {  	_ =	shalt  }
0x80: {  	_ =	shalt  }
0x81: {  	_ =	shalt  }
0x82: {  	_ =	shalt  }
0x83: {  	_ =	shalt  }
0x84: {  	_ =	shalt  }
0x85: {  	_ =	shalt  }
0x86: {  	_ =	shalt  }
0x87: {  	_ =	shalt  }
.Lfunc_end0:
.L_simem_size_0:
called_computation.1_lowered:
.L_overlay_start_0:
0x88: {  	s2 =	sld [smem:$0x3FD9]  }
0x89: {  	s3 =	sld [smem:$0x3FFE];
	_ =	sdelay $0x1  }
0x8a: {  	s1 =	srdreg.scid  }
0x8b: {  	s0 =	sand.u32 $0x1, s1  }
0x8c: {  	s18 =	sshll.u32 s0, $0xA;
	s2 =	sadd.s32 s3, s2  }
0x8d: {  	s2 =	sadd.s32 s2, s18  }
0x8e: {  	[smem:$0x3FC7] =	sst s2  }
0x8f: {  	_ = 	snop  }
0x90: {  	s2 =	sld [smem:$0x3FC9]  }
0x91: {  	s19 =	sld [smem:$0x3FD0];
	(tm) =	ssettm $0x1  }
0x92: {  	s4 =	sld [smem:$0x3FFB];
	_ =	sdelay $0x3  }
0x93: {  	_ =	strace s4  }
0x94: {  	s4 =	sld [smem:$0x3FFC];
	_ =	sdelay $0x3  }
0x95: {  	_ =	strace s4  }
0x96: {  	s4 =	sld [smem:$0x3FFD];
	_ =	sdelay $0x3  }
0x97: {  	_ =	strace s4  }
0x98: {  	_ =	strace $0x8FFFFFFF  }
0x99: {  	s20 =	sld [smem:$0x3FDB];
	_ =	sdelay $0x1  }
0x9a: {  	s5 =	simm.s32 $_scs_section_size  }
0x9b: {  	s6 =	simm.s32 $_size__tile_overlayer_lowered;
	s7 =	simm.s32 $_tile_overlayer_lowered  }
0x9c: {  	s23 =	simm.s32 $0x1BFF;
	s22 =	sshll.u32 s7, $0x1;
	s4 =	sadd.s32 s5, s20  }
0x9d: {  	s8 =	simm.s32 $0x0;
	s21 =	sshll.u32 s6, $0x1;
	s6 =	sadd.s32 s22, s4  }
0x9e: {  	[timem:s8], [sflag:s23] =	dma.local [hbm:s6], s21  }
0x9f: {  	_ =	swait.ge [sflag:s23], s21  }
0xa0: {  	s5 =	ssub.s32 $0x0, s21;
	[sflag:s23] =	ssyncset.done $0x0  }
0xa1: {  	[sflag:s23] =	ssyncadd.s32 s5;
	_ =	sdelay $0x1  }
0xa2: {  	s24 =	simm.s32 $0x1B8B  }
0xa3: {  	_ =	swait.ge [sflag:s24], $0x1  }
0xa4: {  	[sflag:s24] =	ssyncset.done $0x0  }
0xa5: {  	s25 =	simm.s32 $0x1B8E;
	[sflag:s24] =	ssyncadd.s32 $0xFFFFFFFF  }
0xa6: {  	s26 =	simm.s32 $execute0_lowered;
	[smem:$0x3FD2] =	sst s25  }
0xa7: {  	s5 =	sshll.u32 s26, $0x1;
	_ =	strace $0x80000046;
	[dreg:$0x1] =	wrdreg $0xFFFFFFFF  }
0xa8: {  	s28 =	simm.s32 $_size_execute0_lowered;
	s4 =	sadd.s32 s4, s5;
	[dreg:$0x0] =	wrdreg $0x0  }
0xa9: {  	s5 =	sshll.u32 s28, $0x1;
	[dreg:$0x2] =	wrdreg s4  }
0xaa: {  	[dreg:$0x3] =	wrdreg s5  }
0xab: {  	[dreg:$0x4] =	wrdreg $0xC0  }
0xac: {  	_ =	task [dreg:s8], $0x5FFFF  }
0xad: {  	[dreg:$0x1] =	wrdreg $0xFFFFFFFF  }
0xae: {  	[dreg:$0x0] =	wrdreg $0x60  }
0xaf: {  	[dreg:$0x2] =	wrdreg s2  }
0xb0: {  	[dreg:$0x3] =	wrdreg s19  }
0xb1: {  	[dreg:$0x4] =	wrdreg $0x9  }
0xb2: {  	_ =	task.clear_ibuf [dreg:s8], $0x5FFFF;
	_ =	strace $0x90000046  }
0xb3: {  	s29 =	simm.s32 $0x9;
	_ =	strace $0x80000048  }
0xb4: {  	_ =	swait.ge [sflag:s29], $0x1  }
0xb5: {  	[sflag:s29] =	ssyncadd.s32 $0xFFFFFFFF  }
0xb6: {  	_ =	strace $0x90000048  }
0xb7: {  	_ =	sfence  }
0xb8: {  	s30 =	sld [smem:$0x0];
	_ =	sdelay $0x2  }
0xb9: {  	s31 =	sshll.u32 s1, $0xD;
	s1 =	sshrl.u32 s1, $0x2  }
0xba: {  	s3 =	sand.u32 $0x4000, s31;
	s1 =	sadd.s32 s1, s30  }
0xbb: {  	s0 =	sor.u32 s3, s0;
	s1 =	sshll.u32 s1, $0x11  }
0xbc: {  	s0 =	sor.u32 s1, s0  }
0xbd: {  	s0 =	sadd.s32 $0x8F2B, s0  }
0xbe: {  	[sflag:s0] =	ssyncadd.remote.s32 $0x1  }
0xbf: {  	_ =	sfence.sel $0xFFFF  }
0xc0: {  	[dreg:$0x0] =	wrdreg $0xFFFFFFFF;
	(pc) =	sbr.abs _section_cstart, $3  }
0xc1: {  	[dreg:$0x1] =	wrdreg $0xFFFFFFFF  }
0xc2: {  	_ =	task.clear_ibuf [dreg:s8], $0x2FFFF;
	_ =	strace $0x9FFFFFFF  }
0xc3: {  	(tm) =	ssettm $0x7FFFFFFF  }
tec
execute0_lowered:
.L_overlay_start_1:
0x0: {  	(tag) =	ssettag $0x1  }
0x1: {  	s0 =	srdreg.scid;
	s1 =	stileid.u32  }
0x2: {  	s2 =	rddreg [dreg:$0x0];
	s0 =	sand.u32 $0x1, s0;
	s1 =	sshll.u32 s1, $0x1  }
0x3: {  	s3 =	rddreg [dreg:$0x1];
	s4 =	simm.s32 $0x0;
	s5 =	sor.u32 s0, s1  }
0x4: {  	[smem:$0x7FF] =	sst s4;
	s17 =	sor.u32 $0xC0, s5  }
0x5: {  	_ =	strace $0x80000047;
	s18 =	sor.u32 $0xE0, s5;
	[dreg:$0x9] =	wrdreg s17  }
0x6: {  	s19 =	sor.u32 $0x40, s5;
	[dreg:$0xa] =	wrdreg s18  }
0x7: {  	s31 =	simm.s32 $0x1;
	s20 =	sor.u32 $0x100, s5;
	[dreg:$0xb] =	wrdreg s19  }
0x8: {  	s28 =	simm.s32 $0x10800;
	s21 =	sor.u32 $0x60, s5;
	[dreg:$0xc] =	wrdreg s20  }
0x9: {  	s29 =	simm.s32 $0x4;
	s22 =	sor.u32 $0x120, s5;
	[dreg:$0xd] =	wrdreg s21  }
0xa: {  	s30 =	simm.s32 $0x12C00;
	s23 =	sor.u32 $0x80, s5;
	[dreg:$0xe] =	wrdreg s22  }
0xb: {  	s8 =	simm.s32 $0x15000;
	s24 =	sor.u32 $0x140, s5;
	[dreg:$0xf] =	wrdreg s23  }
0xc: {  	s10 =	simm.s32 $0x17400;
	s25 =	sor.u32 $0xA0, s5;
	[dreg:$0x10] =	wrdreg s24  }
0xd: {  	s1 =	sshll.u32 s5, $0x7;
	s26 =	sor.u32 $0x160, s5;
	[dreg:$0x11] =	wrdreg s25  }
0xe: {  	s9 =	simm.s32 $0x0;
	s1 =	sadd.s32 s2, s1;
	[dreg:$0x12] =	wrdreg s26  }
0xf: {  	s6 =	ssub.s32 $0x2, s0;
	s13 =	sadd.s32 $0x1000, s1;
	[dreg:$0x3] =	wrdreg s1  }
0x10: {  	v0 =	vlaneseq.u32;
	s12 =	sshrl.u32 s6, $0x1;
	s14 =	sadd.s32 $0x2000, s1;
	[dreg:$0x4] =	wrdreg s13  }
.Ltmp0:
0x11: {  	v0 =	vmul.u32 $0x48, v0;
	s15 =	sadd.s32 $0x3000, s1;
	[dreg:$0x5] =	wrdreg s14;
	(pc) =	sbr.rel .LBB2_1-.Ltmp0, $4  }
0x12: {  	s0 =	ssub.s32 s6, s12;
	s16 =	sadd.s32 $0x4000, s1;
	[dreg:$0x6] =	wrdreg s15  }
0x13: {  	v1 =	vadd.s32 $0x480, v0;
	s25 =	simm.s32 $0xE400;
	s1 =	sadd.s32 $0x5000, s1;
	[dreg:$0x7] =	wrdreg s16  }
0x14: {  	v2 =	vadd.s32 $0x900, v0;
	v3 =	vadd.s32 $0xD80, v0;
	v4 =	vadd.s32 $0x1200, v0;
	s26 =	simm.s32 $0x3;
	s0 =	smax.u32 s0, $0x1;
	[dreg:$0x8] =	wrdreg s1  }
0x15: {  	v5 =	vadd.s32 $0x1680, v0;
	v6 =	vadd.s32 $0x1B00, v0;
	v7 =	vadd.s32 $0x1F80, v0;
	[dreg:$0x13] =	wrdreg s0;
	s0 =	simm.s32 $0xC000;
	s1 =	simm.s32 $0x2  }
.LBB2_31:
0x16: {  	s6 =	simm.s32 $0x7  }
0x17: {  	_ =	swait.ge [sflag:s6], $0x2000  }
0x18: {  	[sflag:s6] =	ssyncset.done $0x0  }
0x19: {  	s20 =	simm.s32 $0x8;
	[sflag:s6] =	ssyncadd.s32 $0xFFFFE000  }
0x1a: {  	_ =	swait.ge [sflag:s20], $0x2000  }
0x1b: {  	[sflag:s20] =	ssyncset.done $0x0  }
0x1c: {  	s21 =	simm.s32 $0x9;
	[sflag:s20] =	ssyncadd.s32 $0xFFFFE000  }
0x1d: {  	_ =	swait.ge [sflag:s21], $0x2000  }
0x1e: {  	[sflag:s21] =	ssyncset.done $0x0  }
0x1f: {  	s22 =	simm.s32 $0xA;
	[sflag:s21] =	ssyncadd.s32 $0xFFFFE000  }
0x20: {  	_ =	swait.ge [sflag:s22], $0x2000  }
0x21: {  	[sflag:s22] =	ssyncset.done $0x0  }
0x22: {  	s23 =	simm.s32 $0xB;
	[sflag:s22] =	ssyncadd.s32 $0xFFFFE000  }
0x23: {  	_ =	swait.ge [sflag:s23], $0x2000  }
0x24: {  	[sflag:s23] =	ssyncset.done $0x0  }
0x25: {  	s7 =	simm.s32 $0xC;
	[sflag:s23] =	ssyncadd.s32 $0xFFFFE000  }
0x26: {  	_ =	swait.ge [sflag:s7], $0x2000  }
0x27: {  	s9 =	rddreg [dreg:$0x14]  }
0x28: {  	s24 =	rddreg [dreg:$0x13];
	s9 =	sadd.s32 $0x1, s9  }
0x29: {  	p0 =	sne.s32 s9, s24  }
.Ltmp1:
0x2a: {  	_ = 	snop;
	(pc) =	sbr.rel @!p0 .LBB2_32-.Ltmp1, $3  }
0x2b: {  	_ =	sdelay $0x1  }
0x2c: {  	[sflag:s7] =	ssyncset.done $0x0  }
0x2d: {  	[sflag:s7] =	ssyncadd.s32 $0xFFFFE000  }
.LBB2_1:
0x2e: {  	s6 =	rddreg [dreg:$0x3];
	s7 =	simm.s32 $0x400;
	s15 =	simm.s32 $0x7A1400  }
0x2f: {  	[tilespmem:s4], [sflag:$0x1] =	stream.strided.gather [hbm4b:s6+s7], $0x2000, s15, s7, $0x38;
	[tilespmem:$0x19800] =	vst v63  }
0x30: {  	s16 =	rddreg [dreg:$0x4];
	s11 =	simm.s32 $0x2000  }
0x31: {  	[tilespmem:s11], [sflag:$0x2] =	stream.strided.gather [hbm4b:s16+s7], $0x2000, s15, s7, $0x38;
	[tilespmem:$0x19800] =	vst v63  }
0x32: {  	s17 =	rddreg [dreg:$0x5];
	s18 =	simm.s32 $0x4000  }
0x33: {  	[tilespmem:s18], [sflag:$0x3] =	stream.strided.gather [hbm4b:s17+s7], $0x2000, s15, s7, $0x38;
	[tilespmem:$0x19800] =	vst v63  }
0x34: {  	s19 =	rddreg [dreg:$0x6];
	s20 =	simm.s32 $0x6000  }
0x35: {  	[tilespmem:s20], [sflag:$0x4] =	stream.strided.gather [hbm4b:s19+s7], $0x2000, s15, s7, $0x38;
	[tilespmem:$0x19800] =	vst v63  }
.Ltmp2:
0x36: {  	[dreg:$0x14] =	wrdreg s9;
	(pc) =	sbr.rel .LBB2_2-.Ltmp2, $4  }
0x37: {  	s21 =	rddreg [dreg:$0x7];
	s22 =	simm.s32 $0x8000  }
0x38: {  	[tilespmem:s22], [sflag:$0x5] =	stream.strided.gather [hbm4b:s21+s7], $0x2000, s15, s7, $0x38;
	[tilespmem:$0x19800] =	vst v63  }
0x39: {  	s23 =	rddreg [dreg:$0x8];
	s24 =	simm.s32 $0xA000;
	s22 =	simm.s32 $0x0  }
0x3a: {  	[tilespmem:s24], [sflag:$0x6] =	stream.strided.gather [hbm4b:s23+s7], $0x2000, s15, s7, $0x38;
	[tilespmem:$0x19800] =	vst v63  }
.LBB2_30:
0x3b: {  	s7 =	rddreg [dreg:$0x12]  }
0x3c: {  	s6 =	sadd.s32 s7, s6  }
0x3d: {  	p0 =	sgt.u32 s6, $0x1E84  }
0x3e: {  	s22 =	sadd.s32 $0x1, s22;
	s6 =	sshll.u32 @!p0 s6, $0x7;
	s7 =	simm.s32 @!p0 $0x400  }
0x3f: {  	s9 =	simm.s32 @!p0 $0x7A1400;
	s11 =	simm.s32 @!p0 $0xA000;
	s6 =	sadd.s32 @!p0 s2, s6  }
0x40: {  	[tilespmem:s11], [sflag:$0x6] =	stream.strided.gather @!p0 [hbm4b:s6+s7], $0x2000, s9, s7, $0x38;
	[tilespmem:$0x19800] =	vst v63  }
0x41: {  	p0 =	sne.s32 s22, $0x29  }
.Ltmp3:
0x42: {  	_ = 	snop;
	(pc) =	sbr.rel @!p0 .LBB2_31-.Ltmp3, $1  }
0x43: {  	_ =	sdelay $0x3  }
.LBB2_2:
0x44: {  	_ =	swait.ge [sflag:s31], $0x2000  }
0x45: {  	p0 =	seq.s32 s22, $0x0;
	s7 =	simm.s32 $0x0;
	[sflag:s31] =	ssyncset.done $0x0  }
0x46: {  	s9 =	simm.s32 $0x2;
	s6 =	simm.s32 @!p0 $0x7;
	[sflag:s31] =	ssyncadd.s32 $0xFFFFE000  }
0x47: {  	s11 =	simm.s32 $0x100;
	s12 =	simm.s32 $0x0;
	_ =	swait.ge @!p0 [sflag:s6], $0x2000  }
0x48: {  	s7 =	sand.u32 $0x1C00, s7;
	v8 =	vmov s9;
	s21 =	sand.u32 $0x300, s11;
	[sflag:s6] =	ssyncset.done @!p0 $0x0  }
0x49: {  	v9 =	vmov s12;
	v17 =	vand.u32 $0x3E, v8;
	[sflag:s6] =	ssyncadd.s32 @!p0 $0xFFFFE000;
	s6 =	sor.u32 s21, s7  }
0x4a: {  	s13 =	simm.s32 $0x40;
	v8 =	vand.u32 $0x3C, v9;
	v10 =	vadd.s32 v0, v17;
	v9 =	vld [tilespmem:s6+$0x0]  }
0x4b: {  	s23 =	simm.s32 $0x180;
	s24 =	simm.s32 $0x3;
	v13 =	vadd.s32 v0, v8;
	v11 =	vld [tilespmem:s13+$0xFFFFFFC0]  }
0x4c: {  	v12 =	vmov s24;
	s9 =	sand.u32 $0x380, s23  }
0x4d: {  	v19 =	vand.u32 $0x3F, v12;
	s23 =	sor.u32 s9, s7  }
0x4e: {  	v12 =	vadd.s32 v0, v19;
	v14 =	vld [tilespmem:s23+$0x0]  }
0x4f: {  	[tilespmem:v10+s0+$0x0] =	vst.idx.msk $0xffff, v9  }
0x50: {  	[tilespmem:v13+s0+$0x0] =	vst.idx.msk $0xffff, v11;
	v11 =	vadd.s32 v1, v17;
	v10 =	vld [tilespmem:s6+$0x10]  }
0x51: {  	v13 =	vadd.s32 v1, v8;
	v15 =	vld [tilespmem:s13+$0xFFFFFFD0]  }
0x52: {  	s14 =	simm.s32 $0x80;
	s12 =	simm.s32 $0x1  }
0x53: {  	s15 =	sand.u32 $0x280, s14;
	[tilespmem:v12+s0+$0x0] =	vst.idx.msk $0xffff, v14;
	v9 =	vmov s12  }
0x54: {  	s24 =	sor.u32 s15, s7;
	v14 =	vadd.s32 v1, v19;
	v12 =	vld [tilespmem:s23+$0x10];
	v9 =	vand.u32 $0x3D, v9  }
0x55: {  	v18 =	vld [tilespmem:s24+$0x0];
	v16 =	vadd.s32 v0, v9;
	[tilespmem:v11+s0+$0x0] =	vst.idx.msk $0xffff, v10  }
0x56: {  	[tilespmem:v13+s0+$0x0] =	vst.idx.msk $0xffff, v15;
	v11 =	vadd.s32 v2, v17;
	v10 =	vld [tilespmem:s6+$0x20]  }
0x57: {  	v15 =	vadd.s32 v2, v8;
	v13 =	vld [tilespmem:s13+$0xFFFFFFE0];
	_ =	sdelay $0x1  }
0x58: {  	[tilespmem:v14+s0+$0x0] =	vst.idx.msk $0xffff, v12  }
0x59: {  	v14 =	vadd.s32 v2, v19;
	v12 =	vld [tilespmem:s23+$0x20];
	[tilespmem:v16+s0+$0x0] =	vst.idx.msk $0xffff, v18  }
0x5a: {  	v16 =	vadd.s32 v1, v9;
	v18 =	vld [tilespmem:s24+$0x10];
	[tilespmem:v11+s0+$0x0] =	vst.idx.msk $0xffff, v10  }
0x5b: {  	[tilespmem:v15+s0+$0x0] =	vst.idx.msk $0xffff, v13;
	v11 =	vadd.s32 v3, v17;
	v10 =	vld [tilespmem:s6+$0x30]  }
0x5c: {  	v15 =	vadd.s32 v3, v8;
	v13 =	vld [tilespmem:s13+$0xFFFFFFF0];
	_ =	sdelay $0x1  }
0x5d: {  	[tilespmem:v14+s0+$0x0] =	vst.idx.msk $0xffff, v12  }
0x5e: {  	v14 =	vadd.s32 v3, v19;
	v12 =	vld [tilespmem:s23+$0x30];
	[tilespmem:v16+s0+$0x0] =	vst.idx.msk $0xffff, v18  }
0x5f: {  	s16 =	simm.s32 $0x4;
	[tilespmem:v11+s0+$0x0] =	vst.idx.msk $0xffff, v10  }
0x60: {  	s17 =	simm.s32 $0x200;
	s18 =	simm.s32 $0x5;
	s19 =	simm.s32 $0x6;
	v18 =	vadd.s32 v2, v9;
	v16 =	vld [tilespmem:s24+$0x20];
	[tilespmem:v15+s0+$0x0] =	vst.idx.msk $0xffff, v13;
	v10 =	vmov s16  }
0x61: {  	s11 =	simm.s32 $0x240;
	s14 =	simm.s32 $0x7;
	s15 =	simm.s32 $0x280;
	v20 =	vadd.s32 v4, v8;
	v21 =	vld [tilespmem:s13+$0x0];
	v10 =	vand.u32 $0x3C, v10  }
0x62: {  	s20 =	sand.u32 $0x280, s15;
	v22 =	vld [tilespmem:s11+$0xFFFFFFC0];
	s12 =	simm.s32 $0x380;
	s16 =	sand.u32 $0x1C00, s17;
	v11 =	vmov s18;
	v23 =	vadd.s32 v0, v10  }
0x63: {  	s21 =	simm.s32 $0x300;
	s12 =	sand.u32 $0x380, s12;
	[tilespmem:v14+s0+$0x0] =	vst.idx.msk $0xffff, v12;
	v14 =	vadd.s32 v4, v17;
	v12 =	vmov s14;
	v15 =	vld [tilespmem:s6+$0x40];
	v11 =	vand.u32 $0x3D, v11;
	s9 =	sor.u32 s20, s16  }
0x64: {  	s14 =	sand.u32 $0x300, s21;
	v13 =	vand.u32 $0x3F, v12;
	v12 =	vmov s19;
	s7 =	sor.u32 s12, s16;
	v25 =	vadd.s32 v0, v11;
	v26 =	vld [tilespmem:s9+$0x0]  }
0x65: {  	[tilespmem:v18+s0+$0x0] =	vst.idx.msk $0xffff, v16;
	s12 =	sor.u32 s14, s16;
	v12 =	vand.u32 $0x3E, v12;
	v16 =	vadd.s32 v0, v13;
	v18 =	vld [tilespmem:s7+$0x0]  }
0x66: {  	[tilespmem:v20+s0+$0x0] =	vst.idx.msk $0xffff, v21;
	v20 =	vld [tilespmem:s12+$0x0];
	v21 =	vadd.s32 v0, v12  }
0x67: {  	v24 =	vld [tilespmem:s23+$0x40];
	[tilespmem:v23+s0+$0x0] =	vst.idx.msk $0xffff, v22;
	v23 =	vadd.s32 v4, v19  }
0x68: {  	[tilespmem:v14+s0+$0x0] =	vst.idx.msk $0xffff, v15;
	v14 =	vadd.s32 v1, v10;
	v15 =	vld [tilespmem:s11+$0xFFFFFFD0]  }
0x69: {  	[tilespmem:v25+s0+$0x0] =	vst.idx.msk $0xffff, v26;
	v25 =	vld [tilespmem:s24+$0x30];
	v26 =	vadd.s32 v3, v9  }
0x6a: {  	v27 =	vadd.s32 v1, v11;
	[tilespmem:v16+s0+$0x0] =	vst.idx.msk $0xffff, v18;
	v28 =	vld [tilespmem:s9+$0x10]  }
0x6b: {  	v18 =	vadd.s32 v1, v13;
	v16 =	vld [tilespmem:s7+$0x10];
	[tilespmem:v21+s0+$0x0] =	vst.idx.msk $0xffff, v20  }
0x6c: {  	v21 =	vadd.s32 v1, v12;
	v20 =	vld [tilespmem:s12+$0x10];
	[tilespmem:v23+s0+$0x0] =	vst.idx.msk $0xffff, v24  }
0x6d: {  	v22 =	vld [tilespmem:s13+$0x10];
	[tilespmem:v14+s0+$0x0] =	vst.idx.msk $0xffff, v15;
	v14 =	vadd.s32 v5, v8  }
0x6e: {  	[tilespmem:v26+s0+$0x0] =	vst.idx.msk $0xffff, v25;
	v24 =	vadd.s32 v5, v17;
	v15 =	vld [tilespmem:s6+$0x50]  }
0x6f: {  	v26 =	vadd.s32 v4, v9;
	[tilespmem:v27+s0+$0x0] =	vst.idx.msk $0xffff, v28;
	v25 =	vld [tilespmem:s24+$0x40]  }
0x70: {  	v27 =	vadd.s32 v2, v10;
	[tilespmem:v18+s0+$0x0] =	vst.idx.msk $0xffff, v16;
	v23 =	vld [tilespmem:s11+$0xFFFFFFE0]  }
0x71: {  	v29 =	vadd.s32 v5, v19;
	v30 =	vld [tilespmem:s23+$0x50];
	[tilespmem:v21+s0+$0x0] =	vst.idx.msk $0xffff, v20  }
0x72: {  	v18 =	vadd.s32 v2, v13;
	v16 =	vld [tilespmem:s7+$0x20];
	[tilespmem:v14+s0+$0x0] =	vst.idx.msk $0xffff, v22  }
0x73: {  	v21 =	vadd.s32 v2, v12;
	v20 =	vld [tilespmem:s12+$0x20];
	[tilespmem:v24+s0+$0x0] =	vst.idx.msk $0xffff, v15  }
0x74: {  	v22 =	vadd.s32 v6, v8;
	[tilespmem:v26+s0+$0x0] =	vst.idx.msk $0xffff, v25;
	v14 =	vld [tilespmem:s13+$0x20]  }
0x75: {  	v25 =	vadd.s32 v5, v9;
	[tilespmem:v27+s0+$0x0] =	vst.idx.msk $0xffff, v23;
	v23 =	vld [tilespmem:s24+$0x50]  }
0x76: {  	v24 =	vadd.s32 v6, v17;
	[tilespmem:v29+s0+$0x0] =	vst.idx.msk $0xffff, v30;
	v15 =	vld [tilespmem:s6+$0x60]  }
0x77: {  	v33 =	vadd.s32 v2, v11;
	v28 =	vld [tilespmem:s9+$0x20];
	[tilespmem:v18+s0+$0x0] =	vst.idx.msk $0xffff, v16  }
0x78: {  	v27 =	vadd.s32 v3, v10;
	v26 =	vld [tilespmem:s11+$0xFFFFFFF0];
	[tilespmem:v21+s0+$0x0] =	vst.idx.msk $0xffff, v20  }
0x79: {  	v32 =	vadd.s32 v3, v12;
	v31 =	vld [tilespmem:s12+$0x30];
	[tilespmem:v22+s0+$0x0] =	vst.idx.msk $0xffff, v14  }
0x7a: {  	[tilespmem:v25+s0+$0x0] =	vst.idx.msk $0xffff, v23;
	v25 =	vadd.s32 v7, v17;
	v17 =	vld [tilespmem:s23+$0x60]  }
0x7b: {  	[tilespmem:v24+s0+$0x0] =	vst.idx.msk $0xffff, v15;
	v18 =	vld [tilespmem:s13+$0x30]  }
0x7c: {  	[tilespmem:v33+s0+$0x0] =	vst.idx.msk $0xffff, v28;
	v21 =	vld [tilespmem:s6+$0x70]  }
0x7d: {  	v16 =	vadd.s32 v4, v10;
	v22 =	vadd.s32 v6, v9;
	s6 =	smul.u32 $0xC0, s22;
	[tilespmem:v27+s0+$0x0] =	vst.idx.msk $0xffff, v26;
	v20 =	vld [tilespmem:s24+$0x60]  }
0x7e: {  	s15 =	simm.s32 $0x440;
	v15 =	vadd.s32 v7, v19;
	v26 =	vld [tilespmem:s7+$0x30];
	v27 =	vadd.s32 v3, v13;
	[tilespmem:v32+s0+$0x0] =	vst.idx.msk $0xffff, v31  }
0x7f: {  	s17 =	simm.s32 $0x8;
	s14 =	simm.s32 $0x580;
	v14 =	vadd.s32 v7, v13;
	v19 =	vadd.s32 v6, v19;
	v24 =	vadd.s32 v4, v12;
	s13 =	sor.u32 s5, s6;
	v23 =	vld [tilespmem:s12+$0x40]  }
.LBB2_3:
0x80: {  	s16 =	sadd.s32 $0xFFFFFE80, s14;
	v30 =	vadd.s32 v7, v8  }
0x81: {  	v28 =	vmov s17;
	s18 =	sadd.s32 $0x1, s17;
	s19 =	sadd.s32 $0x3, s17;
	v29 =	vld [tilespmem:s11+$0x0];
	v31 =	vadd.s32 v7, v9;
	[tilespmem:v25+s0+$0x0] =	vst.idx.msk $0xffff, v21;
	v8 =	vmovc v10;
	v9 =	vmov v11;
	s20 =	smov.u32 s17  }
0x82: {  	s20 =	sand.u32 $0x1C00, s16;
	v21 =	vld [tilespmem:s15+$0xFFFFFFC0];
	v10 =	vand.u32 $0x3C, v28;
	v11 =	vmov s18;
	s16 =	sadd.s32 $0xFFFFFF00, s14;
	s18 =	sadd.s32 $0x2, s17;
	v25 =	vmov s19;
	[tilespmem:v22+s0+$0x0] =	vst.idx.msk $0xffff, v20  }
0x83: {  	s21 =	sadd.s32 $0xFFFFFF80, s14;
	v20 =	vadd.s32 v0, v10;
	s19 =	sand.u32 $0x280, s16;
	v11 =	vand.u32 $0x3D, v11;
	v22 =	vand.u32 $0x3F, v25;
	s16 =	sadd.s32 $0x4, s17;
	[tilespmem:v27+s0+$0x0] =	vst.idx.msk $0xffff, v26;
	v25 =	vld [tilespmem:s24+$0x70]  }
0x84: {  	v26 =	vadd.s32 v4, v10;
	v28 =	vmov s18;
	s18 =	sand.u32 $0x300, s21;
	s21 =	sand.u32 $0x380, s14;
	s19 =	sor.u32 s19, s20;
	v27 =	vadd.s32 v0, v11;
	v32 =	vld [tilespmem:s7+$0x40];
	[tilespmem:v19+s0+$0x0] =	vst.idx.msk $0xffff, v17  }
0x85: {  	p1 =	slt.u32 s17, $0x3C;
	s24 =	smov.u32 s9;
	v17 =	vand.u32 $0x3E, v28;
	s21 =	sor.u32 s21, s20;
	v19 =	vadd.s32 v7, v22;
	[tilespmem:v24+s0+$0x0] =	vst.idx.msk $0xffff, v23;
	v23 =	vld [tilespmem:s23+$0x70]  }
0x86: {  	v28 =	vadd.s32 v0, v22;
	s9 =	smov.u32 s19;
	s23 =	smov.u32 s7;
	s7 =	smov.u32 s21;
	v24 =	vld [tilespmem:s19+$0x0];
	[tilespmem:v16+s0+$0x0] =	vst.idx.msk $0xffff, v29;
	v16 =	vmov v26  }
0x87: {  	s17 =	sor.u32 s18, s20;
	v26 =	vld [tilespmem:s7+$0x0];
	[tilespmem:v30+s0+$0x0] =	vst.idx.msk $0xffff, v18  }
0x88: {  	v29 =	vadd.s32 v0, v17;
	v18 =	vld [tilespmem:s17+$0x0];
	[tilespmem:v31+s0+$0x0] =	vst.idx.msk $0xffff, v25  }
0x89: {  	v25 =	vadd.s32 v4, v13;
	[tilespmem:v20+s0+$0x0] =	vst.idx.msk $0xffff, v21;
	v20 =	vadd.s32 v1, v10;
	v21 =	vld [tilespmem:s11+$0x10]  }
0x8a: {  	v30 =	vld [tilespmem:s15+$0xFFFFFFD0];
	[tilespmem:v15+s0+$0x0] =	vst.idx.msk $0xffff, v23;
	v15 =	vmov v14;
	v14 =	vmov v19  }
0x8b: {  	v19 =	vadd.s32 v1, v11;
	[tilespmem:v27+s0+$0x0] =	vst.idx.msk $0xffff, v24;
	v23 =	vld [tilespmem:s24+$0x30];
	v24 =	vadd.s32 v3, v9  }
0x8c: {  	v27 =	vld [tilespmem:s9+$0x10];
	[tilespmem:v28+s0+$0x0] =	vst.idx.msk $0xffff, v26  }
0x8d: {  	v26 =	vadd.s32 v1, v22;
	[tilespmem:v29+s0+$0x0] =	vst.idx.msk $0xffff, v18;
	v18 =	vld [tilespmem:s7+$0x10]  }
0x8e: {  	v29 =	vadd.s32 v1, v17;
	v28 =	vld [tilespmem:s17+$0x10];
	[tilespmem:v25+s0+$0x0] =	vst.idx.msk $0xffff, v32  }
0x8f: {  	[tilespmem:v20+s0+$0x0] =	vst.idx.msk $0xffff, v30;
	v20 =	vadd.s32 v5, v8;
	v25 =	vld [tilespmem:s12+$0x50]  }
0x90: {  	v30 =	vld [tilespmem:s15+$0xFFFFFFE0];
	[tilespmem:v24+s0+$0x0] =	vst.idx.msk $0xffff, v23;
	v23 =	vadd.s32 v5, v12  }
0x91: {  	v24 =	vadd.s32 v4, v9;
	[tilespmem:v19+s0+$0x0] =	vst.idx.msk $0xffff, v27;
	v19 =	vld [tilespmem:s24+$0x40]  }
0x92: {  	v27 =	vadd.s32 v2, v10;
	v31 =	vld [tilespmem:s9+$0x20];
	[tilespmem:v26+s0+$0x0] =	vst.idx.msk $0xffff, v18  }
0x93: {  	v26 =	vadd.s32 v2, v22;
	[tilespmem:v29+s0+$0x0] =	vst.idx.msk $0xffff, v28;
	v18 =	vld [tilespmem:s7+$0x20]  }
0x94: {  	v29 =	vadd.s32 v2, v17;
	v28 =	vld [tilespmem:s17+$0x20];
	[tilespmem:v20+s0+$0x0] =	vst.idx.msk $0xffff, v21  }
0x95: {  	v21 =	vadd.s32 v6, v8;
	v20 =	vld [tilespmem:s11+$0x20];
	[tilespmem:v23+s0+$0x0] =	vst.idx.msk $0xffff, v25;
	v23 =	vadd.s32 v5, v13  }
0x96: {  	[tilespmem:v24+s0+$0x0] =	vst.idx.msk $0xffff, v19;
	v19 =	vld [tilespmem:s12+$0x60];
	v24 =	vadd.s32 v6, v12  }
0x97: {  	[tilespmem:v27+s0+$0x0] =	vst.idx.msk $0xffff, v30;
	v25 =	vld [tilespmem:s24+$0x50];
	v27 =	vadd.s32 v5, v9  }
0x98: {  	v32 =	vadd.s32 v3, v10;
	v30 =	vld [tilespmem:s15+$0xFFFFFFF0];
	[tilespmem:v26+s0+$0x0] =	vst.idx.msk $0xffff, v18  }
0x99: {  	[tilespmem:v29+s0+$0x0] =	vst.idx.msk $0xffff, v28;
	v28 =	vld [tilespmem:s23+$0x50]  }
0x9a: {  	v33 =	vadd.s32 v3, v17;
	v29 =	vld [tilespmem:s17+$0x30];
	[tilespmem:v21+s0+$0x0] =	vst.idx.msk $0xffff, v20  }
0x9b: {  	v34 =	vadd.s32 v2, v11;
	v18 =	vld [tilespmem:s11+$0x30];
	[tilespmem:v24+s0+$0x0] =	vst.idx.msk $0xffff, v19;
	v19 =	vadd.s32 v6, v13;
	v13 =	vmov v22;
	s11 =	smov.u32 s15  }
.Ltmp4:
0x9c: {  	[tilespmem:v27+s0+$0x0] =	vst.idx.msk $0xffff, v25;
	v21 =	vld [tilespmem:s12+$0x70];
	v25 =	vadd.s32 v7, v12;
	v12 =	vmov v17;
	s12 =	smov.u32 s17;
	(pc) =	sbr.rel @p1 .LBB2_3-.Ltmp4, $4  }
0x9d: {  	v22 =	vadd.s32 v6, v9;
	[tilespmem:v32+s0+$0x0] =	vst.idx.msk $0xffff, v30;
	v20 =	vld [tilespmem:s24+$0x60]  }
0x9e: {  	v27 =	vadd.s32 v3, v13;
	v26 =	vld [tilespmem:s7+$0x30];
	[tilespmem:v23+s0+$0x0] =	vst.idx.msk $0xffff, v28  }
0x9f: {  	[tilespmem:v33+s0+$0x0] =	vst.idx.msk $0xffff, v29;
	v17 =	vld [tilespmem:s23+$0x60]  }
0xa0: {  	s14 =	sadd.s32 $0x200, s14;
	s15 =	sadd.s32 $0x200, s15;
	s17 =	smov.u32 s16;
	v24 =	vadd.s32 v4, v12;
	[tilespmem:v34+s0+$0x0] =	vst.idx.msk $0xffff, v31;
	v23 =	vld [tilespmem:s12+$0x40]  }
0xa1: {  	v28 =	vld [tilespmem:s9+$0x30];
	v29 =	vadd.s32 v3, v11;
	_ =	sdelay $0x3  }
0xa2: {  	v30 =	vld [tilespmem:s11+$0x0];
	[tilespmem:v27+s0+$0x0] =	vst.idx.msk $0xffff, v26  }
0xa3: {  	v42 =	vadd.s32 v4, v13;
	v41 =	vld [tilespmem:s7+$0x40];
	[tilespmem:v29+s0+$0x0] =	vst.idx.msk $0xffff, v28  }
0xa4: {  	v40 =	vadd.s32 v4, v11;
	v39 =	vld [tilespmem:s9+$0x40];
	_ =	sdelay $0x1  }
0xa5: {  	[tilespmem:v24+s0+$0x0] =	vst.idx.msk $0xffff, v23  }
0xa6: {  	v44 =	vadd.s32 v5, v12;
	[tilespmem:v16+s0+$0x0] =	vst.idx.msk $0xffff, v30;
	v43 =	vld [tilespmem:s12+$0x50]  }
0xa7: {  	v46 =	vadd.s32 v5, v10;
	v45 =	vld [tilespmem:s11+$0x10];
	[tilespmem:v42+s0+$0x0] =	vst.idx.msk $0xffff, v41  }
0xa8: {  	v48 =	vadd.s32 v5, v13;
	v49 =	vld [tilespmem:s7+$0x50];
	[tilespmem:v40+s0+$0x0] =	vst.idx.msk $0xffff, v39  }
0xa9: {  	v47 =	vadd.s32 v5, v11;
	[tilespmem:v25+s0+$0x0] =	vst.idx.msk $0xffff, v21;
	v27 =	vld [tilespmem:s9+$0x50]  }
0xaa: {  	[tilespmem:v22+s0+$0x0] =	vst.idx.msk $0xffff, v20  }
0xab: {  	v8 =	vadd.s32 v7, v8;
	[tilespmem:v44+s0+$0x0] =	vst.idx.msk $0xffff, v43  }
0xac: {  	v50 =	vadd.s32 v6, v12;
	[tilespmem:v46+s0+$0x0] =	vst.idx.msk $0xffff, v45;
	v16 =	vld [tilespmem:s12+$0x60]  }
0xad: {  	v52 =	vadd.s32 v6, v10;
	v51 =	vld [tilespmem:s11+$0x20];
	[tilespmem:v48+s0+$0x0] =	vst.idx.msk $0xffff, v49  }
0xae: {  	v55 =	vadd.s32 v6, v13;
	v56 =	vld [tilespmem:s7+$0x60];
	[tilespmem:v47+s0+$0x0] =	vst.idx.msk $0xffff, v27  }
0xaf: {  	v54 =	vadd.s32 v6, v11;
	[tilespmem:v19+s0+$0x0] =	vst.idx.msk $0xffff, v17;
	v53 =	vld [tilespmem:s9+$0x60]  }
0xb0: {  	v9 =	vadd.s32 v7, v9;
	v57 =	vld [tilespmem:s24+$0x70];
	[tilespmem:v8+s0+$0x0] =	vst.idx.msk $0xffff, v18  }
0xb1: {  	v8 =	vld [tilespmem:s23+$0x70];
	[tilespmem:v50+s0+$0x0] =	vst.idx.msk $0xffff, v16  }
0xb2: {  	v58 =	vadd.s32 v7, v12;
	[tilespmem:v52+s0+$0x0] =	vst.idx.msk $0xffff, v51;
	v16 =	vld [tilespmem:s12+$0x70]  }
0xb3: {  	v60 =	vadd.s32 v7, v10;
	v59 =	vld [tilespmem:s11+$0x30];
	[tilespmem:v55+s0+$0x0] =	vst.idx.msk $0xffff, v56  }
0xb4: {  	v63 =	vld [tilespmem:s7+$0x70];
	[tilespmem:v54+s0+$0x0] =	vst.idx.msk $0xffff, v53  }
0xb5: {  	v61 =	vadd.s32 v7, v11;
	[tilespmem:v9+s0+$0x0] =	vst.idx.msk $0xffff, v57;
	v62 =	vld [tilespmem:s9+$0x70]  }
0xb6: {  	[tilespmem:v15+s0+$0x0] =	vst.idx.msk $0xffff, v8  }
0xb7: {  	[tilespmem:v58+s0+$0x0] =	vst.idx.msk $0xffff, v16  }
0xb8: {  	s23 =	sshll.u32 s13, $0xA;
	[tilespmem:v60+s0+$0x0] =	vst.idx.msk $0xffff, v59  }
0xb9: {  	s12 =	simm.s32 $0xC048;
	s7 =	sadd.s32 s3, s23;
	[tilespmem:v14+s0+$0x0] =	vst.idx.msk $0xffff, v63  }
0xba: {  	s11 =	simm.s32 $0x8;
	s13 =	sadd.s32 $0x0, s7;
	s9 =	simm.s32 $0xC000;
	[tilespmem:v61+s0+$0x0] =	vst.idx.msk $0xffff, v62  }
.LBB2_5:
0xbb: {  	[hbm4b:s13+s4] =	stream.linear.scatter [tilespmem:s9], [sflag:$0x7], $0x40, $0x38;
	[tilespmem:$0x19800] =	vst v63  }
0xbc: {  	s13 =	smov.u32 s11;
	s9 =	smov.u32 s12;
	p1 =	sne.s32 s11, $0x3F8  }
.Ltmp5:
0xbd: {  	s11 =	sadd.s32 $0x8, s11;
	(pc) =	sbr.rel @p1 .LBB2_5-.Ltmp5, $2  }
0xbe: {  	_ =	sdelay $0x2  }
0xbf: {  	s12 =	sadd.s32 $0x48, s12;
	s13 =	sadd.s32 s13, s7  }
0xc0: {  	[hbm4b:s13+s4] =	stream.linear.scatter [tilespmem:s9], [sflag:$0x7], $0x40, $0x38;
	[tilespmem:$0x19800] =	vst v63  }
0xc1: {  	s7 =	rddreg [dreg:$0x9]  }
0xc2: {  	s7 =	sadd.s32 s7, s6  }
0xc3: {  	p1 =	sgt.u32 s7, $0x1E84  }
0xc4: {  	s7 =	sshll.u32 @!p1 s7, $0x7;
	s9 =	simm.s32 @!p1 $0x400  }
0xc5: {  	s11 =	simm.s32 @!p1 $0x7A1400;
	s12 =	simm.s32 @!p1 $0x0;
	s7 =	sadd.s32 @!p1 s2, s7  }
0xc6: {  	[tilespmem:s12], [sflag:$0x1] =	stream.strided.gather @!p1 [hbm4b:s7+s9], $0x2000, s11, s9, $0x38;
	[tilespmem:$0x19800] =	vst v63  }
0xc7: {  	_ =	swait.ge [sflag:s1], $0x2000  }
0xc8: {  	s18 =	simm.s32 $0x0;
	[sflag:s1] =	ssyncset.done $0x0  }
0xc9: {  	s19 =	simm.s32 $0x2;
	s7 =	simm.s32 @!p0 $0x8;
	[sflag:s1] =	ssyncadd.s32 $0xFFFFE000  }
0xca: {  	s20 =	simm.s32 $0x100;
	s21 =	simm.s32 $0x0;
	_ =	swait.ge @!p0 [sflag:s7], $0x2000  }
0xcb: {  	v8 =	vmov s19;
	s24 =	sand.u32 $0x300, s20;
	s9 =	sand.u32 $0x1C00, s18;
	[sflag:s7] =	ssyncset.done @!p0 $0x0  }
0xcc: {  	v9 =	vmov s21;
	v17 =	vand.u32 $0x3E, v8;
	s14 =	sor.u32 s24, s9;
	[sflag:s7] =	ssyncadd.s32 @!p0 $0xFFFFE000  }
0xcd: {  	s15 =	simm.s32 $0x2070;
	v8 =	vand.u32 $0x3C, v9;
	v10 =	vadd.s32 v0, v17;
	v9 =	vld [tilespmem:s14+$0x2000]  }
0xce: {  	s13 =	simm.s32 $0x3;
	v13 =	vadd.s32 v0, v8;
	s12 =	simm.s32 $0x180;
	v11 =	vld [tilespmem:s15+$0xFFFFFF90]  }
0xcf: {  	v12 =	vmov s13;
	s7 =	sand.u32 $0x380, s12  }
0xd0: {  	v19 =	vand.u32 $0x3F, v12;
	s24 =	sor.u32 s7, s9  }
0xd1: {  	v12 =	vadd.s32 v0, v19;
	v14 =	vld [tilespmem:s24+$0x2000]  }
0xd2: {  	[tilespmem:v10+s25+$0x0] =	vst.idx.msk $0xffff, v9  }
0xd3: {  	[tilespmem:v13+s25+$0x0] =	vst.idx.msk $0xffff, v11;
	v11 =	vadd.s32 v1, v17;
	v10 =	vld [tilespmem:s14+$0x2010]  }
0xd4: {  	v13 =	vadd.s32 v1, v8;
	v15 =	vld [tilespmem:s15+$0xFFFFFFA0]  }
0xd5: {  	s16 =	simm.s32 $0x1;
	s17 =	simm.s32 $0x80  }
0xd6: {  	s18 =	sand.u32 $0x280, s17;
	v9 =	vmov s16;
	[tilespmem:v12+s25+$0x0] =	vst.idx.msk $0xffff, v14  }
0xd7: {  	s11 =	sor.u32 s18, s9;
	v14 =	vadd.s32 v1, v19;
	v9 =	vand.u32 $0x3D, v9;
	v12 =	vld [tilespmem:s24+$0x2010]  }
0xd8: {  	v18 =	vld [tilespmem:s11+$0x2000];
	v16 =	vadd.s32 v0, v9;
	[tilespmem:v11+s25+$0x0] =	vst.idx.msk $0xffff, v10  }
0xd9: {  	[tilespmem:v13+s25+$0x0] =	vst.idx.msk $0xffff, v15;
	v11 =	vadd.s32 v2, v17;
	v10 =	vld [tilespmem:s14+$0x2020]  }
0xda: {  	v15 =	vadd.s32 v2, v8;
	v13 =	vld [tilespmem:s15+$0xFFFFFFB0];
	_ =	sdelay $0x1  }
0xdb: {  	[tilespmem:v14+s25+$0x0] =	vst.idx.msk $0xffff, v12  }
0xdc: {  	v14 =	vadd.s32 v2, v19;
	[tilespmem:v16+s25+$0x0] =	vst.idx.msk $0xffff, v18;
	v12 =	vld [tilespmem:s24+$0x2020]  }
0xdd: {  	v16 =	vadd.s32 v1, v9;
	v18 =	vld [tilespmem:s11+$0x2010];
	[tilespmem:v11+s25+$0x0] =	vst.idx.msk $0xffff, v10  }
0xde: {  	[tilespmem:v15+s25+$0x0] =	vst.idx.msk $0xffff, v13;
	v11 =	vadd.s32 v3, v17;
	v10 =	vld [tilespmem:s14+$0x2030]  }
0xdf: {  	v15 =	vadd.s32 v3, v8;
	v13 =	vld [tilespmem:s15+$0xFFFFFFC0];
	_ =	sdelay $0x1  }
0xe0: {  	[tilespmem:v14+s25+$0x0] =	vst.idx.msk $0xffff, v12  }
0xe1: {  	v14 =	vadd.s32 v3, v19;
	[tilespmem:v16+s25+$0x0] =	vst.idx.msk $0xffff, v18;
	v12 =	vld [tilespmem:s24+$0x2030]  }
0xe2: {  	s19 =	simm.s32 $0x4;
	[tilespmem:v11+s25+$0x0] =	vst.idx.msk $0xffff, v10  }
0xe3: {  	s13 =	simm.s32 $0x380;
	s20 =	simm.s32 $0x200;
	s21 =	simm.s32 $0x5;
	v18 =	vadd.s32 v2, v9;
	v16 =	vld [tilespmem:s11+$0x2020];
	[tilespmem:v15+s25+$0x0] =	vst.idx.msk $0xffff, v13;
	v10 =	vmov s19  }
0xe4: {  	s13 =	sand.u32 $0x380, s13;
	v20 =	vadd.s32 v4, v8;
	s17 =	simm.s32 $0x280;
	s7 =	simm.s32 $0x2270;
	v21 =	vld [tilespmem:s15+$0xFFFFFFD0];
	v10 =	vand.u32 $0x3C, v10  }
0xe5: {  	s18 =	sand.u32 $0x1C00, s20;
	s20 =	sand.u32 $0x280, s17;
	v22 =	vld [tilespmem:s7+$0xFFFFFF90];
	s16 =	simm.s32 $0x7;
	v11 =	vmov s21;
	v23 =	vadd.s32 v0, v10  }
0xe6: {  	s12 =	sor.u32 s20, s18;
	s19 =	simm.s32 $0x6;
	s21 =	simm.s32 $0x300;
	v15 =	vld [tilespmem:s14+$0x2040];
	[tilespmem:v14+s25+$0x0] =	vst.idx.msk $0xffff, v12;
	v14 =	vadd.s32 v4, v17;
	v12 =	vmov s16;
	v11 =	vand.u32 $0x3D, v11  }
0xe7: {  	s9 =	sor.u32 s13, s18;
	v26 =	vld [tilespmem:s12+$0x2000];
	s16 =	sand.u32 $0x300, s21;
	v13 =	vand.u32 $0x3F, v12;
	v25 =	vadd.s32 v0, v11;
	v12 =	vmov s19  }
0xe8: {  	[tilespmem:v18+s25+$0x0] =	vst.idx.msk $0xffff, v16;
	v18 =	vld [tilespmem:s9+$0x2000];
	s13 =	sor.u32 s16, s18;
	v12 =	vand.u32 $0x3E, v12;
	v16 =	vadd.s32 v0, v13  }
0xe9: {  	[tilespmem:v20+s25+$0x0] =	vst.idx.msk $0xffff, v21;
	v20 =	vld [tilespmem:s13+$0x2000];
	v21 =	vadd.s32 v0, v12  }
0xea: {  	v24 =	vld [tilespmem:s24+$0x2040];
	[tilespmem:v23+s25+$0x0] =	vst.idx.msk $0xffff, v22;
	v23 =	vadd.s32 v4, v19  }
0xeb: {  	[tilespmem:v14+s25+$0x0] =	vst.idx.msk $0xffff, v15;
	v14 =	vadd.s32 v1, v10;
	v15 =	vld [tilespmem:s7+$0xFFFFFFA0]  }
0xec: {  	[tilespmem:v25+s25+$0x0] =	vst.idx.msk $0xffff, v26;
	v25 =	vld [tilespmem:s11+$0x2030];
	v26 =	vadd.s32 v3, v9  }
0xed: {  	v27 =	vadd.s32 v1, v11;
	v28 =	vld [tilespmem:s12+$0x2010];
	[tilespmem:v16+s25+$0x0] =	vst.idx.msk $0xffff, v18  }
0xee: {  	v18 =	vadd.s32 v1, v13;
	v16 =	vld [tilespmem:s9+$0x2010];
	[tilespmem:v21+s25+$0x0] =	vst.idx.msk $0xffff, v20  }
0xef: {  	v21 =	vadd.s32 v1, v12;
	v20 =	vld [tilespmem:s13+$0x2010];
	[tilespmem:v23+s25+$0x0] =	vst.idx.msk $0xffff, v24  }
0xf0: {  	v22 =	vld [tilespmem:s15+$0xFFFFFFE0];
	[tilespmem:v14+s25+$0x0] =	vst.idx.msk $0xffff, v15;
	v14 =	vadd.s32 v5, v8  }
0xf1: {  	[tilespmem:v26+s25+$0x0] =	vst.idx.msk $0xffff, v25;
	v24 =	vadd.s32 v5, v17;
	v15 =	vld [tilespmem:s14+$0x2050]  }
0xf2: {  	v26 =	vadd.s32 v4, v9;
	[tilespmem:v27+s25+$0x0] =	vst.idx.msk $0xffff, v28;
	v25 =	vld [tilespmem:s11+$0x2040]  }
0xf3: {  	v27 =	vadd.s32 v2, v10;
	v23 =	vld [tilespmem:s7+$0xFFFFFFB0];
	[tilespmem:v18+s25+$0x0] =	vst.idx.msk $0xffff, v16  }
0xf4: {  	v29 =	vadd.s32 v5, v19;
	v30 =	vld [tilespmem:s24+$0x2050];
	[tilespmem:v21+s25+$0x0] =	vst.idx.msk $0xffff, v20  }
0xf5: {  	v18 =	vadd.s32 v2, v13;
	v16 =	vld [tilespmem:s9+$0x2020];
	[tilespmem:v14+s25+$0x0] =	vst.idx.msk $0xffff, v22  }
0xf6: {  	v21 =	vadd.s32 v2, v12;
	v20 =	vld [tilespmem:s13+$0x2020];
	[tilespmem:v24+s25+$0x0] =	vst.idx.msk $0xffff, v15  }
0xf7: {  	v22 =	vadd.s32 v6, v8;
	[tilespmem:v26+s25+$0x0] =	vst.idx.msk $0xffff, v25;
	v14 =	vld [tilespmem:s15+$0xFFFFFFF0]  }
0xf8: {  	v25 =	vadd.s32 v5, v9;
	[tilespmem:v27+s25+$0x0] =	vst.idx.msk $0xffff, v23;
	v23 =	vld [tilespmem:s11+$0x2050]  }
0xf9: {  	v24 =	vadd.s32 v6, v17;
	[tilespmem:v29+s25+$0x0] =	vst.idx.msk $0xffff, v30;
	v15 =	vld [tilespmem:s14+$0x2060]  }
0xfa: {  	v33 =	vadd.s32 v2, v11;
	v28 =	vld [tilespmem:s12+$0x2020];
	[tilespmem:v18+s25+$0x0] =	vst.idx.msk $0xffff, v16  }
0xfb: {  	v27 =	vadd.s32 v3, v10;
	v26 =	vld [tilespmem:s7+$0xFFFFFFC0];
	[tilespmem:v21+s25+$0x0] =	vst.idx.msk $0xffff, v20  }
0xfc: {  	v32 =	vadd.s32 v3, v12;
	v31 =	vld [tilespmem:s13+$0x2030];
	[tilespmem:v22+s25+$0x0] =	vst.idx.msk $0xffff, v14  }
0xfd: {  	[tilespmem:v25+s25+$0x0] =	vst.idx.msk $0xffff, v23;
	v25 =	vadd.s32 v7, v17;
	v17 =	vld [tilespmem:s24+$0x2060]  }
0xfe: {  	[tilespmem:v24+s25+$0x0] =	vst.idx.msk $0xffff, v15;
	v18 =	vld [tilespmem:s15+$0x0]  }
0xff: {  	[tilespmem:v33+s25+$0x0] =	vst.idx.msk $0xffff, v28;
	v21 =	vld [tilespmem:s14+$0x2070]  }
0x100: {  	v16 =	vadd.s32 v4, v10;
	v22 =	vadd.s32 v6, v9;
	[tilespmem:v27+s25+$0x0] =	vst.idx.msk $0xffff, v26;
	v20 =	vld [tilespmem:s11+$0x2060]  }
0x101: {  	v15 =	vadd.s32 v7, v19;
	v26 =	vld [tilespmem:s9+$0x2030];
	v27 =	vadd.s32 v3, v13;
	[tilespmem:v32+s25+$0x0] =	vst.idx.msk $0xffff, v31  }
0x102: {  	s17 =	simm.s32 $0x8;
	v14 =	vadd.s32 v7, v13;
	v19 =	vadd.s32 v6, v19;
	v24 =	vadd.s32 v4, v12;
	s14 =	simm.s32 $0x580;
	s15 =	simm.s32 $0x2470;
	v23 =	vld [tilespmem:s13+$0x2040]  }
.LBB2_7:
0x103: {  	s16 =	sadd.s32 $0xFFFFFE80, s14;
	v30 =	vadd.s32 v7, v8  }
0x104: {  	v28 =	vmov s17;
	s18 =	sadd.s32 $0x1, s17;
	s19 =	sadd.s32 $0x3, s17;
	v29 =	vld [tilespmem:s7+$0xFFFFFFD0];
	v31 =	vadd.s32 v7, v9;
	[tilespmem:v25+s25+$0x0] =	vst.idx.msk $0xffff, v21;
	v8 =	vmovc v10;
	v9 =	vmov v11;
	s20 =	smov.u32 s17  }
0x105: {  	s20 =	sand.u32 $0x1C00, s16;
	v21 =	vld [tilespmem:s15+$0xFFFFFF90];
	v10 =	vand.u32 $0x3C, v28;
	v11 =	vmov s18;
	s16 =	sadd.s32 $0xFFFFFF00, s14;
	s18 =	sadd.s32 $0x2, s17;
	v25 =	vmov s19;
	[tilespmem:v22+s25+$0x0] =	vst.idx.msk $0xffff, v20  }
0x106: {  	s21 =	sadd.s32 $0xFFFFFF80, s14;
	v20 =	vadd.s32 v0, v10;
	s19 =	sand.u32 $0x280, s16;
	v11 =	vand.u32 $0x3D, v11;
	v22 =	vand.u32 $0x3F, v25;
	s16 =	sadd.s32 $0x4, s17;
	[tilespmem:v27+s25+$0x0] =	vst.idx.msk $0xffff, v26;
	v25 =	vld [tilespmem:s11+$0x2070]  }
0x107: {  	v26 =	vadd.s32 v4, v10;
	v28 =	vmov s18;
	s18 =	sand.u32 $0x300, s21;
	s11 =	sand.u32 $0x380, s14;
	s19 =	sor.u32 s19, s20;
	v27 =	vadd.s32 v0, v11;
	v32 =	vld [tilespmem:s9+$0x2040];
	[tilespmem:v19+s25+$0x0] =	vst.idx.msk $0xffff, v17  }
0x108: {  	p1 =	slt.u32 s17, $0x3C;
	v17 =	vand.u32 $0x3E, v28;
	s21 =	sor.u32 s11, s20;
	v19 =	vadd.s32 v7, v22;
	s11 =	smov.u32 s12;
	[tilespmem:v24+s25+$0x0] =	vst.idx.msk $0xffff, v23;
	v23 =	vld [tilespmem:s24+$0x2070]  }
0x109: {  	v28 =	vadd.s32 v0, v22;
	s12 =	smov.u32 s19;
	s24 =	smov.u32 s9;
	s9 =	smov.u32 s21;
	v24 =	vld [tilespmem:s19+$0x2000];
	[tilespmem:v16+s25+$0x0] =	vst.idx.msk $0xffff, v29;
	v16 =	vmov v26  }
0x10a: {  	s17 =	sor.u32 s18, s20;
	v26 =	vld [tilespmem:s9+$0x2000];
	[tilespmem:v30+s25+$0x0] =	vst.idx.msk $0xffff, v18  }
0x10b: {  	v29 =	vadd.s32 v0, v17;
	v18 =	vld [tilespmem:s17+$0x2000];
	[tilespmem:v31+s25+$0x0] =	vst.idx.msk $0xffff, v25  }
0x10c: {  	v25 =	vadd.s32 v4, v13;
	[tilespmem:v20+s25+$0x0] =	vst.idx.msk $0xffff, v21;
	v20 =	vadd.s32 v1, v10;
	v21 =	vld [tilespmem:s7+$0xFFFFFFE0]  }
0x10d: {  	v30 =	vld [tilespmem:s15+$0xFFFFFFA0];
	[tilespmem:v15+s25+$0x0] =	vst.idx.msk $0xffff, v23;
	v15 =	vmov v14;
	v14 =	vmov v19  }
0x10e: {  	v19 =	vadd.s32 v1, v11;
	[tilespmem:v27+s25+$0x0] =	vst.idx.msk $0xffff, v24;
	v23 =	vld [tilespmem:s11+$0x2030];
	v24 =	vadd.s32 v3, v9  }
0x10f: {  	v27 =	vld [tilespmem:s12+$0x2010];
	[tilespmem:v28+s25+$0x0] =	vst.idx.msk $0xffff, v26  }
0x110: {  	v26 =	vadd.s32 v1, v22;
	[tilespmem:v29+s25+$0x0] =	vst.idx.msk $0xffff, v18;
	v18 =	vld [tilespmem:s9+$0x2010]  }
0x111: {  	v29 =	vadd.s32 v1, v17;
	v28 =	vld [tilespmem:s17+$0x2010];
	[tilespmem:v25+s25+$0x0] =	vst.idx.msk $0xffff, v32  }
0x112: {  	[tilespmem:v20+s25+$0x0] =	vst.idx.msk $0xffff, v30;
	v20 =	vadd.s32 v5, v8;
	v25 =	vld [tilespmem:s13+$0x2050]  }
0x113: {  	v30 =	vld [tilespmem:s15+$0xFFFFFFB0];
	[tilespmem:v24+s25+$0x0] =	vst.idx.msk $0xffff, v23;
	v23 =	vadd.s32 v5, v12  }
0x114: {  	v24 =	vadd.s32 v4, v9;
	[tilespmem:v19+s25+$0x0] =	vst.idx.msk $0xffff, v27;
	v19 =	vld [tilespmem:s11+$0x2040]  }
0x115: {  	v27 =	vadd.s32 v2, v10;
	v31 =	vld [tilespmem:s12+$0x2020];
	[tilespmem:v26+s25+$0x0] =	vst.idx.msk $0xffff, v18  }
0x116: {  	v26 =	vadd.s32 v2, v22;
	[tilespmem:v29+s25+$0x0] =	vst.idx.msk $0xffff, v28;
	v18 =	vld [tilespmem:s9+$0x2020]  }
0x117: {  	v29 =	vadd.s32 v2, v17;
	v28 =	vld [tilespmem:s17+$0x2020];
	[tilespmem:v20+s25+$0x0] =	vst.idx.msk $0xffff, v21  }
0x118: {  	v21 =	vadd.s32 v6, v8;
	v20 =	vld [tilespmem:s7+$0xFFFFFFF0];
	[tilespmem:v23+s25+$0x0] =	vst.idx.msk $0xffff, v25;
	v23 =	vadd.s32 v5, v13  }
0x119: {  	[tilespmem:v24+s25+$0x0] =	vst.idx.msk $0xffff, v19;
	v19 =	vld [tilespmem:s13+$0x2060];
	v24 =	vadd.s32 v6, v12  }
0x11a: {  	[tilespmem:v27+s25+$0x0] =	vst.idx.msk $0xffff, v30;
	v25 =	vld [tilespmem:s11+$0x2050];
	v27 =	vadd.s32 v5, v9  }
0x11b: {  	v32 =	vadd.s32 v3, v10;
	v30 =	vld [tilespmem:s15+$0xFFFFFFC0];
	[tilespmem:v26+s25+$0x0] =	vst.idx.msk $0xffff, v18  }
0x11c: {  	[tilespmem:v29+s25+$0x0] =	vst.idx.msk $0xffff, v28;
	v28 =	vld [tilespmem:s24+$0x2050]  }
0x11d: {  	v33 =	vadd.s32 v3, v17;
	v29 =	vld [tilespmem:s17+$0x2030];
	[tilespmem:v21+s25+$0x0] =	vst.idx.msk $0xffff, v20  }
0x11e: {  	v34 =	vadd.s32 v2, v11;
	v18 =	vld [tilespmem:s7+$0x0];
	[tilespmem:v24+s25+$0x0] =	vst.idx.msk $0xffff, v19;
	v19 =	vadd.s32 v6, v13;
	v13 =	vmov v22;
	s7 =	smov.u32 s15  }
.Ltmp6:
0x11f: {  	[tilespmem:v27+s25+$0x0] =	vst.idx.msk $0xffff, v25;
	v21 =	vld [tilespmem:s13+$0x2070];
	v25 =	vadd.s32 v7, v12;
	v12 =	vmov v17;
	s13 =	smov.u32 s17;
	(pc) =	sbr.rel @p1 .LBB2_7-.Ltmp6, $4  }
0x120: {  	v22 =	vadd.s32 v6, v9;
	[tilespmem:v32+s25+$0x0] =	vst.idx.msk $0xffff, v30;
	v20 =	vld [tilespmem:s11+$0x2060]  }
0x121: {  	v27 =	vadd.s32 v3, v13;
	v26 =	vld [tilespmem:s9+$0x2030];
	[tilespmem:v23+s25+$0x0] =	vst.idx.msk $0xffff, v28  }
0x122: {  	[tilespmem:v33+s25+$0x0] =	vst.idx.msk $0xffff, v29;
	v17 =	vld [tilespmem:s24+$0x2060]  }
0x123: {  	s14 =	sadd.s32 $0x200, s14;
	s15 =	sadd.s32 $0x200, s15;
	s17 =	smov.u32 s16;
	v24 =	vadd.s32 v4, v12;
	[tilespmem:v34+s25+$0x0] =	vst.idx.msk $0xffff, v31;
	v23 =	vld [tilespmem:s13+$0x2040]  }
0x124: {  	v28 =	vld [tilespmem:s12+$0x2030];
	v29 =	vadd.s32 v3, v11;
	_ =	sdelay $0x3  }
0x125: {  	v30 =	vld [tilespmem:s7+$0xFFFFFFD0];
	[tilespmem:v27+s25+$0x0] =	vst.idx.msk $0xffff, v26  }
0x126: {  	v42 =	vadd.s32 v4, v13;
	v41 =	vld [tilespmem:s9+$0x2040];
	[tilespmem:v29+s25+$0x0] =	vst.idx.msk $0xffff, v28  }
0x127: {  	v40 =	vadd.s32 v4, v11;
	v39 =	vld [tilespmem:s12+$0x2040];
	_ =	sdelay $0x1  }
0x128: {  	[tilespmem:v24+s25+$0x0] =	vst.idx.msk $0xffff, v23  }
0x129: {  	v44 =	vadd.s32 v5, v12;
	[tilespmem:v16+s25+$0x0] =	vst.idx.msk $0xffff, v30;
	v43 =	vld [tilespmem:s13+$0x2050]  }
0x12a: {  	v46 =	vadd.s32 v5, v10;
	v45 =	vld [tilespmem:s7+$0xFFFFFFE0];
	[tilespmem:v42+s25+$0x0] =	vst.idx.msk $0xffff, v41  }
0x12b: {  	v48 =	vadd.s32 v5, v13;
	v49 =	vld [tilespmem:s9+$0x2050];
	[tilespmem:v40+s25+$0x0] =	vst.idx.msk $0xffff, v39  }
0x12c: {  	v47 =	vadd.s32 v5, v11;
	[tilespmem:v25+s25+$0x0] =	vst.idx.msk $0xffff, v21;
	v27 =	vld [tilespmem:s12+$0x2050]  }
0x12d: {  	[tilespmem:v22+s25+$0x0] =	vst.idx.msk $0xffff, v20  }
0x12e: {  	v8 =	vadd.s32 v7, v8;
	[tilespmem:v44+s25+$0x0] =	vst.idx.msk $0xffff, v43  }
0x12f: {  	v50 =	vadd.s32 v6, v12;
	[tilespmem:v46+s25+$0x0] =	vst.idx.msk $0xffff, v45;
	v16 =	vld [tilespmem:s13+$0x2060]  }
0x130: {  	v52 =	vadd.s32 v6, v10;
	v51 =	vld [tilespmem:s7+$0xFFFFFFF0];
	[tilespmem:v48+s25+$0x0] =	vst.idx.msk $0xffff, v49  }
0x131: {  	v55 =	vadd.s32 v6, v13;
	v56 =	vld [tilespmem:s9+$0x2060];
	[tilespmem:v47+s25+$0x0] =	vst.idx.msk $0xffff, v27  }
0x132: {  	v54 =	vadd.s32 v6, v11;
	[tilespmem:v19+s25+$0x0] =	vst.idx.msk $0xffff, v17;
	v53 =	vld [tilespmem:s12+$0x2060]  }
0x133: {  	v9 =	vadd.s32 v7, v9;
	v57 =	vld [tilespmem:s11+$0x2070];
	[tilespmem:v8+s25+$0x0] =	vst.idx.msk $0xffff, v18  }
0x134: {  	v8 =	vld [tilespmem:s24+$0x2070];
	[tilespmem:v50+s25+$0x0] =	vst.idx.msk $0xffff, v16  }
0x135: {  	v58 =	vadd.s32 v7, v12;
	[tilespmem:v52+s25+$0x0] =	vst.idx.msk $0xffff, v51;
	v16 =	vld [tilespmem:s13+$0x2070]  }
0x136: {  	v60 =	vadd.s32 v7, v10;
	v59 =	vld [tilespmem:s7+$0x0];
	[tilespmem:v55+s25+$0x0] =	vst.idx.msk $0xffff, v56  }
0x137: {  	v63 =	vld [tilespmem:s9+$0x2070];
	[tilespmem:v54+s25+$0x0] =	vst.idx.msk $0xffff, v53  }
0x138: {  	v61 =	vadd.s32 v7, v11;
	[tilespmem:v9+s25+$0x0] =	vst.idx.msk $0xffff, v57;
	v62 =	vld [tilespmem:s12+$0x2070]  }
0x139: {  	[tilespmem:v15+s25+$0x0] =	vst.idx.msk $0xffff, v8  }
0x13a: {  	[tilespmem:v58+s25+$0x0] =	vst.idx.msk $0xffff, v16  }
0x13b: {  	s24 =	sadd.s32 s23, s3;
	[tilespmem:v60+s25+$0x0] =	vst.idx.msk $0xffff, v59  }
0x13c: {  	s11 =	simm.s32 $0x8;
	s7 =	sadd.s32 $0x8000, s24;
	[tilespmem:v14+s25+$0x0] =	vst.idx.msk $0xffff, v63  }
0x13d: {  	s13 =	sadd.s32 $0x0, s7;
	s9 =	simm.s32 $0xE400;
	s12 =	simm.s32 $0xE448;
	[tilespmem:v61+s25+$0x0] =	vst.idx.msk $0xffff, v62  }
.LBB2_9:
0x13e: {  	[hbm4b:s13+s4] =	stream.linear.scatter [tilespmem:s9], [sflag:$0x8], $0x40, $0x38;
	[tilespmem:$0x19800] =	vst v63  }
0x13f: {  	s13 =	smov.u32 s11;
	s9 =	smov.u32 s12;
	p1 =	sne.s32 s11, $0x3F8  }
.Ltmp7:
0x140: {  	s11 =	sadd.s32 $0x8, s11;
	(pc) =	sbr.rel @p1 .LBB2_9-.Ltmp7, $2  }
0x141: {  	_ =	sdelay $0x2  }
0x142: {  	s12 =	sadd.s32 $0x48, s12;
	s13 =	sadd.s32 s13, s7  }
0x143: {  	[hbm4b:s13+s4] =	stream.linear.scatter [tilespmem:s9], [sflag:$0x8], $0x40, $0x38;
	[tilespmem:$0x19800] =	vst v63  }
0x144: {  	s7 =	rddreg [dreg:$0xa]  }
0x145: {  	s7 =	sadd.s32 s7, s6  }
0x146: {  	p1 =	sgt.u32 s7, $0x1E84  }
0x147: {  	s7 =	sshll.u32 @!p1 s7, $0x7;
	s9 =	simm.s32 @!p1 $0x400  }
0x148: {  	s11 =	simm.s32 @!p1 $0x7A1400;
	s12 =	simm.s32 @!p1 $0x2000;
	s7 =	sadd.s32 @!p1 s2, s7  }
0x149: {  	[tilespmem:s12], [sflag:$0x2] =	stream.strided.gather @!p1 [hbm4b:s7+s9], $0x2000, s11, s9, $0x38;
	[tilespmem:$0x19800] =	vst v63  }
0x14a: {  	_ =	swait.ge [sflag:s26], $0x2000  }
0x14b: {  	s19 =	simm.s32 $0x0;
	[sflag:s26] =	ssyncset.done $0x0  }
0x14c: {  	s20 =	simm.s32 $0x2;
	s7 =	simm.s32 @!p0 $0x9;
	[sflag:s26] =	ssyncadd.s32 $0xFFFFE000  }
0x14d: {  	s21 =	simm.s32 $0x100;
	s23 =	simm.s32 $0x0;
	_ =	swait.ge @!p0 [sflag:s7], $0x2000  }
0x14e: {  	v8 =	vmov s20;
	s24 =	sand.u32 $0x300, s21;
	s9 =	sand.u32 $0x1C00, s19;
	[sflag:s7] =	ssyncset.done @!p0 $0x0  }
0x14f: {  	v9 =	vmov s23;
	v17 =	vand.u32 $0x3E, v8;
	s13 =	sor.u32 s24, s9;
	[sflag:s7] =	ssyncadd.s32 @!p0 $0xFFFFE000  }
0x150: {  	s14 =	simm.s32 $0x4070;
	v8 =	vand.u32 $0x3C, v9;
	v10 =	vadd.s32 v0, v17;
	v9 =	vld [tilespmem:s13+$0x4000]  }
0x151: {  	s15 =	simm.s32 $0x3;
	v13 =	vadd.s32 v0, v8;
	s12 =	simm.s32 $0x180;
	v11 =	vld [tilespmem:s14+$0xFFFFFF90]  }
0x152: {  	v12 =	vmov s15;
	s7 =	sand.u32 $0x380, s12  }
0x153: {  	v19 =	vand.u32 $0x3F, v12;
	s23 =	sor.u32 s7, s9  }
0x154: {  	v12 =	vadd.s32 v0, v19;
	v14 =	vld [tilespmem:s23+$0x4000]  }
0x155: {  	[tilespmem:v10+s28+$0x0] =	vst.idx.msk $0xffff, v9  }
0x156: {  	[tilespmem:v13+s28+$0x0] =	vst.idx.msk $0xffff, v11;
	v11 =	vadd.s32 v1, v17;
	v10 =	vld [tilespmem:s13+$0x4010]  }
0x157: {  	v13 =	vadd.s32 v1, v8;
	v15 =	vld [tilespmem:s14+$0xFFFFFFA0]  }
0x158: {  	s16 =	simm.s32 $0x1;
	s17 =	simm.s32 $0x80  }
0x159: {  	s18 =	sand.u32 $0x280, s17;
	v9 =	vmov s16;
	[tilespmem:v12+s28+$0x0] =	vst.idx.msk $0xffff, v14  }
0x15a: {  	s24 =	sor.u32 s18, s9;
	v14 =	vadd.s32 v1, v19;
	v9 =	vand.u32 $0x3D, v9;
	v12 =	vld [tilespmem:s23+$0x4010]  }
0x15b: {  	v18 =	vld [tilespmem:s24+$0x4000];
	v16 =	vadd.s32 v0, v9;
	[tilespmem:v11+s28+$0x0] =	vst.idx.msk $0xffff, v10  }
0x15c: {  	[tilespmem:v13+s28+$0x0] =	vst.idx.msk $0xffff, v15;
	v11 =	vadd.s32 v2, v17;
	v10 =	vld [tilespmem:s13+$0x4020]  }
0x15d: {  	v15 =	vadd.s32 v2, v8;
	v13 =	vld [tilespmem:s14+$0xFFFFFFB0];
	_ =	sdelay $0x1  }
0x15e: {  	[tilespmem:v14+s28+$0x0] =	vst.idx.msk $0xffff, v12  }
0x15f: {  	v14 =	vadd.s32 v2, v19;
	[tilespmem:v16+s28+$0x0] =	vst.idx.msk $0xffff, v18;
	v12 =	vld [tilespmem:s23+$0x4020]  }
0x160: {  	v16 =	vadd.s32 v1, v9;
	v18 =	vld [tilespmem:s24+$0x4010];
	[tilespmem:v11+s28+$0x0] =	vst.idx.msk $0xffff, v10  }
0x161: {  	[tilespmem:v15+s28+$0x0] =	vst.idx.msk $0xffff, v13;
	v11 =	vadd.s32 v3, v17;
	v10 =	vld [tilespmem:s13+$0x4030]  }
0x162: {  	v15 =	vadd.s32 v3, v8;
	v13 =	vld [tilespmem:s14+$0xFFFFFFC0];
	_ =	sdelay $0x1  }
0x163: {  	[tilespmem:v14+s28+$0x0] =	vst.idx.msk $0xffff, v12  }
0x164: {  	v14 =	vadd.s32 v3, v19;
	[tilespmem:v16+s28+$0x0] =	vst.idx.msk $0xffff, v18;
	v12 =	vld [tilespmem:s23+$0x4030]  }
0x165: {  	s19 =	simm.s32 $0x4;
	[tilespmem:v11+s28+$0x0] =	vst.idx.msk $0xffff, v10  }
0x166: {  	s20 =	simm.s32 $0x200;
	s21 =	simm.s32 $0x5;
	s15 =	simm.s32 $0x7;
	v18 =	vadd.s32 v2, v9;
	v16 =	vld [tilespmem:s24+$0x4020];
	[tilespmem:v15+s28+$0x0] =	vst.idx.msk $0xffff, v13;
	v10 =	vmov s19  }
0x167: {  	s17 =	sand.u32 $0x1C00, s20;
	v20 =	vadd.s32 v4, v8;
	s11 =	simm.s32 $0x4270;
	s16 =	simm.s32 $0x280;
	v21 =	vld [tilespmem:s14+$0xFFFFFFD0];
	v10 =	vand.u32 $0x3C, v10  }
0x168: {  	s20 =	simm.s32 $0x300;
	s12 =	simm.s32 $0x380;
	v22 =	vld [tilespmem:s11+$0xFFFFFF90];
	v11 =	vmov s21;
	s19 =	sand.u32 $0x280, s16;
	v23 =	vadd.s32 v0, v10  }
0x169: {  	s18 =	simm.s32 $0x6;
	s12 =	sand.u32 $0x380, s12;
	v15 =	vld [tilespmem:s13+$0x4040];
	[tilespmem:v14+s28+$0x0] =	vst.idx.msk $0xffff, v12;
	v14 =	vadd.s32 v4, v17;
	v12 =	vmov s15;
	v11 =	vand.u32 $0x3D, v11;
	s9 =	sor.u32 s19, s17  }
0x16a: {  	s7 =	sor.u32 s12, s17;
	s15 =	sand.u32 $0x300, s20;
	v13 =	vand.u32 $0x3F, v12;
	v25 =	vadd.s32 v0, v11;
	v12 =	vmov s18;
	v26 =	vld [tilespmem:s9+$0x4000]  }
0x16b: {  	[tilespmem:v18+s28+$0x0] =	vst.idx.msk $0xffff, v16;
	v18 =	vld [tilespmem:s7+$0x4000];
	s12 =	sor.u32 s15, s17;
	v12 =	vand.u32 $0x3E, v12;
	v16 =	vadd.s32 v0, v13  }
0x16c: {  	[tilespmem:v20+s28+$0x0] =	vst.idx.msk $0xffff, v21;
	v20 =	vld [tilespmem:s12+$0x4000];
	v21 =	vadd.s32 v0, v12  }
0x16d: {  	v24 =	vld [tilespmem:s23+$0x4040];
	[tilespmem:v23+s28+$0x0] =	vst.idx.msk $0xffff, v22;
	v23 =	vadd.s32 v4, v19  }
0x16e: {  	[tilespmem:v14+s28+$0x0] =	vst.idx.msk $0xffff, v15;
	v14 =	vadd.s32 v1, v10;
	v15 =	vld [tilespmem:s11+$0xFFFFFFA0]  }
0x16f: {  	[tilespmem:v25+s28+$0x0] =	vst.idx.msk $0xffff, v26;
	v25 =	vld [tilespmem:s24+$0x4030];
	v26 =	vadd.s32 v3, v9  }
0x170: {  	v27 =	vadd.s32 v1, v11;
	v28 =	vld [tilespmem:s9+$0x4010];
	[tilespmem:v16+s28+$0x0] =	vst.idx.msk $0xffff, v18  }
0x171: {  	v18 =	vadd.s32 v1, v13;
	v16 =	vld [tilespmem:s7+$0x4010];
	[tilespmem:v21+s28+$0x0] =	vst.idx.msk $0xffff, v20  }
0x172: {  	v21 =	vadd.s32 v1, v12;
	v20 =	vld [tilespmem:s12+$0x4010];
	[tilespmem:v23+s28+$0x0] =	vst.idx.msk $0xffff, v24  }
0x173: {  	v22 =	vld [tilespmem:s14+$0xFFFFFFE0];
	[tilespmem:v14+s28+$0x0] =	vst.idx.msk $0xffff, v15;
	v14 =	vadd.s32 v5, v8  }
0x174: {  	[tilespmem:v26+s28+$0x0] =	vst.idx.msk $0xffff, v25;
	v24 =	vadd.s32 v5, v17;
	v15 =	vld [tilespmem:s13+$0x4050]  }
0x175: {  	v26 =	vadd.s32 v4, v9;
	[tilespmem:v27+s28+$0x0] =	vst.idx.msk $0xffff, v28;
	v25 =	vld [tilespmem:s24+$0x4040]  }
0x176: {  	v27 =	vadd.s32 v2, v10;
	v23 =	vld [tilespmem:s11+$0xFFFFFFB0];
	[tilespmem:v18+s28+$0x0] =	vst.idx.msk $0xffff, v16  }
0x177: {  	v29 =	vadd.s32 v5, v19;
	v30 =	vld [tilespmem:s23+$0x4050];
	[tilespmem:v21+s28+$0x0] =	vst.idx.msk $0xffff, v20  }
0x178: {  	v18 =	vadd.s32 v2, v13;
	v16 =	vld [tilespmem:s7+$0x4020];
	[tilespmem:v14+s28+$0x0] =	vst.idx.msk $0xffff, v22  }
0x179: {  	v21 =	vadd.s32 v2, v12;
	v20 =	vld [tilespmem:s12+$0x4020];
	[tilespmem:v24+s28+$0x0] =	vst.idx.msk $0xffff, v15  }
0x17a: {  	v22 =	vadd.s32 v6, v8;
	[tilespmem:v26+s28+$0x0] =	vst.idx.msk $0xffff, v25;
	v14 =	vld [tilespmem:s14+$0xFFFFFFF0]  }
0x17b: {  	v25 =	vadd.s32 v5, v9;
	[tilespmem:v27+s28+$0x0] =	vst.idx.msk $0xffff, v23;
	v23 =	vld [tilespmem:s24+$0x4050]  }
0x17c: {  	v24 =	vadd.s32 v6, v17;
	[tilespmem:v29+s28+$0x0] =	vst.idx.msk $0xffff, v30;
	v15 =	vld [tilespmem:s13+$0x4060]  }
0x17d: {  	v28 =	vld [tilespmem:s9+$0x4020];
	[tilespmem:v18+s28+$0x0] =	vst.idx.msk $0xffff, v16  }
0x17e: {  	v27 =	vadd.s32 v3, v10;
	v26 =	vld [tilespmem:s11+$0xFFFFFFC0];
	[tilespmem:v21+s28+$0x0] =	vst.idx.msk $0xffff, v20  }
0x17f: {  	v32 =	vadd.s32 v3, v12;
	v31 =	vld [tilespmem:s12+$0x4030];
	[tilespmem:v22+s28+$0x0] =	vst.idx.msk $0xffff, v14  }
0x180: {  	v33 =	vadd.s32 v2, v11;
	[tilespmem:v25+s28+$0x0] =	vst.idx.msk $0xffff, v23;
	v25 =	vadd.s32 v7, v17;
	v17 =	vld [tilespmem:s23+$0x4060]  }
0x181: {  	[tilespmem:v24+s28+$0x0] =	vst.idx.msk $0xffff, v15;
	v18 =	vld [tilespmem:s14+$0x0]  }
0x182: {  	v16 =	vadd.s32 v4, v10;
	v21 =	vld [tilespmem:s13+$0x4070]  }
0x183: {  	v15 =	vadd.s32 v7, v19;
	v22 =	vadd.s32 v6, v9;
	[tilespmem:v27+s28+$0x0] =	vst.idx.msk $0xffff, v26;
	v20 =	vld [tilespmem:s24+$0x4060]  }
0x184: {  	s17 =	simm.s32 $0x8;
	v14 =	vadd.s32 v7, v13;
	v26 =	vld [tilespmem:s7+$0x4030];
	v27 =	vadd.s32 v3, v13;
	s21 =	rddreg [dreg:$0xb];
	[tilespmem:v32+s28+$0x0] =	vst.idx.msk $0xffff, v31  }
0x185: {  	s15 =	simm.s32 $0x4470;
	v19 =	vadd.s32 v6, v19;
	v24 =	vadd.s32 v4, v12;
	s14 =	simm.s32 $0x580;
	[tilespmem:v33+s28+$0x0] =	vst.idx.msk $0xffff, v28;
	s13 =	sadd.s32 s21, s6;
	v23 =	vld [tilespmem:s12+$0x4040]  }
.LBB2_11:
0x186: {  	s16 =	sadd.s32 $0xFFFFFE80, s14;
	v30 =	vadd.s32 v7, v8  }
0x187: {  	v28 =	vmov s17;
	s18 =	sadd.s32 $0x1, s17;
	s19 =	sadd.s32 $0x3, s17;
	v29 =	vld [tilespmem:s11+$0xFFFFFFD0];
	v31 =	vadd.s32 v7, v9;
	[tilespmem:v25+s28+$0x0] =	vst.idx.msk $0xffff, v21;
	v8 =	vmovc v10;
	v9 =	vmov v11;
	s20 =	smov.u32 s17  }
0x188: {  	s20 =	sand.u32 $0x1C00, s16;
	v21 =	vld [tilespmem:s15+$0xFFFFFF90];
	v10 =	vand.u32 $0x3C, v28;
	v11 =	vmov s18;
	s16 =	sadd.s32 $0xFFFFFF00, s14;
	s18 =	sadd.s32 $0x2, s17;
	v25 =	vmov s19;
	[tilespmem:v22+s28+$0x0] =	vst.idx.msk $0xffff, v20  }
0x189: {  	s21 =	sadd.s32 $0xFFFFFF80, s14;
	v20 =	vadd.s32 v0, v10;
	s19 =	sand.u32 $0x280, s16;
	v11 =	vand.u32 $0x3D, v11;
	v22 =	vand.u32 $0x3F, v25;
	s16 =	sadd.s32 $0x4, s17;
	[tilespmem:v27+s28+$0x0] =	vst.idx.msk $0xffff, v26;
	v25 =	vld [tilespmem:s24+$0x4070]  }
0x18a: {  	v26 =	vadd.s32 v4, v10;
	v28 =	vmov s18;
	s18 =	sand.u32 $0x300, s21;
	s21 =	sand.u32 $0x380, s14;
	s19 =	sor.u32 s19, s20;
	v27 =	vadd.s32 v0, v11;
	v32 =	vld [tilespmem:s7+$0x4040];
	[tilespmem:v19+s28+$0x0] =	vst.idx.msk $0xffff, v17  }
0x18b: {  	p1 =	slt.u32 s17, $0x3C;
	s24 =	smov.u32 s9;
	v17 =	vand.u32 $0x3E, v28;
	s21 =	sor.u32 s21, s20;
	v19 =	vadd.s32 v7, v22;
	[tilespmem:v24+s28+$0x0] =	vst.idx.msk $0xffff, v23;
	v23 =	vld [tilespmem:s23+$0x4070]  }
0x18c: {  	v28 =	vadd.s32 v0, v22;
	s9 =	smov.u32 s19;
	s23 =	smov.u32 s7;
	s7 =	smov.u32 s21;
	v24 =	vld [tilespmem:s19+$0x4000];
	[tilespmem:v16+s28+$0x0] =	vst.idx.msk $0xffff, v29;
	v16 =	vmov v26  }
0x18d: {  	s17 =	sor.u32 s18, s20;
	v26 =	vld [tilespmem:s7+$0x4000];
	[tilespmem:v30+s28+$0x0] =	vst.idx.msk $0xffff, v18  }
0x18e: {  	v29 =	vadd.s32 v0, v17;
	v18 =	vld [tilespmem:s17+$0x4000];
	[tilespmem:v31+s28+$0x0] =	vst.idx.msk $0xffff, v25  }
0x18f: {  	v25 =	vadd.s32 v4, v13;
	[tilespmem:v20+s28+$0x0] =	vst.idx.msk $0xffff, v21;
	v20 =	vadd.s32 v1, v10;
	v21 =	vld [tilespmem:s11+$0xFFFFFFE0]  }
0x190: {  	v30 =	vld [tilespmem:s15+$0xFFFFFFA0];
	[tilespmem:v15+s28+$0x0] =	vst.idx.msk $0xffff, v23;
	v15 =	vmov v14;
	v14 =	vmov v19  }
0x191: {  	v19 =	vadd.s32 v1, v11;
	[tilespmem:v27+s28+$0x0] =	vst.idx.msk $0xffff, v24;
	v23 =	vld [tilespmem:s24+$0x4030];
	v24 =	vadd.s32 v3, v9  }
0x192: {  	v27 =	vld [tilespmem:s9+$0x4010];
	[tilespmem:v28+s28+$0x0] =	vst.idx.msk $0xffff, v26  }
0x193: {  	v26 =	vadd.s32 v1, v22;
	[tilespmem:v29+s28+$0x0] =	vst.idx.msk $0xffff, v18;
	v18 =	vld [tilespmem:s7+$0x4010]  }
0x194: {  	v29 =	vadd.s32 v1, v17;
	v28 =	vld [tilespmem:s17+$0x4010];
	[tilespmem:v25+s28+$0x0] =	vst.idx.msk $0xffff, v32  }
0x195: {  	[tilespmem:v20+s28+$0x0] =	vst.idx.msk $0xffff, v30;
	v20 =	vadd.s32 v5, v8;
	v25 =	vld [tilespmem:s12+$0x4050]  }
0x196: {  	v30 =	vld [tilespmem:s15+$0xFFFFFFB0];
	[tilespmem:v24+s28+$0x0] =	vst.idx.msk $0xffff, v23;
	v23 =	vadd.s32 v5, v12  }
0x197: {  	v24 =	vadd.s32 v4, v9;
	[tilespmem:v19+s28+$0x0] =	vst.idx.msk $0xffff, v27;
	v19 =	vld [tilespmem:s24+$0x4040]  }
0x198: {  	v27 =	vadd.s32 v2, v10;
	v31 =	vld [tilespmem:s9+$0x4020];
	[tilespmem:v26+s28+$0x0] =	vst.idx.msk $0xffff, v18  }
0x199: {  	v26 =	vadd.s32 v2, v22;
	[tilespmem:v29+s28+$0x0] =	vst.idx.msk $0xffff, v28;
	v18 =	vld [tilespmem:s7+$0x4020]  }
0x19a: {  	v29 =	vadd.s32 v2, v17;
	v28 =	vld [tilespmem:s17+$0x4020];
	[tilespmem:v20+s28+$0x0] =	vst.idx.msk $0xffff, v21  }
0x19b: {  	v21 =	vadd.s32 v6, v8;
	v20 =	vld [tilespmem:s11+$0xFFFFFFF0];
	[tilespmem:v23+s28+$0x0] =	vst.idx.msk $0xffff, v25;
	v23 =	vadd.s32 v5, v13  }
0x19c: {  	[tilespmem:v24+s28+$0x0] =	vst.idx.msk $0xffff, v19;
	v19 =	vld [tilespmem:s12+$0x4060];
	v24 =	vadd.s32 v6, v12  }
0x19d: {  	[tilespmem:v27+s28+$0x0] =	vst.idx.msk $0xffff, v30;
	v25 =	vld [tilespmem:s24+$0x4050];
	v27 =	vadd.s32 v5, v9  }
0x19e: {  	v32 =	vadd.s32 v3, v10;
	v30 =	vld [tilespmem:s15+$0xFFFFFFC0];
	[tilespmem:v26+s28+$0x0] =	vst.idx.msk $0xffff, v18  }
0x19f: {  	[tilespmem:v29+s28+$0x0] =	vst.idx.msk $0xffff, v28;
	v28 =	vld [tilespmem:s23+$0x4050]  }
0x1a0: {  	v33 =	vadd.s32 v3, v17;
	v29 =	vld [tilespmem:s17+$0x4030];
	[tilespmem:v21+s28+$0x0] =	vst.idx.msk $0xffff, v20  }
0x1a1: {  	v34 =	vadd.s32 v2, v11;
	v18 =	vld [tilespmem:s11+$0x0];
	[tilespmem:v24+s28+$0x0] =	vst.idx.msk $0xffff, v19;
	v19 =	vadd.s32 v6, v13;
	v13 =	vmov v22;
	s11 =	smov.u32 s15  }
.Ltmp8:
0x1a2: {  	[tilespmem:v27+s28+$0x0] =	vst.idx.msk $0xffff, v25;
	v21 =	vld [tilespmem:s12+$0x4070];
	v25 =	vadd.s32 v7, v12;
	v12 =	vmov v17;
	s12 =	smov.u32 s17;
	(pc) =	sbr.rel @p1 .LBB2_11-.Ltmp8, $4  }
0x1a3: {  	v22 =	vadd.s32 v6, v9;
	[tilespmem:v32+s28+$0x0] =	vst.idx.msk $0xffff, v30;
	v20 =	vld [tilespmem:s24+$0x4060]  }
0x1a4: {  	v27 =	vadd.s32 v3, v13;
	v26 =	vld [tilespmem:s7+$0x4030];
	[tilespmem:v23+s28+$0x0] =	vst.idx.msk $0xffff, v28  }
0x1a5: {  	[tilespmem:v33+s28+$0x0] =	vst.idx.msk $0xffff, v29;
	v17 =	vld [tilespmem:s23+$0x4060]  }
0x1a6: {  	s14 =	sadd.s32 $0x200, s14;
	s15 =	sadd.s32 $0x200, s15;
	s17 =	smov.u32 s16;
	v24 =	vadd.s32 v4, v12;
	[tilespmem:v34+s28+$0x0] =	vst.idx.msk $0xffff, v31;
	v23 =	vld [tilespmem:s12+$0x4040]  }
0x1a7: {  	v28 =	vld [tilespmem:s9+$0x4030];
	v29 =	vadd.s32 v3, v11;
	_ =	sdelay $0x3  }
0x1a8: {  	v30 =	vld [tilespmem:s11+$0xFFFFFFD0];
	[tilespmem:v27+s28+$0x0] =	vst.idx.msk $0xffff, v26  }
0x1a9: {  	v42 =	vadd.s32 v4, v13;
	v41 =	vld [tilespmem:s7+$0x4040];
	[tilespmem:v29+s28+$0x0] =	vst.idx.msk $0xffff, v28  }
0x1aa: {  	v40 =	vadd.s32 v4, v11;
	v39 =	vld [tilespmem:s9+$0x4040];
	_ =	sdelay $0x1  }
0x1ab: {  	[tilespmem:v24+s28+$0x0] =	vst.idx.msk $0xffff, v23  }
0x1ac: {  	v44 =	vadd.s32 v5, v12;
	[tilespmem:v16+s28+$0x0] =	vst.idx.msk $0xffff, v30;
	v43 =	vld [tilespmem:s12+$0x4050]  }
0x1ad: {  	v46 =	vadd.s32 v5, v10;
	v45 =	vld [tilespmem:s11+$0xFFFFFFE0];
	[tilespmem:v42+s28+$0x0] =	vst.idx.msk $0xffff, v41  }
0x1ae: {  	v48 =	vadd.s32 v5, v13;
	v49 =	vld [tilespmem:s7+$0x4050];
	[tilespmem:v40+s28+$0x0] =	vst.idx.msk $0xffff, v39  }
0x1af: {  	v47 =	vadd.s32 v5, v11;
	[tilespmem:v25+s28+$0x0] =	vst.idx.msk $0xffff, v21;
	v27 =	vld [tilespmem:s9+$0x4050]  }
0x1b0: {  	[tilespmem:v22+s28+$0x0] =	vst.idx.msk $0xffff, v20  }
0x1b1: {  	v8 =	vadd.s32 v7, v8;
	[tilespmem:v44+s28+$0x0] =	vst.idx.msk $0xffff, v43  }
0x1b2: {  	v50 =	vadd.s32 v6, v12;
	[tilespmem:v46+s28+$0x0] =	vst.idx.msk $0xffff, v45;
	v16 =	vld [tilespmem:s12+$0x4060]  }
0x1b3: {  	v52 =	vadd.s32 v6, v10;
	v51 =	vld [tilespmem:s11+$0xFFFFFFF0];
	[tilespmem:v48+s28+$0x0] =	vst.idx.msk $0xffff, v49  }
0x1b4: {  	v55 =	vadd.s32 v6, v13;
	v56 =	vld [tilespmem:s7+$0x4060];
	[tilespmem:v47+s28+$0x0] =	vst.idx.msk $0xffff, v27  }
0x1b5: {  	v54 =	vadd.s32 v6, v11;
	[tilespmem:v19+s28+$0x0] =	vst.idx.msk $0xffff, v17;
	v53 =	vld [tilespmem:s9+$0x4060]  }
0x1b6: {  	v9 =	vadd.s32 v7, v9;
	v57 =	vld [tilespmem:s24+$0x4070];
	[tilespmem:v8+s28+$0x0] =	vst.idx.msk $0xffff, v18  }
0x1b7: {  	v8 =	vld [tilespmem:s23+$0x4070];
	[tilespmem:v50+s28+$0x0] =	vst.idx.msk $0xffff, v16  }
0x1b8: {  	v58 =	vadd.s32 v7, v12;
	[tilespmem:v52+s28+$0x0] =	vst.idx.msk $0xffff, v51;
	v16 =	vld [tilespmem:s12+$0x4070]  }
0x1b9: {  	v60 =	vadd.s32 v7, v10;
	v59 =	vld [tilespmem:s11+$0x0];
	[tilespmem:v55+s28+$0x0] =	vst.idx.msk $0xffff, v56  }
0x1ba: {  	v63 =	vld [tilespmem:s7+$0x4070];
	[tilespmem:v54+s28+$0x0] =	vst.idx.msk $0xffff, v53  }
0x1bb: {  	v61 =	vadd.s32 v7, v11;
	[tilespmem:v9+s28+$0x0] =	vst.idx.msk $0xffff, v57;
	v62 =	vld [tilespmem:s9+$0x4070]  }
0x1bc: {  	[tilespmem:v15+s28+$0x0] =	vst.idx.msk $0xffff, v8  }
0x1bd: {  	[tilespmem:v58+s28+$0x0] =	vst.idx.msk $0xffff, v16  }
0x1be: {  	s24 =	sshll.u32 s13, $0xA;
	[tilespmem:v60+s28+$0x0] =	vst.idx.msk $0xffff, v59  }
0x1bf: {  	s12 =	simm.s32 $0x10848;
	s7 =	sadd.s32 s3, s24;
	[tilespmem:v14+s28+$0x0] =	vst.idx.msk $0xffff, v63  }
0x1c0: {  	s11 =	simm.s32 $0x8;
	s13 =	sadd.s32 $0x0, s7;
	s9 =	simm.s32 $0x10800;
	[tilespmem:v61+s28+$0x0] =	vst.idx.msk $0xffff, v62  }
.LBB2_13:
0x1c1: {  	[hbm4b:s13+s4] =	stream.linear.scatter [tilespmem:s9], [sflag:$0x9], $0x40, $0x38;
	[tilespmem:$0x19800] =	vst v63  }
0x1c2: {  	s13 =	smov.u32 s11;
	s9 =	smov.u32 s12;
	p1 =	sne.s32 s11, $0x3F8  }
.Ltmp9:
0x1c3: {  	s11 =	sadd.s32 $0x8, s11;
	(pc) =	sbr.rel @p1 .LBB2_13-.Ltmp9, $2  }
0x1c4: {  	_ =	sdelay $0x2  }
0x1c5: {  	s12 =	sadd.s32 $0x48, s12;
	s13 =	sadd.s32 s13, s7  }
0x1c6: {  	[hbm4b:s13+s4] =	stream.linear.scatter [tilespmem:s9], [sflag:$0x9], $0x40, $0x38;
	[tilespmem:$0x19800] =	vst v63  }
0x1c7: {  	s7 =	rddreg [dreg:$0xc]  }
0x1c8: {  	s7 =	sadd.s32 s7, s6  }
0x1c9: {  	p1 =	sgt.u32 s7, $0x1E84  }
0x1ca: {  	s7 =	sshll.u32 @!p1 s7, $0x7;
	s9 =	simm.s32 @!p1 $0x400  }
0x1cb: {  	s11 =	simm.s32 @!p1 $0x7A1400;
	s12 =	simm.s32 @!p1 $0x4000;
	s7 =	sadd.s32 @!p1 s2, s7  }
0x1cc: {  	[tilespmem:s12], [sflag:$0x3] =	stream.strided.gather @!p1 [hbm4b:s7+s9], $0x2000, s11, s9, $0x38;
	[tilespmem:$0x19800] =	vst v63  }
0x1cd: {  	_ =	swait.ge [sflag:s29], $0x2000  }
0x1ce: {  	s19 =	simm.s32 $0x0;
	[sflag:s29] =	ssyncset.done $0x0  }
0x1cf: {  	s20 =	simm.s32 $0x2;
	s7 =	simm.s32 @!p0 $0xA;
	[sflag:s29] =	ssyncadd.s32 $0xFFFFE000  }
0x1d0: {  	s21 =	simm.s32 $0x100;
	s23 =	simm.s32 $0x0;
	_ =	swait.ge @!p0 [sflag:s7], $0x2000  }
0x1d1: {  	v8 =	vmov s20;
	s24 =	sand.u32 $0x300, s21;
	s9 =	sand.u32 $0x1C00, s19;
	[sflag:s7] =	ssyncset.done @!p0 $0x0  }
0x1d2: {  	v9 =	vmov s23;
	v17 =	vand.u32 $0x3E, v8;
	s13 =	sor.u32 s24, s9;
	[sflag:s7] =	ssyncadd.s32 @!p0 $0xFFFFE000  }
0x1d3: {  	s14 =	simm.s32 $0x6070;
	v8 =	vand.u32 $0x3C, v9;
	v10 =	vadd.s32 v0, v17;
	v9 =	vld [tilespmem:s13+$0x6000]  }
0x1d4: {  	s15 =	simm.s32 $0x3;
	v13 =	vadd.s32 v0, v8;
	s12 =	simm.s32 $0x180;
	v11 =	vld [tilespmem:s14+$0xFFFFFF90]  }
0x1d5: {  	v12 =	vmov s15;
	s7 =	sand.u32 $0x380, s12  }
0x1d6: {  	v19 =	vand.u32 $0x3F, v12;
	s23 =	sor.u32 s7, s9  }
0x1d7: {  	v12 =	vadd.s32 v0, v19;
	v14 =	vld [tilespmem:s23+$0x6000]  }
0x1d8: {  	[tilespmem:v10+s30+$0x0] =	vst.idx.msk $0xffff, v9  }
0x1d9: {  	[tilespmem:v13+s30+$0x0] =	vst.idx.msk $0xffff, v11;
	v11 =	vadd.s32 v1, v17;
	v10 =	vld [tilespmem:s13+$0x6010]  }
0x1da: {  	v13 =	vadd.s32 v1, v8;
	v15 =	vld [tilespmem:s14+$0xFFFFFFA0]  }
0x1db: {  	s16 =	simm.s32 $0x1;
	s17 =	simm.s32 $0x80  }
0x1dc: {  	s18 =	sand.u32 $0x280, s17;
	v9 =	vmov s16;
	[tilespmem:v12+s30+$0x0] =	vst.idx.msk $0xffff, v14  }
0x1dd: {  	s24 =	sor.u32 s18, s9;
	v14 =	vadd.s32 v1, v19;
	v9 =	vand.u32 $0x3D, v9;
	v12 =	vld [tilespmem:s23+$0x6010]  }
0x1de: {  	v18 =	vld [tilespmem:s24+$0x6000];
	v16 =	vadd.s32 v0, v9;
	[tilespmem:v11+s30+$0x0] =	vst.idx.msk $0xffff, v10  }
0x1df: {  	[tilespmem:v13+s30+$0x0] =	vst.idx.msk $0xffff, v15;
	v11 =	vadd.s32 v2, v17;
	v10 =	vld [tilespmem:s13+$0x6020]  }
0x1e0: {  	v15 =	vadd.s32 v2, v8;
	v13 =	vld [tilespmem:s14+$0xFFFFFFB0];
	_ =	sdelay $0x1  }
0x1e1: {  	[tilespmem:v14+s30+$0x0] =	vst.idx.msk $0xffff, v12  }
0x1e2: {  	v14 =	vadd.s32 v2, v19;
	[tilespmem:v16+s30+$0x0] =	vst.idx.msk $0xffff, v18;
	v12 =	vld [tilespmem:s23+$0x6020]  }
0x1e3: {  	v16 =	vadd.s32 v1, v9;
	v18 =	vld [tilespmem:s24+$0x6010];
	[tilespmem:v11+s30+$0x0] =	vst.idx.msk $0xffff, v10  }
0x1e4: {  	[tilespmem:v15+s30+$0x0] =	vst.idx.msk $0xffff, v13;
	v11 =	vadd.s32 v3, v17;
	v10 =	vld [tilespmem:s13+$0x6030]  }
0x1e5: {  	v15 =	vadd.s32 v3, v8;
	v13 =	vld [tilespmem:s14+$0xFFFFFFC0];
	_ =	sdelay $0x1  }
0x1e6: {  	[tilespmem:v14+s30+$0x0] =	vst.idx.msk $0xffff, v12  }
0x1e7: {  	v14 =	vadd.s32 v3, v19;
	[tilespmem:v16+s30+$0x0] =	vst.idx.msk $0xffff, v18;
	v12 =	vld [tilespmem:s23+$0x6030]  }
0x1e8: {  	s19 =	simm.s32 $0x4;
	[tilespmem:v11+s30+$0x0] =	vst.idx.msk $0xffff, v10  }
0x1e9: {  	s20 =	simm.s32 $0x200;
	s21 =	simm.s32 $0x5;
	s15 =	simm.s32 $0x7;
	v18 =	vadd.s32 v2, v9;
	v16 =	vld [tilespmem:s24+$0x6020];
	[tilespmem:v15+s30+$0x0] =	vst.idx.msk $0xffff, v13;
	v10 =	vmov s19  }
0x1ea: {  	s17 =	sand.u32 $0x1C00, s20;
	v20 =	vadd.s32 v4, v8;
	s11 =	simm.s32 $0x6270;
	s16 =	simm.s32 $0x280;
	v21 =	vld [tilespmem:s14+$0xFFFFFFD0];
	v10 =	vand.u32 $0x3C, v10  }
0x1eb: {  	s20 =	simm.s32 $0x300;
	s12 =	simm.s32 $0x380;
	v22 =	vld [tilespmem:s11+$0xFFFFFF90];
	v11 =	vmov s21;
	s19 =	sand.u32 $0x280, s16;
	v23 =	vadd.s32 v0, v10  }
0x1ec: {  	s18 =	simm.s32 $0x6;
	s12 =	sand.u32 $0x380, s12;
	v15 =	vld [tilespmem:s13+$0x6040];
	[tilespmem:v14+s30+$0x0] =	vst.idx.msk $0xffff, v12;
	v14 =	vadd.s32 v4, v17;
	v12 =	vmov s15;
	v11 =	vand.u32 $0x3D, v11;
	s9 =	sor.u32 s19, s17  }
0x1ed: {  	s7 =	sor.u32 s12, s17;
	s15 =	sand.u32 $0x300, s20;
	v13 =	vand.u32 $0x3F, v12;
	v25 =	vadd.s32 v0, v11;
	v12 =	vmov s18;
	v26 =	vld [tilespmem:s9+$0x6000]  }
0x1ee: {  	[tilespmem:v18+s30+$0x0] =	vst.idx.msk $0xffff, v16;
	v18 =	vld [tilespmem:s7+$0x6000];
	s12 =	sor.u32 s15, s17;
	v12 =	vand.u32 $0x3E, v12;
	v16 =	vadd.s32 v0, v13  }
0x1ef: {  	[tilespmem:v20+s30+$0x0] =	vst.idx.msk $0xffff, v21;
	v20 =	vld [tilespmem:s12+$0x6000];
	v21 =	vadd.s32 v0, v12  }
0x1f0: {  	v24 =	vld [tilespmem:s23+$0x6040];
	[tilespmem:v23+s30+$0x0] =	vst.idx.msk $0xffff, v22;
	v23 =	vadd.s32 v4, v19  }
0x1f1: {  	[tilespmem:v14+s30+$0x0] =	vst.idx.msk $0xffff, v15;
	v14 =	vadd.s32 v1, v10;
	v15 =	vld [tilespmem:s11+$0xFFFFFFA0]  }
0x1f2: {  	[tilespmem:v25+s30+$0x0] =	vst.idx.msk $0xffff, v26;
	v25 =	vld [tilespmem:s24+$0x6030];
	v26 =	vadd.s32 v3, v9  }
0x1f3: {  	v27 =	vadd.s32 v1, v11;
	v28 =	vld [tilespmem:s9+$0x6010];
	[tilespmem:v16+s30+$0x0] =	vst.idx.msk $0xffff, v18  }
0x1f4: {  	v18 =	vadd.s32 v1, v13;
	v16 =	vld [tilespmem:s7+$0x6010];
	[tilespmem:v21+s30+$0x0] =	vst.idx.msk $0xffff, v20  }
0x1f5: {  	v21 =	vadd.s32 v1, v12;
	v20 =	vld [tilespmem:s12+$0x6010];
	[tilespmem:v23+s30+$0x0] =	vst.idx.msk $0xffff, v24  }
0x1f6: {  	v22 =	vld [tilespmem:s14+$0xFFFFFFE0];
	[tilespmem:v14+s30+$0x0] =	vst.idx.msk $0xffff, v15;
	v14 =	vadd.s32 v5, v8  }
0x1f7: {  	[tilespmem:v26+s30+$0x0] =	vst.idx.msk $0xffff, v25;
	v24 =	vadd.s32 v5, v17;
	v15 =	vld [tilespmem:s13+$0x6050]  }
0x1f8: {  	v26 =	vadd.s32 v4, v9;
	[tilespmem:v27+s30+$0x0] =	vst.idx.msk $0xffff, v28;
	v25 =	vld [tilespmem:s24+$0x6040]  }
0x1f9: {  	v27 =	vadd.s32 v2, v10;
	v23 =	vld [tilespmem:s11+$0xFFFFFFB0];
	[tilespmem:v18+s30+$0x0] =	vst.idx.msk $0xffff, v16  }
0x1fa: {  	v29 =	vadd.s32 v5, v19;
	v30 =	vld [tilespmem:s23+$0x6050];
	[tilespmem:v21+s30+$0x0] =	vst.idx.msk $0xffff, v20  }
0x1fb: {  	v18 =	vadd.s32 v2, v13;
	v16 =	vld [tilespmem:s7+$0x6020];
	[tilespmem:v14+s30+$0x0] =	vst.idx.msk $0xffff, v22  }
0x1fc: {  	v21 =	vadd.s32 v2, v12;
	v20 =	vld [tilespmem:s12+$0x6020];
	[tilespmem:v24+s30+$0x0] =	vst.idx.msk $0xffff, v15  }
0x1fd: {  	v22 =	vadd.s32 v6, v8;
	[tilespmem:v26+s30+$0x0] =	vst.idx.msk $0xffff, v25;
	v14 =	vld [tilespmem:s14+$0xFFFFFFF0]  }
0x1fe: {  	v25 =	vadd.s32 v5, v9;
	[tilespmem:v27+s30+$0x0] =	vst.idx.msk $0xffff, v23;
	v23 =	vld [tilespmem:s24+$0x6050]  }
0x1ff: {  	v24 =	vadd.s32 v6, v17;
	[tilespmem:v29+s30+$0x0] =	vst.idx.msk $0xffff, v30;
	v15 =	vld [tilespmem:s13+$0x6060]  }
0x200: {  	v28 =	vld [tilespmem:s9+$0x6020];
	[tilespmem:v18+s30+$0x0] =	vst.idx.msk $0xffff, v16  }
0x201: {  	v27 =	vadd.s32 v3, v10;
	v26 =	vld [tilespmem:s11+$0xFFFFFFC0];
	[tilespmem:v21+s30+$0x0] =	vst.idx.msk $0xffff, v20  }
0x202: {  	v32 =	vadd.s32 v3, v12;
	v31 =	vld [tilespmem:s12+$0x6030];
	[tilespmem:v22+s30+$0x0] =	vst.idx.msk $0xffff, v14  }
0x203: {  	v33 =	vadd.s32 v2, v11;
	[tilespmem:v25+s30+$0x0] =	vst.idx.msk $0xffff, v23;
	v25 =	vadd.s32 v7, v17;
	v17 =	vld [tilespmem:s23+$0x6060]  }
0x204: {  	[tilespmem:v24+s30+$0x0] =	vst.idx.msk $0xffff, v15;
	v18 =	vld [tilespmem:s14+$0x0]  }
0x205: {  	v16 =	vadd.s32 v4, v10;
	v21 =	vld [tilespmem:s13+$0x6070]  }
0x206: {  	v15 =	vadd.s32 v7, v19;
	v22 =	vadd.s32 v6, v9;
	[tilespmem:v27+s30+$0x0] =	vst.idx.msk $0xffff, v26;
	v20 =	vld [tilespmem:s24+$0x6060]  }
0x207: {  	s17 =	simm.s32 $0x8;
	v14 =	vadd.s32 v7, v13;
	v26 =	vld [tilespmem:s7+$0x6030];
	v27 =	vadd.s32 v3, v13;
	s21 =	rddreg [dreg:$0xd];
	[tilespmem:v32+s30+$0x0] =	vst.idx.msk $0xffff, v31  }
0x208: {  	s15 =	simm.s32 $0x6470;
	v19 =	vadd.s32 v6, v19;
	v24 =	vadd.s32 v4, v12;
	s14 =	simm.s32 $0x580;
	[tilespmem:v33+s30+$0x0] =	vst.idx.msk $0xffff, v28;
	s13 =	sadd.s32 s21, s6;
	v23 =	vld [tilespmem:s12+$0x6040]  }
.LBB2_15:
0x209: {  	s16 =	sadd.s32 $0xFFFFFE80, s14;
	v30 =	vadd.s32 v7, v8  }
0x20a: {  	v28 =	vmov s17;
	s18 =	sadd.s32 $0x1, s17;
	s19 =	sadd.s32 $0x3, s17;
	v29 =	vld [tilespmem:s11+$0xFFFFFFD0];
	v31 =	vadd.s32 v7, v9;
	[tilespmem:v25+s30+$0x0] =	vst.idx.msk $0xffff, v21;
	v8 =	vmovc v10;
	v9 =	vmov v11;
	s20 =	smov.u32 s17  }
0x20b: {  	s20 =	sand.u32 $0x1C00, s16;
	v21 =	vld [tilespmem:s15+$0xFFFFFF90];
	v10 =	vand.u32 $0x3C, v28;
	v11 =	vmov s18;
	s16 =	sadd.s32 $0xFFFFFF00, s14;
	s18 =	sadd.s32 $0x2, s17;
	v25 =	vmov s19;
	[tilespmem:v22+s30+$0x0] =	vst.idx.msk $0xffff, v20  }
0x20c: {  	s21 =	sadd.s32 $0xFFFFFF80, s14;
	v20 =	vadd.s32 v0, v10;
	s19 =	sand.u32 $0x280, s16;
	v11 =	vand.u32 $0x3D, v11;
	v22 =	vand.u32 $0x3F, v25;
	s16 =	sadd.s32 $0x4, s17;
	[tilespmem:v27+s30+$0x0] =	vst.idx.msk $0xffff, v26;
	v25 =	vld [tilespmem:s24+$0x6070]  }
0x20d: {  	v26 =	vadd.s32 v4, v10;
	v28 =	vmov s18;
	s18 =	sand.u32 $0x300, s21;
	s21 =	sand.u32 $0x380, s14;
	s19 =	sor.u32 s19, s20;
	v27 =	vadd.s32 v0, v11;
	v32 =	vld [tilespmem:s7+$0x6040];
	[tilespmem:v19+s30+$0x0] =	vst.idx.msk $0xffff, v17  }
0x20e: {  	p1 =	slt.u32 s17, $0x3C;
	s24 =	smov.u32 s9;
	v17 =	vand.u32 $0x3E, v28;
	s21 =	sor.u32 s21, s20;
	v19 =	vadd.s32 v7, v22;
	[tilespmem:v24+s30+$0x0] =	vst.idx.msk $0xffff, v23;
	v23 =	vld [tilespmem:s23+$0x6070]  }
0x20f: {  	v28 =	vadd.s32 v0, v22;
	s9 =	smov.u32 s19;
	s23 =	smov.u32 s7;
	s7 =	smov.u32 s21;
	v24 =	vld [tilespmem:s19+$0x6000];
	[tilespmem:v16+s30+$0x0] =	vst.idx.msk $0xffff, v29;
	v16 =	vmov v26  }
0x210: {  	s17 =	sor.u32 s18, s20;
	v26 =	vld [tilespmem:s7+$0x6000];
	[tilespmem:v30+s30+$0x0] =	vst.idx.msk $0xffff, v18  }
0x211: {  	v29 =	vadd.s32 v0, v17;
	v18 =	vld [tilespmem:s17+$0x6000];
	[tilespmem:v31+s30+$0x0] =	vst.idx.msk $0xffff, v25  }
0x212: {  	v25 =	vadd.s32 v4, v13;
	[tilespmem:v20+s30+$0x0] =	vst.idx.msk $0xffff, v21;
	v20 =	vadd.s32 v1, v10;
	v21 =	vld [tilespmem:s11+$0xFFFFFFE0]  }
0x213: {  	v30 =	vld [tilespmem:s15+$0xFFFFFFA0];
	[tilespmem:v15+s30+$0x0] =	vst.idx.msk $0xffff, v23;
	v15 =	vmov v14;
	v14 =	vmov v19  }
0x214: {  	v19 =	vadd.s32 v1, v11;
	[tilespmem:v27+s30+$0x0] =	vst.idx.msk $0xffff, v24;
	v23 =	vld [tilespmem:s24+$0x6030];
	v24 =	vadd.s32 v3, v9  }
0x215: {  	v27 =	vld [tilespmem:s9+$0x6010];
	[tilespmem:v28+s30+$0x0] =	vst.idx.msk $0xffff, v26  }
0x216: {  	v26 =	vadd.s32 v1, v22;
	[tilespmem:v29+s30+$0x0] =	vst.idx.msk $0xffff, v18;
	v18 =	vld [tilespmem:s7+$0x6010]  }
0x217: {  	v29 =	vadd.s32 v1, v17;
	v28 =	vld [tilespmem:s17+$0x6010];
	[tilespmem:v25+s30+$0x0] =	vst.idx.msk $0xffff, v32  }
0x218: {  	[tilespmem:v20+s30+$0x0] =	vst.idx.msk $0xffff, v30;
	v20 =	vadd.s32 v5, v8;
	v25 =	vld [tilespmem:s12+$0x6050]  }
0x219: {  	v30 =	vld [tilespmem:s15+$0xFFFFFFB0];
	[tilespmem:v24+s30+$0x0] =	vst.idx.msk $0xffff, v23;
	v23 =	vadd.s32 v5, v12  }
0x21a: {  	v24 =	vadd.s32 v4, v9;
	[tilespmem:v19+s30+$0x0] =	vst.idx.msk $0xffff, v27;
	v19 =	vld [tilespmem:s24+$0x6040]  }
0x21b: {  	v27 =	vadd.s32 v2, v10;
	v31 =	vld [tilespmem:s9+$0x6020];
	[tilespmem:v26+s30+$0x0] =	vst.idx.msk $0xffff, v18  }
0x21c: {  	v26 =	vadd.s32 v2, v22;
	[tilespmem:v29+s30+$0x0] =	vst.idx.msk $0xffff, v28;
	v18 =	vld [tilespmem:s7+$0x6020]  }
0x21d: {  	v29 =	vadd.s32 v2, v17;
	v28 =	vld [tilespmem:s17+$0x6020];
	[tilespmem:v20+s30+$0x0] =	vst.idx.msk $0xffff, v21  }
0x21e: {  	v21 =	vadd.s32 v6, v8;
	v20 =	vld [tilespmem:s11+$0xFFFFFFF0];
	[tilespmem:v23+s30+$0x0] =	vst.idx.msk $0xffff, v25;
	v23 =	vadd.s32 v5, v13  }
0x21f: {  	[tilespmem:v24+s30+$0x0] =	vst.idx.msk $0xffff, v19;
	v19 =	vld [tilespmem:s12+$0x6060];
	v24 =	vadd.s32 v6, v12  }
0x220: {  	[tilespmem:v27+s30+$0x0] =	vst.idx.msk $0xffff, v30;
	v25 =	vld [tilespmem:s24+$0x6050];
	v27 =	vadd.s32 v5, v9  }
0x221: {  	v32 =	vadd.s32 v3, v10;
	v30 =	vld [tilespmem:s15+$0xFFFFFFC0];
	[tilespmem:v26+s30+$0x0] =	vst.idx.msk $0xffff, v18  }
0x222: {  	[tilespmem:v29+s30+$0x0] =	vst.idx.msk $0xffff, v28;
	v28 =	vld [tilespmem:s23+$0x6050]  }
0x223: {  	v33 =	vadd.s32 v3, v17;
	v29 =	vld [tilespmem:s17+$0x6030];
	[tilespmem:v21+s30+$0x0] =	vst.idx.msk $0xffff, v20  }
0x224: {  	v34 =	vadd.s32 v2, v11;
	v18 =	vld [tilespmem:s11+$0x0];
	[tilespmem:v24+s30+$0x0] =	vst.idx.msk $0xffff, v19;
	v19 =	vadd.s32 v6, v13;
	v13 =	vmov v22;
	s11 =	smov.u32 s15  }
.Ltmp10:
0x225: {  	[tilespmem:v27+s30+$0x0] =	vst.idx.msk $0xffff, v25;
	v21 =	vld [tilespmem:s12+$0x6070];
	v25 =	vadd.s32 v7, v12;
	v12 =	vmov v17;
	s12 =	smov.u32 s17;
	(pc) =	sbr.rel @p1 .LBB2_15-.Ltmp10, $4  }
0x226: {  	v22 =	vadd.s32 v6, v9;
	[tilespmem:v32+s30+$0x0] =	vst.idx.msk $0xffff, v30;
	v20 =	vld [tilespmem:s24+$0x6060]  }
0x227: {  	v27 =	vadd.s32 v3, v13;
	v26 =	vld [tilespmem:s7+$0x6030];
	[tilespmem:v23+s30+$0x0] =	vst.idx.msk $0xffff, v28  }
0x228: {  	[tilespmem:v33+s30+$0x0] =	vst.idx.msk $0xffff, v29;
	v17 =	vld [tilespmem:s23+$0x6060]  }
0x229: {  	s14 =	sadd.s32 $0x200, s14;
	s15 =	sadd.s32 $0x200, s15;
	s17 =	smov.u32 s16;
	v24 =	vadd.s32 v4, v12;
	[tilespmem:v34+s30+$0x0] =	vst.idx.msk $0xffff, v31;
	v23 =	vld [tilespmem:s12+$0x6040]  }
0x22a: {  	v28 =	vld [tilespmem:s9+$0x6030];
	v29 =	vadd.s32 v3, v11;
	_ =	sdelay $0x3  }
0x22b: {  	v30 =	vld [tilespmem:s11+$0xFFFFFFD0];
	[tilespmem:v27+s30+$0x0] =	vst.idx.msk $0xffff, v26  }
0x22c: {  	v42 =	vadd.s32 v4, v13;
	v41 =	vld [tilespmem:s7+$0x6040];
	[tilespmem:v29+s30+$0x0] =	vst.idx.msk $0xffff, v28  }
0x22d: {  	v40 =	vadd.s32 v4, v11;
	v39 =	vld [tilespmem:s9+$0x6040];
	_ =	sdelay $0x1  }
0x22e: {  	[tilespmem:v24+s30+$0x0] =	vst.idx.msk $0xffff, v23  }
0x22f: {  	v44 =	vadd.s32 v5, v12;
	[tilespmem:v16+s30+$0x0] =	vst.idx.msk $0xffff, v30;
	v43 =	vld [tilespmem:s12+$0x6050]  }
0x230: {  	v46 =	vadd.s32 v5, v10;
	v45 =	vld [tilespmem:s11+$0xFFFFFFE0];
	[tilespmem:v42+s30+$0x0] =	vst.idx.msk $0xffff, v41  }
0x231: {  	v48 =	vadd.s32 v5, v13;
	v49 =	vld [tilespmem:s7+$0x6050];
	[tilespmem:v40+s30+$0x0] =	vst.idx.msk $0xffff, v39  }
0x232: {  	v47 =	vadd.s32 v5, v11;
	[tilespmem:v25+s30+$0x0] =	vst.idx.msk $0xffff, v21;
	v27 =	vld [tilespmem:s9+$0x6050]  }
0x233: {  	[tilespmem:v22+s30+$0x0] =	vst.idx.msk $0xffff, v20  }
0x234: {  	v8 =	vadd.s32 v7, v8;
	[tilespmem:v44+s30+$0x0] =	vst.idx.msk $0xffff, v43  }
0x235: {  	v50 =	vadd.s32 v6, v12;
	[tilespmem:v46+s30+$0x0] =	vst.idx.msk $0xffff, v45;
	v16 =	vld [tilespmem:s12+$0x6060]  }
0x236: {  	v52 =	vadd.s32 v6, v10;
	v51 =	vld [tilespmem:s11+$0xFFFFFFF0];
	[tilespmem:v48+s30+$0x0] =	vst.idx.msk $0xffff, v49  }
0x237: {  	v55 =	vadd.s32 v6, v13;
	v56 =	vld [tilespmem:s7+$0x6060];
	[tilespmem:v47+s30+$0x0] =	vst.idx.msk $0xffff, v27  }
0x238: {  	v54 =	vadd.s32 v6, v11;
	[tilespmem:v19+s30+$0x0] =	vst.idx.msk $0xffff, v17;
	v53 =	vld [tilespmem:s9+$0x6060]  }
0x239: {  	v9 =	vadd.s32 v7, v9;
	v57 =	vld [tilespmem:s24+$0x6070];
	[tilespmem:v8+s30+$0x0] =	vst.idx.msk $0xffff, v18  }
0x23a: {  	v8 =	vld [tilespmem:s23+$0x6070];
	[tilespmem:v50+s30+$0x0] =	vst.idx.msk $0xffff, v16  }
0x23b: {  	v58 =	vadd.s32 v7, v12;
	[tilespmem:v52+s30+$0x0] =	vst.idx.msk $0xffff, v51;
	v16 =	vld [tilespmem:s12+$0x6070]  }
0x23c: {  	v60 =	vadd.s32 v7, v10;
	v59 =	vld [tilespmem:s11+$0x0];
	[tilespmem:v55+s30+$0x0] =	vst.idx.msk $0xffff, v56  }
0x23d: {  	v63 =	vld [tilespmem:s7+$0x6070];
	[tilespmem:v54+s30+$0x0] =	vst.idx.msk $0xffff, v53  }
0x23e: {  	v61 =	vadd.s32 v7, v11;
	[tilespmem:v9+s30+$0x0] =	vst.idx.msk $0xffff, v57;
	v62 =	vld [tilespmem:s9+$0x6070]  }
0x23f: {  	[tilespmem:v15+s30+$0x0] =	vst.idx.msk $0xffff, v8  }
0x240: {  	[tilespmem:v58+s30+$0x0] =	vst.idx.msk $0xffff, v16  }
0x241: {  	s24 =	sshll.u32 s13, $0xA;
	[tilespmem:v60+s30+$0x0] =	vst.idx.msk $0xffff, v59  }
0x242: {  	s12 =	simm.s32 $0x12C48;
	s7 =	sadd.s32 s3, s24;
	[tilespmem:v14+s30+$0x0] =	vst.idx.msk $0xffff, v63  }
0x243: {  	s11 =	simm.s32 $0x8;
	s13 =	sadd.s32 $0x0, s7;
	s9 =	simm.s32 $0x12C00;
	[tilespmem:v61+s30+$0x0] =	vst.idx.msk $0xffff, v62  }
.LBB2_17:
0x244: {  	[hbm4b:s13+s4] =	stream.linear.scatter [tilespmem:s9], [sflag:$0xA], $0x40, $0x38;
	[tilespmem:$0x19800] =	vst v63  }
0x245: {  	s13 =	smov.u32 s11;
	s9 =	smov.u32 s12;
	p1 =	sne.s32 s11, $0x3F8  }
.Ltmp11:
0x246: {  	s11 =	sadd.s32 $0x8, s11;
	(pc) =	sbr.rel @p1 .LBB2_17-.Ltmp11, $2  }
0x247: {  	_ =	sdelay $0x2  }
0x248: {  	s12 =	sadd.s32 $0x48, s12;
	s13 =	sadd.s32 s13, s7  }
0x249: {  	[hbm4b:s13+s4] =	stream.linear.scatter [tilespmem:s9], [sflag:$0xA], $0x40, $0x38;
	[tilespmem:$0x19800] =	vst v63  }
0x24a: {  	s7 =	rddreg [dreg:$0xe]  }
0x24b: {  	s7 =	sadd.s32 s7, s6  }
0x24c: {  	s24 =	rddreg [dreg:$0xf];
	p1 =	sgt.u32 s7, $0x1E84  }
0x24d: {  	s23 =	sadd.s32 s24, s6;
	s7 =	sshll.u32 @!p1 s7, $0x7;
	s9 =	simm.s32 @!p1 $0x400  }
0x24e: {  	s11 =	simm.s32 @!p1 $0x7A1400;
	s12 =	simm.s32 @!p1 $0x6000;
	s7 =	sadd.s32 @!p1 s2, s7  }
0x24f: {  	[tilespmem:s12], [sflag:$0x4] =	stream.strided.gather @!p1 [hbm4b:s7+s9], $0x2000, s11, s9, $0x38;
	[tilespmem:$0x19800] =	vst v63  }
0x250: {  	p1 =	sgt.u32 s23, $0x1E84  }
.Ltmp12:
0x251: {  	_ = 	snop;
	(pc) =	sbr.rel @p1 .LBB2_24-.Ltmp12, $1  }
0x252: {  	_ =	sdelay $0x3  }
0x253: {  	s7 =	simm.s32 $0x5  }
0x254: {  	_ =	swait.ge [sflag:s7], $0x2000  }
0x255: {  	s9 =	simm.s32 $0x0;
	[sflag:s7] =	ssyncset.done $0x0  }
0x256: {  	s11 =	simm.s32 $0x2;
	[sflag:s7] =	ssyncadd.s32 $0xFFFFE000;
	s7 =	simm.s32 @!p0 $0xB  }
0x257: {  	s12 =	simm.s32 $0x100;
	s13 =	simm.s32 $0x0;
	_ =	swait.ge @!p0 [sflag:s7], $0x2000  }
0x258: {  	s9 =	sand.u32 $0x1C00, s9;
	v8 =	vmov s11;
	s24 =	sand.u32 $0x300, s12;
	[sflag:s7] =	ssyncset.done @!p0 $0x0  }
0x259: {  	v9 =	vmov s13;
	v17 =	vand.u32 $0x3E, v8;
	s14 =	sor.u32 s24, s9;
	[sflag:s7] =	ssyncadd.s32 @!p0 $0xFFFFE000  }
0x25a: {  	s15 =	simm.s32 $0x8070;
	v8 =	vand.u32 $0x3C, v9;
	v10 =	vadd.s32 v0, v17;
	v9 =	vld [tilespmem:s14+$0x8000]  }
0x25b: {  	s12 =	simm.s32 $0x180;
	s13 =	simm.s32 $0x3;
	v13 =	vadd.s32 v0, v8;
	v11 =	vld [tilespmem:s15+$0xFFFFFF90]  }
0x25c: {  	v12 =	vmov s13;
	s7 =	sand.u32 $0x380, s12  }
0x25d: {  	v19 =	vand.u32 $0x3F, v12;
	s24 =	sor.u32 s7, s9  }
0x25e: {  	v12 =	vadd.s32 v0, v19;
	v14 =	vld [tilespmem:s24+$0x8000]  }
0x25f: {  	[tilespmem:v10+s8+$0x0] =	vst.idx.msk $0xffff, v9  }
0x260: {  	[tilespmem:v13+s8+$0x0] =	vst.idx.msk $0xffff, v11;
	v11 =	vadd.s32 v1, v17;
	v10 =	vld [tilespmem:s14+$0x8010]  }
0x261: {  	v13 =	vadd.s32 v1, v8;
	v15 =	vld [tilespmem:s15+$0xFFFFFFA0]  }
0x262: {  	s16 =	simm.s32 $0x1;
	s17 =	simm.s32 $0x80  }
0x263: {  	s18 =	sand.u32 $0x280, s17;
	v9 =	vmov s16;
	[tilespmem:v12+s8+$0x0] =	vst.idx.msk $0xffff, v14  }
0x264: {  	s11 =	sor.u32 s18, s9;
	v14 =	vadd.s32 v1, v19;
	v9 =	vand.u32 $0x3D, v9;
	v12 =	vld [tilespmem:s24+$0x8010]  }
0x265: {  	v18 =	vld [tilespmem:s11+$0x8000];
	v16 =	vadd.s32 v0, v9;
	[tilespmem:v11+s8+$0x0] =	vst.idx.msk $0xffff, v10  }
0x266: {  	[tilespmem:v13+s8+$0x0] =	vst.idx.msk $0xffff, v15;
	v11 =	vadd.s32 v2, v17;
	v10 =	vld [tilespmem:s14+$0x8020]  }
0x267: {  	v15 =	vadd.s32 v2, v8;
	v13 =	vld [tilespmem:s15+$0xFFFFFFB0];
	_ =	sdelay $0x1  }
0x268: {  	[tilespmem:v14+s8+$0x0] =	vst.idx.msk $0xffff, v12  }
0x269: {  	v14 =	vadd.s32 v2, v19;
	[tilespmem:v16+s8+$0x0] =	vst.idx.msk $0xffff, v18;
	v12 =	vld [tilespmem:s24+$0x8020]  }
0x26a: {  	v16 =	vadd.s32 v1, v9;
	v18 =	vld [tilespmem:s11+$0x8010];
	[tilespmem:v11+s8+$0x0] =	vst.idx.msk $0xffff, v10  }
0x26b: {  	[tilespmem:v15+s8+$0x0] =	vst.idx.msk $0xffff, v13;
	v11 =	vadd.s32 v3, v17;
	v10 =	vld [tilespmem:s14+$0x8030]  }
0x26c: {  	v15 =	vadd.s32 v3, v8;
	v13 =	vld [tilespmem:s15+$0xFFFFFFC0];
	_ =	sdelay $0x1  }
0x26d: {  	[tilespmem:v14+s8+$0x0] =	vst.idx.msk $0xffff, v12  }
0x26e: {  	v14 =	vadd.s32 v3, v19;
	[tilespmem:v16+s8+$0x0] =	vst.idx.msk $0xffff, v18;
	v12 =	vld [tilespmem:s24+$0x8030]  }
0x26f: {  	s19 =	simm.s32 $0x4;
	[tilespmem:v11+s8+$0x0] =	vst.idx.msk $0xffff, v10  }
0x270: {  	s20 =	simm.s32 $0x200;
	s21 =	simm.s32 $0x5;
	s17 =	simm.s32 $0x280;
	v18 =	vadd.s32 v2, v9;
	v16 =	vld [tilespmem:s11+$0x8020];
	[tilespmem:v15+s8+$0x0] =	vst.idx.msk $0xffff, v13;
	v10 =	vmov s19  }
0x271: {  	s13 =	simm.s32 $0x380;
	s18 =	sand.u32 $0x1C00, s20;
	v20 =	vadd.s32 v4, v8;
	s7 =	simm.s32 $0x8270;
	v21 =	vld [tilespmem:s15+$0xFFFFFFD0];
	v10 =	vand.u32 $0x3C, v10  }
0x272: {  	s20 =	sand.u32 $0x280, s17;
	s13 =	sand.u32 $0x380, s13;
	v22 =	vld [tilespmem:s7+$0xFFFFFF90];
	s16 =	simm.s32 $0x7;
	v11 =	vmov s21;
	v23 =	vadd.s32 v0, v10  }
0x273: {  	s12 =	sor.u32 s20, s18;
	s19 =	simm.s32 $0x6;
	s21 =	simm.s32 $0x300;
	v15 =	vld [tilespmem:s14+$0x8040];
	[tilespmem:v14+s8+$0x0] =	vst.idx.msk $0xffff, v12;
	v14 =	vadd.s32 v4, v17;
	v12 =	vmov s16;
	v11 =	vand.u32 $0x3D, v11  }
0x274: {  	s9 =	sor.u32 s13, s18;
	v26 =	vld [tilespmem:s12+$0x8000];
	s16 =	sand.u32 $0x300, s21;
	v13 =	vand.u32 $0x3F, v12;
	v25 =	vadd.s32 v0, v11;
	v12 =	vmov s19  }
0x275: {  	[tilespmem:v18+s8+$0x0] =	vst.idx.msk $0xffff, v16;
	v18 =	vld [tilespmem:s9+$0x8000];
	s13 =	sor.u32 s16, s18;
	v12 =	vand.u32 $0x3E, v12;
	v16 =	vadd.s32 v0, v13  }
0x276: {  	[tilespmem:v20+s8+$0x0] =	vst.idx.msk $0xffff, v21;
	v20 =	vld [tilespmem:s13+$0x8000];
	v21 =	vadd.s32 v0, v12  }
0x277: {  	v24 =	vld [tilespmem:s24+$0x8040];
	[tilespmem:v23+s8+$0x0] =	vst.idx.msk $0xffff, v22;
	v23 =	vadd.s32 v4, v19  }
0x278: {  	[tilespmem:v14+s8+$0x0] =	vst.idx.msk $0xffff, v15;
	v14 =	vadd.s32 v1, v10;
	v15 =	vld [tilespmem:s7+$0xFFFFFFA0]  }
0x279: {  	[tilespmem:v25+s8+$0x0] =	vst.idx.msk $0xffff, v26;
	v25 =	vld [tilespmem:s11+$0x8030];
	v26 =	vadd.s32 v3, v9  }
0x27a: {  	v27 =	vadd.s32 v1, v11;
	v28 =	vld [tilespmem:s12+$0x8010];
	[tilespmem:v16+s8+$0x0] =	vst.idx.msk $0xffff, v18  }
0x27b: {  	v18 =	vadd.s32 v1, v13;
	v16 =	vld [tilespmem:s9+$0x8010];
	[tilespmem:v21+s8+$0x0] =	vst.idx.msk $0xffff, v20  }
0x27c: {  	v21 =	vadd.s32 v1, v12;
	v20 =	vld [tilespmem:s13+$0x8010];
	[tilespmem:v23+s8+$0x0] =	vst.idx.msk $0xffff, v24  }
0x27d: {  	v22 =	vld [tilespmem:s15+$0xFFFFFFE0];
	[tilespmem:v14+s8+$0x0] =	vst.idx.msk $0xffff, v15;
	v14 =	vadd.s32 v5, v8  }
0x27e: {  	[tilespmem:v26+s8+$0x0] =	vst.idx.msk $0xffff, v25;
	v24 =	vadd.s32 v5, v17;
	v15 =	vld [tilespmem:s14+$0x8050]  }
0x27f: {  	v26 =	vadd.s32 v4, v9;
	[tilespmem:v27+s8+$0x0] =	vst.idx.msk $0xffff, v28;
	v25 =	vld [tilespmem:s11+$0x8040]  }
0x280: {  	v27 =	vadd.s32 v2, v10;
	v23 =	vld [tilespmem:s7+$0xFFFFFFB0];
	[tilespmem:v18+s8+$0x0] =	vst.idx.msk $0xffff, v16  }
0x281: {  	v29 =	vadd.s32 v5, v19;
	v30 =	vld [tilespmem:s24+$0x8050];
	[tilespmem:v21+s8+$0x0] =	vst.idx.msk $0xffff, v20  }
0x282: {  	v18 =	vadd.s32 v2, v13;
	v16 =	vld [tilespmem:s9+$0x8020];
	[tilespmem:v14+s8+$0x0] =	vst.idx.msk $0xffff, v22  }
0x283: {  	v21 =	vadd.s32 v2, v12;
	v20 =	vld [tilespmem:s13+$0x8020];
	[tilespmem:v24+s8+$0x0] =	vst.idx.msk $0xffff, v15  }
0x284: {  	v22 =	vadd.s32 v6, v8;
	[tilespmem:v26+s8+$0x0] =	vst.idx.msk $0xffff, v25;
	v14 =	vld [tilespmem:s15+$0xFFFFFFF0]  }
0x285: {  	v25 =	vadd.s32 v5, v9;
	[tilespmem:v27+s8+$0x0] =	vst.idx.msk $0xffff, v23;
	v23 =	vld [tilespmem:s11+$0x8050]  }
0x286: {  	v24 =	vadd.s32 v6, v17;
	[tilespmem:v29+s8+$0x0] =	vst.idx.msk $0xffff, v30;
	v15 =	vld [tilespmem:s14+$0x8060]  }
0x287: {  	v33 =	vadd.s32 v2, v11;
	v28 =	vld [tilespmem:s12+$0x8020];
	[tilespmem:v18+s8+$0x0] =	vst.idx.msk $0xffff, v16  }
0x288: {  	v27 =	vadd.s32 v3, v10;
	v26 =	vld [tilespmem:s7+$0xFFFFFFC0];
	[tilespmem:v21+s8+$0x0] =	vst.idx.msk $0xffff, v20  }
0x289: {  	v32 =	vadd.s32 v3, v12;
	v31 =	vld [tilespmem:s13+$0x8030];
	[tilespmem:v22+s8+$0x0] =	vst.idx.msk $0xffff, v14  }
0x28a: {  	[tilespmem:v25+s8+$0x0] =	vst.idx.msk $0xffff, v23;
	v25 =	vadd.s32 v7, v17;
	v17 =	vld [tilespmem:s24+$0x8060]  }
0x28b: {  	[tilespmem:v24+s8+$0x0] =	vst.idx.msk $0xffff, v15;
	v18 =	vld [tilespmem:s15+$0x0]  }
0x28c: {  	[tilespmem:v33+s8+$0x0] =	vst.idx.msk $0xffff, v28;
	v21 =	vld [tilespmem:s14+$0x8070]  }
0x28d: {  	v16 =	vadd.s32 v4, v10;
	v22 =	vadd.s32 v6, v9;
	[tilespmem:v27+s8+$0x0] =	vst.idx.msk $0xffff, v26;
	v20 =	vld [tilespmem:s11+$0x8060]  }
0x28e: {  	v15 =	vadd.s32 v7, v19;
	v26 =	vld [tilespmem:s9+$0x8030];
	v27 =	vadd.s32 v3, v13;
	[tilespmem:v32+s8+$0x0] =	vst.idx.msk $0xffff, v31  }
0x28f: {  	s17 =	simm.s32 $0x8;
	v14 =	vadd.s32 v7, v13;
	v19 =	vadd.s32 v6, v19;
	v24 =	vadd.s32 v4, v12;
	s14 =	simm.s32 $0x580;
	s15 =	simm.s32 $0x8470;
	v23 =	vld [tilespmem:s13+$0x8040]  }
.LBB2_20:
0x290: {  	s16 =	sadd.s32 $0xFFFFFE80, s14;
	v30 =	vadd.s32 v7, v8  }
0x291: {  	v28 =	vmov s17;
	s18 =	sadd.s32 $0x1, s17;
	s19 =	sadd.s32 $0x3, s17;
	v29 =	vld [tilespmem:s7+$0xFFFFFFD0];
	v31 =	vadd.s32 v7, v9;
	[tilespmem:v25+s8+$0x0] =	vst.idx.msk $0xffff, v21;
	v8 =	vmovc v10;
	v9 =	vmov v11;
	s20 =	smov.u32 s17  }
0x292: {  	s20 =	sand.u32 $0x1C00, s16;
	v21 =	vld [tilespmem:s15+$0xFFFFFF90];
	v10 =	vand.u32 $0x3C, v28;
	v11 =	vmov s18;
	s16 =	sadd.s32 $0xFFFFFF00, s14;
	s18 =	sadd.s32 $0x2, s17;
	v25 =	vmov s19;
	[tilespmem:v22+s8+$0x0] =	vst.idx.msk $0xffff, v20  }
0x293: {  	s21 =	sadd.s32 $0xFFFFFF80, s14;
	v20 =	vadd.s32 v0, v10;
	s19 =	sand.u32 $0x280, s16;
	v11 =	vand.u32 $0x3D, v11;
	v22 =	vand.u32 $0x3F, v25;
	s16 =	sadd.s32 $0x4, s17;
	[tilespmem:v27+s8+$0x0] =	vst.idx.msk $0xffff, v26;
	v25 =	vld [tilespmem:s11+$0x8070]  }
0x294: {  	v26 =	vadd.s32 v4, v10;
	v28 =	vmov s18;
	s18 =	sand.u32 $0x300, s21;
	s11 =	sand.u32 $0x380, s14;
	s19 =	sor.u32 s19, s20;
	v27 =	vadd.s32 v0, v11;
	v32 =	vld [tilespmem:s9+$0x8040];
	[tilespmem:v19+s8+$0x0] =	vst.idx.msk $0xffff, v17  }
0x295: {  	p1 =	slt.u32 s17, $0x3C;
	v17 =	vand.u32 $0x3E, v28;
	s21 =	sor.u32 s11, s20;
	v19 =	vadd.s32 v7, v22;
	s11 =	smov.u32 s12;
	[tilespmem:v24+s8+$0x0] =	vst.idx.msk $0xffff, v23;
	v23 =	vld [tilespmem:s24+$0x8070]  }
0x296: {  	v28 =	vadd.s32 v0, v22;
	s12 =	smov.u32 s19;
	s24 =	smov.u32 s9;
	s9 =	smov.u32 s21;
	v24 =	vld [tilespmem:s19+$0x8000];
	[tilespmem:v16+s8+$0x0] =	vst.idx.msk $0xffff, v29;
	v16 =	vmov v26  }
0x297: {  	s17 =	sor.u32 s18, s20;
	v26 =	vld [tilespmem:s9+$0x8000];
	[tilespmem:v30+s8+$0x0] =	vst.idx.msk $0xffff, v18  }
0x298: {  	v29 =	vadd.s32 v0, v17;
	v18 =	vld [tilespmem:s17+$0x8000];
	[tilespmem:v31+s8+$0x0] =	vst.idx.msk $0xffff, v25  }
0x299: {  	v25 =	vadd.s32 v4, v13;
	[tilespmem:v20+s8+$0x0] =	vst.idx.msk $0xffff, v21;
	v20 =	vadd.s32 v1, v10;
	v21 =	vld [tilespmem:s7+$0xFFFFFFE0]  }
0x29a: {  	v30 =	vld [tilespmem:s15+$0xFFFFFFA0];
	[tilespmem:v15+s8+$0x0] =	vst.idx.msk $0xffff, v23;
	v15 =	vmov v14;
	v14 =	vmov v19  }
0x29b: {  	v19 =	vadd.s32 v1, v11;
	[tilespmem:v27+s8+$0x0] =	vst.idx.msk $0xffff, v24;
	v23 =	vld [tilespmem:s11+$0x8030];
	v24 =	vadd.s32 v3, v9  }
0x29c: {  	v27 =	vld [tilespmem:s12+$0x8010];
	[tilespmem:v28+s8+$0x0] =	vst.idx.msk $0xffff, v26  }
0x29d: {  	v26 =	vadd.s32 v1, v22;
	[tilespmem:v29+s8+$0x0] =	vst.idx.msk $0xffff, v18;
	v18 =	vld [tilespmem:s9+$0x8010]  }
0x29e: {  	v29 =	vadd.s32 v1, v17;
	v28 =	vld [tilespmem:s17+$0x8010];
	[tilespmem:v25+s8+$0x0] =	vst.idx.msk $0xffff, v32  }
0x29f: {  	[tilespmem:v20+s8+$0x0] =	vst.idx.msk $0xffff, v30;
	v20 =	vadd.s32 v5, v8;
	v25 =	vld [tilespmem:s13+$0x8050]  }
0x2a0: {  	v30 =	vld [tilespmem:s15+$0xFFFFFFB0];
	[tilespmem:v24+s8+$0x0] =	vst.idx.msk $0xffff, v23;
	v23 =	vadd.s32 v5, v12  }
0x2a1: {  	v24 =	vadd.s32 v4, v9;
	[tilespmem:v19+s8+$0x0] =	vst.idx.msk $0xffff, v27;
	v19 =	vld [tilespmem:s11+$0x8040]  }
0x2a2: {  	v27 =	vadd.s32 v2, v10;
	v31 =	vld [tilespmem:s12+$0x8020];
	[tilespmem:v26+s8+$0x0] =	vst.idx.msk $0xffff, v18  }
0x2a3: {  	v26 =	vadd.s32 v2, v22;
	[tilespmem:v29+s8+$0x0] =	vst.idx.msk $0xffff, v28;
	v18 =	vld [tilespmem:s9+$0x8020]  }
0x2a4: {  	v29 =	vadd.s32 v2, v17;
	v28 =	vld [tilespmem:s17+$0x8020];
	[tilespmem:v20+s8+$0x0] =	vst.idx.msk $0xffff, v21  }
0x2a5: {  	v21 =	vadd.s32 v6, v8;
	v20 =	vld [tilespmem:s7+$0xFFFFFFF0];
	[tilespmem:v23+s8+$0x0] =	vst.idx.msk $0xffff, v25;
	v23 =	vadd.s32 v5, v13  }
0x2a6: {  	[tilespmem:v24+s8+$0x0] =	vst.idx.msk $0xffff, v19;
	v19 =	vld [tilespmem:s13+$0x8060];
	v24 =	vadd.s32 v6, v12  }
0x2a7: {  	[tilespmem:v27+s8+$0x0] =	vst.idx.msk $0xffff, v30;
	v25 =	vld [tilespmem:s11+$0x8050];
	v27 =	vadd.s32 v5, v9  }
0x2a8: {  	v32 =	vadd.s32 v3, v10;
	v30 =	vld [tilespmem:s15+$0xFFFFFFC0];
	[tilespmem:v26+s8+$0x0] =	vst.idx.msk $0xffff, v18  }
0x2a9: {  	[tilespmem:v29+s8+$0x0] =	vst.idx.msk $0xffff, v28;
	v28 =	vld [tilespmem:s24+$0x8050]  }
0x2aa: {  	v33 =	vadd.s32 v3, v17;
	v29 =	vld [tilespmem:s17+$0x8030];
	[tilespmem:v21+s8+$0x0] =	vst.idx.msk $0xffff, v20  }
0x2ab: {  	v34 =	vadd.s32 v2, v11;
	v18 =	vld [tilespmem:s7+$0x0];
	[tilespmem:v24+s8+$0x0] =	vst.idx.msk $0xffff, v19;
	v19 =	vadd.s32 v6, v13;
	v13 =	vmov v22;
	s7 =	smov.u32 s15  }
.Ltmp13:
0x2ac: {  	[tilespmem:v27+s8+$0x0] =	vst.idx.msk $0xffff, v25;
	v21 =	vld [tilespmem:s13+$0x8070];
	v25 =	vadd.s32 v7, v12;
	v12 =	vmov v17;
	s13 =	smov.u32 s17;
	(pc) =	sbr.rel @p1 .LBB2_20-.Ltmp13, $4  }
0x2ad: {  	v22 =	vadd.s32 v6, v9;
	[tilespmem:v32+s8+$0x0] =	vst.idx.msk $0xffff, v30;
	v20 =	vld [tilespmem:s11+$0x8060]  }
0x2ae: {  	v27 =	vadd.s32 v3, v13;
	v26 =	vld [tilespmem:s9+$0x8030];
	[tilespmem:v23+s8+$0x0] =	vst.idx.msk $0xffff, v28  }
0x2af: {  	[tilespmem:v33+s8+$0x0] =	vst.idx.msk $0xffff, v29;
	v17 =	vld [tilespmem:s24+$0x8060]  }
0x2b0: {  	s14 =	sadd.s32 $0x200, s14;
	s15 =	sadd.s32 $0x200, s15;
	s17 =	smov.u32 s16;
	v24 =	vadd.s32 v4, v12;
	[tilespmem:v34+s8+$0x0] =	vst.idx.msk $0xffff, v31;
	v23 =	vld [tilespmem:s13+$0x8040]  }
0x2b1: {  	v28 =	vld [tilespmem:s12+$0x8030];
	v29 =	vadd.s32 v3, v11;
	_ =	sdelay $0x3  }
0x2b2: {  	v30 =	vld [tilespmem:s7+$0xFFFFFFD0];
	[tilespmem:v27+s8+$0x0] =	vst.idx.msk $0xffff, v26  }
0x2b3: {  	v42 =	vadd.s32 v4, v13;
	v41 =	vld [tilespmem:s9+$0x8040];
	[tilespmem:v29+s8+$0x0] =	vst.idx.msk $0xffff, v28  }
0x2b4: {  	v40 =	vadd.s32 v4, v11;
	v39 =	vld [tilespmem:s12+$0x8040];
	_ =	sdelay $0x1  }
0x2b5: {  	[tilespmem:v24+s8+$0x0] =	vst.idx.msk $0xffff, v23  }
0x2b6: {  	v44 =	vadd.s32 v5, v12;
	[tilespmem:v16+s8+$0x0] =	vst.idx.msk $0xffff, v30;
	v43 =	vld [tilespmem:s13+$0x8050]  }
0x2b7: {  	v46 =	vadd.s32 v5, v10;
	v45 =	vld [tilespmem:s7+$0xFFFFFFE0];
	[tilespmem:v42+s8+$0x0] =	vst.idx.msk $0xffff, v41  }
0x2b8: {  	v48 =	vadd.s32 v5, v13;
	v49 =	vld [tilespmem:s9+$0x8050];
	[tilespmem:v40+s8+$0x0] =	vst.idx.msk $0xffff, v39  }
0x2b9: {  	v47 =	vadd.s32 v5, v11;
	[tilespmem:v25+s8+$0x0] =	vst.idx.msk $0xffff, v21;
	v27 =	vld [tilespmem:s12+$0x8050]  }
0x2ba: {  	[tilespmem:v22+s8+$0x0] =	vst.idx.msk $0xffff, v20  }
0x2bb: {  	v8 =	vadd.s32 v7, v8;
	[tilespmem:v44+s8+$0x0] =	vst.idx.msk $0xffff, v43  }
0x2bc: {  	v50 =	vadd.s32 v6, v12;
	[tilespmem:v46+s8+$0x0] =	vst.idx.msk $0xffff, v45;
	v16 =	vld [tilespmem:s13+$0x8060]  }
0x2bd: {  	v52 =	vadd.s32 v6, v10;
	v51 =	vld [tilespmem:s7+$0xFFFFFFF0];
	[tilespmem:v48+s8+$0x0] =	vst.idx.msk $0xffff, v49  }
0x2be: {  	v55 =	vadd.s32 v6, v13;
	v56 =	vld [tilespmem:s9+$0x8060];
	[tilespmem:v47+s8+$0x0] =	vst.idx.msk $0xffff, v27  }
0x2bf: {  	v54 =	vadd.s32 v6, v11;
	[tilespmem:v19+s8+$0x0] =	vst.idx.msk $0xffff, v17;
	v53 =	vld [tilespmem:s12+$0x8060]  }
0x2c0: {  	v9 =	vadd.s32 v7, v9;
	v57 =	vld [tilespmem:s11+$0x8070];
	[tilespmem:v8+s8+$0x0] =	vst.idx.msk $0xffff, v18  }
0x2c1: {  	v8 =	vld [tilespmem:s24+$0x8070];
	[tilespmem:v50+s8+$0x0] =	vst.idx.msk $0xffff, v16  }
0x2c2: {  	v58 =	vadd.s32 v7, v12;
	[tilespmem:v52+s8+$0x0] =	vst.idx.msk $0xffff, v51;
	v16 =	vld [tilespmem:s13+$0x8070]  }
0x2c3: {  	v60 =	vadd.s32 v7, v10;
	v59 =	vld [tilespmem:s7+$0x0];
	[tilespmem:v55+s8+$0x0] =	vst.idx.msk $0xffff, v56  }
0x2c4: {  	v63 =	vld [tilespmem:s9+$0x8070];
	[tilespmem:v54+s8+$0x0] =	vst.idx.msk $0xffff, v53  }
0x2c5: {  	v61 =	vadd.s32 v7, v11;
	[tilespmem:v9+s8+$0x0] =	vst.idx.msk $0xffff, v57;
	v62 =	vld [tilespmem:s12+$0x8070]  }
0x2c6: {  	[tilespmem:v15+s8+$0x0] =	vst.idx.msk $0xffff, v8  }
0x2c7: {  	[tilespmem:v58+s8+$0x0] =	vst.idx.msk $0xffff, v16  }
0x2c8: {  	s24 =	sshll.u32 s23, $0xA;
	[tilespmem:v60+s8+$0x0] =	vst.idx.msk $0xffff, v59  }
0x2c9: {  	s11 =	simm.s32 $0x8;
	s7 =	sadd.s32 s3, s24;
	[tilespmem:v14+s8+$0x0] =	vst.idx.msk $0xffff, v63  }
0x2ca: {  	s13 =	sadd.s32 $0x0, s7;
	s9 =	simm.s32 $0x15000;
	s12 =	simm.s32 $0x15048;
	[tilespmem:v61+s8+$0x0] =	vst.idx.msk $0xffff, v62  }
.LBB2_22:
0x2cb: {  	[hbm4b:s13+s4] =	stream.linear.scatter [tilespmem:s9], [sflag:$0xB], $0x40, $0x38;
	[tilespmem:$0x19800] =	vst v63  }
0x2cc: {  	s13 =	smov.u32 s11;
	s9 =	smov.u32 s12;
	p1 =	sne.s32 s11, $0x3F8  }
.Ltmp14:
0x2cd: {  	s11 =	sadd.s32 $0x8, s11;
	(pc) =	sbr.rel @p1 .LBB2_22-.Ltmp14, $2  }
0x2ce: {  	_ =	sdelay $0x2  }
0x2cf: {  	s12 =	sadd.s32 $0x48, s12;
	s13 =	sadd.s32 s13, s7  }
0x2d0: {  	[hbm4b:s13+s4] =	stream.linear.scatter [tilespmem:s9], [sflag:$0xB], $0x40, $0x38;
	[tilespmem:$0x19800] =	vst v63  }
.LBB2_24:
0x2d1: {  	s7 =	rddreg [dreg:$0x10]  }
0x2d2: {  	s7 =	sadd.s32 s7, s6  }
0x2d3: {  	s24 =	rddreg [dreg:$0x11];
	p1 =	sgt.u32 s7, $0x1E84  }
0x2d4: {  	s23 =	sadd.s32 s24, s6;
	s7 =	sshll.u32 @!p1 s7, $0x7;
	s9 =	simm.s32 @!p1 $0x400  }
0x2d5: {  	s11 =	simm.s32 @!p1 $0x7A1400;
	s12 =	simm.s32 @!p1 $0x8000;
	s7 =	sadd.s32 @!p1 s2, s7  }
0x2d6: {  	[tilespmem:s12], [sflag:$0x5] =	stream.strided.gather @!p1 [hbm4b:s7+s9], $0x2000, s11, s9, $0x38;
	[tilespmem:$0x19800] =	vst v63  }
0x2d7: {  	p1 =	sgt.u32 s23, $0x1E84  }
.Ltmp15:
0x2d8: {  	_ = 	snop;
	(pc) =	sbr.rel @p1 .LBB2_30-.Ltmp15, $1  }
0x2d9: {  	_ =	sdelay $0x3  }
0x2da: {  	s7 =	simm.s32 $0x6  }
0x2db: {  	_ =	swait.ge [sflag:s7], $0x2000  }
0x2dc: {  	s9 =	simm.s32 $0x0;
	[sflag:s7] =	ssyncset.done $0x0  }
0x2dd: {  	s11 =	simm.s32 $0x2;
	[sflag:s7] =	ssyncadd.s32 $0xFFFFE000;
	s7 =	simm.s32 @!p0 $0xC  }
0x2de: {  	s12 =	simm.s32 $0x100;
	s13 =	simm.s32 $0x0;
	_ =	swait.ge @!p0 [sflag:s7], $0x2000  }
0x2df: {  	s9 =	sand.u32 $0x1C00, s9;
	v8 =	vmov s11;
	s24 =	sand.u32 $0x300, s12;
	[sflag:s7] =	ssyncset.done @!p0 $0x0  }
0x2e0: {  	v9 =	vmov s13;
	v17 =	vand.u32 $0x3E, v8;
	s14 =	sor.u32 s24, s9;
	[sflag:s7] =	ssyncadd.s32 @!p0 $0xFFFFE000  }
0x2e1: {  	s15 =	simm.s32 $0xA070;
	v8 =	vand.u32 $0x3C, v9;
	v10 =	vadd.s32 v0, v17;
	v9 =	vld [tilespmem:s14+$0xA000]  }
0x2e2: {  	s12 =	simm.s32 $0x180;
	s13 =	simm.s32 $0x3;
	v13 =	vadd.s32 v0, v8;
	v11 =	vld [tilespmem:s15+$0xFFFFFF90]  }
0x2e3: {  	v12 =	vmov s13;
	s7 =	sand.u32 $0x380, s12  }
0x2e4: {  	v19 =	vand.u32 $0x3F, v12;
	s24 =	sor.u32 s7, s9  }
0x2e5: {  	v12 =	vadd.s32 v0, v19;
	v14 =	vld [tilespmem:s24+$0xA000]  }
0x2e6: {  	[tilespmem:v10+s10+$0x0] =	vst.idx.msk $0xffff, v9  }
0x2e7: {  	[tilespmem:v13+s10+$0x0] =	vst.idx.msk $0xffff, v11;
	v11 =	vadd.s32 v1, v17;
	v10 =	vld [tilespmem:s14+$0xA010]  }
0x2e8: {  	v13 =	vadd.s32 v1, v8;
	v15 =	vld [tilespmem:s15+$0xFFFFFFA0]  }
0x2e9: {  	s16 =	simm.s32 $0x1;
	s17 =	simm.s32 $0x80  }
0x2ea: {  	s18 =	sand.u32 $0x280, s17;
	v9 =	vmov s16;
	[tilespmem:v12+s10+$0x0] =	vst.idx.msk $0xffff, v14  }
0x2eb: {  	s11 =	sor.u32 s18, s9;
	v14 =	vadd.s32 v1, v19;
	v9 =	vand.u32 $0x3D, v9;
	v12 =	vld [tilespmem:s24+$0xA010]  }
0x2ec: {  	v18 =	vld [tilespmem:s11+$0xA000];
	v16 =	vadd.s32 v0, v9;
	[tilespmem:v11+s10+$0x0] =	vst.idx.msk $0xffff, v10  }
0x2ed: {  	[tilespmem:v13+s10+$0x0] =	vst.idx.msk $0xffff, v15;
	v11 =	vadd.s32 v2, v17;
	v10 =	vld [tilespmem:s14+$0xA020]  }
0x2ee: {  	v15 =	vadd.s32 v2, v8;
	v13 =	vld [tilespmem:s15+$0xFFFFFFB0];
	_ =	sdelay $0x1  }
0x2ef: {  	[tilespmem:v14+s10+$0x0] =	vst.idx.msk $0xffff, v12  }
0x2f0: {  	v14 =	vadd.s32 v2, v19;
	[tilespmem:v16+s10+$0x0] =	vst.idx.msk $0xffff, v18;
	v12 =	vld [tilespmem:s24+$0xA020]  }
0x2f1: {  	v16 =	vadd.s32 v1, v9;
	v18 =	vld [tilespmem:s11+$0xA010];
	[tilespmem:v11+s10+$0x0] =	vst.idx.msk $0xffff, v10  }
0x2f2: {  	[tilespmem:v15+s10+$0x0] =	vst.idx.msk $0xffff, v13;
	v11 =	vadd.s32 v3, v17;
	v10 =	vld [tilespmem:s14+$0xA030]  }
0x2f3: {  	v15 =	vadd.s32 v3, v8;
	v13 =	vld [tilespmem:s15+$0xFFFFFFC0];
	_ =	sdelay $0x1  }
0x2f4: {  	[tilespmem:v14+s10+$0x0] =	vst.idx.msk $0xffff, v12  }
0x2f5: {  	v14 =	vadd.s32 v3, v19;
	[tilespmem:v16+s10+$0x0] =	vst.idx.msk $0xffff, v18;
	v12 =	vld [tilespmem:s24+$0xA030]  }
0x2f6: {  	s19 =	simm.s32 $0x4;
	[tilespmem:v11+s10+$0x0] =	vst.idx.msk $0xffff, v10  }
0x2f7: {  	s20 =	simm.s32 $0x200;
	s21 =	simm.s32 $0x5;
	s17 =	simm.s32 $0x280;
	v18 =	vadd.s32 v2, v9;
	v16 =	vld [tilespmem:s11+$0xA020];
	[tilespmem:v15+s10+$0x0] =	vst.idx.msk $0xffff, v13;
	v10 =	vmov s19  }
0x2f8: {  	s13 =	simm.s32 $0x380;
	s18 =	sand.u32 $0x1C00, s20;
	v20 =	vadd.s32 v4, v8;
	s7 =	simm.s32 $0xA270;
	v21 =	vld [tilespmem:s15+$0xFFFFFFD0];
	v10 =	vand.u32 $0x3C, v10  }
0x2f9: {  	s20 =	sand.u32 $0x280, s17;
	s13 =	sand.u32 $0x380, s13;
	v22 =	vld [tilespmem:s7+$0xFFFFFF90];
	s16 =	simm.s32 $0x7;
	v11 =	vmov s21;
	v23 =	vadd.s32 v0, v10  }
0x2fa: {  	s12 =	sor.u32 s20, s18;
	s19 =	simm.s32 $0x6;
	s21 =	simm.s32 $0x300;
	v15 =	vld [tilespmem:s14+$0xA040];
	[tilespmem:v14+s10+$0x0] =	vst.idx.msk $0xffff, v12;
	v14 =	vadd.s32 v4, v17;
	v12 =	vmov s16;
	v11 =	vand.u32 $0x3D, v11  }
0x2fb: {  	s9 =	sor.u32 s13, s18;
	v26 =	vld [tilespmem:s12+$0xA000];
	s16 =	sand.u32 $0x300, s21;
	v13 =	vand.u32 $0x3F, v12;
	v25 =	vadd.s32 v0, v11;
	v12 =	vmov s19  }
0x2fc: {  	[tilespmem:v18+s10+$0x0] =	vst.idx.msk $0xffff, v16;
	v18 =	vld [tilespmem:s9+$0xA000];
	s13 =	sor.u32 s16, s18;
	v12 =	vand.u32 $0x3E, v12;
	v16 =	vadd.s32 v0, v13  }
0x2fd: {  	[tilespmem:v20+s10+$0x0] =	vst.idx.msk $0xffff, v21;
	v20 =	vld [tilespmem:s13+$0xA000];
	v21 =	vadd.s32 v0, v12  }
0x2fe: {  	v24 =	vld [tilespmem:s24+$0xA040];
	[tilespmem:v23+s10+$0x0] =	vst.idx.msk $0xffff, v22;
	v23 =	vadd.s32 v4, v19  }
0x2ff: {  	[tilespmem:v14+s10+$0x0] =	vst.idx.msk $0xffff, v15;
	v14 =	vadd.s32 v1, v10;
	v15 =	vld [tilespmem:s7+$0xFFFFFFA0]  }
0x300: {  	[tilespmem:v25+s10+$0x0] =	vst.idx.msk $0xffff, v26;
	v25 =	vld [tilespmem:s11+$0xA030];
	v26 =	vadd.s32 v3, v9  }
0x301: {  	v27 =	vadd.s32 v1, v11;
	v28 =	vld [tilespmem:s12+$0xA010];
	[tilespmem:v16+s10+$0x0] =	vst.idx.msk $0xffff, v18  }
0x302: {  	v18 =	vadd.s32 v1, v13;
	v16 =	vld [tilespmem:s9+$0xA010];
	[tilespmem:v21+s10+$0x0] =	vst.idx.msk $0xffff, v20  }
0x303: {  	v21 =	vadd.s32 v1, v12;
	v20 =	vld [tilespmem:s13+$0xA010];
	[tilespmem:v23+s10+$0x0] =	vst.idx.msk $0xffff, v24  }
0x304: {  	v22 =	vld [tilespmem:s15+$0xFFFFFFE0];
	[tilespmem:v14+s10+$0x0] =	vst.idx.msk $0xffff, v15;
	v14 =	vadd.s32 v5, v8  }
0x305: {  	[tilespmem:v26+s10+$0x0] =	vst.idx.msk $0xffff, v25;
	v24 =	vadd.s32 v5, v17;
	v15 =	vld [tilespmem:s14+$0xA050]  }
0x306: {  	v26 =	vadd.s32 v4, v9;
	[tilespmem:v27+s10+$0x0] =	vst.idx.msk $0xffff, v28;
	v25 =	vld [tilespmem:s11+$0xA040]  }
0x307: {  	v27 =	vadd.s32 v2, v10;
	v23 =	vld [tilespmem:s7+$0xFFFFFFB0];
	[tilespmem:v18+s10+$0x0] =	vst.idx.msk $0xffff, v16  }
0x308: {  	v29 =	vadd.s32 v5, v19;
	v30 =	vld [tilespmem:s24+$0xA050];
	[tilespmem:v21+s10+$0x0] =	vst.idx.msk $0xffff, v20  }
0x309: {  	v18 =	vadd.s32 v2, v13;
	v16 =	vld [tilespmem:s9+$0xA020];
	[tilespmem:v14+s10+$0x0] =	vst.idx.msk $0xffff, v22  }
0x30a: {  	v21 =	vadd.s32 v2, v12;
	v20 =	vld [tilespmem:s13+$0xA020];
	[tilespmem:v24+s10+$0x0] =	vst.idx.msk $0xffff, v15  }
0x30b: {  	v22 =	vadd.s32 v6, v8;
	[tilespmem:v26+s10+$0x0] =	vst.idx.msk $0xffff, v25;
	v14 =	vld [tilespmem:s15+$0xFFFFFFF0]  }
0x30c: {  	v25 =	vadd.s32 v5, v9;
	[tilespmem:v27+s10+$0x0] =	vst.idx.msk $0xffff, v23;
	v23 =	vld [tilespmem:s11+$0xA050]  }
0x30d: {  	v24 =	vadd.s32 v6, v17;
	[tilespmem:v29+s10+$0x0] =	vst.idx.msk $0xffff, v30;
	v15 =	vld [tilespmem:s14+$0xA060]  }
0x30e: {  	v33 =	vadd.s32 v2, v11;
	v28 =	vld [tilespmem:s12+$0xA020];
	[tilespmem:v18+s10+$0x0] =	vst.idx.msk $0xffff, v16  }
0x30f: {  	v27 =	vadd.s32 v3, v10;
	v26 =	vld [tilespmem:s7+$0xFFFFFFC0];
	[tilespmem:v21+s10+$0x0] =	vst.idx.msk $0xffff, v20  }
0x310: {  	v32 =	vadd.s32 v3, v12;
	v31 =	vld [tilespmem:s13+$0xA030];
	[tilespmem:v22+s10+$0x0] =	vst.idx.msk $0xffff, v14  }
0x311: {  	[tilespmem:v25+s10+$0x0] =	vst.idx.msk $0xffff, v23;
	v25 =	vadd.s32 v7, v17;
	v17 =	vld [tilespmem:s24+$0xA060]  }
0x312: {  	[tilespmem:v24+s10+$0x0] =	vst.idx.msk $0xffff, v15;
	v18 =	vld [tilespmem:s15+$0x0]  }
0x313: {  	[tilespmem:v33+s10+$0x0] =	vst.idx.msk $0xffff, v28;
	v21 =	vld [tilespmem:s14+$0xA070]  }
0x314: {  	v16 =	vadd.s32 v4, v10;
	v22 =	vadd.s32 v6, v9;
	[tilespmem:v27+s10+$0x0] =	vst.idx.msk $0xffff, v26;
	v20 =	vld [tilespmem:s11+$0xA060]  }
0x315: {  	v15 =	vadd.s32 v7, v19;
	v26 =	vld [tilespmem:s9+$0xA030];
	v27 =	vadd.s32 v3, v13;
	[tilespmem:v32+s10+$0x0] =	vst.idx.msk $0xffff, v31  }
0x316: {  	s17 =	simm.s32 $0x8;
	v14 =	vadd.s32 v7, v13;
	v19 =	vadd.s32 v6, v19;
	v24 =	vadd.s32 v4, v12;
	s14 =	simm.s32 $0x580;
	s15 =	simm.s32 $0xA470;
	v23 =	vld [tilespmem:s13+$0xA040]  }
.LBB2_26:
0x317: {  	s16 =	sadd.s32 $0xFFFFFE80, s14;
	v30 =	vadd.s32 v7, v8  }
0x318: {  	v28 =	vmov s17;
	s18 =	sadd.s32 $0x1, s17;
	s19 =	sadd.s32 $0x3, s17;
	v29 =	vld [tilespmem:s7+$0xFFFFFFD0];
	v31 =	vadd.s32 v7, v9;
	[tilespmem:v25+s10+$0x0] =	vst.idx.msk $0xffff, v21;
	v8 =	vmovc v10;
	v9 =	vmov v11;
	s20 =	smov.u32 s17  }
0x319: {  	s20 =	sand.u32 $0x1C00, s16;
	v21 =	vld [tilespmem:s15+$0xFFFFFF90];
	v10 =	vand.u32 $0x3C, v28;
	v11 =	vmov s18;
	s16 =	sadd.s32 $0xFFFFFF00, s14;
	s18 =	sadd.s32 $0x2, s17;
	v25 =	vmov s19;
	[tilespmem:v22+s10+$0x0] =	vst.idx.msk $0xffff, v20  }
0x31a: {  	s21 =	sadd.s32 $0xFFFFFF80, s14;
	v20 =	vadd.s32 v0, v10;
	s19 =	sand.u32 $0x280, s16;
	v11 =	vand.u32 $0x3D, v11;
	v22 =	vand.u32 $0x3F, v25;
	s16 =	sadd.s32 $0x4, s17;
	[tilespmem:v27+s10+$0x0] =	vst.idx.msk $0xffff, v26;
	v25 =	vld [tilespmem:s11+$0xA070]  }
0x31b: {  	v26 =	vadd.s32 v4, v10;
	v28 =	vmov s18;
	s18 =	sand.u32 $0x300, s21;
	s11 =	sand.u32 $0x380, s14;
	s19 =	sor.u32 s19, s20;
	v27 =	vadd.s32 v0, v11;
	v32 =	vld [tilespmem:s9+$0xA040];
	[tilespmem:v19+s10+$0x0] =	vst.idx.msk $0xffff, v17  }
0x31c: {  	p0 =	slt.u32 s17, $0x3C;
	v17 =	vand.u32 $0x3E, v28;
	s21 =	sor.u32 s11, s20;
	v19 =	vadd.s32 v7, v22;
	s11 =	smov.u32 s12;
	[tilespmem:v24+s10+$0x0] =	vst.idx.msk $0xffff, v23;
	v23 =	vld [tilespmem:s24+$0xA070]  }
0x31d: {  	v28 =	vadd.s32 v0, v22;
	s12 =	smov.u32 s19;
	s24 =	smov.u32 s9;
	s9 =	smov.u32 s21;
	v24 =	vld [tilespmem:s19+$0xA000];
	[tilespmem:v16+s10+$0x0] =	vst.idx.msk $0xffff, v29;
	v16 =	vmov v26  }
0x31e: {  	s17 =	sor.u32 s18, s20;
	v26 =	vld [tilespmem:s9+$0xA000];
	[tilespmem:v30+s10+$0x0] =	vst.idx.msk $0xffff, v18  }
0x31f: {  	v29 =	vadd.s32 v0, v17;
	v18 =	vld [tilespmem:s17+$0xA000];
	[tilespmem:v31+s10+$0x0] =	vst.idx.msk $0xffff, v25  }
0x320: {  	v25 =	vadd.s32 v4, v13;
	[tilespmem:v20+s10+$0x0] =	vst.idx.msk $0xffff, v21;
	v20 =	vadd.s32 v1, v10;
	v21 =	vld [tilespmem:s7+$0xFFFFFFE0]  }
0x321: {  	v30 =	vld [tilespmem:s15+$0xFFFFFFA0];
	[tilespmem:v15+s10+$0x0] =	vst.idx.msk $0xffff, v23;
	v15 =	vmov v14;
	v14 =	vmov v19  }
0x322: {  	v19 =	vadd.s32 v1, v11;
	[tilespmem:v27+s10+$0x0] =	vst.idx.msk $0xffff, v24;
	v23 =	vld [tilespmem:s11+$0xA030];
	v24 =	vadd.s32 v3, v9  }
0x323: {  	v27 =	vld [tilespmem:s12+$0xA010];
	[tilespmem:v28+s10+$0x0] =	vst.idx.msk $0xffff, v26  }
0x324: {  	v26 =	vadd.s32 v1, v22;
	[tilespmem:v29+s10+$0x0] =	vst.idx.msk $0xffff, v18;
	v18 =	vld [tilespmem:s9+$0xA010]  }
0x325: {  	v29 =	vadd.s32 v1, v17;
	v28 =	vld [tilespmem:s17+$0xA010];
	[tilespmem:v25+s10+$0x0] =	vst.idx.msk $0xffff, v32  }
0x326: {  	[tilespmem:v20+s10+$0x0] =	vst.idx.msk $0xffff, v30;
	v20 =	vadd.s32 v5, v8;
	v25 =	vld [tilespmem:s13+$0xA050]  }
0x327: {  	v30 =	vld [tilespmem:s15+$0xFFFFFFB0];
	[tilespmem:v24+s10+$0x0] =	vst.idx.msk $0xffff, v23;
	v23 =	vadd.s32 v5, v12  }
0x328: {  	v24 =	vadd.s32 v4, v9;
	[tilespmem:v19+s10+$0x0] =	vst.idx.msk $0xffff, v27;
	v19 =	vld [tilespmem:s11+$0xA040]  }
0x329: {  	v27 =	vadd.s32 v2, v10;
	v31 =	vld [tilespmem:s12+$0xA020];
	[tilespmem:v26+s10+$0x0] =	vst.idx.msk $0xffff, v18  }
0x32a: {  	v26 =	vadd.s32 v2, v22;
	[tilespmem:v29+s10+$0x0] =	vst.idx.msk $0xffff, v28;
	v18 =	vld [tilespmem:s9+$0xA020]  }
0x32b: {  	v29 =	vadd.s32 v2, v17;
	v28 =	vld [tilespmem:s17+$0xA020];
	[tilespmem:v20+s10+$0x0] =	vst.idx.msk $0xffff, v21  }
0x32c: {  	v21 =	vadd.s32 v6, v8;
	v20 =	vld [tilespmem:s7+$0xFFFFFFF0];
	[tilespmem:v23+s10+$0x0] =	vst.idx.msk $0xffff, v25;
	v23 =	vadd.s32 v5, v13  }
0x32d: {  	[tilespmem:v24+s10+$0x0] =	vst.idx.msk $0xffff, v19;
	v19 =	vld [tilespmem:s13+$0xA060];
	v24 =	vadd.s32 v6, v12  }
0x32e: {  	[tilespmem:v27+s10+$0x0] =	vst.idx.msk $0xffff, v30;
	v25 =	vld [tilespmem:s11+$0xA050];
	v27 =	vadd.s32 v5, v9  }
0x32f: {  	v32 =	vadd.s32 v3, v10;
	v30 =	vld [tilespmem:s15+$0xFFFFFFC0];
	[tilespmem:v26+s10+$0x0] =	vst.idx.msk $0xffff, v18  }
0x330: {  	[tilespmem:v29+s10+$0x0] =	vst.idx.msk $0xffff, v28;
	v28 =	vld [tilespmem:s24+$0xA050]  }
0x331: {  	v33 =	vadd.s32 v3, v17;
	v29 =	vld [tilespmem:s17+$0xA030];
	[tilespmem:v21+s10+$0x0] =	vst.idx.msk $0xffff, v20  }
0x332: {  	v34 =	vadd.s32 v2, v11;
	v18 =	vld [tilespmem:s7+$0x0];
	[tilespmem:v24+s10+$0x0] =	vst.idx.msk $0xffff, v19;
	v19 =	vadd.s32 v6, v13;
	v13 =	vmov v22;
	s7 =	smov.u32 s15  }
.Ltmp16:
0x333: {  	[tilespmem:v27+s10+$0x0] =	vst.idx.msk $0xffff, v25;
	v21 =	vld [tilespmem:s13+$0xA070];
	v25 =	vadd.s32 v7, v12;
	v12 =	vmov v17;
	s13 =	smov.u32 s17;
	(pc) =	sbr.rel @p0 .LBB2_26-.Ltmp16, $4  }
0x334: {  	v22 =	vadd.s32 v6, v9;
	[tilespmem:v32+s10+$0x0] =	vst.idx.msk $0xffff, v30;
	v20 =	vld [tilespmem:s11+$0xA060]  }
0x335: {  	v27 =	vadd.s32 v3, v13;
	v26 =	vld [tilespmem:s9+$0xA030];
	[tilespmem:v23+s10+$0x0] =	vst.idx.msk $0xffff, v28  }
0x336: {  	[tilespmem:v33+s10+$0x0] =	vst.idx.msk $0xffff, v29;
	v17 =	vld [tilespmem:s24+$0xA060]  }
0x337: {  	s14 =	sadd.s32 $0x200, s14;
	s15 =	sadd.s32 $0x200, s15;
	s17 =	smov.u32 s16;
	v24 =	vadd.s32 v4, v12;
	[tilespmem:v34+s10+$0x0] =	vst.idx.msk $0xffff, v31;
	v23 =	vld [tilespmem:s13+$0xA040]  }
0x338: {  	v28 =	vld [tilespmem:s12+$0xA030];
	v29 =	vadd.s32 v3, v11;
	_ =	sdelay $0x3  }
0x339: {  	v30 =	vld [tilespmem:s7+$0xFFFFFFD0];
	[tilespmem:v27+s10+$0x0] =	vst.idx.msk $0xffff, v26  }
0x33a: {  	v42 =	vadd.s32 v4, v13;
	v41 =	vld [tilespmem:s9+$0xA040];
	[tilespmem:v29+s10+$0x0] =	vst.idx.msk $0xffff, v28  }
0x33b: {  	v40 =	vadd.s32 v4, v11;
	v39 =	vld [tilespmem:s12+$0xA040];
	_ =	sdelay $0x1  }
0x33c: {  	[tilespmem:v24+s10+$0x0] =	vst.idx.msk $0xffff, v23  }
0x33d: {  	v44 =	vadd.s32 v5, v12;
	[tilespmem:v16+s10+$0x0] =	vst.idx.msk $0xffff, v30;
	v43 =	vld [tilespmem:s13+$0xA050]  }
0x33e: {  	v46 =	vadd.s32 v5, v10;
	v45 =	vld [tilespmem:s7+$0xFFFFFFE0];
	[tilespmem:v42+s10+$0x0] =	vst.idx.msk $0xffff, v41  }
0x33f: {  	v48 =	vadd.s32 v5, v13;
	v49 =	vld [tilespmem:s9+$0xA050];
	[tilespmem:v40+s10+$0x0] =	vst.idx.msk $0xffff, v39  }
0x340: {  	v47 =	vadd.s32 v5, v11;
	[tilespmem:v25+s10+$0x0] =	vst.idx.msk $0xffff, v21;
	v27 =	vld [tilespmem:s12+$0xA050]  }
0x341: {  	[tilespmem:v22+s10+$0x0] =	vst.idx.msk $0xffff, v20  }
0x342: {  	v8 =	vadd.s32 v7, v8;
	[tilespmem:v44+s10+$0x0] =	vst.idx.msk $0xffff, v43  }
0x343: {  	v50 =	vadd.s32 v6, v12;
	[tilespmem:v46+s10+$0x0] =	vst.idx.msk $0xffff, v45;
	v16 =	vld [tilespmem:s13+$0xA060]  }
0x344: {  	v52 =	vadd.s32 v6, v10;
	v51 =	vld [tilespmem:s7+$0xFFFFFFF0];
	[tilespmem:v48+s10+$0x0] =	vst.idx.msk $0xffff, v49  }
0x345: {  	v55 =	vadd.s32 v6, v13;
	v56 =	vld [tilespmem:s9+$0xA060];
	[tilespmem:v47+s10+$0x0] =	vst.idx.msk $0xffff, v27  }
0x346: {  	v54 =	vadd.s32 v6, v11;
	[tilespmem:v19+s10+$0x0] =	vst.idx.msk $0xffff, v17;
	v53 =	vld [tilespmem:s12+$0xA060]  }
0x347: {  	v9 =	vadd.s32 v7, v9;
	v57 =	vld [tilespmem:s11+$0xA070];
	[tilespmem:v8+s10+$0x0] =	vst.idx.msk $0xffff, v18  }
0x348: {  	v8 =	vld [tilespmem:s24+$0xA070];
	[tilespmem:v50+s10+$0x0] =	vst.idx.msk $0xffff, v16  }
0x349: {  	v58 =	vadd.s32 v7, v12;
	[tilespmem:v52+s10+$0x0] =	vst.idx.msk $0xffff, v51;
	v16 =	vld [tilespmem:s13+$0xA070]  }
0x34a: {  	v60 =	vadd.s32 v7, v10;
	v59 =	vld [tilespmem:s7+$0x0];
	[tilespmem:v55+s10+$0x0] =	vst.idx.msk $0xffff, v56  }
0x34b: {  	v63 =	vld [tilespmem:s9+$0xA070];
	[tilespmem:v54+s10+$0x0] =	vst.idx.msk $0xffff, v53  }
0x34c: {  	v61 =	vadd.s32 v7, v11;
	[tilespmem:v9+s10+$0x0] =	vst.idx.msk $0xffff, v57;
	v62 =	vld [tilespmem:s12+$0xA070]  }
0x34d: {  	[tilespmem:v15+s10+$0x0] =	vst.idx.msk $0xffff, v8  }
0x34e: {  	[tilespmem:v58+s10+$0x0] =	vst.idx.msk $0xffff, v16  }
0x34f: {  	s24 =	sshll.u32 s23, $0xA;
	[tilespmem:v60+s10+$0x0] =	vst.idx.msk $0xffff, v59  }
0x350: {  	s11 =	simm.s32 $0x8;
	s7 =	sadd.s32 s3, s24;
	[tilespmem:v14+s10+$0x0] =	vst.idx.msk $0xffff, v63  }
0x351: {  	s13 =	sadd.s32 $0x0, s7;
	s9 =	simm.s32 $0x17400;
	s12 =	simm.s32 $0x17448;
	[tilespmem:v61+s10+$0x0] =	vst.idx.msk $0xffff, v62  }
.LBB2_28:
0x352: {  	[hbm4b:s13+s4] =	stream.linear.scatter [tilespmem:s9], [sflag:$0xC], $0x40, $0x38;
	[tilespmem:$0x19800] =	vst v63  }
0x353: {  	s13 =	smov.u32 s11;
	s9 =	smov.u32 s12;
	p0 =	sne.s32 s11, $0x3F8  }
.Ltmp17:
0x354: {  	s11 =	sadd.s32 $0x8, s11;
	(pc) =	sbr.rel @p0 .LBB2_28-.Ltmp17, $2  }
0x355: {  	_ =	sdelay $0x2  }
0x356: {  	s12 =	sadd.s32 $0x48, s12;
	s13 =	sadd.s32 s13, s7  }
.Ltmp18:
0x357: {  	(pc) =	sbr.rel .LBB2_30-.Ltmp18, $2  }
0x358: {  	_ =	sdelay $0x2  }
0x359: {  	[hbm4b:s13+s4] =	stream.linear.scatter [tilespmem:s9], [sflag:$0xC], $0x40, $0x38;
	[tilespmem:$0x19800] =	vst v63  }
.LBB2_32:
0x35a: {  	_ =	sfence.sel $0x180000  }
0x35b: {  	[bflag:$0x0] =	sbarrier.arrive $0xFFFF  }
0x35c: {  	_ =	strace $0x90000047  }
0x35d: {  	s0 =	stileid.u32;
	[bflag:$0x2] =	sbarrier.arrive $0xFFFF  }
0x35e: {  	p0 =	sne.s32 s0, $0x0;
	s0 =	rddreg [dreg:$0x2]  }
0x35f: {  	s0 =	sadd.s32 @!p0 $0x100000, s0  }
0x360: {  	[sflag:s0] =	ssyncadd.tile.s32 @!p0 $0x1;
	_ =	shalt  }
.Lfunc_end2:
_tile_overlayer_lowered:
.L_overlay_start_2:
0x361: {  	(tag) =	ssettag $0x2  }
0x362: {  	s0 =	rddreg [dreg:$0x0];
	s2 =	stileid.u32  }
0x363: {  	s1 =	rddreg [dreg:$0x1];
	p0 =	sne.s32 s2, $0x0  }
0x364: {  	s3 =	rddreg [dreg:$0x2];
	[bflag:$0x3] =	sbarrier.arrive $0xFFFF;
	s2 =	simm.s32 @!p0 $0x1C0D  }
0x365: {  	[timem:s3], [sflag:s2] =	dma.local @!p0 [hbm:s0], s1  }
0x366: {  	s0 =	simm.s32 @!p0 $0xD  }
0x367: {  	_ =	swait.ge @!p0 [sflag:s0], s1  }
0x368: {  	s1 =	ssub.s32 @!p0 $0x0, s1;
	[sflag:s0] =	ssyncset.done @!p0 $0x0  }
0x369: {  	[sflag:s0] =	ssyncadd.s32 @!p0 s1  }
0x36a: {  	[bflag:$0x3] =	sbarrier.arrive $0xFFFF  }
0x36b: {  	_ =	shalt  }

// kernel: sparse-core-data-format-call.cloned.1.call-start
scs
called_computation_lowered:
.L_overlay_start_0:
0x0: {  	s2 =	sld [smem:$0x3FD9]  }
0x1: {  	s3 =	sld [smem:$0x3FFE];
	_ =	sdelay $0x1  }
0x2: {  	s1 =	srdreg.scid  }
0x3: {  	s0 =	sand.u32 $0x1, s1  }
0x4: {  	s18 =	sshll.u32 s0, $0xA;
	s2 =	sadd.s32 s3, s2  }
0x5: {  	s2 =	sadd.s32 s2, s18  }
0x6: {  	[smem:$0x3FC7] =	sst s2  }
0x7: {  	_ = 	snop  }
0x8: {  	s2 =	sld [smem:$0x3FD0];
	(tm) =	ssettm $0x1  }
0x9: {  	s19 =	sld [smem:$0x3FFB];
	_ =	sdelay $0x3  }
0xa: {  	_ =	strace s19  }
0xb: {  	s3 =	sld [smem:$0x3FFC];
	_ =	sdelay $0x3  }
0xc: {  	_ =	strace s3  }
0xd: {  	s3 =	sld [smem:$0x3FFD];
	_ =	sdelay $0x3  }
0xe: {  	_ =	strace s3  }
0xf: {  	_ =	strace $0x8FFFFFFF  }
0x10: {  	s20 =	sld [smem:$0x3FDB];
	_ =	sdelay $0x1  }
0x11: {  	s4 =	simm.s32 $_scs_section_size  }
0x12: {  	s5 =	simm.s32 $_size__tile_overlayer_lowered;
	s6 =	simm.s32 $_tile_overlayer_lowered  }
0x13: {  	s23 =	simm.s32 $0x1BFF;
	s22 =	sshll.u32 s6, $0x1;
	s3 =	sadd.s32 s4, s20  }
0x14: {  	s7 =	simm.s32 $0x0;
	s21 =	sshll.u32 s5, $0x1;
	s5 =	sadd.s32 s22, s3  }
0x15: {  	[timem:s7], [sflag:s23] =	dma.local [hbm:s5], s21  }
0x16: {  	_ =	swait.ge [sflag:s23], s21  }
0x17: {  	s4 =	ssub.s32 $0x0, s21;
	[sflag:s23] =	ssyncset.done $0x0  }
0x18: {  	[sflag:s23] =	ssyncadd.s32 s4;
	_ =	sdelay $0x1  }
0x19: {  	s24 =	simm.s32 $0x1B8B  }
0x1a: {  	_ =	swait.ge [sflag:s24], $0x1  }
0x1b: {  	[sflag:s24] =	ssyncset.done $0x0  }
0x1c: {  	s26 =	simm.s32 $0x1B8E;
	s25 =	sld [smem:$0x3FFE];
	[sflag:s24] =	ssyncadd.s32 $0xFFFFFFFF  }
0x1d: {  	s27 =	simm.s32 $execute0_lowered;
	[smem:$0x3FD2] =	sst s26  }
0x1e: {  	s5 =	sshll.u32 s27, $0x1;
	_ =	strace $0x80000049;
	[dreg:$0x1] =	wrdreg $0xFFFFFFFF  }
0x1f: {  	s28 =	simm.s32 $_size_execute0_lowered;
	s3 =	sadd.s32 s3, s5;
	[dreg:$0x0] =	wrdreg $0x0  }
0x20: {  	s5 =	sshll.u32 s28, $0x1;
	[dreg:$0x2] =	wrdreg s3  }
0x21: {  	[dreg:$0x3] =	wrdreg s5  }
0x22: {  	[dreg:$0x4] =	wrdreg $0xC0  }
0x23: {  	_ =	task [dreg:s7], $0x5FFFF  }
0x24: {  	[dreg:$0x1] =	wrdreg $0xFFFFFFFF  }
0x25: {  	[dreg:$0x0] =	wrdreg $0x60  }
0x26: {  	[dreg:$0x2] =	wrdreg s25  }
0x27: {  	[dreg:$0x3] =	wrdreg s2  }
0x28: {  	[dreg:$0x4] =	wrdreg $0x9  }
0x29: {  	_ =	task.clear_ibuf [dreg:s7], $0x5FFFF;
	_ =	strace $0x90000049  }
0x2a: {  	s29 =	simm.s32 $0x9;
	_ =	strace $0x8000004B  }
0x2b: {  	_ =	swait.ge [sflag:s29], $0x1  }
0x2c: {  	[sflag:s29] =	ssyncadd.s32 $0xFFFFFFFF  }
0x2d: {  	_ =	strace $0x9000004B  }
0x2e: {  	_ =	sfence  }
0x2f: {  	s30 =	sld [smem:$0x0];
	_ =	sdelay $0x2  }
0x30: {  	s31 =	sshll.u32 s1, $0xD;
	s1 =	sshrl.u32 s1, $0x2  }
0x31: {  	s3 =	sand.u32 $0x4000, s31;
	s1 =	sadd.s32 s1, s30  }
0x32: {  	s0 =	sor.u32 s3, s0;
	s1 =	sshll.u32 s1, $0x11  }
0x33: {  	s0 =	sor.u32 s1, s0  }
0x34: {  	s0 =	sadd.s32 $0x8F2B, s0  }
0x35: {  	[sflag:s0] =	ssyncadd.remote.s32 $0x1  }
0x36: {  	_ =	sfence.sel $0xFFFF  }
0x37: {  	[dreg:$0x0] =	wrdreg $0xFFFFFFFF;
	(pc) =	sbr.abs _section_cstart, $3  }
0x38: {  	[dreg:$0x1] =	wrdreg $0xFFFFFFFF  }
0x39: {  	_ =	task.clear_ibuf [dreg:s7], $0x2FFFF;
	_ =	strace $0x9FFFFFFF  }
0x3a: {  	(tm) =	ssettm $0x7FFFFFFF  }
0x3b: {  	_ =	shalt  }
tec
execute0_lowered:
.L_overlay_start_1:
0x0: {  	(tag) =	ssettag $0x1  }
0x1: {  	s0 =	srdreg.scid  }
0x2: {  	s1 =	sshll.u32 s0, $0x4  }
0x3: {  	s4 =	rddreg [dreg:$0x0];
	s0 =	stileid.u32;
	s1 =	sand.u32 $0x10, s1  }
0x4: {  	s2 =	rddreg [dreg:$0x1];
	s7 =	simm.s32 $0x1;
	s1 =	sor.u32 s0, s1  }
0x5: {  	s8 =	simm.s32 $0x2;
	s11 =	simm.s32 $0x0;
	s3 =	sshll.u32 s1, $0x7  }
0x6: {  	s10 =	simm.s32 $0x0;
	s4 =	sadd.s32 $0x800, s4;
	s6 =	ssub.s32 $0xF4280, s3  }
.Ltmp0:
0x7: {  	s1 =	rddreg [dreg:$0x2];
	s5 =	sand.u32 $0xF80, s6;
	(pc) =	sbr.rel .LBB1_1-.Ltmp0, $4  }
0x8: {  	_ =	strace $0x8000004A;
	s9 =	smov.u32 s3;
	p0 =	sne.s32 s5, $0x0  }
0x9: {  	s6 =	sshrl.u32 s6, $0xC;
	s5 =	simm.s32 $0x1;
	s7 =	simm.s32 @!p0 $0x0  }
0xa: {  	[sflag:s5] =	ssyncpa.u1 $0x0;
	p0 =	por $0x0, $0x0;
	s6 =	sadd.s32 s7, s6  }
0xb: {  	[sflag:s8] =	ssyncpa.u1 $0x0;
	s8 =	simm.s32 $0x7A1400;
	s7 =	sadd.s32 $0x1, s6  }
.LBB1_4:
0xc: {  	s14 =	sshll.u32 s11, $0x3  }
0xd: {  	s30 =	sand.u32 $0x7F, s11;
	s14 =	sand.u32 $0xFFFFFC00, s14  }
0xe: {  	s11 =	sor.u32 s30, s14  }
0xf: {  	s15 =	smulhi.u32 $0x218D6287, s11;
	_ =	sdelay $0x1  }
0x10: {  	s14 =	smulhi.u32 $0x218D6287, s14;
	s15 =	sshrl.u32 s15, $0x11  }
0x11: {  	s15 =	smul.u32 $0xF4280, s15  }
0x12: {  	s14 =	sshrl.u32 s14, $0x11  }
0x13: {  	s14 =	sand.u32 $0x3F, s14;
	s11 =	ssub.s32 s11, s15  }
0x14: {  	[tilespmem:s13+$0x810 ss:$0x81] =	vst.msk $0xffff, v2;
	s14 =	smul.u32 $0x1E850, s14;
	s15 =	sshrl.u32 s11, $0x3;
	s11 =	sand.u32 $0x7, s11  }
0x15: {  	[tilespmem:s13+$0x1020 ss:$0x81] =	vst.msk $0xffff, v0;
	s15 =	sadd.s32 s2, s15;
	s11 =	sshll.u32 s11, $0x12  }
0x16: {  	[tilespmem:s13+$0x0 ss:$0x81] =	vst.msk $0xffff, v1;
	s31 =	sadd.s32 s14, s15;
	s11 =	sor.u32 $0x400, s11  }
0x17: {  	[hbm4b:s31+s11] =	stream.strided.scatter [tilespmem:s12], [sflag:$0x2], $0x2000, s8, s11, $0x20;
	[tilespmem:$0x8080] =	vst v63  }
.LBB1_5:
0x18: {  	s13 =	sadd.s32 $0x1000, s9  }
0x19: {  	p2 =	sgt.s32 s13, $0xF427F  }
0x1a: {  	s13 =	smov.u32 @p2 s3;
	p2 =	sne.s32 s10, s7  }
.Ltmp1:
0x1b: {  	p1 =	slt.u32 s10, $0x2;
	(pc) =	sbr.rel @!p2 .LBB1_6-.Ltmp1, $4  }
0x1c: {  	s12 =	simm.s32 @!p1 $0x2  }
0x1d: {  	s14 =	sadd.s32 $0x1, s10;
	_ =	swait.ge @!p1 [sflag:s12], $0x2000  }
0x1e: {  	s11 =	smov.u32 s9;
	p0 =	por !p0, !p0;
	[sflag:s12] =	ssyncset.done @!p1 $0x0  }
0x1f: {  	s10 =	smov.u32 s14;
	s9 =	smov.u32 s13;
	[sflag:s12] =	ssyncadd.s32 @!p1 $0xFFFFE000  }
.LBB1_1:
0x20: {  	p1 =	sge.u32 s10, s6  }
0x21: {  	s12 =	sand.u32 @!p1 $0x1FFFFFF, s9  }
0x22: {  	s13 =	smulhi.u32 @!p1 $0x218D629, s12;
	_ =	sdelay $0x1  }
0x23: {  	s13 =	sshrl.u32 @!p1 s13, $0xD  }
0x24: {  	s13 =	smul.u32 @!p1 $0xF4280, s13;
	_ =	sdelay $0x1  }
0x25: {  	s31 =	sadd.s32 $0xFFFFFFFF, s10;
	s14 =	sxor.u32 @!p1 $0xFFFFFFFF, s10;
	s12 =	ssub.s32 @!p1 s12, s13  }
0x26: {  	s15 =	simm.s32 @!p1 $0x80;
	s14 =	sshll.u32 @!p1 s14, $0xD;
	s12 =	sshll.u32 @!p1 s12, $0x4  }
0x27: {  	s13 =	sand.u32 @!p1 $0x2000, s14;
	s14 =	simm.s32 @!p1 $0x40;
	s12 =	sadd.s32 @!p1 s4, s12  }
0x28: {  	[tilespmem:s13], [sflag:$0x1] =	stream.strided.gather @!p1 [hbm4b:s12+s14], $0x2000, s15, s14, $0x38;
	[tilespmem:$0x8080] =	vst v63  }
0x29: {  	p1 =	sge.u32 s31, s6  }
.Ltmp2:
0x2a: {  	_ = 	snop;
	(pc) =	sbr.rel @p1 .LBB1_5-.Ltmp2, $1  }
0x2b: {  	_ =	sdelay $0x3  }
0x2c: {  	s12 =	simm.s32 $0x1  }
0x2d: {  	_ =	swait.ge [sflag:s5], $0x2000;
	s12 =	simm.s32 @!p0 $0x0  }
0x2e: {  	[sflag:s5] =	ssyncset.done $0x0;
	s13 =	sshll.u32 s12, $0xD  }
0x2f: {  	[sflag:s5] =	ssyncadd.s32 $0xFFFFE000;
	s16 =	sor.u32 $0x20, s13  }
0x30: {  	s12 =	smul.u32 $0x8100, s12;
	v3 =	vld [tilespmem:s16+$0x10]  }
0x31: {  	s30 =	sand.u32 $0x1, s10;
	v2 =	vld [tilespmem:s16+$0xFFFFFFF0]  }
0x32: {  	s13 =	smul.u32 $0x8100, s30;
	s12 =	sshrl.u32 s12, $0x2;
	v0 =	vld [tilespmem:s16+$0x0]  }
0x33: {  	v1 =	vld [tilespmem:s16+$0xFFFFFFE0];
	s14 =	sor.u32 $0x4000, s12  }
0x34: {  	s31 =	sshrl.u32 s13, $0x2;
	s13 =	sadd.s32 $0x0, s14  }
0x35: {  	s15 =	simm.s32 $0x4;
	s16 =	sadd.s32 $0x40, s16;
	s12 =	sor.u32 $0x4000, s31;
	[tilespmem:s13+$0x1830 ss:$0x81] =	vst.msk $0xffff, v3  }
.LBB1_3:
0x36: {  	v3 =	vld [tilespmem:s16+$0x10];
	p1 =	sne.s32 s15, $0x1FC;
	[tilespmem:s13+$0x810 ss:$0x81] =	vst.msk $0xffff, v2;
	s17 =	smov.u32 s15;
	s15 =	sadd.s32 $0x4, s15  }
.Ltmp3:
0x37: {  	v2 =	vld [tilespmem:s16+$0xFFFFFFF0];
	[tilespmem:s13+$0x1020 ss:$0x81] =	vst.msk $0xffff, v0;
	(pc) =	sbr.rel @p1 .LBB1_3-.Ltmp3, $4  }
0x38: {  	v0 =	vld [tilespmem:s16+$0x0];
	[tilespmem:s13+$0x0 ss:$0x81] =	vst.msk $0xffff, v1  }
0x39: {  	s13 =	sshra.s32 s17, $0x2;
	v1 =	vld [tilespmem:s16+$0xFFFFFFE0]  }
0x3a: {  	s13 =	sadd.s32 s13, s14  }
0x3b: {  	s16 =	sadd.s32 $0x40, s16;
	[tilespmem:s13+$0x1830 ss:$0x81] =	vst.msk $0xffff, v3  }
.Ltmp4:
0x3c: {  	_ = 	snop;
	(pc) =	sbr.rel .LBB1_4-.Ltmp4, $1  }
0x3d: {  	_ =	sdelay $0x3  }
.LBB1_6:
0x3e: {  	_ =	sfence.sel $0x180000  }
0x3f: {  	s2 =	simm.s32 $0x1;
	[bflag:$0x0] =	sbarrier.arrive $0xFFFF  }
0x40: {  	s31 =	simm.s32 $0x2;
	[sflag:s2] =	ssyncpa.u1 $0x1  }
0x41: {  	[sflag:s31] =	ssyncpa.u1 $0x1  }
0x42: {  	p0 =	sne.s32 s0, $0x0;
	_ =	strace $0x9000004A  }
0x43: {  	s0 =	sadd.s32 @!p0 $0x100000, s1;
	[bflag:$0x2] =	sbarrier.arrive $0xFFFF  }
0x44: {  	[sflag:s0] =	ssyncadd.tile.s32 @!p0 $0x1;
	_ =	shalt  }
.Lfunc_end1:
_tile_overlayer_lowered:
.L_overlay_start_2:
0x45: {  	(tag) =	ssettag $0x2  }
0x46: {  	s0 =	rddreg [dreg:$0x0];
	s2 =	stileid.u32  }
0x47: {  	s1 =	rddreg [dreg:$0x1];
	p0 =	sne.s32 s2, $0x0  }
0x48: {  	s3 =	rddreg [dreg:$0x2];
	[bflag:$0x3] =	sbarrier.arrive $0xFFFF;
	s2 =	simm.s32 @!p0 $0x1C01  }
0x49: {  	[timem:s3], [sflag:s2] =	dma.local @!p0 [hbm:s0], s1  }
0x4a: {  	s0 =	simm.s32 @!p0 $0x1  }
0x4b: {  	_ =	swait.ge @!p0 [sflag:s0], s1  }
0x4c: {  	s1 =	ssub.s32 @!p0 $0x0, s1;
	[sflag:s0] =	ssyncset.done @!p0 $0x0  }
0x4d: {  	[sflag:s0] =	ssyncadd.s32 @!p0 s1  }
0x4e: {  	[bflag:$0x3] =	sbarrier.arrive $0xFFFF  }
0x4f: {  	_ =	shalt  }

</sc_bundles>
